<compile_context>
chip_gen: v7x
topology: tpu7x:2x2x1
jax: 0.10.2.dev20260603
libtpu: 0.0.44.dev20260713+nightly
codegen_flags: <defaults>
</compile_context>

<pallas_src>
import functools

import jax
import jax.numpy as jnp
from jax import lax
from jax.experimental import pallas as pl
from jax.experimental.pallas import tpu as pltpu
from jax.experimental.pallas import tpu_sc as plsc

N = 10000
D = 128
DH = D // 2
E = 320000

NPAD = 10240
PAD_DST = 10008
NCORES = 2
NSUB = 16
CHUNK = 128
NCHUNK = 160
BCHUNKS = 10
EPT = CHUNK * NCHUNK
EPAD = EPT * NSUB
RPT = NPAD // NSUB
RCHUNKS = RPT // CHUNK


def _sc_body(x0_hbm, x1_hbm, idx_hbm, zrow_hbm, zdeg_hbm, ones_hbm,
             agg_out, deg_out, ib_v, rows_a, rows_b, rows_c, rows_d, rows_e,
             rows_f, ones_v, zbuf_v, zdbuf_v, acc_sh, deg_sh,
             sem_g0, sem_g1, sem_g2, sem_s0, sem_s1, sem_d0, sem_d1):
    c = lax.axis_index("c")
    s = lax.axis_index("s")
    r0 = s * RPT

    pltpu.sync_copy(zrow_hbm, zbuf_v)
    pltpu.sync_copy(zdeg_hbm, zdbuf_v)
    pltpu.sync_copy(ones_hbm, ones_v)
    for k in range(RCHUNKS):
        pltpu.sync_copy(zbuf_v, acc_sh.at[pl.ds(r0 + k * CHUNK, CHUNK)])
        pltpu.sync_copy(zdbuf_v, deg_sh.at[pl.ds(r0 + k * CHUNK, CHUNK)])
    plsc.subcore_barrier()

    rows = (rows_a, rows_b, rows_c, rows_d, rows_e, rows_f)
    sem_g = (sem_g0, sem_g1, sem_g2)
    sem_s = (sem_s0, sem_s1)
    sem_d = (sem_d0, sem_d1)
    ibase = s * (NCHUNK * 2)

    @pl.loop(0, NCHUNK // BCHUNKS)
    def _(bi):
        pltpu.sync_copy(idx_hbm.at[pl.ds(ibase + bi * (2 * BCHUNKS),
                                         2 * BCHUNKS)], ib_v)

        def issue_gather(j):
            r = rows[j % 6]
            g = sem_g[j % 3]

            @pl.when(c == 0)
            def _():
                pltpu.async_copy(x0_hbm.at[ib_v.at[2 * j]], r, g)

            @pl.when(c == 1)
            def _():
                pltpu.async_copy(x1_hbm.at[ib_v.at[2 * j]], r, g)

        def wait_gather(j):
            pltpu.make_async_copy(x0_hbm.at[ib_v.at[2 * j]], rows[j % 6],
                                  sem_g[j % 3]).wait()

        def issue_scatter(j):
            pltpu.async_copy(rows[j % 6], acc_sh.at[ib_v.at[2 * j + 1]],
                             sem_s[j % 2], add=True)

            @pl.when(c == j % 2)
            def _():
                pltpu.async_copy(ones_v, deg_sh.at[ib_v.at[2 * j + 1]],
                                 sem_d[j % 2], add=True)

        def wait_scatter(j):
            pltpu.make_async_copy(rows[j % 6], acc_sh.at[ib_v.at[2 * j + 1]],
                                  sem_s[j % 2]).wait()

            @pl.when(c == j % 2)
            def _():
                pltpu.make_async_copy(ones_v, deg_sh.at[ib_v.at[2 * j + 1]],
                                      sem_d[j % 2]).wait()

        issue_gather(0)
        issue_gather(1)
        issue_gather(2)
        for j in range(BCHUNKS):
            wait_gather(j)
            if j >= 2:
                wait_scatter(j - 2)
            issue_scatter(j)
            if j + 3 < BCHUNKS:
                issue_gather(j + 3)
        wait_scatter(BCHUNKS - 2)
        wait_scatter(BCHUNKS - 1)

    plsc.subcore_barrier()
    out0 = c * NPAD + r0
    for k in range(3):
        pltpu.async_copy(acc_sh.at[pl.ds(r0 + k * CHUNK, CHUNK)],
                         rows[k % 3], sem_g[k % 3])
    for k in range(RCHUNKS):
        pltpu.make_async_copy(acc_sh.at[pl.ds(r0 + k * CHUNK, CHUNK)],
                              rows[k % 3], sem_g[k % 3]).wait()
        pltpu.sync_copy(rows[k % 3],
                        agg_out.at[pl.ds(out0 + k * CHUNK, CHUNK)])
        if k + 3 < RCHUNKS:
            pltpu.async_copy(acc_sh.at[pl.ds(r0 + (k + 3) * CHUNK, CHUNK)],
                             rows[k % 3], sem_g[k % 3])
        pltpu.sync_copy(deg_sh.at[pl.ds(r0 + k * CHUNK, CHUNK)], zdbuf_v)
        pltpu.sync_copy(zdbuf_v, deg_out.at[pl.ds(out0 + k * CHUNK, CHUNK)])


@functools.cache
def _sc_pass_kernel():
    mesh = plsc.VectorSubcoreMesh(core_axis_name="c", subcore_axis_name="s")
    return pl.kernel(
        _sc_body,
        compiler_params=pltpu.CompilerParams(use_tc_tiling_on_sc=False),
        out_type=[
            jax.ShapeDtypeStruct((NCORES * NPAD, DH), jnp.float32),
            jax.ShapeDtypeStruct((NCORES * NPAD, 16), jnp.float32),
        ],
        mesh=mesh,
        scratch_types=[
            pltpu.VMEM((2 * BCHUNKS, CHUNK), jnp.int32),
            pltpu.VMEM((CHUNK, DH), jnp.float32),
            pltpu.VMEM((CHUNK, DH), jnp.float32),
            pltpu.VMEM((CHUNK, DH), jnp.float32),
            pltpu.VMEM((CHUNK, DH), jnp.float32),
            pltpu.VMEM((CHUNK, DH), jnp.float32),
            pltpu.VMEM((CHUNK, DH), jnp.float32),
            pltpu.VMEM((CHUNK, 16), jnp.float32),
            pltpu.VMEM((CHUNK, DH), jnp.float32),
            pltpu.VMEM((CHUNK, 16), jnp.float32),
            pltpu.VMEM_SHARED((NPAD, DH), jnp.float32),
            pltpu.VMEM_SHARED((NPAD, 16), jnp.float32),
            pltpu.SemaphoreType.DMA,
            pltpu.SemaphoreType.DMA,
            pltpu.SemaphoreType.DMA,
            pltpu.SemaphoreType.DMA,
            pltpu.SemaphoreType.DMA,
            pltpu.SemaphoreType.DMA,
            pltpu.SemaphoreType.DMA,
        ],
    )


def _sc_pass(x0, x1, idx_all, zrow, zdeg, ones):
    aggp, degp = _sc_pass_kernel()(x0, x1, idx_all, zrow, zdeg, ones)
    return aggp.reshape(NCORES, NPAD, DH), degp.reshape(NCORES, NPAD, 16)


ROWB = 2000


def _tc_matmul_body(x_ref, w_ref, b_ref, o_ref):
    o_ref[...] = lax.dot_general(
        x_ref[...], w_ref[...], (((1,), (1,)), ((), ())),
        preferred_element_type=jnp.float32) + b_ref[...]


def _tc_matmul(xin, W, b):
    return pl.pallas_call(
        _tc_matmul_body,
        grid=(N // ROWB,),
        in_specs=[
            pl.BlockSpec((ROWB, D), lambda i: (i, 0)),
            pl.BlockSpec((D, D), lambda i: (0, 0)),
            pl.BlockSpec((1, D), lambda i: (0, 0)),
        ],
        out_specs=pl.BlockSpec((ROWB, D), lambda i: (i, 0)),
        out_shape=jax.ShapeDtypeStruct((N, D), jnp.float32),
    )(xin, W, b)


def _tc_combine_body(relu, agg_ref, deg_ref, xr_ref, wl_ref, *o_refs):
    a = jnp.concatenate([agg_ref[0], agg_ref[1]], axis=1)
    dg = deg_ref[0][:, 0:1] + deg_ref[1][:, 0:1]
    a = a / jnp.maximum(dg, 1.0)
    acc = lax.dot_general(a, wl_ref[...], (((1,), (1,)), ((), ())),
                          preferred_element_type=jnp.float32)
    acc = acc + xr_ref[...]
    if relu:
        acc = jnp.maximum(acc, 0.0)
    o_refs[0][...] = acc
    if len(o_refs) > 1:
        o_refs[1][...] = acc[:, :DH]
        o_refs[2][...] = acc[:, DH:]


def _tc_combine(aggp, degp, xr, W_l, relu, halves=False):
    out_specs = [pl.BlockSpec((ROWB, D), lambda i: (i, 0))]
    out_shape = [jax.ShapeDtypeStruct((N, D), jnp.float32)]
    if halves:
        out_specs += [pl.BlockSpec((ROWB, DH), lambda i: (i, 0))] * 2
        out_shape += [jax.ShapeDtypeStruct((N, DH), jnp.float32)] * 2
    return pl.pallas_call(
        functools.partial(_tc_combine_body, relu),
        grid=(N // ROWB,),
        in_specs=[
            pl.BlockSpec((NCORES, ROWB, DH), lambda i: (0, i, 0)),
            pl.BlockSpec((NCORES, ROWB, 16), lambda i: (0, i, 0)),
            pl.BlockSpec((ROWB, D), lambda i: (i, 0)),
            pl.BlockSpec((D, D), lambda i: (0, 0)),
        ],
        out_specs=out_specs,
        out_shape=out_shape,
    )(aggp, degp, xr, W_l)


def kernel(x, edge_index, W1_l, b1, W1_r, W2_l, b2, W2_r):
    src = edge_index[0].astype(jnp.int32)
    dst = edge_index[1].astype(jnp.int32)
    npadedges = EPAD - E
    srcp = jnp.concatenate([src, jnp.zeros((npadedges,), jnp.int32)])
    dstp = jnp.concatenate([dst, jnp.full((npadedges,), PAD_DST, jnp.int32)])
    idx_all = jnp.stack(
        [srcp.reshape(NSUB * NCHUNK, CHUNK),
         dstp.reshape(NSUB * NCHUNK, CHUNK)], axis=1,
    ).reshape(NSUB * NCHUNK * 2, CHUNK)
    zrow = jnp.zeros((CHUNK, DH), jnp.float32)
    zdeg = jnp.zeros((CHUNK, 16), jnp.float32)
    ones = jnp.ones((CHUNK, 16), jnp.float32)

    x0 = x[:, :DH]
    x1 = x[:, DH:]
    xr1 = _tc_matmul(x, W1_r, b1.reshape(1, D))
    aggp, degp = _sc_pass(x0, x1, idx_all, zrow, zdeg, ones)
    h, h0, h1 = _tc_combine(aggp, degp, xr1, W1_l, relu=True, halves=True)
    xr2 = _tc_matmul(h, W2_r, b2.reshape(1, D))
    aggp2, degp2 = _sc_pass(h0, h1, idx_all, zrow, zdeg, ones)
    [out] = _tc_combine(aggp2, degp2, xr2, W2_l, relu=False)
    return out

# --- scband reference (transcript-rebuilt; emitter-appended) ---
"""Pipeline reference for scband-graph-sage-5411658793415 (READ-ONLY COPY).

The authoritative reference and input builder live on the scoring server;
editing this copy changes nothing except your own understanding.
"""

import jax, jax.numpy as jnp
import numpy as np

N_NODES = 10000
N_EDGES = 320000
D_IN = 128
D_HID = 128
D_OUT = 128


def setup_inputs(seed: int = 0) -> dict:
    key = jax.random.key(seed)
    k = jax.random.split(key, 8)
    x = jax.random.normal(k[0], (N_NODES, D_IN), dtype=jnp.float32)
    edge_index = jax.random.randint(k[1], (2, N_EDGES), 0, N_NODES, dtype=jnp.int64)
    s1 = 1.0 / np.sqrt(D_IN)
    s2 = 1.0 / np.sqrt(D_HID)
    W1_l = jax.random.uniform(k[2], (D_HID, D_IN), jnp.float32, -s1, s1)
    b1 = jnp.zeros((D_HID,), jnp.float32)
    W1_r = jax.random.uniform(k[3], (D_HID, D_IN), jnp.float32, -s1, s1)
    W2_l = jax.random.uniform(k[4], (D_OUT, D_HID), jnp.float32, -s2, s2)
    b2 = jnp.zeros((D_OUT,), jnp.float32)
    W2_r = jax.random.uniform(k[5], (D_OUT, D_HID), jnp.float32, -s2, s2)
    return {"x": x, "edge_index": edge_index, "W1_l": W1_l, "b1": b1, "W1_r": W1_r, "W2_l": W2_l, "b2": b2, "W2_r": W2_r}


def _sage_conv(x, src, dst, W_l, b, W_r):
    # message: gather source node features along each edge
    msgs = jnp.take(x, src, axis=0)
    # mean aggregation onto destination nodes
    agg = jax.ops.segment_sum(msgs, dst, num_segments=x.shape[0])
    deg = jax.ops.segment_sum(jnp.ones((src.shape[0],), jnp.float32), dst, num_segments=x.shape[0])
    agg = agg / jnp.clip(deg, 1.0, None)[:, None]
    # out = lin_l(agg) + lin_r(x)   (PyG SAGEConv: bias lives in lin_l)
    return agg @ W_l.T + b + x @ W_r.T


def reference(x, edge_index, W1_l, b1, W1_r, W2_l, b2, W2_r):
    src = edge_index[0]
    dst = edge_index[1]
    h = _sage_conv(x, src, dst, W1_l, b1, W1_r)
    h = jax.nn.relu(h)
    out = _sage_conv(h, src, dst, W2_l, b2, W2_r)
    return out

if __name__ == "__main__":
    import jax
    _d = setup_inputs()
    print(jax.jit(kernel)(*tuple(_d.values())))

</pallas_src>

<mosaic_0001>
#map = affine_map<(d0, d1) -> (0, 0)>
module attributes {stable_mosaic.version = 14 : i64} {
  func.func @_sc_body(%arg0: i32, %arg1: i32, %arg2: memref<10000x64xf32, #tpu.memory_space<hbm>>, %arg3: memref<10000x64xf32, #tpu.memory_space<hbm>>, %arg4: memref<5120x128xi32, #tpu.memory_space<hbm>>, %arg5: memref<128x64xf32, #tpu.memory_space<hbm>>, %arg6: memref<128x16xf32, #tpu.memory_space<hbm>>, %arg7: memref<128x16xf32, #tpu.memory_space<hbm>>, %arg8: memref<20480x64xf32, #tpu.memory_space<hbm>>, %arg9: memref<20480x16xf32, #tpu.memory_space<hbm>>, %arg10: memref<20x128xi32, #tpu.memory_space<vmem>>, %arg11: memref<128x64xf32, #tpu.memory_space<vmem>>, %arg12: memref<128x64xf32, #tpu.memory_space<vmem>>, %arg13: memref<128x64xf32, #tpu.memory_space<vmem>>, %arg14: memref<128x64xf32, #tpu.memory_space<vmem>>, %arg15: memref<128x64xf32, #tpu.memory_space<vmem>>, %arg16: memref<128x64xf32, #tpu.memory_space<vmem>>, %arg17: memref<128x16xf32, #tpu.memory_space<vmem>>, %arg18: memref<128x64xf32, #tpu.memory_space<vmem>>, %arg19: memref<128x16xf32, #tpu.memory_space<vmem>>, %arg20: memref<10240x64xf32, #tpu.memory_space<vmem_shared>>, %arg21: memref<10240x16xf32, #tpu.memory_space<vmem_shared>>, %arg22: memref<!tpu.dma_semaphore, #tpu.memory_space<semaphore_mem>>, %arg23: memref<!tpu.dma_semaphore, #tpu.memory_space<semaphore_mem>>, %arg24: memref<!tpu.dma_semaphore, #tpu.memory_space<semaphore_mem>>, %arg25: memref<!tpu.dma_semaphore, #tpu.memory_space<semaphore_mem>>, %arg26: memref<!tpu.dma_semaphore, #tpu.memory_space<semaphore_mem>>, %arg27: memref<!tpu.dma_semaphore, #tpu.memory_space<semaphore_mem>>, %arg28: memref<!tpu.dma_semaphore, #tpu.memory_space<semaphore_mem>>) attributes {dimension_semantics = [#tpu.dimension_semantics<core_parallel>, #tpu.dimension_semantics<subcore_parallel>], iteration_bounds = array<i64: 2, 16>, scalar_prefetch = 0 : i64, scratch_operands = 19 : i64, tpu.core_type = #tpu.core_type<sc_vector_subcore>, window_params = [{transform_indices = #map}, {transform_indices = #map}, {transform_indices = #map}, {transform_indices = #map}, {transform_indices = #map}, {transform_indices = #map}, {transform_indices = #map}, {transform_indices = #map}]} {
    %mul3A = arith.constant 640 : i32
    %mul3A_0 = arith.muli %arg1, %mul3A : i32
    "tpu.region"() ({
      %run_scoped3A = tpu.sem_alloc : memref<!tpu.dma_semaphore, #tpu.memory_space<semaphore_mem>>
      tpu.enqueue_dma source(%arg5 : memref<128x64xf32, #tpu.memory_space<hbm>>) target(%arg18 : memref<128x64xf32, #tpu.memory_space<vmem>>) target_semaphore(%run_scoped3A : memref<!tpu.dma_semaphore, #tpu.memory_space<semaphore_mem>>)
      tpu.wait_dma2 semaphore(%run_scoped3A : memref<!tpu.dma_semaphore, #tpu.memory_space<semaphore_mem>>) src(%arg5 : memref<128x64xf32, #tpu.memory_space<hbm>>) dst(%arg18 : memref<128x64xf32, #tpu.memory_space<vmem>>)
      tpu.yield
    }) : () -> ()
    "tpu.region"() ({
      %run_scoped3A = tpu.sem_alloc : memref<!tpu.dma_semaphore, #tpu.memory_space<semaphore_mem>>
      tpu.enqueue_dma source(%arg6 : memref<128x16xf32, #tpu.memory_space<hbm>>) target(%arg19 : memref<128x16xf32, #tpu.memory_space<vmem>>) target_semaphore(%run_scoped3A : memref<!tpu.dma_semaphore, #tpu.memory_space<semaphore_mem>>)
      tpu.wait_dma2 semaphore(%run_scoped3A : memref<!tpu.dma_semaphore, #tpu.memory_space<semaphore_mem>>) src(%arg6 : memref<128x16xf32, #tpu.memory_space<hbm>>) dst(%arg19 : memref<128x16xf32, #tpu.memory_space<vmem>>)
      tpu.yield
    }) : () -> ()
    "tpu.region"() ({
      %run_scoped3A = tpu.sem_alloc : memref<!tpu.dma_semaphore, #tpu.memory_space<semaphore_mem>>
      tpu.enqueue_dma source(%arg7 : memref<128x16xf32, #tpu.memory_space<hbm>>) target(%arg17 : memref<128x16xf32, #tpu.memory_space<vmem>>) target_semaphore(%run_scoped3A : memref<!tpu.dma_semaphore, #tpu.memory_space<semaphore_mem>>)
      tpu.wait_dma2 semaphore(%run_scoped3A : memref<!tpu.dma_semaphore, #tpu.memory_space<semaphore_mem>>) src(%arg7 : memref<128x16xf32, #tpu.memory_space<hbm>>) dst(%arg17 : memref<128x16xf32, #tpu.memory_space<vmem>>)
      tpu.yield
    }) : () -> ()
    %add3A = arith.constant 0 : i32
    %add3A_1 = arith.addi %mul3A_0, %add3A : i32
    "tpu.region"() ({
      %run_scoped3A = tpu.sem_alloc : memref<!tpu.dma_semaphore, #tpu.memory_space<semaphore_mem>>
      %dma_start3A_118 = arith.constant 0 : i32
      %dma_start3A_119 = tpu.memref_slice %arg20[%add3A_1, %dma_start3A_118] : memref<10240x64xf32, #tpu.memory_space<vmem_shared>> -> memref<128x64xf32, #tpu.memory_space<vmem_shared>>
      %dma_start3A_120 = arith.constant 0 : i32
      %dma_start3A_121 = tpu.memref_slice %arg20[%add3A_1, %dma_start3A_120] : memref<10240x64xf32, #tpu.memory_space<vmem_shared>> -> memref<128x64xf32, #tpu.memory_space<vmem_shared>>
      tpu.enqueue_dma source(%arg18 : memref<128x64xf32, #tpu.memory_space<vmem>>) target(%dma_start3A_121 : memref<128x64xf32, #tpu.memory_space<vmem_shared>>) target_semaphore(%run_scoped3A : memref<!tpu.dma_semaphore, #tpu.memory_space<semaphore_mem>>)
      %dma_wait3A_122 = arith.constant 0 : i32
      %dma_wait3A_123 = tpu.memref_slice %arg20[%add3A_1, %dma_wait3A_122] : memref<10240x64xf32, #tpu.memory_space<vmem_shared>> -> memref<128x64xf32, #tpu.memory_space<vmem_shared>>
      %dma_wait3A_124 = arith.constant 0 : i32
      %dma_wait3A_125 = tpu.memref_slice %arg20[%add3A_1, %dma_wait3A_124] : memref<10240x64xf32, #tpu.memory_space<vmem_shared>> -> memref<128x64xf32, #tpu.memory_space<vmem_shared>>
      tpu.wait_dma2 semaphore(%run_scoped3A : memref<!tpu.dma_semaphore, #tpu.memory_space<semaphore_mem>>) src(%arg18 : memref<128x64xf32, #tpu.memory_space<vmem>>) dst(%dma_wait3A_125 : memref<128x64xf32, #tpu.memory_space<vmem_shared>>)
      tpu.yield
    }) : () -> ()
    %add3A_2 = arith.constant 0 : i32
    %add3A_3 = arith.addi %mul3A_0, %add3A_2 : i32
    "tpu.region"() ({
      %run_scoped3A = tpu.sem_alloc : memref<!tpu.dma_semaphore, #tpu.memory_space<semaphore_mem>>
      %dma_start3A_118 = arith.constant 0 : i32
      %dma_start3A_119 = tpu.memref_slice %arg21[%add3A_3, %dma_start3A_118] : memref<10240x16xf32, #tpu.memory_space<vmem_shared>> -> memref<128x16xf32, #tpu.memory_space<vmem_shared>>
      %dma_start3A_120 = arith.constant 0 : i32
      %dma_start3A_121 = tpu.memref_slice %arg21[%add3A_3, %dma_start3A_120] : memref<10240x16xf32, #tpu.memory_space<vmem_shared>> -> memref<128x16xf32, #tpu.memory_space<vmem_shared>>
      tpu.enqueue_dma source(%arg19 : memref<128x16xf32, #tpu.memory_space<vmem>>) target(%dma_start3A_121 : memref<128x16xf32, #tpu.memory_space<vmem_shared>>) target_semaphore(%run_scoped3A : memref<!tpu.dma_semaphore, #tpu.memory_space<semaphore_mem>>)
      %dma_wait3A_122 = arith.constant 0 : i32
      %dma_wait3A_123 = tpu.memref_slice %arg21[%add3A_3, %dma_wait3A_122] : memref<10240x16xf32, #tpu.memory_space<vmem_shared>> -> memref<128x16xf32, #tpu.memory_space<vmem_shared>>
      %dma_wait3A_124 = arith.constant 0 : i32
      %dma_wait3A_125 = tpu.memref_slice %arg21[%add3A_3, %dma_wait3A_124] : memref<10240x16xf32, #tpu.memory_space<vmem_shared>> -> memref<128x16xf32, #tpu.memory_space<vmem_shared>>
      tpu.wait_dma2 semaphore(%run_scoped3A : memref<!tpu.dma_semaphore, #tpu.memory_space<semaphore_mem>>) src(%arg19 : memref<128x16xf32, #tpu.memory_space<vmem>>) dst(%dma_wait3A_125 : memref<128x16xf32, #tpu.memory_space<vmem_shared>>)
      tpu.yield
    }) : () -> ()
    %add3A_4 = arith.constant 128 : i32
    %add3A_5 = arith.addi %mul3A_0, %add3A_4 : i32
    "tpu.region"() ({
      %run_scoped3A = tpu.sem_alloc : memref<!tpu.dma_semaphore, #tpu.memory_space<semaphore_mem>>
      %dma_start3A_118 = arith.constant 0 : i32
      %dma_start3A_119 = tpu.memref_slice %arg20[%add3A_5, %dma_start3A_118] : memref<10240x64xf32, #tpu.memory_space<vmem_shared>> -> memref<128x64xf32, #tpu.memory_space<vmem_shared>>
      %dma_start3A_120 = arith.constant 0 : i32
      %dma_start3A_121 = tpu.memref_slice %arg20[%add3A_5, %dma_start3A_120] : memref<10240x64xf32, #tpu.memory_space<vmem_shared>> -> memref<128x64xf32, #tpu.memory_space<vmem_shared>>
      tpu.enqueue_dma source(%arg18 : memref<128x64xf32, #tpu.memory_space<vmem>>) target(%dma_start3A_121 : memref<128x64xf32, #tpu.memory_space<vmem_shared>>) target_semaphore(%run_scoped3A : memref<!tpu.dma_semaphore, #tpu.memory_space<semaphore_mem>>)
      %dma_wait3A_122 = arith.constant 0 : i32
      %dma_wait3A_123 = tpu.memref_slice %arg20[%add3A_5, %dma_wait3A_122] : memref<10240x64xf32, #tpu.memory_space<vmem_shared>> -> memref<128x64xf32, #tpu.memory_space<vmem_shared>>
      %dma_wait3A_124 = arith.constant 0 : i32
      %dma_wait3A_125 = tpu.memref_slice %arg20[%add3A_5, %dma_wait3A_124] : memref<10240x64xf32, #tpu.memory_space<vmem_shared>> -> memref<128x64xf32, #tpu.memory_space<vmem_shared>>
      tpu.wait_dma2 semaphore(%run_scoped3A : memref<!tpu.dma_semaphore, #tpu.memory_space<semaphore_mem>>) src(%arg18 : memref<128x64xf32, #tpu.memory_space<vmem>>) dst(%dma_wait3A_125 : memref<128x64xf32, #tpu.memory_space<vmem_shared>>)
      tpu.yield
    }) : () -> ()
    %add3A_6 = arith.constant 128 : i32
    %add3A_7 = arith.addi %mul3A_0, %add3A_6 : i32
    "tpu.region"() ({
      %run_scoped3A = tpu.sem_alloc : memref<!tpu.dma_semaphore, #tpu.memory_space<semaphore_mem>>
      %dma_start3A_118 = arith.constant 0 : i32
      %dma_start3A_119 = tpu.memref_slice %arg21[%add3A_7, %dma_start3A_118] : memref<10240x16xf32, #tpu.memory_space<vmem_shared>> -> memref<128x16xf32, #tpu.memory_space<vmem_shared>>
      %dma_start3A_120 = arith.constant 0 : i32
      %dma_start3A_121 = tpu.memref_slice %arg21[%add3A_7, %dma_start3A_120] : memref<10240x16xf32, #tpu.memory_space<vmem_shared>> -> memref<128x16xf32, #tpu.memory_space<vmem_shared>>
      tpu.enqueue_dma source(%arg19 : memref<128x16xf32, #tpu.memory_space<vmem>>) target(%dma_start3A_121 : memref<128x16xf32, #tpu.memory_space<vmem_shared>>) target_semaphore(%run_scoped3A : memref<!tpu.dma_semaphore, #tpu.memory_space<semaphore_mem>>)
      %dma_wait3A_122 = arith.constant 0 : i32
      %dma_wait3A_123 = tpu.memref_slice %arg21[%add3A_7, %dma_wait3A_122] : memref<10240x16xf32, #tpu.memory_space<vmem_shared>> -> memref<128x16xf32, #tpu.memory_space<vmem_shared>>
      %dma_wait3A_124 = arith.constant 0 : i32
      %dma_wait3A_125 = tpu.memref_slice %arg21[%add3A_7, %dma_wait3A_124] : memref<10240x16xf32, #tpu.memory_space<vmem_shared>> -> memref<128x16xf32, #tpu.memory_space<vmem_shared>>
      tpu.wait_dma2 semaphore(%run_scoped3A : memref<!tpu.dma_semaphore, #tpu.memory_space<semaphore_mem>>) src(%arg19 : memref<128x16xf32, #tpu.memory_space<vmem>>) dst(%dma_wait3A_125 : memref<128x16xf32, #tpu.memory_space<vmem_shared>>)
      tpu.yield
    }) : () -> ()
    %add3A_8 = arith.constant 256 : i32
    %add3A_9 = arith.addi %mul3A_0, %add3A_8 : i32
    "tpu.region"() ({
      %run_scoped3A = tpu.sem_alloc : memref<!tpu.dma_semaphore, #tpu.memory_space<semaphore_mem>>
      %dma_start3A_118 = arith.constant 0 : i32
      %dma_start3A_119 = tpu.memref_slice %arg20[%add3A_9, %dma_start3A_118] : memref<10240x64xf32, #tpu.memory_space<vmem_shared>> -> memref<128x64xf32, #tpu.memory_space<vmem_shared>>
      %dma_start3A_120 = arith.constant 0 : i32
      %dma_start3A_121 = tpu.memref_slice %arg20[%add3A_9, %dma_start3A_120] : memref<10240x64xf32, #tpu.memory_space<vmem_shared>> -> memref<128x64xf32, #tpu.memory_space<vmem_shared>>
      tpu.enqueue_dma source(%arg18 : memref<128x64xf32, #tpu.memory_space<vmem>>) target(%dma_start3A_121 : memref<128x64xf32, #tpu.memory_space<vmem_shared>>) target_semaphore(%run_scoped3A : memref<!tpu.dma_semaphore, #tpu.memory_space<semaphore_mem>>)
      %dma_wait3A_122 = arith.constant 0 : i32
      %dma_wait3A_123 = tpu.memref_slice %arg20[%add3A_9, %dma_wait3A_122] : memref<10240x64xf32, #tpu.memory_space<vmem_shared>> -> memref<128x64xf32, #tpu.memory_space<vmem_shared>>
      %dma_wait3A_124 = arith.constant 0 : i32
      %dma_wait3A_125 = tpu.memref_slice %arg20[%add3A_9, %dma_wait3A_124] : memref<10240x64xf32, #tpu.memory_space<vmem_shared>> -> memref<128x64xf32, #tpu.memory_space<vmem_shared>>
      tpu.wait_dma2 semaphore(%run_scoped3A : memref<!tpu.dma_semaphore, #tpu.memory_space<semaphore_mem>>) src(%arg18 : memref<128x64xf32, #tpu.memory_space<vmem>>) dst(%dma_wait3A_125 : memref<128x64xf32, #tpu.memory_space<vmem_shared>>)
      tpu.yield
    }) : () -> ()
    %add3A_10 = arith.constant 256 : i32
    %add3A_11 = arith.addi %mul3A_0, %add3A_10 : i32
    "tpu.region"() ({
      %run_scoped3A = tpu.sem_alloc : memref<!tpu.dma_semaphore, #tpu.memory_space<semaphore_mem>>
      %dma_start3A_118 = arith.constant 0 : i32
      %dma_start3A_119 = tpu.memref_slice %arg21[%add3A_11, %dma_start3A_118] : memref<10240x16xf32, #tpu.memory_space<vmem_shared>> -> memref<128x16xf32, #tpu.memory_space<vmem_shared>>
      %dma_start3A_120 = arith.constant 0 : i32
      %dma_start3A_121 = tpu.memref_slice %arg21[%add3A_11, %dma_start3A_120] : memref<10240x16xf32, #tpu.memory_space<vmem_shared>> -> memref<128x16xf32, #tpu.memory_space<vmem_shared>>
      tpu.enqueue_dma source(%arg19 : memref<128x16xf32, #tpu.memory_space<vmem>>) target(%dma_start3A_121 : memref<128x16xf32, #tpu.memory_space<vmem_shared>>) target_semaphore(%run_scoped3A : memref<!tpu.dma_semaphore, #tpu.memory_space<semaphore_mem>>)
      %dma_wait3A_122 = arith.constant 0 : i32
      %dma_wait3A_123 = tpu.memref_slice %arg21[%add3A_11, %dma_wait3A_122] : memref<10240x16xf32, #tpu.memory_space<vmem_shared>> -> memref<128x16xf32, #tpu.memory_space<vmem_shared>>
      %dma_wait3A_124 = arith.constant 0 : i32
      %dma_wait3A_125 = tpu.memref_slice %arg21[%add3A_11, %dma_wait3A_124] : memref<10240x16xf32, #tpu.memory_space<vmem_shared>> -> memref<128x16xf32, #tpu.memory_space<vmem_shared>>
      tpu.wait_dma2 semaphore(%run_scoped3A : memref<!tpu.dma_semaphore, #tpu.memory_space<semaphore_mem>>) src(%arg19 : memref<128x16xf32, #tpu.memory_space<vmem>>) dst(%dma_wait3A_125 : memref<128x16xf32, #tpu.memory_space<vmem_shared>>)
      tpu.yield
    }) : () -> ()
    %add3A_12 = arith.constant 384 : i32
    %add3A_13 = arith.addi %mul3A_0, %add3A_12 : i32
    "tpu.region"() ({
      %run_scoped3A = tpu.sem_alloc : memref<!tpu.dma_semaphore, #tpu.memory_space<semaphore_mem>>
      %dma_start3A_118 = arith.constant 0 : i32
      %dma_start3A_119 = tpu.memref_slice %arg20[%add3A_13, %dma_start3A_118] : memref<10240x64xf32, #tpu.memory_space<vmem_shared>> -> memref<128x64xf32, #tpu.memory_space<vmem_shared>>
      %dma_start3A_120 = arith.constant 0 : i32
      %dma_start3A_121 = tpu.memref_slice %arg20[%add3A_13, %dma_start3A_120] : memref<10240x64xf32, #tpu.memory_space<vmem_shared>> -> memref<128x64xf32, #tpu.memory_space<vmem_shared>>
      tpu.enqueue_dma source(%arg18 : memref<128x64xf32, #tpu.memory_space<vmem>>) target(%dma_start3A_121 : memref<128x64xf32, #tpu.memory_space<vmem_shared>>) target_semaphore(%run_scoped3A : memref<!tpu.dma_semaphore, #tpu.memory_space<semaphore_mem>>)
      %dma_wait3A_122 = arith.constant 0 : i32
      %dma_wait3A_123 = tpu.memref_slice %arg20[%add3A_13, %dma_wait3A_122] : memref<10240x64xf32, #tpu.memory_space<vmem_shared>> -> memref<128x64xf32, #tpu.memory_space<vmem_shared>>
      %dma_wait3A_124 = arith.constant 0 : i32
      %dma_wait3A_125 = tpu.memref_slice %arg20[%add3A_13, %dma_wait3A_124] : memref<10240x64xf32, #tpu.memory_space<vmem_shared>> -> memref<128x64xf32, #tpu.memory_space<vmem_shared>>
      tpu.wait_dma2 semaphore(%run_scoped3A : memref<!tpu.dma_semaphore, #tpu.memory_space<semaphore_mem>>) src(%arg18 : memref<128x64xf32, #tpu.memory_space<vmem>>) dst(%dma_wait3A_125 : memref<128x64xf32, #tpu.memory_space<vmem_shared>>)
      tpu.yield
    }) : () -> ()
    %add3A_14 = arith.constant 384 : i32
    %add3A_15 = arith.addi %mul3A_0, %add3A_14 : i32
    "tpu.region"() ({
      %run_scoped3A = tpu.sem_alloc : memref<!tpu.dma_semaphore, #tpu.memory_space<semaphore_mem>>
      %dma_start3A_118 = arith.constant 0 : i32
      %dma_start3A_119 = tpu.memref_slice %arg21[%add3A_15, %dma_start3A_118] : memref<10240x16xf32, #tpu.memory_space<vmem_shared>> -> memref<128x16xf32, #tpu.memory_space<vmem_shared>>
      %dma_start3A_120 = arith.constant 0 : i32
      %dma_start3A_121 = tpu.memref_slice %arg21[%add3A_15, %dma_start3A_120] : memref<10240x16xf32, #tpu.memory_space<vmem_shared>> -> memref<128x16xf32, #tpu.memory_space<vmem_shared>>
      tpu.enqueue_dma source(%arg19 : memref<128x16xf32, #tpu.memory_space<vmem>>) target(%dma_start3A_121 : memref<128x16xf32, #tpu.memory_space<vmem_shared>>) target_semaphore(%run_scoped3A : memref<!tpu.dma_semaphore, #tpu.memory_space<semaphore_mem>>)
      %dma_wait3A_122 = arith.constant 0 : i32
      %dma_wait3A_123 = tpu.memref_slice %arg21[%add3A_15, %dma_wait3A_122] : memref<10240x16xf32, #tpu.memory_space<vmem_shared>> -> memref<128x16xf32, #tpu.memory_space<vmem_shared>>
      %dma_wait3A_124 = arith.constant 0 : i32
      %dma_wait3A_125 = tpu.memref_slice %arg21[%add3A_15, %dma_wait3A_124] : memref<10240x16xf32, #tpu.memory_space<vmem_shared>> -> memref<128x16xf32, #tpu.memory_space<vmem_shared>>
      tpu.wait_dma2 semaphore(%run_scoped3A : memref<!tpu.dma_semaphore, #tpu.memory_space<semaphore_mem>>) src(%arg19 : memref<128x16xf32, #tpu.memory_space<vmem>>) dst(%dma_wait3A_125 : memref<128x16xf32, #tpu.memory_space<vmem_shared>>)
      tpu.yield
    }) : () -> ()
    %add3A_16 = arith.constant 512 : i32
    %add3A_17 = arith.addi %mul3A_0, %add3A_16 : i32
    "tpu.region"() ({
      %run_scoped3A = tpu.sem_alloc : memref<!tpu.dma_semaphore, #tpu.memory_space<semaphore_mem>>
      %dma_start3A_118 = arith.constant 0 : i32
      %dma_start3A_119 = tpu.memref_slice %arg20[%add3A_17, %dma_start3A_118] : memref<10240x64xf32, #tpu.memory_space<vmem_shared>> -> memref<128x64xf32, #tpu.memory_space<vmem_shared>>
      %dma_start3A_120 = arith.constant 0 : i32
      %dma_start3A_121 = tpu.memref_slice %arg20[%add3A_17, %dma_start3A_120] : memref<10240x64xf32, #tpu.memory_space<vmem_shared>> -> memref<128x64xf32, #tpu.memory_space<vmem_shared>>
      tpu.enqueue_dma source(%arg18 : memref<128x64xf32, #tpu.memory_space<vmem>>) target(%dma_start3A_121 : memref<128x64xf32, #tpu.memory_space<vmem_shared>>) target_semaphore(%run_scoped3A : memref<!tpu.dma_semaphore, #tpu.memory_space<semaphore_mem>>)
      %dma_wait3A_122 = arith.constant 0 : i32
      %dma_wait3A_123 = tpu.memref_slice %arg20[%add3A_17, %dma_wait3A_122] : memref<10240x64xf32, #tpu.memory_space<vmem_shared>> -> memref<128x64xf32, #tpu.memory_space<vmem_shared>>
      %dma_wait3A_124 = arith.constant 0 : i32
      %dma_wait3A_125 = tpu.memref_slice %arg20[%add3A_17, %dma_wait3A_124] : memref<10240x64xf32, #tpu.memory_space<vmem_shared>> -> memref<128x64xf32, #tpu.memory_space<vmem_shared>>
      tpu.wait_dma2 semaphore(%run_scoped3A : memref<!tpu.dma_semaphore, #tpu.memory_space<semaphore_mem>>) src(%arg18 : memref<128x64xf32, #tpu.memory_space<vmem>>) dst(%dma_wait3A_125 : memref<128x64xf32, #tpu.memory_space<vmem_shared>>)
      tpu.yield
    }) : () -> ()
    %add3A_18 = arith.constant 512 : i32
    %add3A_19 = arith.addi %mul3A_0, %add3A_18 : i32
    "tpu.region"() ({
      %run_scoped3A = tpu.sem_alloc : memref<!tpu.dma_semaphore, #tpu.memory_space<semaphore_mem>>
      %dma_start3A_118 = arith.constant 0 : i32
      %dma_start3A_119 = tpu.memref_slice %arg21[%add3A_19, %dma_start3A_118] : memref<10240x16xf32, #tpu.memory_space<vmem_shared>> -> memref<128x16xf32, #tpu.memory_space<vmem_shared>>
      %dma_start3A_120 = arith.constant 0 : i32
      %dma_start3A_121 = tpu.memref_slice %arg21[%add3A_19, %dma_start3A_120] : memref<10240x16xf32, #tpu.memory_space<vmem_shared>> -> memref<128x16xf32, #tpu.memory_space<vmem_shared>>
      tpu.enqueue_dma source(%arg19 : memref<128x16xf32, #tpu.memory_space<vmem>>) target(%dma_start3A_121 : memref<128x16xf32, #tpu.memory_space<vmem_shared>>) target_semaphore(%run_scoped3A : memref<!tpu.dma_semaphore, #tpu.memory_space<semaphore_mem>>)
      %dma_wait3A_122 = arith.constant 0 : i32
      %dma_wait3A_123 = tpu.memref_slice %arg21[%add3A_19, %dma_wait3A_122] : memref<10240x16xf32, #tpu.memory_space<vmem_shared>> -> memref<128x16xf32, #tpu.memory_space<vmem_shared>>
      %dma_wait3A_124 = arith.constant 0 : i32
      %dma_wait3A_125 = tpu.memref_slice %arg21[%add3A_19, %dma_wait3A_124] : memref<10240x16xf32, #tpu.memory_space<vmem_shared>> -> memref<128x16xf32, #tpu.memory_space<vmem_shared>>
      tpu.wait_dma2 semaphore(%run_scoped3A : memref<!tpu.dma_semaphore, #tpu.memory_space<semaphore_mem>>) src(%arg19 : memref<128x16xf32, #tpu.memory_space<vmem>>) dst(%dma_wait3A_125 : memref<128x16xf32, #tpu.memory_space<vmem_shared>>)
      tpu.yield
    }) : () -> ()
    %barrier3A = arith.constant 0 : index
    tpu.barrier barrier_id(%barrier3A)
    %mul3A_20 = arith.constant 320 : i32
    %mul3A_21 = arith.muli %arg1, %mul3A_20 : i32
    %scan3A = arith.constant 0 : i32
    %scan3A_22 = arith.constant 16 : i32
    %scan3A_23 = arith.addi %scan3A, %scan3A_22 : i32
    %scan3A_24 = arith.constant 1 : i32
    scf.for %scan3A_118 = %scan3A to %scan3A_23 step %scan3A_24  : i32 {
      %mul3A_119 = arith.constant 1 : i32
      %mul3A_120 = arith.muli %scan3A_118, %mul3A_119 : i32
      %add3A_121 = arith.constant 0 : i32
      %add3A_122 = arith.addi %add3A_121, %mul3A_120 : i32
      %mul3A_123 = arith.constant 20 : i32
      %mul3A_124 = arith.muli %add3A_122, %mul3A_123 : i32
      %add3A_125 = arith.addi %mul3A_21, %mul3A_124 : i32
      "tpu.region"() ({
        %run_scoped3A = tpu.sem_alloc : memref<!tpu.dma_semaphore, #tpu.memory_space<semaphore_mem>>
        %dma_start3A_533 = arith.constant 0 : i32
        %dma_start3A_534 = tpu.memref_slice %arg4[%add3A_125, %dma_start3A_533] : memref<5120x128xi32, #tpu.memory_space<hbm>> -> memref<20x128xi32, #tpu.memory_space<hbm>>
        %dma_start3A_535 = arith.constant 0 : i32
        %dma_start3A_536 = tpu.memref_slice %arg4[%add3A_125, %dma_start3A_535] : memref<5120x128xi32, #tpu.memory_space<hbm>> -> memref<20x128xi32, #tpu.memory_space<hbm>>
        tpu.enqueue_dma source(%dma_start3A_536 : memref<20x128xi32, #tpu.memory_space<hbm>>) target(%arg10 : memref<20x128xi32, #tpu.memory_space<vmem>>) target_semaphore(%run_scoped3A : memref<!tpu.dma_semaphore, #tpu.memory_space<semaphore_mem>>)
        %dma_wait3A_537 = arith.constant 0 : i32
        %dma_wait3A_538 = tpu.memref_slice %arg4[%add3A_125, %dma_wait3A_537] : memref<5120x128xi32, #tpu.memory_space<hbm>> -> memref<20x128xi32, #tpu.memory_space<hbm>>
        %dma_wait3A_539 = arith.constant 0 : i32
        %dma_wait3A_540 = tpu.memref_slice %arg4[%add3A_125, %dma_wait3A_539] : memref<5120x128xi32, #tpu.memory_space<hbm>> -> memref<20x128xi32, #tpu.memory_space<hbm>>
        tpu.wait_dma2 semaphore(%run_scoped3A : memref<!tpu.dma_semaphore, #tpu.memory_space<semaphore_mem>>) src(%dma_wait3A_540 : memref<20x128xi32, #tpu.memory_space<hbm>>) dst(%arg10 : memref<20x128xi32, #tpu.memory_space<vmem>>)
        tpu.yield
      }) : () -> ()
      %eq3A = arith.constant 0 : i32
      %eq3A_126 = arith.cmpi eq, %arg0, %eq3A : i32
      %convert_element_type3A = arith.extui %eq3A_126 : i1 to i32
      %cond3A = arith.constant 0 : i32
      %cond3A_127 = arith.cmpi ne, %convert_element_type3A, %cond3A : i32
      scf.if %cond3A_127 {
        %dma_start3A_533 = arith.constant 0 : i32
        %dma_start3A_534 = arith.constant 0 : i32
        %dma_start3A_535 = tpu.memref_slice %arg10[%dma_start3A_533, %dma_start3A_534] : memref<20x128xi32, #tpu.memory_space<vmem>> -> memref<1x128xi32, #tpu.memory_space<vmem>>
        %dma_start3A_536 = tpu.memref_squeeze %dma_start3A_535 : memref<1x128xi32, #tpu.memory_space<vmem>> -> memref<128xi32, #tpu.memory_space<vmem>>
        %dma_start3A_537 = arith.constant 0 : i32
        %dma_start3A_538 = arith.constant 0 : i32
        %dma_start3A_539 = tpu.memref_slice %arg2[%dma_start3A_537, %dma_start3A_538] : memref<10000x64xf32, #tpu.memory_space<hbm>> -> memref<10000x64xf32, #tpu.memory_space<hbm>>
        tpu.enqueue_indirect_dma source(%dma_start3A_539 : memref<10000x64xf32, #tpu.memory_space<hbm>>) target(%arg11 : memref<128x64xf32, #tpu.memory_space<vmem>>) offsets(%dma_start3A_536 : memref<128xi32, #tpu.memory_space<vmem>>) semaphore(%arg22 : memref<!tpu.dma_semaphore, #tpu.memory_space<semaphore_mem>>)
      } else {
      }
      %eq3A_128 = arith.constant 1 : i32
      %eq3A_129 = arith.cmpi eq, %arg0, %eq3A_128 : i32
      %convert_element_type3A_130 = arith.extui %eq3A_129 : i1 to i32
      %cond3A_131 = arith.constant 0 : i32
      %cond3A_132 = arith.cmpi ne, %convert_element_type3A_130, %cond3A_131 : i32
      scf.if %cond3A_132 {
        %dma_start3A_533 = arith.constant 0 : i32
        %dma_start3A_534 = arith.constant 0 : i32
        %dma_start3A_535 = tpu.memref_slice %arg10[%dma_start3A_533, %dma_start3A_534] : memref<20x128xi32, #tpu.memory_space<vmem>> -> memref<1x128xi32, #tpu.memory_space<vmem>>
        %dma_start3A_536 = tpu.memref_squeeze %dma_start3A_535 : memref<1x128xi32, #tpu.memory_space<vmem>> -> memref<128xi32, #tpu.memory_space<vmem>>
        %dma_start3A_537 = arith.constant 0 : i32
        %dma_start3A_538 = arith.constant 0 : i32
        %dma_start3A_539 = tpu.memref_slice %arg3[%dma_start3A_537, %dma_start3A_538] : memref<10000x64xf32, #tpu.memory_space<hbm>> -> memref<10000x64xf32, #tpu.memory_space<hbm>>
        tpu.enqueue_indirect_dma source(%dma_start3A_539 : memref<10000x64xf32, #tpu.memory_space<hbm>>) target(%arg11 : memref<128x64xf32, #tpu.memory_space<vmem>>) offsets(%dma_start3A_536 : memref<128xi32, #tpu.memory_space<vmem>>) semaphore(%arg22 : memref<!tpu.dma_semaphore, #tpu.memory_space<semaphore_mem>>)
      } else {
      }
      %eq3A_133 = arith.constant 0 : i32
      %eq3A_134 = arith.cmpi eq, %arg0, %eq3A_133 : i32
      %convert_element_type3A_135 = arith.extui %eq3A_134 : i1 to i32
      %cond3A_136 = arith.constant 0 : i32
      %cond3A_137 = arith.cmpi ne, %convert_element_type3A_135, %cond3A_136 : i32
      scf.if %cond3A_137 {
        %dma_start3A_533 = arith.constant 2 : i32
        %dma_start3A_534 = arith.constant 0 : i32
        %dma_start3A_535 = tpu.memref_slice %arg10[%dma_start3A_533, %dma_start3A_534] : memref<20x128xi32, #tpu.memory_space<vmem>> -> memref<1x128xi32, #tpu.memory_space<vmem>>
        %dma_start3A_536 = tpu.memref_squeeze %dma_start3A_535 : memref<1x128xi32, #tpu.memory_space<vmem>> -> memref<128xi32, #tpu.memory_space<vmem>>
        %dma_start3A_537 = arith.constant 0 : i32
        %dma_start3A_538 = arith.constant 0 : i32
        %dma_start3A_539 = tpu.memref_slice %arg2[%dma_start3A_537, %dma_start3A_538] : memref<10000x64xf32, #tpu.memory_space<hbm>> -> memref<10000x64xf32, #tpu.memory_space<hbm>>
        tpu.enqueue_indirect_dma source(%dma_start3A_539 : memref<10000x64xf32, #tpu.memory_space<hbm>>) target(%arg12 : memref<128x64xf32, #tpu.memory_space<vmem>>) offsets(%dma_start3A_536 : memref<128xi32, #tpu.memory_space<vmem>>) semaphore(%arg23 : memref<!tpu.dma_semaphore, #tpu.memory_space<semaphore_mem>>)
      } else {
      }
      %eq3A_138 = arith.constant 1 : i32
      %eq3A_139 = arith.cmpi eq, %arg0, %eq3A_138 : i32
      %convert_element_type3A_140 = arith.extui %eq3A_139 : i1 to i32
      %cond3A_141 = arith.constant 0 : i32
      %cond3A_142 = arith.cmpi ne, %convert_element_type3A_140, %cond3A_141 : i32
      scf.if %cond3A_142 {
        %dma_start3A_533 = arith.constant 2 : i32
        %dma_start3A_534 = arith.constant 0 : i32
        %dma_start3A_535 = tpu.memref_slice %arg10[%dma_start3A_533, %dma_start3A_534] : memref<20x128xi32, #tpu.memory_space<vmem>> -> memref<1x128xi32, #tpu.memory_space<vmem>>
        %dma_start3A_536 = tpu.memref_squeeze %dma_start3A_535 : memref<1x128xi32, #tpu.memory_space<vmem>> -> memref<128xi32, #tpu.memory_space<vmem>>
        %dma_start3A_537 = arith.constant 0 : i32
        %dma_start3A_538 = arith.constant 0 : i32
        %dma_start3A_539 = tpu.memref_slice %arg3[%dma_start3A_537, %dma_start3A_538] : memref<10000x64xf32, #tpu.memory_space<hbm>> -> memref<10000x64xf32, #tpu.memory_space<hbm>>
        tpu.enqueue_indirect_dma source(%dma_start3A_539 : memref<10000x64xf32, #tpu.memory_space<hbm>>) target(%arg12 : memref<128x64xf32, #tpu.memory_space<vmem>>) offsets(%dma_start3A_536 : memref<128xi32, #tpu.memory_space<vmem>>) semaphore(%arg23 : memref<!tpu.dma_semaphore, #tpu.memory_space<semaphore_mem>>)
      } else {
      }
      %eq3A_143 = arith.constant 0 : i32
      %eq3A_144 = arith.cmpi eq, %arg0, %eq3A_143 : i32
      %convert_element_type3A_145 = arith.extui %eq3A_144 : i1 to i32
      %cond3A_146 = arith.constant 0 : i32
      %cond3A_147 = arith.cmpi ne, %convert_element_type3A_145, %cond3A_146 : i32
      scf.if %cond3A_147 {
        %dma_start3A_533 = arith.constant 4 : i32
        %dma_start3A_534 = arith.constant 0 : i32
        %dma_start3A_535 = tpu.memref_slice %arg10[%dma_start3A_533, %dma_start3A_534] : memref<20x128xi32, #tpu.memory_space<vmem>> -> memref<1x128xi32, #tpu.memory_space<vmem>>
        %dma_start3A_536 = tpu.memref_squeeze %dma_start3A_535 : memref<1x128xi32, #tpu.memory_space<vmem>> -> memref<128xi32, #tpu.memory_space<vmem>>
        %dma_start3A_537 = arith.constant 0 : i32
        %dma_start3A_538 = arith.constant 0 : i32
        %dma_start3A_539 = tpu.memref_slice %arg2[%dma_start3A_537, %dma_start3A_538] : memref<10000x64xf32, #tpu.memory_space<hbm>> -> memref<10000x64xf32, #tpu.memory_space<hbm>>
        tpu.enqueue_indirect_dma source(%dma_start3A_539 : memref<10000x64xf32, #tpu.memory_space<hbm>>) target(%arg13 : memref<128x64xf32, #tpu.memory_space<vmem>>) offsets(%dma_start3A_536 : memref<128xi32, #tpu.memory_space<vmem>>) semaphore(%arg24 : memref<!tpu.dma_semaphore, #tpu.memory_space<semaphore_mem>>)
      } else {
      }
      %eq3A_148 = arith.constant 1 : i32
      %eq3A_149 = arith.cmpi eq, %arg0, %eq3A_148 : i32
      %convert_element_type3A_150 = arith.extui %eq3A_149 : i1 to i32
      %cond3A_151 = arith.constant 0 : i32
      %cond3A_152 = arith.cmpi ne, %convert_element_type3A_150, %cond3A_151 : i32
      scf.if %cond3A_152 {
        %dma_start3A_533 = arith.constant 4 : i32
        %dma_start3A_534 = arith.constant 0 : i32
        %dma_start3A_535 = tpu.memref_slice %arg10[%dma_start3A_533, %dma_start3A_534] : memref<20x128xi32, #tpu.memory_space<vmem>> -> memref<1x128xi32, #tpu.memory_space<vmem>>
        %dma_start3A_536 = tpu.memref_squeeze %dma_start3A_535 : memref<1x128xi32, #tpu.memory_space<vmem>> -> memref<128xi32, #tpu.memory_space<vmem>>
        %dma_start3A_537 = arith.constant 0 : i32
        %dma_start3A_538 = arith.constant 0 : i32
        %dma_start3A_539 = tpu.memref_slice %arg3[%dma_start3A_537, %dma_start3A_538] : memref<10000x64xf32, #tpu.memory_space<hbm>> -> memref<10000x64xf32, #tpu.memory_space<hbm>>
        tpu.enqueue_indirect_dma source(%dma_start3A_539 : memref<10000x64xf32, #tpu.memory_space<hbm>>) target(%arg13 : memref<128x64xf32, #tpu.memory_space<vmem>>) offsets(%dma_start3A_536 : memref<128xi32, #tpu.memory_space<vmem>>) semaphore(%arg24 : memref<!tpu.dma_semaphore, #tpu.memory_space<semaphore_mem>>)
      } else {
      }
      %dma_wait3A_153 = arith.constant 0 : i32
      %dma_wait3A_154 = arith.constant 0 : i32
      %dma_wait3A_155 = tpu.memref_slice %arg10[%dma_wait3A_153, %dma_wait3A_154] : memref<20x128xi32, #tpu.memory_space<vmem>> -> memref<1x128xi32, #tpu.memory_space<vmem>>
      %dma_wait3A_156 = tpu.memref_squeeze %dma_wait3A_155 : memref<1x128xi32, #tpu.memory_space<vmem>> -> memref<128xi32, #tpu.memory_space<vmem>>
      %dma_wait3A_157 = arith.constant 0 : i32
      %dma_wait3A_158 = arith.constant 0 : i32
      %dma_wait3A_159 = tpu.memref_slice %arg2[%dma_wait3A_157, %dma_wait3A_158] : memref<10000x64xf32, #tpu.memory_space<hbm>> -> memref<10000x64xf32, #tpu.memory_space<hbm>>
      tpu.wait_indirect_dma semaphore(%arg22 : memref<!tpu.dma_semaphore, #tpu.memory_space<semaphore_mem>>) src(%dma_wait3A_159 : memref<10000x64xf32, #tpu.memory_space<hbm>>) dst(%arg11 : memref<128x64xf32, #tpu.memory_space<vmem>>)
      %dma_start3A_160 = arith.constant 1 : i32
      %dma_start3A_161 = arith.constant 0 : i32
      %dma_start3A_162 = tpu.memref_slice %arg10[%dma_start3A_160, %dma_start3A_161] : memref<20x128xi32, #tpu.memory_space<vmem>> -> memref<1x128xi32, #tpu.memory_space<vmem>>
      %dma_start3A_163 = tpu.memref_squeeze %dma_start3A_162 : memref<1x128xi32, #tpu.memory_space<vmem>> -> memref<128xi32, #tpu.memory_space<vmem>>
      %dma_start3A_164 = arith.constant 0 : i32
      %dma_start3A_165 = arith.constant 0 : i32
      %dma_start3A_166 = tpu.memref_slice %arg20[%dma_start3A_164, %dma_start3A_165] : memref<10240x64xf32, #tpu.memory_space<vmem_shared>> -> memref<10240x64xf32, #tpu.memory_space<vmem_shared>>
      tpu.enqueue_indirect_dma source(%arg11 : memref<128x64xf32, #tpu.memory_space<vmem>>) target(%dma_start3A_166 : memref<10240x64xf32, #tpu.memory_space<vmem_shared>>) offsets(%dma_start3A_163 : memref<128xi32, #tpu.memory_space<vmem>>) semaphore(%arg25 : memref<!tpu.dma_semaphore, #tpu.memory_space<semaphore_mem>>) {add = true}
      %eq3A_167 = arith.constant 0 : i32
      %eq3A_168 = arith.cmpi eq, %arg0, %eq3A_167 : i32
      %convert_element_type3A_169 = arith.extui %eq3A_168 : i1 to i32
      %cond3A_170 = arith.constant 0 : i32
      %cond3A_171 = arith.cmpi ne, %convert_element_type3A_169, %cond3A_170 : i32
      scf.if %cond3A_171 {
        %dma_start3A_533 = arith.constant 1 : i32
        %dma_start3A_534 = arith.constant 0 : i32
        %dma_start3A_535 = tpu.memref_slice %arg10[%dma_start3A_533, %dma_start3A_534] : memref<20x128xi32, #tpu.memory_space<vmem>> -> memref<1x128xi32, #tpu.memory_space<vmem>>
        %dma_start3A_536 = tpu.memref_squeeze %dma_start3A_535 : memref<1x128xi32, #tpu.memory_space<vmem>> -> memref<128xi32, #tpu.memory_space<vmem>>
        %dma_start3A_537 = arith.constant 0 : i32
        %dma_start3A_538 = arith.constant 0 : i32
        %dma_start3A_539 = tpu.memref_slice %arg21[%dma_start3A_537, %dma_start3A_538] : memref<10240x16xf32, #tpu.memory_space<vmem_shared>> -> memref<10240x16xf32, #tpu.memory_space<vmem_shared>>
        tpu.enqueue_indirect_dma source(%arg17 : memref<128x16xf32, #tpu.memory_space<vmem>>) target(%dma_start3A_539 : memref<10240x16xf32, #tpu.memory_space<vmem_shared>>) offsets(%dma_start3A_536 : memref<128xi32, #tpu.memory_space<vmem>>) semaphore(%arg27 : memref<!tpu.dma_semaphore, #tpu.memory_space<semaphore_mem>>) {add = true}
      } else {
      }
      %eq3A_172 = arith.constant 0 : i32
      %eq3A_173 = arith.cmpi eq, %arg0, %eq3A_172 : i32
      %convert_element_type3A_174 = arith.extui %eq3A_173 : i1 to i32
      %cond3A_175 = arith.constant 0 : i32
      %cond3A_176 = arith.cmpi ne, %convert_element_type3A_174, %cond3A_175 : i32
      scf.if %cond3A_176 {
        %dma_start3A_533 = arith.constant 6 : i32
        %dma_start3A_534 = arith.constant 0 : i32
        %dma_start3A_535 = tpu.memref_slice %arg10[%dma_start3A_533, %dma_start3A_534] : memref<20x128xi32, #tpu.memory_space<vmem>> -> memref<1x128xi32, #tpu.memory_space<vmem>>
        %dma_start3A_536 = tpu.memref_squeeze %dma_start3A_535 : memref<1x128xi32, #tpu.memory_space<vmem>> -> memref<128xi32, #tpu.memory_space<vmem>>
        %dma_start3A_537 = arith.constant 0 : i32
        %dma_start3A_538 = arith.constant 0 : i32
        %dma_start3A_539 = tpu.memref_slice %arg2[%dma_start3A_537, %dma_start3A_538] : memref<10000x64xf32, #tpu.memory_space<hbm>> -> memref<10000x64xf32, #tpu.memory_space<hbm>>
        tpu.enqueue_indirect_dma source(%dma_start3A_539 : memref<10000x64xf32, #tpu.memory_space<hbm>>) target(%arg14 : memref<128x64xf32, #tpu.memory_space<vmem>>) offsets(%dma_start3A_536 : memref<128xi32, #tpu.memory_space<vmem>>) semaphore(%arg22 : memref<!tpu.dma_semaphore, #tpu.memory_space<semaphore_mem>>)
      } else {
      }
      %eq3A_177 = arith.constant 1 : i32
      %eq3A_178 = arith.cmpi eq, %arg0, %eq3A_177 : i32
      %convert_element_type3A_179 = arith.extui %eq3A_178 : i1 to i32
      %cond3A_180 = arith.constant 0 : i32
      %cond3A_181 = arith.cmpi ne, %convert_element_type3A_179, %cond3A_180 : i32
      scf.if %cond3A_181 {
        %dma_start3A_533 = arith.constant 6 : i32
        %dma_start3A_534 = arith.constant 0 : i32
        %dma_start3A_535 = tpu.memref_slice %arg10[%dma_start3A_533, %dma_start3A_534] : memref<20x128xi32, #tpu.memory_space<vmem>> -> memref<1x128xi32, #tpu.memory_space<vmem>>
        %dma_start3A_536 = tpu.memref_squeeze %dma_start3A_535 : memref<1x128xi32, #tpu.memory_space<vmem>> -> memref<128xi32, #tpu.memory_space<vmem>>
        %dma_start3A_537 = arith.constant 0 : i32
        %dma_start3A_538 = arith.constant 0 : i32
        %dma_start3A_539 = tpu.memref_slice %arg3[%dma_start3A_537, %dma_start3A_538] : memref<10000x64xf32, #tpu.memory_space<hbm>> -> memref<10000x64xf32, #tpu.memory_space<hbm>>
        tpu.enqueue_indirect_dma source(%dma_start3A_539 : memref<10000x64xf32, #tpu.memory_space<hbm>>) target(%arg14 : memref<128x64xf32, #tpu.memory_space<vmem>>) offsets(%dma_start3A_536 : memref<128xi32, #tpu.memory_space<vmem>>) semaphore(%arg22 : memref<!tpu.dma_semaphore, #tpu.memory_space<semaphore_mem>>)
      } else {
      }
      %dma_wait3A_182 = arith.constant 2 : i32
      %dma_wait3A_183 = arith.constant 0 : i32
      %dma_wait3A_184 = tpu.memref_slice %arg10[%dma_wait3A_182, %dma_wait3A_183] : memref<20x128xi32, #tpu.memory_space<vmem>> -> memref<1x128xi32, #tpu.memory_space<vmem>>
      %dma_wait3A_185 = tpu.memref_squeeze %dma_wait3A_184 : memref<1x128xi32, #tpu.memory_space<vmem>> -> memref<128xi32, #tpu.memory_space<vmem>>
      %dma_wait3A_186 = arith.constant 0 : i32
      %dma_wait3A_187 = arith.constant 0 : i32
      %dma_wait3A_188 = tpu.memref_slice %arg2[%dma_wait3A_186, %dma_wait3A_187] : memref<10000x64xf32, #tpu.memory_space<hbm>> -> memref<10000x64xf32, #tpu.memory_space<hbm>>
      tpu.wait_indirect_dma semaphore(%arg23 : memref<!tpu.dma_semaphore, #tpu.memory_space<semaphore_mem>>) src(%dma_wait3A_188 : memref<10000x64xf32, #tpu.memory_space<hbm>>) dst(%arg12 : memref<128x64xf32, #tpu.memory_space<vmem>>)
      %dma_start3A_189 = arith.constant 3 : i32
      %dma_start3A_190 = arith.constant 0 : i32
      %dma_start3A_191 = tpu.memref_slice %arg10[%dma_start3A_189, %dma_start3A_190] : memref<20x128xi32, #tpu.memory_space<vmem>> -> memref<1x128xi32, #tpu.memory_space<vmem>>
      %dma_start3A_192 = tpu.memref_squeeze %dma_start3A_191 : memref<1x128xi32, #tpu.memory_space<vmem>> -> memref<128xi32, #tpu.memory_space<vmem>>
      %dma_start3A_193 = arith.constant 0 : i32
      %dma_start3A_194 = arith.constant 0 : i32
      %dma_start3A_195 = tpu.memref_slice %arg20[%dma_start3A_193, %dma_start3A_194] : memref<10240x64xf32, #tpu.memory_space<vmem_shared>> -> memref<10240x64xf32, #tpu.memory_space<vmem_shared>>
      tpu.enqueue_indirect_dma source(%arg12 : memref<128x64xf32, #tpu.memory_space<vmem>>) target(%dma_start3A_195 : memref<10240x64xf32, #tpu.memory_space<vmem_shared>>) offsets(%dma_start3A_192 : memref<128xi32, #tpu.memory_space<vmem>>) semaphore(%arg26 : memref<!tpu.dma_semaphore, #tpu.memory_space<semaphore_mem>>) {add = true}
      %eq3A_196 = arith.constant 1 : i32
      %eq3A_197 = arith.cmpi eq, %arg0, %eq3A_196 : i32
      %convert_element_type3A_198 = arith.extui %eq3A_197 : i1 to i32
      %cond3A_199 = arith.constant 0 : i32
      %cond3A_200 = arith.cmpi ne, %convert_element_type3A_198, %cond3A_199 : i32
      scf.if %cond3A_200 {
        %dma_start3A_533 = arith.constant 3 : i32
        %dma_start3A_534 = arith.constant 0 : i32
        %dma_start3A_535 = tpu.memref_slice %arg10[%dma_start3A_533, %dma_start3A_534] : memref<20x128xi32, #tpu.memory_space<vmem>> -> memref<1x128xi32, #tpu.memory_space<vmem>>
        %dma_start3A_536 = tpu.memref_squeeze %dma_start3A_535 : memref<1x128xi32, #tpu.memory_space<vmem>> -> memref<128xi32, #tpu.memory_space<vmem>>
        %dma_start3A_537 = arith.constant 0 : i32
        %dma_start3A_538 = arith.constant 0 : i32
        %dma_start3A_539 = tpu.memref_slice %arg21[%dma_start3A_537, %dma_start3A_538] : memref<10240x16xf32, #tpu.memory_space<vmem_shared>> -> memref<10240x16xf32, #tpu.memory_space<vmem_shared>>
        tpu.enqueue_indirect_dma source(%arg17 : memref<128x16xf32, #tpu.memory_space<vmem>>) target(%dma_start3A_539 : memref<10240x16xf32, #tpu.memory_space<vmem_shared>>) offsets(%dma_start3A_536 : memref<128xi32, #tpu.memory_space<vmem>>) semaphore(%arg28 : memref<!tpu.dma_semaphore, #tpu.memory_space<semaphore_mem>>) {add = true}
      } else {
      }
      %eq3A_201 = arith.constant 0 : i32
      %eq3A_202 = arith.cmpi eq, %arg0, %eq3A_201 : i32
      %convert_element_type3A_203 = arith.extui %eq3A_202 : i1 to i32
      %cond3A_204 = arith.constant 0 : i32
      %cond3A_205 = arith.cmpi ne, %convert_element_type3A_203, %cond3A_204 : i32
      scf.if %cond3A_205 {
        %dma_start3A_533 = arith.constant 8 : i32
        %dma_start3A_534 = arith.constant 0 : i32
        %dma_start3A_535 = tpu.memref_slice %arg10[%dma_start3A_533, %dma_start3A_534] : memref<20x128xi32, #tpu.memory_space<vmem>> -> memref<1x128xi32, #tpu.memory_space<vmem>>
        %dma_start3A_536 = tpu.memref_squeeze %dma_start3A_535 : memref<1x128xi32, #tpu.memory_space<vmem>> -> memref<128xi32, #tpu.memory_space<vmem>>
        %dma_start3A_537 = arith.constant 0 : i32
        %dma_start3A_538 = arith.constant 0 : i32
        %dma_start3A_539 = tpu.memref_slice %arg2[%dma_start3A_537, %dma_start3A_538] : memref<10000x64xf32, #tpu.memory_space<hbm>> -> memref<10000x64xf32, #tpu.memory_space<hbm>>
        tpu.enqueue_indirect_dma source(%dma_start3A_539 : memref<10000x64xf32, #tpu.memory_space<hbm>>) target(%arg15 : memref<128x64xf32, #tpu.memory_space<vmem>>) offsets(%dma_start3A_536 : memref<128xi32, #tpu.memory_space<vmem>>) semaphore(%arg23 : memref<!tpu.dma_semaphore, #tpu.memory_space<semaphore_mem>>)
      } else {
      }
      %eq3A_206 = arith.constant 1 : i32
      %eq3A_207 = arith.cmpi eq, %arg0, %eq3A_206 : i32
      %convert_element_type3A_208 = arith.extui %eq3A_207 : i1 to i32
      %cond3A_209 = arith.constant 0 : i32
      %cond3A_210 = arith.cmpi ne, %convert_element_type3A_208, %cond3A_209 : i32
      scf.if %cond3A_210 {
        %dma_start3A_533 = arith.constant 8 : i32
        %dma_start3A_534 = arith.constant 0 : i32
        %dma_start3A_535 = tpu.memref_slice %arg10[%dma_start3A_533, %dma_start3A_534] : memref<20x128xi32, #tpu.memory_space<vmem>> -> memref<1x128xi32, #tpu.memory_space<vmem>>
        %dma_start3A_536 = tpu.memref_squeeze %dma_start3A_535 : memref<1x128xi32, #tpu.memory_space<vmem>> -> memref<128xi32, #tpu.memory_space<vmem>>
        %dma_start3A_537 = arith.constant 0 : i32
        %dma_start3A_538 = arith.constant 0 : i32
        %dma_start3A_539 = tpu.memref_slice %arg3[%dma_start3A_537, %dma_start3A_538] : memref<10000x64xf32, #tpu.memory_space<hbm>> -> memref<10000x64xf32, #tpu.memory_space<hbm>>
        tpu.enqueue_indirect_dma source(%dma_start3A_539 : memref<10000x64xf32, #tpu.memory_space<hbm>>) target(%arg15 : memref<128x64xf32, #tpu.memory_space<vmem>>) offsets(%dma_start3A_536 : memref<128xi32, #tpu.memory_space<vmem>>) semaphore(%arg23 : memref<!tpu.dma_semaphore, #tpu.memory_space<semaphore_mem>>)
      } else {
      }
      %dma_wait3A_211 = arith.constant 4 : i32
      %dma_wait3A_212 = arith.constant 0 : i32
      %dma_wait3A_213 = tpu.memref_slice %arg10[%dma_wait3A_211, %dma_wait3A_212] : memref<20x128xi32, #tpu.memory_space<vmem>> -> memref<1x128xi32, #tpu.memory_space<vmem>>
      %dma_wait3A_214 = tpu.memref_squeeze %dma_wait3A_213 : memref<1x128xi32, #tpu.memory_space<vmem>> -> memref<128xi32, #tpu.memory_space<vmem>>
      %dma_wait3A_215 = arith.constant 0 : i32
      %dma_wait3A_216 = arith.constant 0 : i32
      %dma_wait3A_217 = tpu.memref_slice %arg2[%dma_wait3A_215, %dma_wait3A_216] : memref<10000x64xf32, #tpu.memory_space<hbm>> -> memref<10000x64xf32, #tpu.memory_space<hbm>>
      tpu.wait_indirect_dma semaphore(%arg24 : memref<!tpu.dma_semaphore, #tpu.memory_space<semaphore_mem>>) src(%dma_wait3A_217 : memref<10000x64xf32, #tpu.memory_space<hbm>>) dst(%arg13 : memref<128x64xf32, #tpu.memory_space<vmem>>)
      %dma_wait3A_218 = arith.constant 1 : i32
      %dma_wait3A_219 = arith.constant 0 : i32
      %dma_wait3A_220 = tpu.memref_slice %arg10[%dma_wait3A_218, %dma_wait3A_219] : memref<20x128xi32, #tpu.memory_space<vmem>> -> memref<1x128xi32, #tpu.memory_space<vmem>>
      %dma_wait3A_221 = tpu.memref_squeeze %dma_wait3A_220 : memref<1x128xi32, #tpu.memory_space<vmem>> -> memref<128xi32, #tpu.memory_space<vmem>>
      %dma_wait3A_222 = arith.constant 0 : i32
      %dma_wait3A_223 = arith.constant 0 : i32
      %dma_wait3A_224 = tpu.memref_slice %arg20[%dma_wait3A_222, %dma_wait3A_223] : memref<10240x64xf32, #tpu.memory_space<vmem_shared>> -> memref<10240x64xf32, #tpu.memory_space<vmem_shared>>
      tpu.wait_indirect_dma semaphore(%arg25 : memref<!tpu.dma_semaphore, #tpu.memory_space<semaphore_mem>>) src(%arg11 : memref<128x64xf32, #tpu.memory_space<vmem>>) dst(%dma_wait3A_224 : memref<10240x64xf32, #tpu.memory_space<vmem_shared>>)
      %eq3A_225 = arith.constant 0 : i32
      %eq3A_226 = arith.cmpi eq, %arg0, %eq3A_225 : i32
      %convert_element_type3A_227 = arith.extui %eq3A_226 : i1 to i32
      %cond3A_228 = arith.constant 0 : i32
      %cond3A_229 = arith.cmpi ne, %convert_element_type3A_227, %cond3A_228 : i32
      scf.if %cond3A_229 {
        %dma_wait3A_533 = arith.constant 1 : i32
        %dma_wait3A_534 = arith.constant 0 : i32
        %dma_wait3A_535 = tpu.memref_slice %arg10[%dma_wait3A_533, %dma_wait3A_534] : memref<20x128xi32, #tpu.memory_space<vmem>> -> memref<1x128xi32, #tpu.memory_space<vmem>>
        %dma_wait3A_536 = tpu.memref_squeeze %dma_wait3A_535 : memref<1x128xi32, #tpu.memory_space<vmem>> -> memref<128xi32, #tpu.memory_space<vmem>>
        %dma_wait3A_537 = arith.constant 0 : i32
        %dma_wait3A_538 = arith.constant 0 : i32
        %dma_wait3A_539 = tpu.memref_slice %arg21[%dma_wait3A_537, %dma_wait3A_538] : memref<10240x16xf32, #tpu.memory_space<vmem_shared>> -> memref<10240x16xf32, #tpu.memory_space<vmem_shared>>
        tpu.wait_indirect_dma semaphore(%arg27 : memref<!tpu.dma_semaphore, #tpu.memory_space<semaphore_mem>>) src(%arg17 : memref<128x16xf32, #tpu.memory_space<vmem>>) dst(%dma_wait3A_539 : memref<10240x16xf32, #tpu.memory_space<vmem_shared>>)
      } else {
      }
      %dma_start3A_230 = arith.constant 5 : i32
      %dma_start3A_231 = arith.constant 0 : i32
      %dma_start3A_232 = tpu.memref_slice %arg10[%dma_start3A_230, %dma_start3A_231] : memref<20x128xi32, #tpu.memory_space<vmem>> -> memref<1x128xi32, #tpu.memory_space<vmem>>
      %dma_start3A_233 = tpu.memref_squeeze %dma_start3A_232 : memref<1x128xi32, #tpu.memory_space<vmem>> -> memref<128xi32, #tpu.memory_space<vmem>>
      %dma_start3A_234 = arith.constant 0 : i32
      %dma_start3A_235 = arith.constant 0 : i32
      %dma_start3A_236 = tpu.memref_slice %arg20[%dma_start3A_234, %dma_start3A_235] : memref<10240x64xf32, #tpu.memory_space<vmem_shared>> -> memref<10240x64xf32, #tpu.memory_space<vmem_shared>>
      tpu.enqueue_indirect_dma source(%arg13 : memref<128x64xf32, #tpu.memory_space<vmem>>) target(%dma_start3A_236 : memref<10240x64xf32, #tpu.memory_space<vmem_shared>>) offsets(%dma_start3A_233 : memref<128xi32, #tpu.memory_space<vmem>>) semaphore(%arg25 : memref<!tpu.dma_semaphore, #tpu.memory_space<semaphore_mem>>) {add = true}
      %eq3A_237 = arith.constant 0 : i32
      %eq3A_238 = arith.cmpi eq, %arg0, %eq3A_237 : i32
      %convert_element_type3A_239 = arith.extui %eq3A_238 : i1 to i32
      %cond3A_240 = arith.constant 0 : i32
      %cond3A_241 = arith.cmpi ne, %convert_element_type3A_239, %cond3A_240 : i32
      scf.if %cond3A_241 {
        %dma_start3A_533 = arith.constant 5 : i32
        %dma_start3A_534 = arith.constant 0 : i32
        %dma_start3A_535 = tpu.memref_slice %arg10[%dma_start3A_533, %dma_start3A_534] : memref<20x128xi32, #tpu.memory_space<vmem>> -> memref<1x128xi32, #tpu.memory_space<vmem>>
        %dma_start3A_536 = tpu.memref_squeeze %dma_start3A_535 : memref<1x128xi32, #tpu.memory_space<vmem>> -> memref<128xi32, #tpu.memory_space<vmem>>
        %dma_start3A_537 = arith.constant 0 : i32
        %dma_start3A_538 = arith.constant 0 : i32
        %dma_start3A_539 = tpu.memref_slice %arg21[%dma_start3A_537, %dma_start3A_538] : memref<10240x16xf32, #tpu.memory_space<vmem_shared>> -> memref<10240x16xf32, #tpu.memory_space<vmem_shared>>
        tpu.enqueue_indirect_dma source(%arg17 : memref<128x16xf32, #tpu.memory_space<vmem>>) target(%dma_start3A_539 : memref<10240x16xf32, #tpu.memory_space<vmem_shared>>) offsets(%dma_start3A_536 : memref<128xi32, #tpu.memory_space<vmem>>) semaphore(%arg27 : memref<!tpu.dma_semaphore, #tpu.memory_space<semaphore_mem>>) {add = true}
      } else {
      }
      %eq3A_242 = arith.constant 0 : i32
      %eq3A_243 = arith.cmpi eq, %arg0, %eq3A_242 : i32
      %convert_element_type3A_244 = arith.extui %eq3A_243 : i1 to i32
      %cond3A_245 = arith.constant 0 : i32
      %cond3A_246 = arith.cmpi ne, %convert_element_type3A_244, %cond3A_245 : i32
      scf.if %cond3A_246 {
        %dma_start3A_533 = arith.constant 10 : i32
        %dma_start3A_534 = arith.constant 0 : i32
        %dma_start3A_535 = tpu.memref_slice %arg10[%dma_start3A_533, %dma_start3A_534] : memref<20x128xi32, #tpu.memory_space<vmem>> -> memref<1x128xi32, #tpu.memory_space<vmem>>
        %dma_start3A_536 = tpu.memref_squeeze %dma_start3A_535 : memref<1x128xi32, #tpu.memory_space<vmem>> -> memref<128xi32, #tpu.memory_space<vmem>>
        %dma_start3A_537 = arith.constant 0 : i32
        %dma_start3A_538 = arith.constant 0 : i32
        %dma_start3A_539 = tpu.memref_slice %arg2[%dma_start3A_537, %dma_start3A_538] : memref<10000x64xf32, #tpu.memory_space<hbm>> -> memref<10000x64xf32, #tpu.memory_space<hbm>>
        tpu.enqueue_indirect_dma source(%dma_start3A_539 : memref<10000x64xf32, #tpu.memory_space<hbm>>) target(%arg16 : memref<128x64xf32, #tpu.memory_space<vmem>>) offsets(%dma_start3A_536 : memref<128xi32, #tpu.memory_space<vmem>>) semaphore(%arg24 : memref<!tpu.dma_semaphore, #tpu.memory_space<semaphore_mem>>)
      } else {
      }
      %eq3A_247 = arith.constant 1 : i32
      %eq3A_248 = arith.cmpi eq, %arg0, %eq3A_247 : i32
      %convert_element_type3A_249 = arith.extui %eq3A_248 : i1 to i32
      %cond3A_250 = arith.constant 0 : i32
      %cond3A_251 = arith.cmpi ne, %convert_element_type3A_249, %cond3A_250 : i32
      scf.if %cond3A_251 {
        %dma_start3A_533 = arith.constant 10 : i32
        %dma_start3A_534 = arith.constant 0 : i32
        %dma_start3A_535 = tpu.memref_slice %arg10[%dma_start3A_533, %dma_start3A_534] : memref<20x128xi32, #tpu.memory_space<vmem>> -> memref<1x128xi32, #tpu.memory_space<vmem>>
        %dma_start3A_536 = tpu.memref_squeeze %dma_start3A_535 : memref<1x128xi32, #tpu.memory_space<vmem>> -> memref<128xi32, #tpu.memory_space<vmem>>
        %dma_start3A_537 = arith.constant 0 : i32
        %dma_start3A_538 = arith.constant 0 : i32
        %dma_start3A_539 = tpu.memref_slice %arg3[%dma_start3A_537, %dma_start3A_538] : memref<10000x64xf32, #tpu.memory_space<hbm>> -> memref<10000x64xf32, #tpu.memory_space<hbm>>
        tpu.enqueue_indirect_dma source(%dma_start3A_539 : memref<10000x64xf32, #tpu.memory_space<hbm>>) target(%arg16 : memref<128x64xf32, #tpu.memory_space<vmem>>) offsets(%dma_start3A_536 : memref<128xi32, #tpu.memory_space<vmem>>) semaphore(%arg24 : memref<!tpu.dma_semaphore, #tpu.memory_space<semaphore_mem>>)
      } else {
      }
      %dma_wait3A_252 = arith.constant 6 : i32
      %dma_wait3A_253 = arith.constant 0 : i32
      %dma_wait3A_254 = tpu.memref_slice %arg10[%dma_wait3A_252, %dma_wait3A_253] : memref<20x128xi32, #tpu.memory_space<vmem>> -> memref<1x128xi32, #tpu.memory_space<vmem>>
      %dma_wait3A_255 = tpu.memref_squeeze %dma_wait3A_254 : memref<1x128xi32, #tpu.memory_space<vmem>> -> memref<128xi32, #tpu.memory_space<vmem>>
      %dma_wait3A_256 = arith.constant 0 : i32
      %dma_wait3A_257 = arith.constant 0 : i32
      %dma_wait3A_258 = tpu.memref_slice %arg2[%dma_wait3A_256, %dma_wait3A_257] : memref<10000x64xf32, #tpu.memory_space<hbm>> -> memref<10000x64xf32, #tpu.memory_space<hbm>>
      tpu.wait_indirect_dma semaphore(%arg22 : memref<!tpu.dma_semaphore, #tpu.memory_space<semaphore_mem>>) src(%dma_wait3A_258 : memref<10000x64xf32, #tpu.memory_space<hbm>>) dst(%arg14 : memref<128x64xf32, #tpu.memory_space<vmem>>)
      %dma_wait3A_259 = arith.constant 3 : i32
      %dma_wait3A_260 = arith.constant 0 : i32
      %dma_wait3A_261 = tpu.memref_slice %arg10[%dma_wait3A_259, %dma_wait3A_260] : memref<20x128xi32, #tpu.memory_space<vmem>> -> memref<1x128xi32, #tpu.memory_space<vmem>>
      %dma_wait3A_262 = tpu.memref_squeeze %dma_wait3A_261 : memref<1x128xi32, #tpu.memory_space<vmem>> -> memref<128xi32, #tpu.memory_space<vmem>>
      %dma_wait3A_263 = arith.constant 0 : i32
      %dma_wait3A_264 = arith.constant 0 : i32
      %dma_wait3A_265 = tpu.memref_slice %arg20[%dma_wait3A_263, %dma_wait3A_264] : memref<10240x64xf32, #tpu.memory_space<vmem_shared>> -> memref<10240x64xf32, #tpu.memory_space<vmem_shared>>
      tpu.wait_indirect_dma semaphore(%arg26 : memref<!tpu.dma_semaphore, #tpu.memory_space<semaphore_mem>>) src(%arg12 : memref<128x64xf32, #tpu.memory_space<vmem>>) dst(%dma_wait3A_265 : memref<10240x64xf32, #tpu.memory_space<vmem_shared>>)
      %eq3A_266 = arith.constant 1 : i32
      %eq3A_267 = arith.cmpi eq, %arg0, %eq3A_266 : i32
      %convert_element_type3A_268 = arith.extui %eq3A_267 : i1 to i32
      %cond3A_269 = arith.constant 0 : i32
      %cond3A_270 = arith.cmpi ne, %convert_element_type3A_268, %cond3A_269 : i32
      scf.if %cond3A_270 {
        %dma_wait3A_533 = arith.constant 3 : i32
        %dma_wait3A_534 = arith.constant 0 : i32
        %dma_wait3A_535 = tpu.memref_slice %arg10[%dma_wait3A_533, %dma_wait3A_534] : memref<20x128xi32, #tpu.memory_space<vmem>> -> memref<1x128xi32, #tpu.memory_space<vmem>>
        %dma_wait3A_536 = tpu.memref_squeeze %dma_wait3A_535 : memref<1x128xi32, #tpu.memory_space<vmem>> -> memref<128xi32, #tpu.memory_space<vmem>>
        %dma_wait3A_537 = arith.constant 0 : i32
        %dma_wait3A_538 = arith.constant 0 : i32
        %dma_wait3A_539 = tpu.memref_slice %arg21[%dma_wait3A_537, %dma_wait3A_538] : memref<10240x16xf32, #tpu.memory_space<vmem_shared>> -> memref<10240x16xf32, #tpu.memory_space<vmem_shared>>
        tpu.wait_indirect_dma semaphore(%arg28 : memref<!tpu.dma_semaphore, #tpu.memory_space<semaphore_mem>>) src(%arg17 : memref<128x16xf32, #tpu.memory_space<vmem>>) dst(%dma_wait3A_539 : memref<10240x16xf32, #tpu.memory_space<vmem_shared>>)
      } else {
      }
      %dma_start3A_271 = arith.constant 7 : i32
      %dma_start3A_272 = arith.constant 0 : i32
      %dma_start3A_273 = tpu.memref_slice %arg10[%dma_start3A_271, %dma_start3A_272] : memref<20x128xi32, #tpu.memory_space<vmem>> -> memref<1x128xi32, #tpu.memory_space<vmem>>
      %dma_start3A_274 = tpu.memref_squeeze %dma_start3A_273 : memref<1x128xi32, #tpu.memory_space<vmem>> -> memref<128xi32, #tpu.memory_space<vmem>>
      %dma_start3A_275 = arith.constant 0 : i32
      %dma_start3A_276 = arith.constant 0 : i32
      %dma_start3A_277 = tpu.memref_slice %arg20[%dma_start3A_275, %dma_start3A_276] : memref<10240x64xf32, #tpu.memory_space<vmem_shared>> -> memref<10240x64xf32, #tpu.memory_space<vmem_shared>>
      tpu.enqueue_indirect_dma source(%arg14 : memref<128x64xf32, #tpu.memory_space<vmem>>) target(%dma_start3A_277 : memref<10240x64xf32, #tpu.memory_space<vmem_shared>>) offsets(%dma_start3A_274 : memref<128xi32, #tpu.memory_space<vmem>>) semaphore(%arg26 : memref<!tpu.dma_semaphore, #tpu.memory_space<semaphore_mem>>) {add = true}
      %eq3A_278 = arith.constant 1 : i32
      %eq3A_279 = arith.cmpi eq, %arg0, %eq3A_278 : i32
      %convert_element_type3A_280 = arith.extui %eq3A_279 : i1 to i32
      %cond3A_281 = arith.constant 0 : i32
      %cond3A_282 = arith.cmpi ne, %convert_element_type3A_280, %cond3A_281 : i32
      scf.if %cond3A_282 {
        %dma_start3A_533 = arith.constant 7 : i32
        %dma_start3A_534 = arith.constant 0 : i32
        %dma_start3A_535 = tpu.memref_slice %arg10[%dma_start3A_533, %dma_start3A_534] : memref<20x128xi32, #tpu.memory_space<vmem>> -> memref<1x128xi32, #tpu.memory_space<vmem>>
        %dma_start3A_536 = tpu.memref_squeeze %dma_start3A_535 : memref<1x128xi32, #tpu.memory_space<vmem>> -> memref<128xi32, #tpu.memory_space<vmem>>
        %dma_start3A_537 = arith.constant 0 : i32
        %dma_start3A_538 = arith.constant 0 : i32
        %dma_start3A_539 = tpu.memref_slice %arg21[%dma_start3A_537, %dma_start3A_538] : memref<10240x16xf32, #tpu.memory_space<vmem_shared>> -> memref<10240x16xf32, #tpu.memory_space<vmem_shared>>
        tpu.enqueue_indirect_dma source(%arg17 : memref<128x16xf32, #tpu.memory_space<vmem>>) target(%dma_start3A_539 : memref<10240x16xf32, #tpu.memory_space<vmem_shared>>) offsets(%dma_start3A_536 : memref<128xi32, #tpu.memory_space<vmem>>) semaphore(%arg28 : memref<!tpu.dma_semaphore, #tpu.memory_space<semaphore_mem>>) {add = true}
      } else {
      }
      %eq3A_283 = arith.constant 0 : i32
      %eq3A_284 = arith.cmpi eq, %arg0, %eq3A_283 : i32
      %convert_element_type3A_285 = arith.extui %eq3A_284 : i1 to i32
      %cond3A_286 = arith.constant 0 : i32
      %cond3A_287 = arith.cmpi ne, %convert_element_type3A_285, %cond3A_286 : i32
      scf.if %cond3A_287 {
        %dma_start3A_533 = arith.constant 12 : i32
        %dma_start3A_534 = arith.constant 0 : i32
        %dma_start3A_535 = tpu.memref_slice %arg10[%dma_start3A_533, %dma_start3A_534] : memref<20x128xi32, #tpu.memory_space<vmem>> -> memref<1x128xi32, #tpu.memory_space<vmem>>
        %dma_start3A_536 = tpu.memref_squeeze %dma_start3A_535 : memref<1x128xi32, #tpu.memory_space<vmem>> -> memref<128xi32, #tpu.memory_space<vmem>>
        %dma_start3A_537 = arith.constant 0 : i32
        %dma_start3A_538 = arith.constant 0 : i32
        %dma_start3A_539 = tpu.memref_slice %arg2[%dma_start3A_537, %dma_start3A_538] : memref<10000x64xf32, #tpu.memory_space<hbm>> -> memref<10000x64xf32, #tpu.memory_space<hbm>>
        tpu.enqueue_indirect_dma source(%dma_start3A_539 : memref<10000x64xf32, #tpu.memory_space<hbm>>) target(%arg11 : memref<128x64xf32, #tpu.memory_space<vmem>>) offsets(%dma_start3A_536 : memref<128xi32, #tpu.memory_space<vmem>>) semaphore(%arg22 : memref<!tpu.dma_semaphore, #tpu.memory_space<semaphore_mem>>)
      } else {
      }
      %eq3A_288 = arith.constant 1 : i32
      %eq3A_289 = arith.cmpi eq, %arg0, %eq3A_288 : i32
      %convert_element_type3A_290 = arith.extui %eq3A_289 : i1 to i32
      %cond3A_291 = arith.constant 0 : i32
      %cond3A_292 = arith.cmpi ne, %convert_element_type3A_290, %cond3A_291 : i32
      scf.if %cond3A_292 {
        %dma_start3A_533 = arith.constant 12 : i32
        %dma_start3A_534 = arith.constant 0 : i32
        %dma_start3A_535 = tpu.memref_slice %arg10[%dma_start3A_533, %dma_start3A_534] : memref<20x128xi32, #tpu.memory_space<vmem>> -> memref<1x128xi32, #tpu.memory_space<vmem>>
        %dma_start3A_536 = tpu.memref_squeeze %dma_start3A_535 : memref<1x128xi32, #tpu.memory_space<vmem>> -> memref<128xi32, #tpu.memory_space<vmem>>
        %dma_start3A_537 = arith.constant 0 : i32
        %dma_start3A_538 = arith.constant 0 : i32
        %dma_start3A_539 = tpu.memref_slice %arg3[%dma_start3A_537, %dma_start3A_538] : memref<10000x64xf32, #tpu.memory_space<hbm>> -> memref<10000x64xf32, #tpu.memory_space<hbm>>
        tpu.enqueue_indirect_dma source(%dma_start3A_539 : memref<10000x64xf32, #tpu.memory_space<hbm>>) target(%arg11 : memref<128x64xf32, #tpu.memory_space<vmem>>) offsets(%dma_start3A_536 : memref<128xi32, #tpu.memory_space<vmem>>) semaphore(%arg22 : memref<!tpu.dma_semaphore, #tpu.memory_space<semaphore_mem>>)
      } else {
      }
      %dma_wait3A_293 = arith.constant 8 : i32
      %dma_wait3A_294 = arith.constant 0 : i32
      %dma_wait3A_295 = tpu.memref_slice %arg10[%dma_wait3A_293, %dma_wait3A_294] : memref<20x128xi32, #tpu.memory_space<vmem>> -> memref<1x128xi32, #tpu.memory_space<vmem>>
      %dma_wait3A_296 = tpu.memref_squeeze %dma_wait3A_295 : memref<1x128xi32, #tpu.memory_space<vmem>> -> memref<128xi32, #tpu.memory_space<vmem>>
      %dma_wait3A_297 = arith.constant 0 : i32
      %dma_wait3A_298 = arith.constant 0 : i32
      %dma_wait3A_299 = tpu.memref_slice %arg2[%dma_wait3A_297, %dma_wait3A_298] : memref<10000x64xf32, #tpu.memory_space<hbm>> -> memref<10000x64xf32, #tpu.memory_space<hbm>>
      tpu.wait_indirect_dma semaphore(%arg23 : memref<!tpu.dma_semaphore, #tpu.memory_space<semaphore_mem>>) src(%dma_wait3A_299 : memref<10000x64xf32, #tpu.memory_space<hbm>>) dst(%arg15 : memref<128x64xf32, #tpu.memory_space<vmem>>)
      %dma_wait3A_300 = arith.constant 5 : i32
      %dma_wait3A_301 = arith.constant 0 : i32
      %dma_wait3A_302 = tpu.memref_slice %arg10[%dma_wait3A_300, %dma_wait3A_301] : memref<20x128xi32, #tpu.memory_space<vmem>> -> memref<1x128xi32, #tpu.memory_space<vmem>>
      %dma_wait3A_303 = tpu.memref_squeeze %dma_wait3A_302 : memref<1x128xi32, #tpu.memory_space<vmem>> -> memref<128xi32, #tpu.memory_space<vmem>>
      %dma_wait3A_304 = arith.constant 0 : i32
      %dma_wait3A_305 = arith.constant 0 : i32
      %dma_wait3A_306 = tpu.memref_slice %arg20[%dma_wait3A_304, %dma_wait3A_305] : memref<10240x64xf32, #tpu.memory_space<vmem_shared>> -> memref<10240x64xf32, #tpu.memory_space<vmem_shared>>
      tpu.wait_indirect_dma semaphore(%arg25 : memref<!tpu.dma_semaphore, #tpu.memory_space<semaphore_mem>>) src(%arg13 : memref<128x64xf32, #tpu.memory_space<vmem>>) dst(%dma_wait3A_306 : memref<10240x64xf32, #tpu.memory_space<vmem_shared>>)
      %eq3A_307 = arith.constant 0 : i32
      %eq3A_308 = arith.cmpi eq, %arg0, %eq3A_307 : i32
      %convert_element_type3A_309 = arith.extui %eq3A_308 : i1 to i32
      %cond3A_310 = arith.constant 0 : i32
      %cond3A_311 = arith.cmpi ne, %convert_element_type3A_309, %cond3A_310 : i32
      scf.if %cond3A_311 {
        %dma_wait3A_533 = arith.constant 5 : i32
        %dma_wait3A_534 = arith.constant 0 : i32
        %dma_wait3A_535 = tpu.memref_slice %arg10[%dma_wait3A_533, %dma_wait3A_534] : memref<20x128xi32, #tpu.memory_space<vmem>> -> memref<1x128xi32, #tpu.memory_space<vmem>>
        %dma_wait3A_536 = tpu.memref_squeeze %dma_wait3A_535 : memref<1x128xi32, #tpu.memory_space<vmem>> -> memref<128xi32, #tpu.memory_space<vmem>>
        %dma_wait3A_537 = arith.constant 0 : i32
        %dma_wait3A_538 = arith.constant 0 : i32
        %dma_wait3A_539 = tpu.memref_slice %arg21[%dma_wait3A_537, %dma_wait3A_538] : memref<10240x16xf32, #tpu.memory_space<vmem_shared>> -> memref<10240x16xf32, #tpu.memory_space<vmem_shared>>
        tpu.wait_indirect_dma semaphore(%arg27 : memref<!tpu.dma_semaphore, #tpu.memory_space<semaphore_mem>>) src(%arg17 : memref<128x16xf32, #tpu.memory_space<vmem>>) dst(%dma_wait3A_539 : memref<10240x16xf32, #tpu.memory_space<vmem_shared>>)
      } else {
      }
      %dma_start3A_312 = arith.constant 9 : i32
      %dma_start3A_313 = arith.constant 0 : i32
      %dma_start3A_314 = tpu.memref_slice %arg10[%dma_start3A_312, %dma_start3A_313] : memref<20x128xi32, #tpu.memory_space<vmem>> -> memref<1x128xi32, #tpu.memory_space<vmem>>
      %dma_start3A_315 = tpu.memref_squeeze %dma_start3A_314 : memref<1x128xi32, #tpu.memory_space<vmem>> -> memref<128xi32, #tpu.memory_space<vmem>>
      %dma_start3A_316 = arith.constant 0 : i32
      %dma_start3A_317 = arith.constant 0 : i32
      %dma_start3A_318 = tpu.memref_slice %arg20[%dma_start3A_316, %dma_start3A_317] : memref<10240x64xf32, #tpu.memory_space<vmem_shared>> -> memref<10240x64xf32, #tpu.memory_space<vmem_shared>>
      tpu.enqueue_indirect_dma source(%arg15 : memref<128x64xf32, #tpu.memory_space<vmem>>) target(%dma_start3A_318 : memref<10240x64xf32, #tpu.memory_space<vmem_shared>>) offsets(%dma_start3A_315 : memref<128xi32, #tpu.memory_space<vmem>>) semaphore(%arg25 : memref<!tpu.dma_semaphore, #tpu.memory_space<semaphore_mem>>) {add = true}
      %eq3A_319 = arith.constant 0 : i32
      %eq3A_320 = arith.cmpi eq, %arg0, %eq3A_319 : i32
      %convert_element_type3A_321 = arith.extui %eq3A_320 : i1 to i32
      %cond3A_322 = arith.constant 0 : i32
      %cond3A_323 = arith.cmpi ne, %convert_element_type3A_321, %cond3A_322 : i32
      scf.if %cond3A_323 {
        %dma_start3A_533 = arith.constant 9 : i32
        %dma_start3A_534 = arith.constant 0 : i32
        %dma_start3A_535 = tpu.memref_slice %arg10[%dma_start3A_533, %dma_start3A_534] : memref<20x128xi32, #tpu.memory_space<vmem>> -> memref<1x128xi32, #tpu.memory_space<vmem>>
        %dma_start3A_536 = tpu.memref_squeeze %dma_start3A_535 : memref<1x128xi32, #tpu.memory_space<vmem>> -> memref<128xi32, #tpu.memory_space<vmem>>
        %dma_start3A_537 = arith.constant 0 : i32
        %dma_start3A_538 = arith.constant 0 : i32
        %dma_start3A_539 = tpu.memref_slice %arg21[%dma_start3A_537, %dma_start3A_538] : memref<10240x16xf32, #tpu.memory_space<vmem_shared>> -> memref<10240x16xf32, #tpu.memory_space<vmem_shared>>
        tpu.enqueue_indirect_dma source(%arg17 : memref<128x16xf32, #tpu.memory_space<vmem>>) target(%dma_start3A_539 : memref<10240x16xf32, #tpu.memory_space<vmem_shared>>) offsets(%dma_start3A_536 : memref<128xi32, #tpu.memory_space<vmem>>) semaphore(%arg27 : memref<!tpu.dma_semaphore, #tpu.memory_space<semaphore_mem>>) {add = true}
      } else {
      }
      %eq3A_324 = arith.constant 0 : i32
      %eq3A_325 = arith.cmpi eq, %arg0, %eq3A_324 : i32
      %convert_element_type3A_326 = arith.extui %eq3A_325 : i1 to i32
      %cond3A_327 = arith.constant 0 : i32
      %cond3A_328 = arith.cmpi ne, %convert_element_type3A_326, %cond3A_327 : i32
      scf.if %cond3A_328 {
        %dma_start3A_533 = arith.constant 14 : i32
        %dma_start3A_534 = arith.constant 0 : i32
        %dma_start3A_535 = tpu.memref_slice %arg10[%dma_start3A_533, %dma_start3A_534] : memref<20x128xi32, #tpu.memory_space<vmem>> -> memref<1x128xi32, #tpu.memory_space<vmem>>
        %dma_start3A_536 = tpu.memref_squeeze %dma_start3A_535 : memref<1x128xi32, #tpu.memory_space<vmem>> -> memref<128xi32, #tpu.memory_space<vmem>>
        %dma_start3A_537 = arith.constant 0 : i32
        %dma_start3A_538 = arith.constant 0 : i32
        %dma_start3A_539 = tpu.memref_slice %arg2[%dma_start3A_537, %dma_start3A_538] : memref<10000x64xf32, #tpu.memory_space<hbm>> -> memref<10000x64xf32, #tpu.memory_space<hbm>>
        tpu.enqueue_indirect_dma source(%dma_start3A_539 : memref<10000x64xf32, #tpu.memory_space<hbm>>) target(%arg12 : memref<128x64xf32, #tpu.memory_space<vmem>>) offsets(%dma_start3A_536 : memref<128xi32, #tpu.memory_space<vmem>>) semaphore(%arg23 : memref<!tpu.dma_semaphore, #tpu.memory_space<semaphore_mem>>)
      } else {
      }
      %eq3A_329 = arith.constant 1 : i32
      %eq3A_330 = arith.cmpi eq, %arg0, %eq3A_329 : i32
      %convert_element_type3A_331 = arith.extui %eq3A_330 : i1 to i32
      %cond3A_332 = arith.constant 0 : i32
      %cond3A_333 = arith.cmpi ne, %convert_element_type3A_331, %cond3A_332 : i32
      scf.if %cond3A_333 {
        %dma_start3A_533 = arith.constant 14 : i32
        %dma_start3A_534 = arith.constant 0 : i32
        %dma_start3A_535 = tpu.memref_slice %arg10[%dma_start3A_533, %dma_start3A_534] : memref<20x128xi32, #tpu.memory_space<vmem>> -> memref<1x128xi32, #tpu.memory_space<vmem>>
        %dma_start3A_536 = tpu.memref_squeeze %dma_start3A_535 : memref<1x128xi32, #tpu.memory_space<vmem>> -> memref<128xi32, #tpu.memory_space<vmem>>
        %dma_start3A_537 = arith.constant 0 : i32
        %dma_start3A_538 = arith.constant 0 : i32
        %dma_start3A_539 = tpu.memref_slice %arg3[%dma_start3A_537, %dma_start3A_538] : memref<10000x64xf32, #tpu.memory_space<hbm>> -> memref<10000x64xf32, #tpu.memory_space<hbm>>
        tpu.enqueue_indirect_dma source(%dma_start3A_539 : memref<10000x64xf32, #tpu.memory_space<hbm>>) target(%arg12 : memref<128x64xf32, #tpu.memory_space<vmem>>) offsets(%dma_start3A_536 : memref<128xi32, #tpu.memory_space<vmem>>) semaphore(%arg23 : memref<!tpu.dma_semaphore, #tpu.memory_space<semaphore_mem>>)
      } else {
      }
      %dma_wait3A_334 = arith.constant 10 : i32
      %dma_wait3A_335 = arith.constant 0 : i32
      %dma_wait3A_336 = tpu.memref_slice %arg10[%dma_wait3A_334, %dma_wait3A_335] : memref<20x128xi32, #tpu.memory_space<vmem>> -> memref<1x128xi32, #tpu.memory_space<vmem>>
      %dma_wait3A_337 = tpu.memref_squeeze %dma_wait3A_336 : memref<1x128xi32, #tpu.memory_space<vmem>> -> memref<128xi32, #tpu.memory_space<vmem>>
      %dma_wait3A_338 = arith.constant 0 : i32
      %dma_wait3A_339 = arith.constant 0 : i32
      %dma_wait3A_340 = tpu.memref_slice %arg2[%dma_wait3A_338, %dma_wait3A_339] : memref<10000x64xf32, #tpu.memory_space<hbm>> -> memref<10000x64xf32, #tpu.memory_space<hbm>>
      tpu.wait_indirect_dma semaphore(%arg24 : memref<!tpu.dma_semaphore, #tpu.memory_space<semaphore_mem>>) src(%dma_wait3A_340 : memref<10000x64xf32, #tpu.memory_space<hbm>>) dst(%arg16 : memref<128x64xf32, #tpu.memory_space<vmem>>)
      %dma_wait3A_341 = arith.constant 7 : i32
      %dma_wait3A_342 = arith.constant 0 : i32
      %dma_wait3A_343 = tpu.memref_slice %arg10[%dma_wait3A_341, %dma_wait3A_342] : memref<20x128xi32, #tpu.memory_space<vmem>> -> memref<1x128xi32, #tpu.memory_space<vmem>>
      %dma_wait3A_344 = tpu.memref_squeeze %dma_wait3A_343 : memref<1x128xi32, #tpu.memory_space<vmem>> -> memref<128xi32, #tpu.memory_space<vmem>>
      %dma_wait3A_345 = arith.constant 0 : i32
      %dma_wait3A_346 = arith.constant 0 : i32
      %dma_wait3A_347 = tpu.memref_slice %arg20[%dma_wait3A_345, %dma_wait3A_346] : memref<10240x64xf32, #tpu.memory_space<vmem_shared>> -> memref<10240x64xf32, #tpu.memory_space<vmem_shared>>
      tpu.wait_indirect_dma semaphore(%arg26 : memref<!tpu.dma_semaphore, #tpu.memory_space<semaphore_mem>>) src(%arg14 : memref<128x64xf32, #tpu.memory_space<vmem>>) dst(%dma_wait3A_347 : memref<10240x64xf32, #tpu.memory_space<vmem_shared>>)
      %eq3A_348 = arith.constant 1 : i32
      %eq3A_349 = arith.cmpi eq, %arg0, %eq3A_348 : i32
      %convert_element_type3A_350 = arith.extui %eq3A_349 : i1 to i32
      %cond3A_351 = arith.constant 0 : i32
      %cond3A_352 = arith.cmpi ne, %convert_element_type3A_350, %cond3A_351 : i32
      scf.if %cond3A_352 {
        %dma_wait3A_533 = arith.constant 7 : i32
        %dma_wait3A_534 = arith.constant 0 : i32
        %dma_wait3A_535 = tpu.memref_slice %arg10[%dma_wait3A_533, %dma_wait3A_534] : memref<20x128xi32, #tpu.memory_space<vmem>> -> memref<1x128xi32, #tpu.memory_space<vmem>>
        %dma_wait3A_536 = tpu.memref_squeeze %dma_wait3A_535 : memref<1x128xi32, #tpu.memory_space<vmem>> -> memref<128xi32, #tpu.memory_space<vmem>>
        %dma_wait3A_537 = arith.constant 0 : i32
        %dma_wait3A_538 = arith.constant 0 : i32
        %dma_wait3A_539 = tpu.memref_slice %arg21[%dma_wait3A_537, %dma_wait3A_538] : memref<10240x16xf32, #tpu.memory_space<vmem_shared>> -> memref<10240x16xf32, #tpu.memory_space<vmem_shared>>
        tpu.wait_indirect_dma semaphore(%arg28 : memref<!tpu.dma_semaphore, #tpu.memory_space<semaphore_mem>>) src(%arg17 : memref<128x16xf32, #tpu.memory_space<vmem>>) dst(%dma_wait3A_539 : memref<10240x16xf32, #tpu.memory_space<vmem_shared>>)
      } else {
      }
      %dma_start3A_353 = arith.constant 11 : i32
      %dma_start3A_354 = arith.constant 0 : i32
      %dma_start3A_355 = tpu.memref_slice %arg10[%dma_start3A_353, %dma_start3A_354] : memref<20x128xi32, #tpu.memory_space<vmem>> -> memref<1x128xi32, #tpu.memory_space<vmem>>
      %dma_start3A_356 = tpu.memref_squeeze %dma_start3A_355 : memref<1x128xi32, #tpu.memory_space<vmem>> -> memref<128xi32, #tpu.memory_space<vmem>>
      %dma_start3A_357 = arith.constant 0 : i32
      %dma_start3A_358 = arith.constant 0 : i32
      %dma_start3A_359 = tpu.memref_slice %arg20[%dma_start3A_357, %dma_start3A_358] : memref<10240x64xf32, #tpu.memory_space<vmem_shared>> -> memref<10240x64xf32, #tpu.memory_space<vmem_shared>>
      tpu.enqueue_indirect_dma source(%arg16 : memref<128x64xf32, #tpu.memory_space<vmem>>) target(%dma_start3A_359 : memref<10240x64xf32, #tpu.memory_space<vmem_shared>>) offsets(%dma_start3A_356 : memref<128xi32, #tpu.memory_space<vmem>>) semaphore(%arg26 : memref<!tpu.dma_semaphore, #tpu.memory_space<semaphore_mem>>) {add = true}
      %eq3A_360 = arith.constant 1 : i32
      %eq3A_361 = arith.cmpi eq, %arg0, %eq3A_360 : i32
      %convert_element_type3A_362 = arith.extui %eq3A_361 : i1 to i32
      %cond3A_363 = arith.constant 0 : i32
      %cond3A_364 = arith.cmpi ne, %convert_element_type3A_362, %cond3A_363 : i32
      scf.if %cond3A_364 {
        %dma_start3A_533 = arith.constant 11 : i32
        %dma_start3A_534 = arith.constant 0 : i32
        %dma_start3A_535 = tpu.memref_slice %arg10[%dma_start3A_533, %dma_start3A_534] : memref<20x128xi32, #tpu.memory_space<vmem>> -> memref<1x128xi32, #tpu.memory_space<vmem>>
        %dma_start3A_536 = tpu.memref_squeeze %dma_start3A_535 : memref<1x128xi32, #tpu.memory_space<vmem>> -> memref<128xi32, #tpu.memory_space<vmem>>
        %dma_start3A_537 = arith.constant 0 : i32
        %dma_start3A_538 = arith.constant 0 : i32
        %dma_start3A_539 = tpu.memref_slice %arg21[%dma_start3A_537, %dma_start3A_538] : memref<10240x16xf32, #tpu.memory_space<vmem_shared>> -> memref<10240x16xf32, #tpu.memory_space<vmem_shared>>
        tpu.enqueue_indirect_dma source(%arg17 : memref<128x16xf32, #tpu.memory_space<vmem>>) target(%dma_start3A_539 : memref<10240x16xf32, #tpu.memory_space<vmem_shared>>) offsets(%dma_start3A_536 : memref<128xi32, #tpu.memory_space<vmem>>) semaphore(%arg28 : memref<!tpu.dma_semaphore, #tpu.memory_space<semaphore_mem>>) {add = true}
      } else {
      }
      %eq3A_365 = arith.constant 0 : i32
      %eq3A_366 = arith.cmpi eq, %arg0, %eq3A_365 : i32
      %convert_element_type3A_367 = arith.extui %eq3A_366 : i1 to i32
      %cond3A_368 = arith.constant 0 : i32
      %cond3A_369 = arith.cmpi ne, %convert_element_type3A_367, %cond3A_368 : i32
      scf.if %cond3A_369 {
        %dma_start3A_533 = arith.constant 16 : i32
        %dma_start3A_534 = arith.constant 0 : i32
        %dma_start3A_535 = tpu.memref_slice %arg10[%dma_start3A_533, %dma_start3A_534] : memref<20x128xi32, #tpu.memory_space<vmem>> -> memref<1x128xi32, #tpu.memory_space<vmem>>
        %dma_start3A_536 = tpu.memref_squeeze %dma_start3A_535 : memref<1x128xi32, #tpu.memory_space<vmem>> -> memref<128xi32, #tpu.memory_space<vmem>>
        %dma_start3A_537 = arith.constant 0 : i32
        %dma_start3A_538 = arith.constant 0 : i32
        %dma_start3A_539 = tpu.memref_slice %arg2[%dma_start3A_537, %dma_start3A_538] : memref<10000x64xf32, #tpu.memory_space<hbm>> -> memref<10000x64xf32, #tpu.memory_space<hbm>>
        tpu.enqueue_indirect_dma source(%dma_start3A_539 : memref<10000x64xf32, #tpu.memory_space<hbm>>) target(%arg13 : memref<128x64xf32, #tpu.memory_space<vmem>>) offsets(%dma_start3A_536 : memref<128xi32, #tpu.memory_space<vmem>>) semaphore(%arg24 : memref<!tpu.dma_semaphore, #tpu.memory_space<semaphore_mem>>)
      } else {
      }
      %eq3A_370 = arith.constant 1 : i32
      %eq3A_371 = arith.cmpi eq, %arg0, %eq3A_370 : i32
      %convert_element_type3A_372 = arith.extui %eq3A_371 : i1 to i32
      %cond3A_373 = arith.constant 0 : i32
      %cond3A_374 = arith.cmpi ne, %convert_element_type3A_372, %cond3A_373 : i32
      scf.if %cond3A_374 {
        %dma_start3A_533 = arith.constant 16 : i32
        %dma_start3A_534 = arith.constant 0 : i32
        %dma_start3A_535 = tpu.memref_slice %arg10[%dma_start3A_533, %dma_start3A_534] : memref<20x128xi32, #tpu.memory_space<vmem>> -> memref<1x128xi32, #tpu.memory_space<vmem>>
        %dma_start3A_536 = tpu.memref_squeeze %dma_start3A_535 : memref<1x128xi32, #tpu.memory_space<vmem>> -> memref<128xi32, #tpu.memory_space<vmem>>
        %dma_start3A_537 = arith.constant 0 : i32
        %dma_start3A_538 = arith.constant 0 : i32
        %dma_start3A_539 = tpu.memref_slice %arg3[%dma_start3A_537, %dma_start3A_538] : memref<10000x64xf32, #tpu.memory_space<hbm>> -> memref<10000x64xf32, #tpu.memory_space<hbm>>
        tpu.enqueue_indirect_dma source(%dma_start3A_539 : memref<10000x64xf32, #tpu.memory_space<hbm>>) target(%arg13 : memref<128x64xf32, #tpu.memory_space<vmem>>) offsets(%dma_start3A_536 : memref<128xi32, #tpu.memory_space<vmem>>) semaphore(%arg24 : memref<!tpu.dma_semaphore, #tpu.memory_space<semaphore_mem>>)
      } else {
      }
      %dma_wait3A_375 = arith.constant 12 : i32
      %dma_wait3A_376 = arith.constant 0 : i32
      %dma_wait3A_377 = tpu.memref_slice %arg10[%dma_wait3A_375, %dma_wait3A_376] : memref<20x128xi32, #tpu.memory_space<vmem>> -> memref<1x128xi32, #tpu.memory_space<vmem>>
      %dma_wait3A_378 = tpu.memref_squeeze %dma_wait3A_377 : memref<1x128xi32, #tpu.memory_space<vmem>> -> memref<128xi32, #tpu.memory_space<vmem>>
      %dma_wait3A_379 = arith.constant 0 : i32
      %dma_wait3A_380 = arith.constant 0 : i32
      %dma_wait3A_381 = tpu.memref_slice %arg2[%dma_wait3A_379, %dma_wait3A_380] : memref<10000x64xf32, #tpu.memory_space<hbm>> -> memref<10000x64xf32, #tpu.memory_space<hbm>>
      tpu.wait_indirect_dma semaphore(%arg22 : memref<!tpu.dma_semaphore, #tpu.memory_space<semaphore_mem>>) src(%dma_wait3A_381 : memref<10000x64xf32, #tpu.memory_space<hbm>>) dst(%arg11 : memref<128x64xf32, #tpu.memory_space<vmem>>)
      %dma_wait3A_382 = arith.constant 9 : i32
      %dma_wait3A_383 = arith.constant 0 : i32
      %dma_wait3A_384 = tpu.memref_slice %arg10[%dma_wait3A_382, %dma_wait3A_383] : memref<20x128xi32, #tpu.memory_space<vmem>> -> memref<1x128xi32, #tpu.memory_space<vmem>>
      %dma_wait3A_385 = tpu.memref_squeeze %dma_wait3A_384 : memref<1x128xi32, #tpu.memory_space<vmem>> -> memref<128xi32, #tpu.memory_space<vmem>>
      %dma_wait3A_386 = arith.constant 0 : i32
      %dma_wait3A_387 = arith.constant 0 : i32
      %dma_wait3A_388 = tpu.memref_slice %arg20[%dma_wait3A_386, %dma_wait3A_387] : memref<10240x64xf32, #tpu.memory_space<vmem_shared>> -> memref<10240x64xf32, #tpu.memory_space<vmem_shared>>
      tpu.wait_indirect_dma semaphore(%arg25 : memref<!tpu.dma_semaphore, #tpu.memory_space<semaphore_mem>>) src(%arg15 : memref<128x64xf32, #tpu.memory_space<vmem>>) dst(%dma_wait3A_388 : memref<10240x64xf32, #tpu.memory_space<vmem_shared>>)
      %eq3A_389 = arith.constant 0 : i32
      %eq3A_390 = arith.cmpi eq, %arg0, %eq3A_389 : i32
      %convert_element_type3A_391 = arith.extui %eq3A_390 : i1 to i32
      %cond3A_392 = arith.constant 0 : i32
      %cond3A_393 = arith.cmpi ne, %convert_element_type3A_391, %cond3A_392 : i32
      scf.if %cond3A_393 {
        %dma_wait3A_533 = arith.constant 9 : i32
        %dma_wait3A_534 = arith.constant 0 : i32
        %dma_wait3A_535 = tpu.memref_slice %arg10[%dma_wait3A_533, %dma_wait3A_534] : memref<20x128xi32, #tpu.memory_space<vmem>> -> memref<1x128xi32, #tpu.memory_space<vmem>>
        %dma_wait3A_536 = tpu.memref_squeeze %dma_wait3A_535 : memref<1x128xi32, #tpu.memory_space<vmem>> -> memref<128xi32, #tpu.memory_space<vmem>>
        %dma_wait3A_537 = arith.constant 0 : i32
        %dma_wait3A_538 = arith.constant 0 : i32
        %dma_wait3A_539 = tpu.memref_slice %arg21[%dma_wait3A_537, %dma_wait3A_538] : memref<10240x16xf32, #tpu.memory_space<vmem_shared>> -> memref<10240x16xf32, #tpu.memory_space<vmem_shared>>
        tpu.wait_indirect_dma semaphore(%arg27 : memref<!tpu.dma_semaphore, #tpu.memory_space<semaphore_mem>>) src(%arg17 : memref<128x16xf32, #tpu.memory_space<vmem>>) dst(%dma_wait3A_539 : memref<10240x16xf32, #tpu.memory_space<vmem_shared>>)
      } else {
      }
      %dma_start3A_394 = arith.constant 13 : i32
      %dma_start3A_395 = arith.constant 0 : i32
      %dma_start3A_396 = tpu.memref_slice %arg10[%dma_start3A_394, %dma_start3A_395] : memref<20x128xi32, #tpu.memory_space<vmem>> -> memref<1x128xi32, #tpu.memory_space<vmem>>
      %dma_start3A_397 = tpu.memref_squeeze %dma_start3A_396 : memref<1x128xi32, #tpu.memory_space<vmem>> -> memref<128xi32, #tpu.memory_space<vmem>>
      %dma_start3A_398 = arith.constant 0 : i32
      %dma_start3A_399 = arith.constant 0 : i32
      %dma_start3A_400 = tpu.memref_slice %arg20[%dma_start3A_398, %dma_start3A_399] : memref<10240x64xf32, #tpu.memory_space<vmem_shared>> -> memref<10240x64xf32, #tpu.memory_space<vmem_shared>>
      tpu.enqueue_indirect_dma source(%arg11 : memref<128x64xf32, #tpu.memory_space<vmem>>) target(%dma_start3A_400 : memref<10240x64xf32, #tpu.memory_space<vmem_shared>>) offsets(%dma_start3A_397 : memref<128xi32, #tpu.memory_space<vmem>>) semaphore(%arg25 : memref<!tpu.dma_semaphore, #tpu.memory_space<semaphore_mem>>) {add = true}
      %eq3A_401 = arith.constant 0 : i32
      %eq3A_402 = arith.cmpi eq, %arg0, %eq3A_401 : i32
      %convert_element_type3A_403 = arith.extui %eq3A_402 : i1 to i32
      %cond3A_404 = arith.constant 0 : i32
      %cond3A_405 = arith.cmpi ne, %convert_element_type3A_403, %cond3A_404 : i32
      scf.if %cond3A_405 {
        %dma_start3A_533 = arith.constant 13 : i32
        %dma_start3A_534 = arith.constant 0 : i32
        %dma_start3A_535 = tpu.memref_slice %arg10[%dma_start3A_533, %dma_start3A_534] : memref<20x128xi32, #tpu.memory_space<vmem>> -> memref<1x128xi32, #tpu.memory_space<vmem>>
        %dma_start3A_536 = tpu.memref_squeeze %dma_start3A_535 : memref<1x128xi32, #tpu.memory_space<vmem>> -> memref<128xi32, #tpu.memory_space<vmem>>
        %dma_start3A_537 = arith.constant 0 : i32
        %dma_start3A_538 = arith.constant 0 : i32
        %dma_start3A_539 = tpu.memref_slice %arg21[%dma_start3A_537, %dma_start3A_538] : memref<10240x16xf32, #tpu.memory_space<vmem_shared>> -> memref<10240x16xf32, #tpu.memory_space<vmem_shared>>
        tpu.enqueue_indirect_dma source(%arg17 : memref<128x16xf32, #tpu.memory_space<vmem>>) target(%dma_start3A_539 : memref<10240x16xf32, #tpu.memory_space<vmem_shared>>) offsets(%dma_start3A_536 : memref<128xi32, #tpu.memory_space<vmem>>) semaphore(%arg27 : memref<!tpu.dma_semaphore, #tpu.memory_space<semaphore_mem>>) {add = true}
      } else {
      }
      %eq3A_406 = arith.constant 0 : i32
      %eq3A_407 = arith.cmpi eq, %arg0, %eq3A_406 : i32
      %convert_element_type3A_408 = arith.extui %eq3A_407 : i1 to i32
      %cond3A_409 = arith.constant 0 : i32
      %cond3A_410 = arith.cmpi ne, %convert_element_type3A_408, %cond3A_409 : i32
      scf.if %cond3A_410 {
        %dma_start3A_533 = arith.constant 18 : i32
        %dma_start3A_534 = arith.constant 0 : i32
        %dma_start3A_535 = tpu.memref_slice %arg10[%dma_start3A_533, %dma_start3A_534] : memref<20x128xi32, #tpu.memory_space<vmem>> -> memref<1x128xi32, #tpu.memory_space<vmem>>
        %dma_start3A_536 = tpu.memref_squeeze %dma_start3A_535 : memref<1x128xi32, #tpu.memory_space<vmem>> -> memref<128xi32, #tpu.memory_space<vmem>>
        %dma_start3A_537 = arith.constant 0 : i32
        %dma_start3A_538 = arith.constant 0 : i32
        %dma_start3A_539 = tpu.memref_slice %arg2[%dma_start3A_537, %dma_start3A_538] : memref<10000x64xf32, #tpu.memory_space<hbm>> -> memref<10000x64xf32, #tpu.memory_space<hbm>>
        tpu.enqueue_indirect_dma source(%dma_start3A_539 : memref<10000x64xf32, #tpu.memory_space<hbm>>) target(%arg14 : memref<128x64xf32, #tpu.memory_space<vmem>>) offsets(%dma_start3A_536 : memref<128xi32, #tpu.memory_space<vmem>>) semaphore(%arg22 : memref<!tpu.dma_semaphore, #tpu.memory_space<semaphore_mem>>)
      } else {
      }
      %eq3A_411 = arith.constant 1 : i32
      %eq3A_412 = arith.cmpi eq, %arg0, %eq3A_411 : i32
      %convert_element_type3A_413 = arith.extui %eq3A_412 : i1 to i32
      %cond3A_414 = arith.constant 0 : i32
      %cond3A_415 = arith.cmpi ne, %convert_element_type3A_413, %cond3A_414 : i32
      scf.if %cond3A_415 {
        %dma_start3A_533 = arith.constant 18 : i32
        %dma_start3A_534 = arith.constant 0 : i32
        %dma_start3A_535 = tpu.memref_slice %arg10[%dma_start3A_533, %dma_start3A_534] : memref<20x128xi32, #tpu.memory_space<vmem>> -> memref<1x128xi32, #tpu.memory_space<vmem>>
        %dma_start3A_536 = tpu.memref_squeeze %dma_start3A_535 : memref<1x128xi32, #tpu.memory_space<vmem>> -> memref<128xi32, #tpu.memory_space<vmem>>
        %dma_start3A_537 = arith.constant 0 : i32
        %dma_start3A_538 = arith.constant 0 : i32
        %dma_start3A_539 = tpu.memref_slice %arg3[%dma_start3A_537, %dma_start3A_538] : memref<10000x64xf32, #tpu.memory_space<hbm>> -> memref<10000x64xf32, #tpu.memory_space<hbm>>
        tpu.enqueue_indirect_dma source(%dma_start3A_539 : memref<10000x64xf32, #tpu.memory_space<hbm>>) target(%arg14 : memref<128x64xf32, #tpu.memory_space<vmem>>) offsets(%dma_start3A_536 : memref<128xi32, #tpu.memory_space<vmem>>) semaphore(%arg22 : memref<!tpu.dma_semaphore, #tpu.memory_space<semaphore_mem>>)
      } else {
      }
      %dma_wait3A_416 = arith.constant 14 : i32
      %dma_wait3A_417 = arith.constant 0 : i32
      %dma_wait3A_418 = tpu.memref_slice %arg10[%dma_wait3A_416, %dma_wait3A_417] : memref<20x128xi32, #tpu.memory_space<vmem>> -> memref<1x128xi32, #tpu.memory_space<vmem>>
      %dma_wait3A_419 = tpu.memref_squeeze %dma_wait3A_418 : memref<1x128xi32, #tpu.memory_space<vmem>> -> memref<128xi32, #tpu.memory_space<vmem>>
      %dma_wait3A_420 = arith.constant 0 : i32
      %dma_wait3A_421 = arith.constant 0 : i32
      %dma_wait3A_422 = tpu.memref_slice %arg2[%dma_wait3A_420, %dma_wait3A_421] : memref<10000x64xf32, #tpu.memory_space<hbm>> -> memref<10000x64xf32, #tpu.memory_space<hbm>>
      tpu.wait_indirect_dma semaphore(%arg23 : memref<!tpu.dma_semaphore, #tpu.memory_space<semaphore_mem>>) src(%dma_wait3A_422 : memref<10000x64xf32, #tpu.memory_space<hbm>>) dst(%arg12 : memref<128x64xf32, #tpu.memory_space<vmem>>)
      %dma_wait3A_423 = arith.constant 11 : i32
      %dma_wait3A_424 = arith.constant 0 : i32
      %dma_wait3A_425 = tpu.memref_slice %arg10[%dma_wait3A_423, %dma_wait3A_424] : memref<20x128xi32, #tpu.memory_space<vmem>> -> memref<1x128xi32, #tpu.memory_space<vmem>>
      %dma_wait3A_426 = tpu.memref_squeeze %dma_wait3A_425 : memref<1x128xi32, #tpu.memory_space<vmem>> -> memref<128xi32, #tpu.memory_space<vmem>>
      %dma_wait3A_427 = arith.constant 0 : i32
      %dma_wait3A_428 = arith.constant 0 : i32
      %dma_wait3A_429 = tpu.memref_slice %arg20[%dma_wait3A_427, %dma_wait3A_428] : memref<10240x64xf32, #tpu.memory_space<vmem_shared>> -> memref<10240x64xf32, #tpu.memory_space<vmem_shared>>
      tpu.wait_indirect_dma semaphore(%arg26 : memref<!tpu.dma_semaphore, #tpu.memory_space<semaphore_mem>>) src(%arg16 : memref<128x64xf32, #tpu.memory_space<vmem>>) dst(%dma_wait3A_429 : memref<10240x64xf32, #tpu.memory_space<vmem_shared>>)
      %eq3A_430 = arith.constant 1 : i32
      %eq3A_431 = arith.cmpi eq, %arg0, %eq3A_430 : i32
      %convert_element_type3A_432 = arith.extui %eq3A_431 : i1 to i32
      %cond3A_433 = arith.constant 0 : i32
      %cond3A_434 = arith.cmpi ne, %convert_element_type3A_432, %cond3A_433 : i32
      scf.if %cond3A_434 {
        %dma_wait3A_533 = arith.constant 11 : i32
        %dma_wait3A_534 = arith.constant 0 : i32
        %dma_wait3A_535 = tpu.memref_slice %arg10[%dma_wait3A_533, %dma_wait3A_534] : memref<20x128xi32, #tpu.memory_space<vmem>> -> memref<1x128xi32, #tpu.memory_space<vmem>>
        %dma_wait3A_536 = tpu.memref_squeeze %dma_wait3A_535 : memref<1x128xi32, #tpu.memory_space<vmem>> -> memref<128xi32, #tpu.memory_space<vmem>>
        %dma_wait3A_537 = arith.constant 0 : i32
        %dma_wait3A_538 = arith.constant 0 : i32
        %dma_wait3A_539 = tpu.memref_slice %arg21[%dma_wait3A_537, %dma_wait3A_538] : memref<10240x16xf32, #tpu.memory_space<vmem_shared>> -> memref<10240x16xf32, #tpu.memory_space<vmem_shared>>
        tpu.wait_indirect_dma semaphore(%arg28 : memref<!tpu.dma_semaphore, #tpu.memory_space<semaphore_mem>>) src(%arg17 : memref<128x16xf32, #tpu.memory_space<vmem>>) dst(%dma_wait3A_539 : memref<10240x16xf32, #tpu.memory_space<vmem_shared>>)
      } else {
      }
      %dma_start3A_435 = arith.constant 15 : i32
      %dma_start3A_436 = arith.constant 0 : i32
      %dma_start3A_437 = tpu.memref_slice %arg10[%dma_start3A_435, %dma_start3A_436] : memref<20x128xi32, #tpu.memory_space<vmem>> -> memref<1x128xi32, #tpu.memory_space<vmem>>
      %dma_start3A_438 = tpu.memref_squeeze %dma_start3A_437 : memref<1x128xi32, #tpu.memory_space<vmem>> -> memref<128xi32, #tpu.memory_space<vmem>>
      %dma_start3A_439 = arith.constant 0 : i32
      %dma_start3A_440 = arith.constant 0 : i32
      %dma_start3A_441 = tpu.memref_slice %arg20[%dma_start3A_439, %dma_start3A_440] : memref<10240x64xf32, #tpu.memory_space<vmem_shared>> -> memref<10240x64xf32, #tpu.memory_space<vmem_shared>>
      tpu.enqueue_indirect_dma source(%arg12 : memref<128x64xf32, #tpu.memory_space<vmem>>) target(%dma_start3A_441 : memref<10240x64xf32, #tpu.memory_space<vmem_shared>>) offsets(%dma_start3A_438 : memref<128xi32, #tpu.memory_space<vmem>>) semaphore(%arg26 : memref<!tpu.dma_semaphore, #tpu.memory_space<semaphore_mem>>) {add = true}
      %eq3A_442 = arith.constant 1 : i32
      %eq3A_443 = arith.cmpi eq, %arg0, %eq3A_442 : i32
      %convert_element_type3A_444 = arith.extui %eq3A_443 : i1 to i32
      %cond3A_445 = arith.constant 0 : i32
      %cond3A_446 = arith.cmpi ne, %convert_element_type3A_444, %cond3A_445 : i32
      scf.if %cond3A_446 {
        %dma_start3A_533 = arith.constant 15 : i32
        %dma_start3A_534 = arith.constant 0 : i32
        %dma_start3A_535 = tpu.memref_slice %arg10[%dma_start3A_533, %dma_start3A_534] : memref<20x128xi32, #tpu.memory_space<vmem>> -> memref<1x128xi32, #tpu.memory_space<vmem>>
        %dma_start3A_536 = tpu.memref_squeeze %dma_start3A_535 : memref<1x128xi32, #tpu.memory_space<vmem>> -> memref<128xi32, #tpu.memory_space<vmem>>
        %dma_start3A_537 = arith.constant 0 : i32
        %dma_start3A_538 = arith.constant 0 : i32
        %dma_start3A_539 = tpu.memref_slice %arg21[%dma_start3A_537, %dma_start3A_538] : memref<10240x16xf32, #tpu.memory_space<vmem_shared>> -> memref<10240x16xf32, #tpu.memory_space<vmem_shared>>
        tpu.enqueue_indirect_dma source(%arg17 : memref<128x16xf32, #tpu.memory_space<vmem>>) target(%dma_start3A_539 : memref<10240x16xf32, #tpu.memory_space<vmem_shared>>) offsets(%dma_start3A_536 : memref<128xi32, #tpu.memory_space<vmem>>) semaphore(%arg28 : memref<!tpu.dma_semaphore, #tpu.memory_space<semaphore_mem>>) {add = true}
      } else {
      }
      %dma_wait3A_447 = arith.constant 16 : i32
      %dma_wait3A_448 = arith.constant 0 : i32
      %dma_wait3A_449 = tpu.memref_slice %arg10[%dma_wait3A_447, %dma_wait3A_448] : memref<20x128xi32, #tpu.memory_space<vmem>> -> memref<1x128xi32, #tpu.memory_space<vmem>>
      %dma_wait3A_450 = tpu.memref_squeeze %dma_wait3A_449 : memref<1x128xi32, #tpu.memory_space<vmem>> -> memref<128xi32, #tpu.memory_space<vmem>>
      %dma_wait3A_451 = arith.constant 0 : i32
      %dma_wait3A_452 = arith.constant 0 : i32
      %dma_wait3A_453 = tpu.memref_slice %arg2[%dma_wait3A_451, %dma_wait3A_452] : memref<10000x64xf32, #tpu.memory_space<hbm>> -> memref<10000x64xf32, #tpu.memory_space<hbm>>
      tpu.wait_indirect_dma semaphore(%arg24 : memref<!tpu.dma_semaphore, #tpu.memory_space<semaphore_mem>>) src(%dma_wait3A_453 : memref<10000x64xf32, #tpu.memory_space<hbm>>) dst(%arg13 : memref<128x64xf32, #tpu.memory_space<vmem>>)
      %dma_wait3A_454 = arith.constant 13 : i32
      %dma_wait3A_455 = arith.constant 0 : i32
      %dma_wait3A_456 = tpu.memref_slice %arg10[%dma_wait3A_454, %dma_wait3A_455] : memref<20x128xi32, #tpu.memory_space<vmem>> -> memref<1x128xi32, #tpu.memory_space<vmem>>
      %dma_wait3A_457 = tpu.memref_squeeze %dma_wait3A_456 : memref<1x128xi32, #tpu.memory_space<vmem>> -> memref<128xi32, #tpu.memory_space<vmem>>
      %dma_wait3A_458 = arith.constant 0 : i32
      %dma_wait3A_459 = arith.constant 0 : i32
      %dma_wait3A_460 = tpu.memref_slice %arg20[%dma_wait3A_458, %dma_wait3A_459] : memref<10240x64xf32, #tpu.memory_space<vmem_shared>> -> memref<10240x64xf32, #tpu.memory_space<vmem_shared>>
      tpu.wait_indirect_dma semaphore(%arg25 : memref<!tpu.dma_semaphore, #tpu.memory_space<semaphore_mem>>) src(%arg11 : memref<128x64xf32, #tpu.memory_space<vmem>>) dst(%dma_wait3A_460 : memref<10240x64xf32, #tpu.memory_space<vmem_shared>>)
      %eq3A_461 = arith.constant 0 : i32
      %eq3A_462 = arith.cmpi eq, %arg0, %eq3A_461 : i32
      %convert_element_type3A_463 = arith.extui %eq3A_462 : i1 to i32
      %cond3A_464 = arith.constant 0 : i32
      %cond3A_465 = arith.cmpi ne, %convert_element_type3A_463, %cond3A_464 : i32
      scf.if %cond3A_465 {
        %dma_wait3A_533 = arith.constant 13 : i32
        %dma_wait3A_534 = arith.constant 0 : i32
        %dma_wait3A_535 = tpu.memref_slice %arg10[%dma_wait3A_533, %dma_wait3A_534] : memref<20x128xi32, #tpu.memory_space<vmem>> -> memref<1x128xi32, #tpu.memory_space<vmem>>
        %dma_wait3A_536 = tpu.memref_squeeze %dma_wait3A_535 : memref<1x128xi32, #tpu.memory_space<vmem>> -> memref<128xi32, #tpu.memory_space<vmem>>
        %dma_wait3A_537 = arith.constant 0 : i32
        %dma_wait3A_538 = arith.constant 0 : i32
        %dma_wait3A_539 = tpu.memref_slice %arg21[%dma_wait3A_537, %dma_wait3A_538] : memref<10240x16xf32, #tpu.memory_space<vmem_shared>> -> memref<10240x16xf32, #tpu.memory_space<vmem_shared>>
        tpu.wait_indirect_dma semaphore(%arg27 : memref<!tpu.dma_semaphore, #tpu.memory_space<semaphore_mem>>) src(%arg17 : memref<128x16xf32, #tpu.memory_space<vmem>>) dst(%dma_wait3A_539 : memref<10240x16xf32, #tpu.memory_space<vmem_shared>>)
      } else {
      }
      %dma_start3A_466 = arith.constant 17 : i32
      %dma_start3A_467 = arith.constant 0 : i32
      %dma_start3A_468 = tpu.memref_slice %arg10[%dma_start3A_466, %dma_start3A_467] : memref<20x128xi32, #tpu.memory_space<vmem>> -> memref<1x128xi32, #tpu.memory_space<vmem>>
      %dma_start3A_469 = tpu.memref_squeeze %dma_start3A_468 : memref<1x128xi32, #tpu.memory_space<vmem>> -> memref<128xi32, #tpu.memory_space<vmem>>
      %dma_start3A_470 = arith.constant 0 : i32
      %dma_start3A_471 = arith.constant 0 : i32
      %dma_start3A_472 = tpu.memref_slice %arg20[%dma_start3A_470, %dma_start3A_471] : memref<10240x64xf32, #tpu.memory_space<vmem_shared>> -> memref<10240x64xf32, #tpu.memory_space<vmem_shared>>
      tpu.enqueue_indirect_dma source(%arg13 : memref<128x64xf32, #tpu.memory_space<vmem>>) target(%dma_start3A_472 : memref<10240x64xf32, #tpu.memory_space<vmem_shared>>) offsets(%dma_start3A_469 : memref<128xi32, #tpu.memory_space<vmem>>) semaphore(%arg25 : memref<!tpu.dma_semaphore, #tpu.memory_space<semaphore_mem>>) {add = true}
      %eq3A_473 = arith.constant 0 : i32
      %eq3A_474 = arith.cmpi eq, %arg0, %eq3A_473 : i32
      %convert_element_type3A_475 = arith.extui %eq3A_474 : i1 to i32
      %cond3A_476 = arith.constant 0 : i32
      %cond3A_477 = arith.cmpi ne, %convert_element_type3A_475, %cond3A_476 : i32
      scf.if %cond3A_477 {
        %dma_start3A_533 = arith.constant 17 : i32
        %dma_start3A_534 = arith.constant 0 : i32
        %dma_start3A_535 = tpu.memref_slice %arg10[%dma_start3A_533, %dma_start3A_534] : memref<20x128xi32, #tpu.memory_space<vmem>> -> memref<1x128xi32, #tpu.memory_space<vmem>>
        %dma_start3A_536 = tpu.memref_squeeze %dma_start3A_535 : memref<1x128xi32, #tpu.memory_space<vmem>> -> memref<128xi32, #tpu.memory_space<vmem>>
        %dma_start3A_537 = arith.constant 0 : i32
        %dma_start3A_538 = arith.constant 0 : i32
        %dma_start3A_539 = tpu.memref_slice %arg21[%dma_start3A_537, %dma_start3A_538] : memref<10240x16xf32, #tpu.memory_space<vmem_shared>> -> memref<10240x16xf32, #tpu.memory_space<vmem_shared>>
        tpu.enqueue_indirect_dma source(%arg17 : memref<128x16xf32, #tpu.memory_space<vmem>>) target(%dma_start3A_539 : memref<10240x16xf32, #tpu.memory_space<vmem_shared>>) offsets(%dma_start3A_536 : memref<128xi32, #tpu.memory_space<vmem>>) semaphore(%arg27 : memref<!tpu.dma_semaphore, #tpu.memory_space<semaphore_mem>>) {add = true}
      } else {
      }
      %dma_wait3A_478 = arith.constant 18 : i32
      %dma_wait3A_479 = arith.constant 0 : i32
      %dma_wait3A_480 = tpu.memref_slice %arg10[%dma_wait3A_478, %dma_wait3A_479] : memref<20x128xi32, #tpu.memory_space<vmem>> -> memref<1x128xi32, #tpu.memory_space<vmem>>
      %dma_wait3A_481 = tpu.memref_squeeze %dma_wait3A_480 : memref<1x128xi32, #tpu.memory_space<vmem>> -> memref<128xi32, #tpu.memory_space<vmem>>
      %dma_wait3A_482 = arith.constant 0 : i32
      %dma_wait3A_483 = arith.constant 0 : i32
      %dma_wait3A_484 = tpu.memref_slice %arg2[%dma_wait3A_482, %dma_wait3A_483] : memref<10000x64xf32, #tpu.memory_space<hbm>> -> memref<10000x64xf32, #tpu.memory_space<hbm>>
      tpu.wait_indirect_dma semaphore(%arg22 : memref<!tpu.dma_semaphore, #tpu.memory_space<semaphore_mem>>) src(%dma_wait3A_484 : memref<10000x64xf32, #tpu.memory_space<hbm>>) dst(%arg14 : memref<128x64xf32, #tpu.memory_space<vmem>>)
      %dma_wait3A_485 = arith.constant 15 : i32
      %dma_wait3A_486 = arith.constant 0 : i32
      %dma_wait3A_487 = tpu.memref_slice %arg10[%dma_wait3A_485, %dma_wait3A_486] : memref<20x128xi32, #tpu.memory_space<vmem>> -> memref<1x128xi32, #tpu.memory_space<vmem>>
      %dma_wait3A_488 = tpu.memref_squeeze %dma_wait3A_487 : memref<1x128xi32, #tpu.memory_space<vmem>> -> memref<128xi32, #tpu.memory_space<vmem>>
      %dma_wait3A_489 = arith.constant 0 : i32
      %dma_wait3A_490 = arith.constant 0 : i32
      %dma_wait3A_491 = tpu.memref_slice %arg20[%dma_wait3A_489, %dma_wait3A_490] : memref<10240x64xf32, #tpu.memory_space<vmem_shared>> -> memref<10240x64xf32, #tpu.memory_space<vmem_shared>>
      tpu.wait_indirect_dma semaphore(%arg26 : memref<!tpu.dma_semaphore, #tpu.memory_space<semaphore_mem>>) src(%arg12 : memref<128x64xf32, #tpu.memory_space<vmem>>) dst(%dma_wait3A_491 : memref<10240x64xf32, #tpu.memory_space<vmem_shared>>)
      %eq3A_492 = arith.constant 1 : i32
      %eq3A_493 = arith.cmpi eq, %arg0, %eq3A_492 : i32
      %convert_element_type3A_494 = arith.extui %eq3A_493 : i1 to i32
      %cond3A_495 = arith.constant 0 : i32
      %cond3A_496 = arith.cmpi ne, %convert_element_type3A_494, %cond3A_495 : i32
      scf.if %cond3A_496 {
        %dma_wait3A_533 = arith.constant 15 : i32
        %dma_wait3A_534 = arith.constant 0 : i32
        %dma_wait3A_535 = tpu.memref_slice %arg10[%dma_wait3A_533, %dma_wait3A_534] : memref<20x128xi32, #tpu.memory_space<vmem>> -> memref<1x128xi32, #tpu.memory_space<vmem>>
        %dma_wait3A_536 = tpu.memref_squeeze %dma_wait3A_535 : memref<1x128xi32, #tpu.memory_space<vmem>> -> memref<128xi32, #tpu.memory_space<vmem>>
        %dma_wait3A_537 = arith.constant 0 : i32
        %dma_wait3A_538 = arith.constant 0 : i32
        %dma_wait3A_539 = tpu.memref_slice %arg21[%dma_wait3A_537, %dma_wait3A_538] : memref<10240x16xf32, #tpu.memory_space<vmem_shared>> -> memref<10240x16xf32, #tpu.memory_space<vmem_shared>>
        tpu.wait_indirect_dma semaphore(%arg28 : memref<!tpu.dma_semaphore, #tpu.memory_space<semaphore_mem>>) src(%arg17 : memref<128x16xf32, #tpu.memory_space<vmem>>) dst(%dma_wait3A_539 : memref<10240x16xf32, #tpu.memory_space<vmem_shared>>)
      } else {
      }
      %dma_start3A_497 = arith.constant 19 : i32
      %dma_start3A_498 = arith.constant 0 : i32
      %dma_start3A_499 = tpu.memref_slice %arg10[%dma_start3A_497, %dma_start3A_498] : memref<20x128xi32, #tpu.memory_space<vmem>> -> memref<1x128xi32, #tpu.memory_space<vmem>>
      %dma_start3A_500 = tpu.memref_squeeze %dma_start3A_499 : memref<1x128xi32, #tpu.memory_space<vmem>> -> memref<128xi32, #tpu.memory_space<vmem>>
      %dma_start3A_501 = arith.constant 0 : i32
      %dma_start3A_502 = arith.constant 0 : i32
      %dma_start3A_503 = tpu.memref_slice %arg20[%dma_start3A_501, %dma_start3A_502] : memref<10240x64xf32, #tpu.memory_space<vmem_shared>> -> memref<10240x64xf32, #tpu.memory_space<vmem_shared>>
      tpu.enqueue_indirect_dma source(%arg14 : memref<128x64xf32, #tpu.memory_space<vmem>>) target(%dma_start3A_503 : memref<10240x64xf32, #tpu.memory_space<vmem_shared>>) offsets(%dma_start3A_500 : memref<128xi32, #tpu.memory_space<vmem>>) semaphore(%arg26 : memref<!tpu.dma_semaphore, #tpu.memory_space<semaphore_mem>>) {add = true}
      %eq3A_504 = arith.constant 1 : i32
      %eq3A_505 = arith.cmpi eq, %arg0, %eq3A_504 : i32
      %convert_element_type3A_506 = arith.extui %eq3A_505 : i1 to i32
      %cond3A_507 = arith.constant 0 : i32
      %cond3A_508 = arith.cmpi ne, %convert_element_type3A_506, %cond3A_507 : i32
      scf.if %cond3A_508 {
        %dma_start3A_533 = arith.constant 19 : i32
        %dma_start3A_534 = arith.constant 0 : i32
        %dma_start3A_535 = tpu.memref_slice %arg10[%dma_start3A_533, %dma_start3A_534] : memref<20x128xi32, #tpu.memory_space<vmem>> -> memref<1x128xi32, #tpu.memory_space<vmem>>
        %dma_start3A_536 = tpu.memref_squeeze %dma_start3A_535 : memref<1x128xi32, #tpu.memory_space<vmem>> -> memref<128xi32, #tpu.memory_space<vmem>>
        %dma_start3A_537 = arith.constant 0 : i32
        %dma_start3A_538 = arith.constant 0 : i32
        %dma_start3A_539 = tpu.memref_slice %arg21[%dma_start3A_537, %dma_start3A_538] : memref<10240x16xf32, #tpu.memory_space<vmem_shared>> -> memref<10240x16xf32, #tpu.memory_space<vmem_shared>>
        tpu.enqueue_indirect_dma source(%arg17 : memref<128x16xf32, #tpu.memory_space<vmem>>) target(%dma_start3A_539 : memref<10240x16xf32, #tpu.memory_space<vmem_shared>>) offsets(%dma_start3A_536 : memref<128xi32, #tpu.memory_space<vmem>>) semaphore(%arg28 : memref<!tpu.dma_semaphore, #tpu.memory_space<semaphore_mem>>) {add = true}
      } else {
      }
      %dma_wait3A_509 = arith.constant 17 : i32
      %dma_wait3A_510 = arith.constant 0 : i32
      %dma_wait3A_511 = tpu.memref_slice %arg10[%dma_wait3A_509, %dma_wait3A_510] : memref<20x128xi32, #tpu.memory_space<vmem>> -> memref<1x128xi32, #tpu.memory_space<vmem>>
      %dma_wait3A_512 = tpu.memref_squeeze %dma_wait3A_511 : memref<1x128xi32, #tpu.memory_space<vmem>> -> memref<128xi32, #tpu.memory_space<vmem>>
      %dma_wait3A_513 = arith.constant 0 : i32
      %dma_wait3A_514 = arith.constant 0 : i32
      %dma_wait3A_515 = tpu.memref_slice %arg20[%dma_wait3A_513, %dma_wait3A_514] : memref<10240x64xf32, #tpu.memory_space<vmem_shared>> -> memref<10240x64xf32, #tpu.memory_space<vmem_shared>>
      tpu.wait_indirect_dma semaphore(%arg25 : memref<!tpu.dma_semaphore, #tpu.memory_space<semaphore_mem>>) src(%arg13 : memref<128x64xf32, #tpu.memory_space<vmem>>) dst(%dma_wait3A_515 : memref<10240x64xf32, #tpu.memory_space<vmem_shared>>)
      %eq3A_516 = arith.constant 0 : i32
      %eq3A_517 = arith.cmpi eq, %arg0, %eq3A_516 : i32
      %convert_element_type3A_518 = arith.extui %eq3A_517 : i1 to i32
      %cond3A_519 = arith.constant 0 : i32
      %cond3A_520 = arith.cmpi ne, %convert_element_type3A_518, %cond3A_519 : i32
      scf.if %cond3A_520 {
        %dma_wait3A_533 = arith.constant 17 : i32
        %dma_wait3A_534 = arith.constant 0 : i32
        %dma_wait3A_535 = tpu.memref_slice %arg10[%dma_wait3A_533, %dma_wait3A_534] : memref<20x128xi32, #tpu.memory_space<vmem>> -> memref<1x128xi32, #tpu.memory_space<vmem>>
        %dma_wait3A_536 = tpu.memref_squeeze %dma_wait3A_535 : memref<1x128xi32, #tpu.memory_space<vmem>> -> memref<128xi32, #tpu.memory_space<vmem>>
        %dma_wait3A_537 = arith.constant 0 : i32
        %dma_wait3A_538 = arith.constant 0 : i32
        %dma_wait3A_539 = tpu.memref_slice %arg21[%dma_wait3A_537, %dma_wait3A_538] : memref<10240x16xf32, #tpu.memory_space<vmem_shared>> -> memref<10240x16xf32, #tpu.memory_space<vmem_shared>>
        tpu.wait_indirect_dma semaphore(%arg27 : memref<!tpu.dma_semaphore, #tpu.memory_space<semaphore_mem>>) src(%arg17 : memref<128x16xf32, #tpu.memory_space<vmem>>) dst(%dma_wait3A_539 : memref<10240x16xf32, #tpu.memory_space<vmem_shared>>)
      } else {
      }
      %dma_wait3A_521 = arith.constant 19 : i32
      %dma_wait3A_522 = arith.constant 0 : i32
      %dma_wait3A_523 = tpu.memref_slice %arg10[%dma_wait3A_521, %dma_wait3A_522] : memref<20x128xi32, #tpu.memory_space<vmem>> -> memref<1x128xi32, #tpu.memory_space<vmem>>
      %dma_wait3A_524 = tpu.memref_squeeze %dma_wait3A_523 : memref<1x128xi32, #tpu.memory_space<vmem>> -> memref<128xi32, #tpu.memory_space<vmem>>
      %dma_wait3A_525 = arith.constant 0 : i32
      %dma_wait3A_526 = arith.constant 0 : i32
      %dma_wait3A_527 = tpu.memref_slice %arg20[%dma_wait3A_525, %dma_wait3A_526] : memref<10240x64xf32, #tpu.memory_space<vmem_shared>> -> memref<10240x64xf32, #tpu.memory_space<vmem_shared>>
      tpu.wait_indirect_dma semaphore(%arg26 : memref<!tpu.dma_semaphore, #tpu.memory_space<semaphore_mem>>) src(%arg14 : memref<128x64xf32, #tpu.memory_space<vmem>>) dst(%dma_wait3A_527 : memref<10240x64xf32, #tpu.memory_space<vmem_shared>>)
      %eq3A_528 = arith.constant 1 : i32
      %eq3A_529 = arith.cmpi eq, %arg0, %eq3A_528 : i32
      %convert_element_type3A_530 = arith.extui %eq3A_529 : i1 to i32
      %cond3A_531 = arith.constant 0 : i32
      %cond3A_532 = arith.cmpi ne, %convert_element_type3A_530, %cond3A_531 : i32
      scf.if %cond3A_532 {
        %dma_wait3A_533 = arith.constant 19 : i32
        %dma_wait3A_534 = arith.constant 0 : i32
        %dma_wait3A_535 = tpu.memref_slice %arg10[%dma_wait3A_533, %dma_wait3A_534] : memref<20x128xi32, #tpu.memory_space<vmem>> -> memref<1x128xi32, #tpu.memory_space<vmem>>
        %dma_wait3A_536 = tpu.memref_squeeze %dma_wait3A_535 : memref<1x128xi32, #tpu.memory_space<vmem>> -> memref<128xi32, #tpu.memory_space<vmem>>
        %dma_wait3A_537 = arith.constant 0 : i32
        %dma_wait3A_538 = arith.constant 0 : i32
        %dma_wait3A_539 = tpu.memref_slice %arg21[%dma_wait3A_537, %dma_wait3A_538] : memref<10240x16xf32, #tpu.memory_space<vmem_shared>> -> memref<10240x16xf32, #tpu.memory_space<vmem_shared>>
        tpu.wait_indirect_dma semaphore(%arg28 : memref<!tpu.dma_semaphore, #tpu.memory_space<semaphore_mem>>) src(%arg17 : memref<128x16xf32, #tpu.memory_space<vmem>>) dst(%dma_wait3A_539 : memref<10240x16xf32, #tpu.memory_space<vmem_shared>>)
      } else {
      }
    }
    %scan3A_25 = arith.constant 16 : i32
    %barrier3A_26 = arith.constant 0 : index
    tpu.barrier barrier_id(%barrier3A_26)
    %mul3A_27 = arith.constant 10240 : i32
    %mul3A_28 = arith.muli %arg0, %mul3A_27 : i32
    %add3A_29 = arith.addi %mul3A_28, %mul3A_0 : i32
    %add3A_30 = arith.constant 0 : i32
    %add3A_31 = arith.addi %mul3A_0, %add3A_30 : i32
    %dma_start3A = arith.constant 0 : i32
    %dma_start3A_32 = tpu.memref_slice %arg20[%add3A_31, %dma_start3A] : memref<10240x64xf32, #tpu.memory_space<vmem_shared>> -> memref<128x64xf32, #tpu.memory_space<vmem_shared>>
    %dma_start3A_33 = arith.constant 0 : i32
    %dma_start3A_34 = tpu.memref_slice %arg20[%add3A_31, %dma_start3A_33] : memref<10240x64xf32, #tpu.memory_space<vmem_shared>> -> memref<128x64xf32, #tpu.memory_space<vmem_shared>>
    tpu.enqueue_dma source(%dma_start3A_34 : memref<128x64xf32, #tpu.memory_space<vmem_shared>>) target(%arg11 : memref<128x64xf32, #tpu.memory_space<vmem>>) target_semaphore(%arg22 : memref<!tpu.dma_semaphore, #tpu.memory_space<semaphore_mem>>)
    %add3A_35 = arith.constant 128 : i32
    %add3A_36 = arith.addi %mul3A_0, %add3A_35 : i32
    %dma_start3A_37 = arith.constant 0 : i32
    %dma_start3A_38 = tpu.memref_slice %arg20[%add3A_36, %dma_start3A_37] : memref<10240x64xf32, #tpu.memory_space<vmem_shared>> -> memref<128x64xf32, #tpu.memory_space<vmem_shared>>
    %dma_start3A_39 = arith.constant 0 : i32
    %dma_start3A_40 = tpu.memref_slice %arg20[%add3A_36, %dma_start3A_39] : memref<10240x64xf32, #tpu.memory_space<vmem_shared>> -> memref<128x64xf32, #tpu.memory_space<vmem_shared>>
    tpu.enqueue_dma source(%dma_start3A_40 : memref<128x64xf32, #tpu.memory_space<vmem_shared>>) target(%arg12 : memref<128x64xf32, #tpu.memory_space<vmem>>) target_semaphore(%arg23 : memref<!tpu.dma_semaphore, #tpu.memory_space<semaphore_mem>>)
    %add3A_41 = arith.constant 256 : i32
    %add3A_42 = arith.addi %mul3A_0, %add3A_41 : i32
    %dma_start3A_43 = arith.constant 0 : i32
    %dma_start3A_44 = tpu.memref_slice %arg20[%add3A_42, %dma_start3A_43] : memref<10240x64xf32, #tpu.memory_space<vmem_shared>> -> memref<128x64xf32, #tpu.memory_space<vmem_shared>>
    %dma_start3A_45 = arith.constant 0 : i32
    %dma_start3A_46 = tpu.memref_slice %arg20[%add3A_42, %dma_start3A_45] : memref<10240x64xf32, #tpu.memory_space<vmem_shared>> -> memref<128x64xf32, #tpu.memory_space<vmem_shared>>
    tpu.enqueue_dma source(%dma_start3A_46 : memref<128x64xf32, #tpu.memory_space<vmem_shared>>) target(%arg13 : memref<128x64xf32, #tpu.memory_space<vmem>>) target_semaphore(%arg24 : memref<!tpu.dma_semaphore, #tpu.memory_space<semaphore_mem>>)
    %add3A_47 = arith.constant 0 : i32
    %add3A_48 = arith.addi %mul3A_0, %add3A_47 : i32
    %dma_wait3A = arith.constant 0 : i32
    %dma_wait3A_49 = tpu.memref_slice %arg20[%add3A_48, %dma_wait3A] : memref<10240x64xf32, #tpu.memory_space<vmem_shared>> -> memref<128x64xf32, #tpu.memory_space<vmem_shared>>
    %dma_wait3A_50 = arith.constant 0 : i32
    %dma_wait3A_51 = tpu.memref_slice %arg20[%add3A_48, %dma_wait3A_50] : memref<10240x64xf32, #tpu.memory_space<vmem_shared>> -> memref<128x64xf32, #tpu.memory_space<vmem_shared>>
    tpu.wait_dma2 semaphore(%arg22 : memref<!tpu.dma_semaphore, #tpu.memory_space<semaphore_mem>>) src(%dma_wait3A_51 : memref<128x64xf32, #tpu.memory_space<vmem_shared>>) dst(%arg11 : memref<128x64xf32, #tpu.memory_space<vmem>>)
    %add3A_52 = arith.constant 0 : i32
    %add3A_53 = arith.addi %add3A_29, %add3A_52 : i32
    "tpu.region"() ({
      %run_scoped3A = tpu.sem_alloc : memref<!tpu.dma_semaphore, #tpu.memory_space<semaphore_mem>>
      %dma_start3A_118 = arith.constant 0 : i32
      %dma_start3A_119 = tpu.memref_slice %arg8[%add3A_53, %dma_start3A_118] : memref<20480x64xf32, #tpu.memory_space<hbm>> -> memref<128x64xf32, #tpu.memory_space<hbm>>
      %dma_start3A_120 = arith.constant 0 : i32
      %dma_start3A_121 = tpu.memref_slice %arg8[%add3A_53, %dma_start3A_120] : memref<20480x64xf32, #tpu.memory_space<hbm>> -> memref<128x64xf32, #tpu.memory_space<hbm>>
      tpu.enqueue_dma source(%arg11 : memref<128x64xf32, #tpu.memory_space<vmem>>) target(%dma_start3A_121 : memref<128x64xf32, #tpu.memory_space<hbm>>) target_semaphore(%run_scoped3A : memref<!tpu.dma_semaphore, #tpu.memory_space<semaphore_mem>>)
      %dma_wait3A_122 = arith.constant 0 : i32
      %dma_wait3A_123 = tpu.memref_slice %arg8[%add3A_53, %dma_wait3A_122] : memref<20480x64xf32, #tpu.memory_space<hbm>> -> memref<128x64xf32, #tpu.memory_space<hbm>>
      %dma_wait3A_124 = arith.constant 0 : i32
      %dma_wait3A_125 = tpu.memref_slice %arg8[%add3A_53, %dma_wait3A_124] : memref<20480x64xf32, #tpu.memory_space<hbm>> -> memref<128x64xf32, #tpu.memory_space<hbm>>
      tpu.wait_dma2 semaphore(%run_scoped3A : memref<!tpu.dma_semaphore, #tpu.memory_space<semaphore_mem>>) src(%arg11 : memref<128x64xf32, #tpu.memory_space<vmem>>) dst(%dma_wait3A_125 : memref<128x64xf32, #tpu.memory_space<hbm>>)
      tpu.yield
    }) : () -> ()
    %add3A_54 = arith.constant 384 : i32
    %add3A_55 = arith.addi %mul3A_0, %add3A_54 : i32
    %dma_start3A_56 = arith.constant 0 : i32
    %dma_start3A_57 = tpu.memref_slice %arg20[%add3A_55, %dma_start3A_56] : memref<10240x64xf32, #tpu.memory_space<vmem_shared>> -> memref<128x64xf32, #tpu.memory_space<vmem_shared>>
    %dma_start3A_58 = arith.constant 0 : i32
    %dma_start3A_59 = tpu.memref_slice %arg20[%add3A_55, %dma_start3A_58] : memref<10240x64xf32, #tpu.memory_space<vmem_shared>> -> memref<128x64xf32, #tpu.memory_space<vmem_shared>>
    tpu.enqueue_dma source(%dma_start3A_59 : memref<128x64xf32, #tpu.memory_space<vmem_shared>>) target(%arg11 : memref<128x64xf32, #tpu.memory_space<vmem>>) target_semaphore(%arg22 : memref<!tpu.dma_semaphore, #tpu.memory_space<semaphore_mem>>)
    %add3A_60 = arith.constant 0 : i32
    %add3A_61 = arith.addi %mul3A_0, %add3A_60 : i32
    "tpu.region"() ({
      %run_scoped3A = tpu.sem_alloc : memref<!tpu.dma_semaphore, #tpu.memory_space<semaphore_mem>>
      %dma_start3A_118 = arith.constant 0 : i32
      %dma_start3A_119 = tpu.memref_slice %arg21[%add3A_61, %dma_start3A_118] : memref<10240x16xf32, #tpu.memory_space<vmem_shared>> -> memref<128x16xf32, #tpu.memory_space<vmem_shared>>
      %dma_start3A_120 = arith.constant 0 : i32
      %dma_start3A_121 = tpu.memref_slice %arg21[%add3A_61, %dma_start3A_120] : memref<10240x16xf32, #tpu.memory_space<vmem_shared>> -> memref<128x16xf32, #tpu.memory_space<vmem_shared>>
      tpu.enqueue_dma source(%dma_start3A_121 : memref<128x16xf32, #tpu.memory_space<vmem_shared>>) target(%arg19 : memref<128x16xf32, #tpu.memory_space<vmem>>) target_semaphore(%run_scoped3A : memref<!tpu.dma_semaphore, #tpu.memory_space<semaphore_mem>>)
      %dma_wait3A_122 = arith.constant 0 : i32
      %dma_wait3A_123 = tpu.memref_slice %arg21[%add3A_61, %dma_wait3A_122] : memref<10240x16xf32, #tpu.memory_space<vmem_shared>> -> memref<128x16xf32, #tpu.memory_space<vmem_shared>>
      %dma_wait3A_124 = arith.constant 0 : i32
      %dma_wait3A_125 = tpu.memref_slice %arg21[%add3A_61, %dma_wait3A_124] : memref<10240x16xf32, #tpu.memory_space<vmem_shared>> -> memref<128x16xf32, #tpu.memory_space<vmem_shared>>
      tpu.wait_dma2 semaphore(%run_scoped3A : memref<!tpu.dma_semaphore, #tpu.memory_space<semaphore_mem>>) src(%dma_wait3A_125 : memref<128x16xf32, #tpu.memory_space<vmem_shared>>) dst(%arg19 : memref<128x16xf32, #tpu.memory_space<vmem>>)
      tpu.yield
    }) : () -> ()
    %add3A_62 = arith.constant 0 : i32
    %add3A_63 = arith.addi %add3A_29, %add3A_62 : i32
    "tpu.region"() ({
      %run_scoped3A = tpu.sem_alloc : memref<!tpu.dma_semaphore, #tpu.memory_space<semaphore_mem>>
      %dma_start3A_118 = arith.constant 0 : i32
      %dma_start3A_119 = tpu.memref_slice %arg9[%add3A_63, %dma_start3A_118] : memref<20480x16xf32, #tpu.memory_space<hbm>> -> memref<128x16xf32, #tpu.memory_space<hbm>>
      %dma_start3A_120 = arith.constant 0 : i32
      %dma_start3A_121 = tpu.memref_slice %arg9[%add3A_63, %dma_start3A_120] : memref<20480x16xf32, #tpu.memory_space<hbm>> -> memref<128x16xf32, #tpu.memory_space<hbm>>
      tpu.enqueue_dma source(%arg19 : memref<128x16xf32, #tpu.memory_space<vmem>>) target(%dma_start3A_121 : memref<128x16xf32, #tpu.memory_space<hbm>>) target_semaphore(%run_scoped3A : memref<!tpu.dma_semaphore, #tpu.memory_space<semaphore_mem>>)
      %dma_wait3A_122 = arith.constant 0 : i32
      %dma_wait3A_123 = tpu.memref_slice %arg9[%add3A_63, %dma_wait3A_122] : memref<20480x16xf32, #tpu.memory_space<hbm>> -> memref<128x16xf32, #tpu.memory_space<hbm>>
      %dma_wait3A_124 = arith.constant 0 : i32
      %dma_wait3A_125 = tpu.memref_slice %arg9[%add3A_63, %dma_wait3A_124] : memref<20480x16xf32, #tpu.memory_space<hbm>> -> memref<128x16xf32, #tpu.memory_space<hbm>>
      tpu.wait_dma2 semaphore(%run_scoped3A : memref<!tpu.dma_semaphore, #tpu.memory_space<semaphore_mem>>) src(%arg19 : memref<128x16xf32, #tpu.memory_space<vmem>>) dst(%dma_wait3A_125 : memref<128x16xf32, #tpu.memory_space<hbm>>)
      tpu.yield
    }) : () -> ()
    %add3A_64 = arith.constant 128 : i32
    %add3A_65 = arith.addi %mul3A_0, %add3A_64 : i32
    %dma_wait3A_66 = arith.constant 0 : i32
    %dma_wait3A_67 = tpu.memref_slice %arg20[%add3A_65, %dma_wait3A_66] : memref<10240x64xf32, #tpu.memory_space<vmem_shared>> -> memref<128x64xf32, #tpu.memory_space<vmem_shared>>
    %dma_wait3A_68 = arith.constant 0 : i32
    %dma_wait3A_69 = tpu.memref_slice %arg20[%add3A_65, %dma_wait3A_68] : memref<10240x64xf32, #tpu.memory_space<vmem_shared>> -> memref<128x64xf32, #tpu.memory_space<vmem_shared>>
    tpu.wait_dma2 semaphore(%arg23 : memref<!tpu.dma_semaphore, #tpu.memory_space<semaphore_mem>>) src(%dma_wait3A_69 : memref<128x64xf32, #tpu.memory_space<vmem_shared>>) dst(%arg12 : memref<128x64xf32, #tpu.memory_space<vmem>>)
    %add3A_70 = arith.constant 128 : i32
    %add3A_71 = arith.addi %add3A_29, %add3A_70 : i32
    "tpu.region"() ({
      %run_scoped3A = tpu.sem_alloc : memref<!tpu.dma_semaphore, #tpu.memory_space<semaphore_mem>>
      %dma_start3A_118 = arith.constant 0 : i32
      %dma_start3A_119 = tpu.memref_slice %arg8[%add3A_71, %dma_start3A_118] : memref<20480x64xf32, #tpu.memory_space<hbm>> -> memref<128x64xf32, #tpu.memory_space<hbm>>
      %dma_start3A_120 = arith.constant 0 : i32
      %dma_start3A_121 = tpu.memref_slice %arg8[%add3A_71, %dma_start3A_120] : memref<20480x64xf32, #tpu.memory_space<hbm>> -> memref<128x64xf32, #tpu.memory_space<hbm>>
      tpu.enqueue_dma source(%arg12 : memref<128x64xf32, #tpu.memory_space<vmem>>) target(%dma_start3A_121 : memref<128x64xf32, #tpu.memory_space<hbm>>) target_semaphore(%run_scoped3A : memref<!tpu.dma_semaphore, #tpu.memory_space<semaphore_mem>>)
      %dma_wait3A_122 = arith.constant 0 : i32
      %dma_wait3A_123 = tpu.memref_slice %arg8[%add3A_71, %dma_wait3A_122] : memref<20480x64xf32, #tpu.memory_space<hbm>> -> memref<128x64xf32, #tpu.memory_space<hbm>>
      %dma_wait3A_124 = arith.constant 0 : i32
      %dma_wait3A_125 = tpu.memref_slice %arg8[%add3A_71, %dma_wait3A_124] : memref<20480x64xf32, #tpu.memory_space<hbm>> -> memref<128x64xf32, #tpu.memory_space<hbm>>
      tpu.wait_dma2 semaphore(%run_scoped3A : memref<!tpu.dma_semaphore, #tpu.memory_space<semaphore_mem>>) src(%arg12 : memref<128x64xf32, #tpu.memory_space<vmem>>) dst(%dma_wait3A_125 : memref<128x64xf32, #tpu.memory_space<hbm>>)
      tpu.yield
    }) : () -> ()
    %add3A_72 = arith.constant 512 : i32
    %add3A_73 = arith.addi %mul3A_0, %add3A_72 : i32
    %dma_start3A_74 = arith.constant 0 : i32
    %dma_start3A_75 = tpu.memref_slice %arg20[%add3A_73, %dma_start3A_74] : memref<10240x64xf32, #tpu.memory_space<vmem_shared>> -> memref<128x64xf32, #tpu.memory_space<vmem_shared>>
    %dma_start3A_76 = arith.constant 0 : i32
    %dma_start3A_77 = tpu.memref_slice %arg20[%add3A_73, %dma_start3A_76] : memref<10240x64xf32, #tpu.memory_space<vmem_shared>> -> memref<128x64xf32, #tpu.memory_space<vmem_shared>>
    tpu.enqueue_dma source(%dma_start3A_77 : memref<128x64xf32, #tpu.memory_space<vmem_shared>>) target(%arg12 : memref<128x64xf32, #tpu.memory_space<vmem>>) target_semaphore(%arg23 : memref<!tpu.dma_semaphore, #tpu.memory_space<semaphore_mem>>)
    %add3A_78 = arith.constant 128 : i32
    %add3A_79 = arith.addi %mul3A_0, %add3A_78 : i32
    "tpu.region"() ({
      %run_scoped3A = tpu.sem_alloc : memref<!tpu.dma_semaphore, #tpu.memory_space<semaphore_mem>>
      %dma_start3A_118 = arith.constant 0 : i32
      %dma_start3A_119 = tpu.memref_slice %arg21[%add3A_79, %dma_start3A_118] : memref<10240x16xf32, #tpu.memory_space<vmem_shared>> -> memref<128x16xf32, #tpu.memory_space<vmem_shared>>
      %dma_start3A_120 = arith.constant 0 : i32
      %dma_start3A_121 = tpu.memref_slice %arg21[%add3A_79, %dma_start3A_120] : memref<10240x16xf32, #tpu.memory_space<vmem_shared>> -> memref<128x16xf32, #tpu.memory_space<vmem_shared>>
      tpu.enqueue_dma source(%dma_start3A_121 : memref<128x16xf32, #tpu.memory_space<vmem_shared>>) target(%arg19 : memref<128x16xf32, #tpu.memory_space<vmem>>) target_semaphore(%run_scoped3A : memref<!tpu.dma_semaphore, #tpu.memory_space<semaphore_mem>>)
      %dma_wait3A_122 = arith.constant 0 : i32
      %dma_wait3A_123 = tpu.memref_slice %arg21[%add3A_79, %dma_wait3A_122] : memref<10240x16xf32, #tpu.memory_space<vmem_shared>> -> memref<128x16xf32, #tpu.memory_space<vmem_shared>>
      %dma_wait3A_124 = arith.constant 0 : i32
      %dma_wait3A_125 = tpu.memref_slice %arg21[%add3A_79, %dma_wait3A_124] : memref<10240x16xf32, #tpu.memory_space<vmem_shared>> -> memref<128x16xf32, #tpu.memory_space<vmem_shared>>
      tpu.wait_dma2 semaphore(%run_scoped3A : memref<!tpu.dma_semaphore, #tpu.memory_space<semaphore_mem>>) src(%dma_wait3A_125 : memref<128x16xf32, #tpu.memory_space<vmem_shared>>) dst(%arg19 : memref<128x16xf32, #tpu.memory_space<vmem>>)
      tpu.yield
    }) : () -> ()
    %add3A_80 = arith.constant 128 : i32
    %add3A_81 = arith.addi %add3A_29, %add3A_80 : i32
    "tpu.region"() ({
      %run_scoped3A = tpu.sem_alloc : memref<!tpu.dma_semaphore, #tpu.memory_space<semaphore_mem>>
      %dma_start3A_118 = arith.constant 0 : i32
      %dma_start3A_119 = tpu.memref_slice %arg9[%add3A_81, %dma_start3A_118] : memref<20480x16xf32, #tpu.memory_space<hbm>> -> memref<128x16xf32, #tpu.memory_space<hbm>>
      %dma_start3A_120 = arith.constant 0 : i32
      %dma_start3A_121 = tpu.memref_slice %arg9[%add3A_81, %dma_start3A_120] : memref<20480x16xf32, #tpu.memory_space<hbm>> -> memref<128x16xf32, #tpu.memory_space<hbm>>
      tpu.enqueue_dma source(%arg19 : memref<128x16xf32, #tpu.memory_space<vmem>>) target(%dma_start3A_121 : memref<128x16xf32, #tpu.memory_space<hbm>>) target_semaphore(%run_scoped3A : memref<!tpu.dma_semaphore, #tpu.memory_space<semaphore_mem>>)
      %dma_wait3A_122 = arith.constant 0 : i32
      %dma_wait3A_123 = tpu.memref_slice %arg9[%add3A_81, %dma_wait3A_122] : memref<20480x16xf32, #tpu.memory_space<hbm>> -> memref<128x16xf32, #tpu.memory_space<hbm>>
      %dma_wait3A_124 = arith.constant 0 : i32
      %dma_wait3A_125 = tpu.memref_slice %arg9[%add3A_81, %dma_wait3A_124] : memref<20480x16xf32, #tpu.memory_space<hbm>> -> memref<128x16xf32, #tpu.memory_space<hbm>>
      tpu.wait_dma2 semaphore(%run_scoped3A : memref<!tpu.dma_semaphore, #tpu.memory_space<semaphore_mem>>) src(%arg19 : memref<128x16xf32, #tpu.memory_space<vmem>>) dst(%dma_wait3A_125 : memref<128x16xf32, #tpu.memory_space<hbm>>)
      tpu.yield
    }) : () -> ()
    %add3A_82 = arith.constant 256 : i32
    %add3A_83 = arith.addi %mul3A_0, %add3A_82 : i32
    %dma_wait3A_84 = arith.constant 0 : i32
    %dma_wait3A_85 = tpu.memref_slice %arg20[%add3A_83, %dma_wait3A_84] : memref<10240x64xf32, #tpu.memory_space<vmem_shared>> -> memref<128x64xf32, #tpu.memory_space<vmem_shared>>
    %dma_wait3A_86 = arith.constant 0 : i32
    %dma_wait3A_87 = tpu.memref_slice %arg20[%add3A_83, %dma_wait3A_86] : memref<10240x64xf32, #tpu.memory_space<vmem_shared>> -> memref<128x64xf32, #tpu.memory_space<vmem_shared>>
    tpu.wait_dma2 semaphore(%arg24 : memref<!tpu.dma_semaphore, #tpu.memory_space<semaphore_mem>>) src(%dma_wait3A_87 : memref<128x64xf32, #tpu.memory_space<vmem_shared>>) dst(%arg13 : memref<128x64xf32, #tpu.memory_space<vmem>>)
    %add3A_88 = arith.constant 256 : i32
    %add3A_89 = arith.addi %add3A_29, %add3A_88 : i32
    "tpu.region"() ({
      %run_scoped3A = tpu.sem_alloc : memref<!tpu.dma_semaphore, #tpu.memory_space<semaphore_mem>>
      %dma_start3A_118 = arith.constant 0 : i32
      %dma_start3A_119 = tpu.memref_slice %arg8[%add3A_89, %dma_start3A_118] : memref<20480x64xf32, #tpu.memory_space<hbm>> -> memref<128x64xf32, #tpu.memory_space<hbm>>
      %dma_start3A_120 = arith.constant 0 : i32
      %dma_start3A_121 = tpu.memref_slice %arg8[%add3A_89, %dma_start3A_120] : memref<20480x64xf32, #tpu.memory_space<hbm>> -> memref<128x64xf32, #tpu.memory_space<hbm>>
      tpu.enqueue_dma source(%arg13 : memref<128x64xf32, #tpu.memory_space<vmem>>) target(%dma_start3A_121 : memref<128x64xf32, #tpu.memory_space<hbm>>) target_semaphore(%run_scoped3A : memref<!tpu.dma_semaphore, #tpu.memory_space<semaphore_mem>>)
      %dma_wait3A_122 = arith.constant 0 : i32
      %dma_wait3A_123 = tpu.memref_slice %arg8[%add3A_89, %dma_wait3A_122] : memref<20480x64xf32, #tpu.memory_space<hbm>> -> memref<128x64xf32, #tpu.memory_space<hbm>>
      %dma_wait3A_124 = arith.constant 0 : i32
      %dma_wait3A_125 = tpu.memref_slice %arg8[%add3A_89, %dma_wait3A_124] : memref<20480x64xf32, #tpu.memory_space<hbm>> -> memref<128x64xf32, #tpu.memory_space<hbm>>
      tpu.wait_dma2 semaphore(%run_scoped3A : memref<!tpu.dma_semaphore, #tpu.memory_space<semaphore_mem>>) src(%arg13 : memref<128x64xf32, #tpu.memory_space<vmem>>) dst(%dma_wait3A_125 : memref<128x64xf32, #tpu.memory_space<hbm>>)
      tpu.yield
    }) : () -> ()
    %add3A_90 = arith.constant 256 : i32
    %add3A_91 = arith.addi %mul3A_0, %add3A_90 : i32
    "tpu.region"() ({
      %run_scoped3A = tpu.sem_alloc : memref<!tpu.dma_semaphore, #tpu.memory_space<semaphore_mem>>
      %dma_start3A_118 = arith.constant 0 : i32
      %dma_start3A_119 = tpu.memref_slice %arg21[%add3A_91, %dma_start3A_118] : memref<10240x16xf32, #tpu.memory_space<vmem_shared>> -> memref<128x16xf32, #tpu.memory_space<vmem_shared>>
      %dma_start3A_120 = arith.constant 0 : i32
      %dma_start3A_121 = tpu.memref_slice %arg21[%add3A_91, %dma_start3A_120] : memref<10240x16xf32, #tpu.memory_space<vmem_shared>> -> memref<128x16xf32, #tpu.memory_space<vmem_shared>>
      tpu.enqueue_dma source(%dma_start3A_121 : memref<128x16xf32, #tpu.memory_space<vmem_shared>>) target(%arg19 : memref<128x16xf32, #tpu.memory_space<vmem>>) target_semaphore(%run_scoped3A : memref<!tpu.dma_semaphore, #tpu.memory_space<semaphore_mem>>)
      %dma_wait3A_122 = arith.constant 0 : i32
      %dma_wait3A_123 = tpu.memref_slice %arg21[%add3A_91, %dma_wait3A_122] : memref<10240x16xf32, #tpu.memory_space<vmem_shared>> -> memref<128x16xf32, #tpu.memory_space<vmem_shared>>
      %dma_wait3A_124 = arith.constant 0 : i32
      %dma_wait3A_125 = tpu.memref_slice %arg21[%add3A_91, %dma_wait3A_124] : memref<10240x16xf32, #tpu.memory_space<vmem_shared>> -> memref<128x16xf32, #tpu.memory_space<vmem_shared>>
      tpu.wait_dma2 semaphore(%run_scoped3A : memref<!tpu.dma_semaphore, #tpu.memory_space<semaphore_mem>>) src(%dma_wait3A_125 : memref<128x16xf32, #tpu.memory_space<vmem_shared>>) dst(%arg19 : memref<128x16xf32, #tpu.memory_space<vmem>>)
      tpu.yield
    }) : () -> ()
    %add3A_92 = arith.constant 256 : i32
    %add3A_93 = arith.addi %add3A_29, %add3A_92 : i32
    "tpu.region"() ({
      %run_scoped3A = tpu.sem_alloc : memref<!tpu.dma_semaphore, #tpu.memory_space<semaphore_mem>>
      %dma_start3A_118 = arith.constant 0 : i32
      %dma_start3A_119 = tpu.memref_slice %arg9[%add3A_93, %dma_start3A_118] : memref<20480x16xf32, #tpu.memory_space<hbm>> -> memref<128x16xf32, #tpu.memory_space<hbm>>
      %dma_start3A_120 = arith.constant 0 : i32
      %dma_start3A_121 = tpu.memref_slice %arg9[%add3A_93, %dma_start3A_120] : memref<20480x16xf32, #tpu.memory_space<hbm>> -> memref<128x16xf32, #tpu.memory_space<hbm>>
      tpu.enqueue_dma source(%arg19 : memref<128x16xf32, #tpu.memory_space<vmem>>) target(%dma_start3A_121 : memref<128x16xf32, #tpu.memory_space<hbm>>) target_semaphore(%run_scoped3A : memref<!tpu.dma_semaphore, #tpu.memory_space<semaphore_mem>>)
      %dma_wait3A_122 = arith.constant 0 : i32
      %dma_wait3A_123 = tpu.memref_slice %arg9[%add3A_93, %dma_wait3A_122] : memref<20480x16xf32, #tpu.memory_space<hbm>> -> memref<128x16xf32, #tpu.memory_space<hbm>>
      %dma_wait3A_124 = arith.constant 0 : i32
      %dma_wait3A_125 = tpu.memref_slice %arg9[%add3A_93, %dma_wait3A_124] : memref<20480x16xf32, #tpu.memory_space<hbm>> -> memref<128x16xf32, #tpu.memory_space<hbm>>
      tpu.wait_dma2 semaphore(%run_scoped3A : memref<!tpu.dma_semaphore, #tpu.memory_space<semaphore_mem>>) src(%arg19 : memref<128x16xf32, #tpu.memory_space<vmem>>) dst(%dma_wait3A_125 : memref<128x16xf32, #tpu.memory_space<hbm>>)
      tpu.yield
    }) : () -> ()
    %add3A_94 = arith.constant 384 : i32
    %add3A_95 = arith.addi %mul3A_0, %add3A_94 : i32
    %dma_wait3A_96 = arith.constant 0 : i32
    %dma_wait3A_97 = tpu.memref_slice %arg20[%add3A_95, %dma_wait3A_96] : memref<10240x64xf32, #tpu.memory_space<vmem_shared>> -> memref<128x64xf32, #tpu.memory_space<vmem_shared>>
    %dma_wait3A_98 = arith.constant 0 : i32
    %dma_wait3A_99 = tpu.memref_slice %arg20[%add3A_95, %dma_wait3A_98] : memref<10240x64xf32, #tpu.memory_space<vmem_shared>> -> memref<128x64xf32, #tpu.memory_space<vmem_shared>>
    tpu.wait_dma2 semaphore(%arg22 : memref<!tpu.dma_semaphore, #tpu.memory_space<semaphore_mem>>) src(%dma_wait3A_99 : memref<128x64xf32, #tpu.memory_space<vmem_shared>>) dst(%arg11 : memref<128x64xf32, #tpu.memory_space<vmem>>)
    %add3A_100 = arith.constant 384 : i32
    %add3A_101 = arith.addi %add3A_29, %add3A_100 : i32
    "tpu.region"() ({
      %run_scoped3A = tpu.sem_alloc : memref<!tpu.dma_semaphore, #tpu.memory_space<semaphore_mem>>
      %dma_start3A_118 = arith.constant 0 : i32
      %dma_start3A_119 = tpu.memref_slice %arg8[%add3A_101, %dma_start3A_118] : memref<20480x64xf32, #tpu.memory_space<hbm>> -> memref<128x64xf32, #tpu.memory_space<hbm>>
      %dma_start3A_120 = arith.constant 0 : i32
      %dma_start3A_121 = tpu.memref_slice %arg8[%add3A_101, %dma_start3A_120] : memref<20480x64xf32, #tpu.memory_space<hbm>> -> memref<128x64xf32, #tpu.memory_space<hbm>>
      tpu.enqueue_dma source(%arg11 : memref<128x64xf32, #tpu.memory_space<vmem>>) target(%dma_start3A_121 : memref<128x64xf32, #tpu.memory_space<hbm>>) target_semaphore(%run_scoped3A : memref<!tpu.dma_semaphore, #tpu.memory_space<semaphore_mem>>)
      %dma_wait3A_122 = arith.constant 0 : i32
      %dma_wait3A_123 = tpu.memref_slice %arg8[%add3A_101, %dma_wait3A_122] : memref<20480x64xf32, #tpu.memory_space<hbm>> -> memref<128x64xf32, #tpu.memory_space<hbm>>
      %dma_wait3A_124 = arith.constant 0 : i32
      %dma_wait3A_125 = tpu.memref_slice %arg8[%add3A_101, %dma_wait3A_124] : memref<20480x64xf32, #tpu.memory_space<hbm>> -> memref<128x64xf32, #tpu.memory_space<hbm>>
      tpu.wait_dma2 semaphore(%run_scoped3A : memref<!tpu.dma_semaphore, #tpu.memory_space<semaphore_mem>>) src(%arg11 : memref<128x64xf32, #tpu.memory_space<vmem>>) dst(%dma_wait3A_125 : memref<128x64xf32, #tpu.memory_space<hbm>>)
      tpu.yield
    }) : () -> ()
    %add3A_102 = arith.constant 384 : i32
    %add3A_103 = arith.addi %mul3A_0, %add3A_102 : i32
    "tpu.region"() ({
      %run_scoped3A = tpu.sem_alloc : memref<!tpu.dma_semaphore, #tpu.memory_space<semaphore_mem>>
      %dma_start3A_118 = arith.constant 0 : i32
      %dma_start3A_119 = tpu.memref_slice %arg21[%add3A_103, %dma_start3A_118] : memref<10240x16xf32, #tpu.memory_space<vmem_shared>> -> memref<128x16xf32, #tpu.memory_space<vmem_shared>>
      %dma_start3A_120 = arith.constant 0 : i32
      %dma_start3A_121 = tpu.memref_slice %arg21[%add3A_103, %dma_start3A_120] : memref<10240x16xf32, #tpu.memory_space<vmem_shared>> -> memref<128x16xf32, #tpu.memory_space<vmem_shared>>
      tpu.enqueue_dma source(%dma_start3A_121 : memref<128x16xf32, #tpu.memory_space<vmem_shared>>) target(%arg19 : memref<128x16xf32, #tpu.memory_space<vmem>>) target_semaphore(%run_scoped3A : memref<!tpu.dma_semaphore, #tpu.memory_space<semaphore_mem>>)
      %dma_wait3A_122 = arith.constant 0 : i32
      %dma_wait3A_123 = tpu.memref_slice %arg21[%add3A_103, %dma_wait3A_122] : memref<10240x16xf32, #tpu.memory_space<vmem_shared>> -> memref<128x16xf32, #tpu.memory_space<vmem_shared>>
      %dma_wait3A_124 = arith.constant 0 : i32
      %dma_wait3A_125 = tpu.memref_slice %arg21[%add3A_103, %dma_wait3A_124] : memref<10240x16xf32, #tpu.memory_space<vmem_shared>> -> memref<128x16xf32, #tpu.memory_space<vmem_shared>>
      tpu.wait_dma2 semaphore(%run_scoped3A : memref<!tpu.dma_semaphore, #tpu.memory_space<semaphore_mem>>) src(%dma_wait3A_125 : memref<128x16xf32, #tpu.memory_space<vmem_shared>>) dst(%arg19 : memref<128x16xf32, #tpu.memory_space<vmem>>)
      tpu.yield
    }) : () -> ()
    %add3A_104 = arith.constant 384 : i32
    %add3A_105 = arith.addi %add3A_29, %add3A_104 : i32
    "tpu.region"() ({
      %run_scoped3A = tpu.sem_alloc : memref<!tpu.dma_semaphore, #tpu.memory_space<semaphore_mem>>
      %dma_start3A_118 = arith.constant 0 : i32
      %dma_start3A_119 = tpu.memref_slice %arg9[%add3A_105, %dma_start3A_118] : memref<20480x16xf32, #tpu.memory_space<hbm>> -> memref<128x16xf32, #tpu.memory_space<hbm>>
      %dma_start3A_120 = arith.constant 0 : i32
      %dma_start3A_121 = tpu.memref_slice %arg9[%add3A_105, %dma_start3A_120] : memref<20480x16xf32, #tpu.memory_space<hbm>> -> memref<128x16xf32, #tpu.memory_space<hbm>>
      tpu.enqueue_dma source(%arg19 : memref<128x16xf32, #tpu.memory_space<vmem>>) target(%dma_start3A_121 : memref<128x16xf32, #tpu.memory_space<hbm>>) target_semaphore(%run_scoped3A : memref<!tpu.dma_semaphore, #tpu.memory_space<semaphore_mem>>)
      %dma_wait3A_122 = arith.constant 0 : i32
      %dma_wait3A_123 = tpu.memref_slice %arg9[%add3A_105, %dma_wait3A_122] : memref<20480x16xf32, #tpu.memory_space<hbm>> -> memref<128x16xf32, #tpu.memory_space<hbm>>
      %dma_wait3A_124 = arith.constant 0 : i32
      %dma_wait3A_125 = tpu.memref_slice %arg9[%add3A_105, %dma_wait3A_124] : memref<20480x16xf32, #tpu.memory_space<hbm>> -> memref<128x16xf32, #tpu.memory_space<hbm>>
      tpu.wait_dma2 semaphore(%run_scoped3A : memref<!tpu.dma_semaphore, #tpu.memory_space<semaphore_mem>>) src(%arg19 : memref<128x16xf32, #tpu.memory_space<vmem>>) dst(%dma_wait3A_125 : memref<128x16xf32, #tpu.memory_space<hbm>>)
      tpu.yield
    }) : () -> ()
    %add3A_106 = arith.constant 512 : i32
    %add3A_107 = arith.addi %mul3A_0, %add3A_106 : i32
    %dma_wait3A_108 = arith.constant 0 : i32
    %dma_wait3A_109 = tpu.memref_slice %arg20[%add3A_107, %dma_wait3A_108] : memref<10240x64xf32, #tpu.memory_space<vmem_shared>> -> memref<128x64xf32, #tpu.memory_space<vmem_shared>>
    %dma_wait3A_110 = arith.constant 0 : i32
    %dma_wait3A_111 = tpu.memref_slice %arg20[%add3A_107, %dma_wait3A_110] : memref<10240x64xf32, #tpu.memory_space<vmem_shared>> -> memref<128x64xf32, #tpu.memory_space<vmem_shared>>
    tpu.wait_dma2 semaphore(%arg23 : memref<!tpu.dma_semaphore, #tpu.memory_space<semaphore_mem>>) src(%dma_wait3A_111 : memref<128x64xf32, #tpu.memory_space<vmem_shared>>) dst(%arg12 : memref<128x64xf32, #tpu.memory_space<vmem>>)
    %add3A_112 = arith.constant 512 : i32
    %add3A_113 = arith.addi %add3A_29, %add3A_112 : i32
    "tpu.region"() ({
      %run_scoped3A = tpu.sem_alloc : memref<!tpu.dma_semaphore, #tpu.memory_space<semaphore_mem>>
      %dma_start3A_118 = arith.constant 0 : i32
      %dma_start3A_119 = tpu.memref_slice %arg8[%add3A_113, %dma_start3A_118] : memref<20480x64xf32, #tpu.memory_space<hbm>> -> memref<128x64xf32, #tpu.memory_space<hbm>>
      %dma_start3A_120 = arith.constant 0 : i32
      %dma_start3A_121 = tpu.memref_slice %arg8[%add3A_113, %dma_start3A_120] : memref<20480x64xf32, #tpu.memory_space<hbm>> -> memref<128x64xf32, #tpu.memory_space<hbm>>
      tpu.enqueue_dma source(%arg12 : memref<128x64xf32, #tpu.memory_space<vmem>>) target(%dma_start3A_121 : memref<128x64xf32, #tpu.memory_space<hbm>>) target_semaphore(%run_scoped3A : memref<!tpu.dma_semaphore, #tpu.memory_space<semaphore_mem>>)
      %dma_wait3A_122 = arith.constant 0 : i32
      %dma_wait3A_123 = tpu.memref_slice %arg8[%add3A_113, %dma_wait3A_122] : memref<20480x64xf32, #tpu.memory_space<hbm>> -> memref<128x64xf32, #tpu.memory_space<hbm>>
      %dma_wait3A_124 = arith.constant 0 : i32
      %dma_wait3A_125 = tpu.memref_slice %arg8[%add3A_113, %dma_wait3A_124] : memref<20480x64xf32, #tpu.memory_space<hbm>> -> memref<128x64xf32, #tpu.memory_space<hbm>>
      tpu.wait_dma2 semaphore(%run_scoped3A : memref<!tpu.dma_semaphore, #tpu.memory_space<semaphore_mem>>) src(%arg12 : memref<128x64xf32, #tpu.memory_space<vmem>>) dst(%dma_wait3A_125 : memref<128x64xf32, #tpu.memory_space<hbm>>)
      tpu.yield
    }) : () -> ()
    %add3A_114 = arith.constant 512 : i32
    %add3A_115 = arith.addi %mul3A_0, %add3A_114 : i32
    "tpu.region"() ({
      %run_scoped3A = tpu.sem_alloc : memref<!tpu.dma_semaphore, #tpu.memory_space<semaphore_mem>>
      %dma_start3A_118 = arith.constant 0 : i32
      %dma_start3A_119 = tpu.memref_slice %arg21[%add3A_115, %dma_start3A_118] : memref<10240x16xf32, #tpu.memory_space<vmem_shared>> -> memref<128x16xf32, #tpu.memory_space<vmem_shared>>
      %dma_start3A_120 = arith.constant 0 : i32
      %dma_start3A_121 = tpu.memref_slice %arg21[%add3A_115, %dma_start3A_120] : memref<10240x16xf32, #tpu.memory_space<vmem_shared>> -> memref<128x16xf32, #tpu.memory_space<vmem_shared>>
      tpu.enqueue_dma source(%dma_start3A_121 : memref<128x16xf32, #tpu.memory_space<vmem_shared>>) target(%arg19 : memref<128x16xf32, #tpu.memory_space<vmem>>) target_semaphore(%run_scoped3A : memref<!tpu.dma_semaphore, #tpu.memory_space<semaphore_mem>>)
      %dma_wait3A_122 = arith.constant 0 : i32
      %dma_wait3A_123 = tpu.memref_slice %arg21[%add3A_115, %dma_wait3A_122] : memref<10240x16xf32, #tpu.memory_space<vmem_shared>> -> memref<128x16xf32, #tpu.memory_space<vmem_shared>>
      %dma_wait3A_124 = arith.constant 0 : i32
      %dma_wait3A_125 = tpu.memref_slice %arg21[%add3A_115, %dma_wait3A_124] : memref<10240x16xf32, #tpu.memory_space<vmem_shared>> -> memref<128x16xf32, #tpu.memory_space<vmem_shared>>
      tpu.wait_dma2 semaphore(%run_scoped3A : memref<!tpu.dma_semaphore, #tpu.memory_space<semaphore_mem>>) src(%dma_wait3A_125 : memref<128x16xf32, #tpu.memory_space<vmem_shared>>) dst(%arg19 : memref<128x16xf32, #tpu.memory_space<vmem>>)
      tpu.yield
    }) : () -> ()
    %add3A_116 = arith.constant 512 : i32
    %add3A_117 = arith.addi %add3A_29, %add3A_116 : i32
    "tpu.region"() ({
      %run_scoped3A = tpu.sem_alloc : memref<!tpu.dma_semaphore, #tpu.memory_space<semaphore_mem>>
      %dma_start3A_118 = arith.constant 0 : i32
      %dma_start3A_119 = tpu.memref_slice %arg9[%add3A_117, %dma_start3A_118] : memref<20480x16xf32, #tpu.memory_space<hbm>> -> memref<128x16xf32, #tpu.memory_space<hbm>>
      %dma_start3A_120 = arith.constant 0 : i32
      %dma_start3A_121 = tpu.memref_slice %arg9[%add3A_117, %dma_start3A_120] : memref<20480x16xf32, #tpu.memory_space<hbm>> -> memref<128x16xf32, #tpu.memory_space<hbm>>
      tpu.enqueue_dma source(%arg19 : memref<128x16xf32, #tpu.memory_space<vmem>>) target(%dma_start3A_121 : memref<128x16xf32, #tpu.memory_space<hbm>>) target_semaphore(%run_scoped3A : memref<!tpu.dma_semaphore, #tpu.memory_space<semaphore_mem>>)
      %dma_wait3A_122 = arith.constant 0 : i32
      %dma_wait3A_123 = tpu.memref_slice %arg9[%add3A_117, %dma_wait3A_122] : memref<20480x16xf32, #tpu.memory_space<hbm>> -> memref<128x16xf32, #tpu.memory_space<hbm>>
      %dma_wait3A_124 = arith.constant 0 : i32
      %dma_wait3A_125 = tpu.memref_slice %arg9[%add3A_117, %dma_wait3A_124] : memref<20480x16xf32, #tpu.memory_space<hbm>> -> memref<128x16xf32, #tpu.memory_space<hbm>>
      tpu.wait_dma2 semaphore(%run_scoped3A : memref<!tpu.dma_semaphore, #tpu.memory_space<semaphore_mem>>) src(%arg19 : memref<128x16xf32, #tpu.memory_space<vmem>>) dst(%dma_wait3A_125 : memref<128x16xf32, #tpu.memory_space<hbm>>)
      tpu.yield
    }) : () -> ()
    return
  }
}

#map = affine_map<(d0, d1) -> (0, 0)>
module attributes {stable_mosaic.version = 14 : i64} {
  func.func @_sc_body(%arg0: i32, %arg1: i32, %arg2: memref<10000x64xf32, #tpu.memory_space<hbm>>, %arg3: memref<10000x64xf32, #tpu.memory_space<hbm>>, %arg4: memref<5120x128xi32, #tpu.memory_space<hbm>>, %arg5: memref<128x64xf32, #tpu.memory_space<hbm>>, %arg6: memref<128x16xf32, #tpu.memory_space<hbm>>, %arg7: memref<128x16xf32, #tpu.memory_space<hbm>>, %arg8: memref<20480x64xf32, #tpu.memory_space<hbm>>, %arg9: memref<20480x16xf32, #tpu.memory_space<hbm>>, %arg10: memref<20x128xi32, #tpu.memory_space<vmem>>, %arg11: memref<128x64xf32, #tpu.memory_space<vmem>>, %arg12: memref<128x64xf32, #tpu.memory_space<vmem>>, %arg13: memref<128x64xf32, #tpu.memory_space<vmem>>, %arg14: memref<128x64xf32, #tpu.memory_space<vmem>>, %arg15: memref<128x64xf32, #tpu.memory_space<vmem>>, %arg16: memref<128x64xf32, #tpu.memory_space<vmem>>, %arg17: memref<128x16xf32, #tpu.memory_space<vmem>>, %arg18: memref<128x64xf32, #tpu.memory_space<vmem>>, %arg19: memref<128x16xf32, #tpu.memory_space<vmem>>, %arg20: memref<10240x64xf32, #tpu.memory_space<vmem_shared>>, %arg21: memref<10240x16xf32, #tpu.memory_space<vmem_shared>>, %arg22: memref<!tpu.dma_semaphore, #tpu.memory_space<semaphore_mem>>, %arg23: memref<!tpu.dma_semaphore, #tpu.memory_space<semaphore_mem>>, %arg24: memref<!tpu.dma_semaphore, #tpu.memory_space<semaphore_mem>>, %arg25: memref<!tpu.dma_semaphore, #tpu.memory_space<semaphore_mem>>, %arg26: memref<!tpu.dma_semaphore, #tpu.memory_space<semaphore_mem>>, %arg27: memref<!tpu.dma_semaphore, #tpu.memory_space<semaphore_mem>>, %arg28: memref<!tpu.dma_semaphore, #tpu.memory_space<semaphore_mem>>) attributes {dimension_semantics = [#tpu.dimension_semantics<core_parallel>, #tpu.dimension_semantics<subcore_parallel>], iteration_bounds = array<i64: 2, 16>, scalar_prefetch = 0 : i64, scratch_operands = 19 : i64, tpu.core_type = #tpu.core_type<sc_vector_subcore>, window_params = [{transform_indices = #map}, {transform_indices = #map}, {transform_indices = #map}, {transform_indices = #map}, {transform_indices = #map}, {transform_indices = #map}, {transform_indices = #map}, {transform_indices = #map}]} {
    %mul3A = arith.constant 640 : i32
    %mul3A_0 = arith.muli %arg1, %mul3A : i32
    "tpu.region"() ({
      %run_scoped3A = tpu.sem_alloc : memref<!tpu.dma_semaphore, #tpu.memory_space<semaphore_mem>>
      tpu.enqueue_dma source(%arg5 : memref<128x64xf32, #tpu.memory_space<hbm>>) target(%arg18 : memref<128x64xf32, #tpu.memory_space<vmem>>) target_semaphore(%run_scoped3A : memref<!tpu.dma_semaphore, #tpu.memory_space<semaphore_mem>>)
      tpu.wait_dma2 semaphore(%run_scoped3A : memref<!tpu.dma_semaphore, #tpu.memory_space<semaphore_mem>>) src(%arg5 : memref<128x64xf32, #tpu.memory_space<hbm>>) dst(%arg18 : memref<128x64xf32, #tpu.memory_space<vmem>>)
      tpu.yield
    }) : () -> ()
    "tpu.region"() ({
      %run_scoped3A = tpu.sem_alloc : memref<!tpu.dma_semaphore, #tpu.memory_space<semaphore_mem>>
      tpu.enqueue_dma source(%arg6 : memref<128x16xf32, #tpu.memory_space<hbm>>) target(%arg19 : memref<128x16xf32, #tpu.memory_space<vmem>>) target_semaphore(%run_scoped3A : memref<!tpu.dma_semaphore, #tpu.memory_space<semaphore_mem>>)
      tpu.wait_dma2 semaphore(%run_scoped3A : memref<!tpu.dma_semaphore, #tpu.memory_space<semaphore_mem>>) src(%arg6 : memref<128x16xf32, #tpu.memory_space<hbm>>) dst(%arg19 : memref<128x16xf32, #tpu.memory_space<vmem>>)
      tpu.yield
    }) : () -> ()
    "tpu.region"() ({
      %run_scoped3A = tpu.sem_alloc : memref<!tpu.dma_semaphore, #tpu.memory_space<semaphore_mem>>
      tpu.enqueue_dma source(%arg7 : memref<128x16xf32, #tpu.memory_space<hbm>>) target(%arg17 : memref<128x16xf32, #tpu.memory_space<vmem>>) target_semaphore(%run_scoped3A : memref<!tpu.dma_semaphore, #tpu.memory_space<semaphore_mem>>)
      tpu.wait_dma2 semaphore(%run_scoped3A : memref<!tpu.dma_semaphore, #tpu.memory_space<semaphore_mem>>) src(%arg7 : memref<128x16xf32, #tpu.memory_space<hbm>>) dst(%arg17 : memref<128x16xf32, #tpu.memory_space<vmem>>)
      tpu.yield
    }) : () -> ()
    %add3A = arith.constant 0 : i32
    %add3A_1 = arith.addi %mul3A_0, %add3A : i32
    "tpu.region"() ({
      %run_scoped3A = tpu.sem_alloc : memref<!tpu.dma_semaphore, #tpu.memory_space<semaphore_mem>>
      %dma_start3A_118 = arith.constant 0 : i32
      %dma_start3A_119 = tpu.memref_slice %arg20[%add3A_1, %dma_start3A_118] : memref<10240x64xf32, #tpu.memory_space<vmem_shared>> -> memref<128x64xf32, #tpu.memory_space<vmem_shared>>
      %dma_start3A_120 = arith.constant 0 : i32
      %dma_start3A_121 = tpu.memref_slice %arg20[%add3A_1, %dma_start3A_120] : memref<10240x64xf32, #tpu.memory_space<vmem_shared>> -> memref<128x64xf32, #tpu.memory_space<vmem_shared>>
      tpu.enqueue_dma source(%arg18 : memref<128x64xf32, #tpu.memory_space<vmem>>) target(%dma_start3A_121 : memref<128x64xf32, #tpu.memory_space<vmem_shared>>) target_semaphore(%run_scoped3A : memref<!tpu.dma_semaphore, #tpu.memory_space<semaphore_mem>>)
      %dma_wait3A_122 = arith.constant 0 : i32
      %dma_wait3A_123 = tpu.memref_slice %arg20[%add3A_1, %dma_wait3A_122] : memref<10240x64xf32, #tpu.memory_space<vmem_shared>> -> memref<128x64xf32, #tpu.memory_space<vmem_shared>>
      %dma_wait3A_124 = arith.constant 0 : i32
      %dma_wait3A_125 = tpu.memref_slice %arg20[%add3A_1, %dma_wait3A_124] : memref<10240x64xf32, #tpu.memory_space<vmem_shared>> -> memref<128x64xf32, #tpu.memory_space<vmem_shared>>
      tpu.wait_dma2 semaphore(%run_scoped3A : memref<!tpu.dma_semaphore, #tpu.memory_space<semaphore_mem>>) src(%arg18 : memref<128x64xf32, #tpu.memory_space<vmem>>) dst(%dma_wait3A_125 : memref<128x64xf32, #tpu.memory_space<vmem_shared>>)
      tpu.yield
    }) : () -> ()
    %add3A_2 = arith.constant 0 : i32
    %add3A_3 = arith.addi %mul3A_0, %add3A_2 : i32
    "tpu.region"() ({
      %run_scoped3A = tpu.sem_alloc : memref<!tpu.dma_semaphore, #tpu.memory_space<semaphore_mem>>
      %dma_start3A_118 = arith.constant 0 : i32
      %dma_start3A_119 = tpu.memref_slice %arg21[%add3A_3, %dma_start3A_118] : memref<10240x16xf32, #tpu.memory_space<vmem_shared>> -> memref<128x16xf32, #tpu.memory_space<vmem_shared>>
      %dma_start3A_120 = arith.constant 0 : i32
      %dma_start3A_121 = tpu.memref_slice %arg21[%add3A_3, %dma_start3A_120] : memref<10240x16xf32, #tpu.memory_space<vmem_shared>> -> memref<128x16xf32, #tpu.memory_space<vmem_shared>>
      tpu.enqueue_dma source(%arg19 : memref<128x16xf32, #tpu.memory_space<vmem>>) target(%dma_start3A_121 : memref<128x16xf32, #tpu.memory_space<vmem_shared>>) target_semaphore(%run_scoped3A : memref<!tpu.dma_semaphore, #tpu.memory_space<semaphore_mem>>)
      %dma_wait3A_122 = arith.constant 0 : i32
      %dma_wait3A_123 = tpu.memref_slice %arg21[%add3A_3, %dma_wait3A_122] : memref<10240x16xf32, #tpu.memory_space<vmem_shared>> -> memref<128x16xf32, #tpu.memory_space<vmem_shared>>
      %dma_wait3A_124 = arith.constant 0 : i32
      %dma_wait3A_125 = tpu.memref_slice %arg21[%add3A_3, %dma_wait3A_124] : memref<10240x16xf32, #tpu.memory_space<vmem_shared>> -> memref<128x16xf32, #tpu.memory_space<vmem_shared>>
      tpu.wait_dma2 semaphore(%run_scoped3A : memref<!tpu.dma_semaphore, #tpu.memory_space<semaphore_mem>>) src(%arg19 : memref<128x16xf32, #tpu.memory_space<vmem>>) dst(%dma_wait3A_125 : memref<128x16xf32, #tpu.memory_space<vmem_shared>>)
      tpu.yield
    }) : () -> ()
    %add3A_4 = arith.constant 128 : i32
    %add3A_5 = arith.addi %mul3A_0, %add3A_4 : i32
    "tpu.region"() ({
      %run_scoped3A = tpu.sem_alloc : memref<!tpu.dma_semaphore, #tpu.memory_space<semaphore_mem>>
      %dma_start3A_118 = arith.constant 0 : i32
      %dma_start3A_119 = tpu.memref_slice %arg20[%add3A_5, %dma_start3A_118] : memref<10240x64xf32, #tpu.memory_space<vmem_shared>> -> memref<128x64xf32, #tpu.memory_space<vmem_shared>>
      %dma_start3A_120 = arith.constant 0 : i32
      %dma_start3A_121 = tpu.memref_slice %arg20[%add3A_5, %dma_start3A_120] : memref<10240x64xf32, #tpu.memory_space<vmem_shared>> -> memref<128x64xf32, #tpu.memory_space<vmem_shared>>
      tpu.enqueue_dma source(%arg18 : memref<128x64xf32, #tpu.memory_space<vmem>>) target(%dma_start3A_121 : memref<128x64xf32, #tpu.memory_space<vmem_shared>>) target_semaphore(%run_scoped3A : memref<!tpu.dma_semaphore, #tpu.memory_space<semaphore_mem>>)
      %dma_wait3A_122 = arith.constant 0 : i32
      %dma_wait3A_123 = tpu.memref_slice %arg20[%add3A_5, %dma_wait3A_122] : memref<10240x64xf32, #tpu.memory_space<vmem_shared>> -> memref<128x64xf32, #tpu.memory_space<vmem_shared>>
      %dma_wait3A_124 = arith.constant 0 : i32
      %dma_wait3A_125 = tpu.memref_slice %arg20[%add3A_5, %dma_wait3A_124] : memref<10240x64xf32, #tpu.memory_space<vmem_shared>> -> memref<128x64xf32, #tpu.memory_space<vmem_shared>>
      tpu.wait_dma2 semaphore(%run_scoped3A : memref<!tpu.dma_semaphore, #tpu.memory_space<semaphore_mem>>) src(%arg18 : memref<128x64xf32, #tpu.memory_space<vmem>>) dst(%dma_wait3A_125 : memref<128x64xf32, #tpu.memory_space<vmem_shared>>)
      tpu.yield
    }) : () -> ()
    %add3A_6 = arith.constant 128 : i32
    %add3A_7 = arith.addi %mul3A_0, %add3A_6 : i32
    "tpu.region"() ({
      %run_scoped3A = tpu.sem_alloc : memref<!tpu.dma_semaphore, #tpu.memory_space<semaphore_mem>>
      %dma_start3A_118 = arith.constant 0 : i32
      %dma_start3A_119 = tpu.memref_slice %arg21[%add3A_7, %dma_start3A_118] : memref<10240x16xf32, #tpu.memory_space<vmem_shared>> -> memref<128x16xf32, #tpu.memory_space<vmem_shared>>
      %dma_start3A_120 = arith.constant 0 : i32
      %dma_start3A_121 = tpu.memref_slice %arg21[%add3A_7, %dma_start3A_120] : memref<10240x16xf32, #tpu.memory_space<vmem_shared>> -> memref<128x16xf32, #tpu.memory_space<vmem_shared>>
      tpu.enqueue_dma source(%arg19 : memref<128x16xf32, #tpu.memory_space<vmem>>) target(%dma_start3A_121 : memref<128x16xf32, #tpu.memory_space<vmem_shared>>) target_semaphore(%run_scoped3A : memref<!tpu.dma_semaphore, #tpu.memory_space<semaphore_mem>>)
      %dma_wait3A_122 = arith.constant 0 : i32
      %dma_wait3A_123 = tpu.memref_slice %arg21[%add3A_7, %dma_wait3A_122] : memref<10240x16xf32, #tpu.memory_space<vmem_shared>> -> memref<128x16xf32, #tpu.memory_space<vmem_shared>>
      %dma_wait3A_124 = arith.constant 0 : i32
      %dma_wait3A_125 = tpu.memref_slice %arg21[%add3A_7, %dma_wait3A_124] : memref<10240x16xf32, #tpu.memory_space<vmem_shared>> -> memref<128x16xf32, #tpu.memory_space<vmem_shared>>
      tpu.wait_dma2 semaphore(%run_scoped3A : memref<!tpu.dma_semaphore, #tpu.memory_space<semaphore_mem>>) src(%arg19 : memref<128x16xf32, #tpu.memory_space<vmem>>) dst(%dma_wait3A_125 : memref<128x16xf32, #tpu.memory_space<vmem_shared>>)
      tpu.yield
    }) : () -> ()
    %add3A_8 = arith.constant 256 : i32
    %add3A_9 = arith.addi %mul3A_0, %add3A_8 : i32
    "tpu.region"() ({
      %run_scoped3A = tpu.sem_alloc : memref<!tpu.dma_semaphore, #tpu.memory_space<semaphore_mem>>
      %dma_start3A_118 = arith.constant 0 : i32
      %dma_start3A_119 = tpu.memref_slice %arg20[%add3A_9, %dma_start3A_118] : memref<10240x64xf32, #tpu.memory_space<vmem_shared>> -> memref<128x64xf32, #tpu.memory_space<vmem_shared>>
      %dma_start3A_120 = arith.constant 0 : i32
      %dma_start3A_121 = tpu.memref_slice %arg20[%add3A_9, %dma_start3A_120] : memref<10240x64xf32, #tpu.memory_space<vmem_shared>> -> memref<128x64xf32, #tpu.memory_space<vmem_shared>>
      tpu.enqueue_dma source(%arg18 : memref<128x64xf32, #tpu.memory_space<vmem>>) target(%dma_start3A_121 : memref<128x64xf32, #tpu.memory_space<vmem_shared>>) target_semaphore(%run_scoped3A : memref<!tpu.dma_semaphore, #tpu.memory_space<semaphore_mem>>)
      %dma_wait3A_122 = arith.constant 0 : i32
      %dma_wait3A_123 = tpu.memref_slice %arg20[%add3A_9, %dma_wait3A_122] : memref<10240x64xf32, #tpu.memory_space<vmem_shared>> -> memref<128x64xf32, #tpu.memory_space<vmem_shared>>
      %dma_wait3A_124 = arith.constant 0 : i32
      %dma_wait3A_125 = tpu.memref_slice %arg20[%add3A_9, %dma_wait3A_124] : memref<10240x64xf32, #tpu.memory_space<vmem_shared>> -> memref<128x64xf32, #tpu.memory_space<vmem_shared>>
      tpu.wait_dma2 semaphore(%run_scoped3A : memref<!tpu.dma_semaphore, #tpu.memory_space<semaphore_mem>>) src(%arg18 : memref<128x64xf32, #tpu.memory_space<vmem>>) dst(%dma_wait3A_125 : memref<128x64xf32, #tpu.memory_space<vmem_shared>>)
      tpu.yield
    }) : () -> ()
    %add3A_10 = arith.constant 256 : i32
    %add3A_11 = arith.addi %mul3A_0, %add3A_10 : i32
    "tpu.region"() ({
      %run_scoped3A = tpu.sem_alloc : memref<!tpu.dma_semaphore, #tpu.memory_space<semaphore_mem>>
      %dma_start3A_118 = arith.constant 0 : i32
      %dma_start3A_119 = tpu.memref_slice %arg21[%add3A_11, %dma_start3A_118] : memref<10240x16xf32, #tpu.memory_space<vmem_shared>> -> memref<128x16xf32, #tpu.memory_space<vmem_shared>>
      %dma_start3A_120 = arith.constant 0 : i32
      %dma_start3A_121 = tpu.memref_slice %arg21[%add3A_11, %dma_start3A_120] : memref<10240x16xf32, #tpu.memory_space<vmem_shared>> -> memref<128x16xf32, #tpu.memory_space<vmem_shared>>
      tpu.enqueue_dma source(%arg19 : memref<128x16xf32, #tpu.memory_space<vmem>>) target(%dma_start3A_121 : memref<128x16xf32, #tpu.memory_space<vmem_shared>>) target_semaphore(%run_scoped3A : memref<!tpu.dma_semaphore, #tpu.memory_space<semaphore_mem>>)
      %dma_wait3A_122 = arith.constant 0 : i32
      %dma_wait3A_123 = tpu.memref_slice %arg21[%add3A_11, %dma_wait3A_122] : memref<10240x16xf32, #tpu.memory_space<vmem_shared>> -> memref<128x16xf32, #tpu.memory_space<vmem_shared>>
      %dma_wait3A_124 = arith.constant 0 : i32
      %dma_wait3A_125 = tpu.memref_slice %arg21[%add3A_11, %dma_wait3A_124] : memref<10240x16xf32, #tpu.memory_space<vmem_shared>> -> memref<128x16xf32, #tpu.memory_space<vmem_shared>>
      tpu.wait_dma2 semaphore(%run_scoped3A : memref<!tpu.dma_semaphore, #tpu.memory_space<semaphore_mem>>) src(%arg19 : memref<128x16xf32, #tpu.memory_space<vmem>>) dst(%dma_wait3A_125 : memref<128x16xf32, #tpu.memory_space<vmem_shared>>)
      tpu.yield
    }) : () -> ()
    %add3A_12 = arith.constant 384 : i32
    %add3A_13 = arith.addi %mul3A_0, %add3A_12 : i32
    "tpu.region"() ({
      %run_scoped3A = tpu.sem_alloc : memref<!tpu.dma_semaphore, #tpu.memory_space<semaphore_mem>>
      %dma_start3A_118 = arith.constant 0 : i32
      %dma_start3A_119 = tpu.memref_slice %arg20[%add3A_13, %dma_start3A_118] : memref<10240x64xf32, #tpu.memory_space<vmem_shared>> -> memref<128x64xf32, #tpu.memory_space<vmem_shared>>
      %dma_start3A_120 = arith.constant 0 : i32
      %dma_start3A_121 = tpu.memref_slice %arg20[%add3A_13, %dma_start3A_120] : memref<10240x64xf32, #tpu.memory_space<vmem_shared>> -> memref<128x64xf32, #tpu.memory_space<vmem_shared>>
      tpu.enqueue_dma source(%arg18 : memref<128x64xf32, #tpu.memory_space<vmem>>) target(%dma_start3A_121 : memref<128x64xf32, #tpu.memory_space<vmem_shared>>) target_semaphore(%run_scoped3A : memref<!tpu.dma_semaphore, #tpu.memory_space<semaphore_mem>>)
      %dma_wait3A_122 = arith.constant 0 : i32
      %dma_wait3A_123 = tpu.memref_slice %arg20[%add3A_13, %dma_wait3A_122] : memref<10240x64xf32, #tpu.memory_space<vmem_shared>> -> memref<128x64xf32, #tpu.memory_space<vmem_shared>>
      %dma_wait3A_124 = arith.constant 0 : i32
      %dma_wait3A_125 = tpu.memref_slice %arg20[%add3A_13, %dma_wait3A_124] : memref<10240x64xf32, #tpu.memory_space<vmem_shared>> -> memref<128x64xf32, #tpu.memory_space<vmem_shared>>
      tpu.wait_dma2 semaphore(%run_scoped3A : memref<!tpu.dma_semaphore, #tpu.memory_space<semaphore_mem>>) src(%arg18 : memref<128x64xf32, #tpu.memory_space<vmem>>) dst(%dma_wait3A_125 : memref<128x64xf32, #tpu.memory_space<vmem_shared>>)
      tpu.yield
    }) : () -> ()
    %add3A_14 = arith.constant 384 : i32
    %add3A_15 = arith.addi %mul3A_0, %add3A_14 : i32
    "tpu.region"() ({
      %run_scoped3A = tpu.sem_alloc : memref<!tpu.dma_semaphore, #tpu.memory_space<semaphore_mem>>
      %dma_start3A_118 = arith.constant 0 : i32
      %dma_start3A_119 = tpu.memref_slice %arg21[%add3A_15, %dma_start3A_118] : memref<10240x16xf32, #tpu.memory_space<vmem_shared>> -> memref<128x16xf32, #tpu.memory_space<vmem_shared>>
      %dma_start3A_120 = arith.constant 0 : i32
      %dma_start3A_121 = tpu.memref_slice %arg21[%add3A_15, %dma_start3A_120] : memref<10240x16xf32, #tpu.memory_space<vmem_shared>> -> memref<128x16xf32, #tpu.memory_space<vmem_shared>>
      tpu.enqueue_dma source(%arg19 : memref<128x16xf32, #tpu.memory_space<vmem>>) target(%dma_start3A_121 : memref<128x16xf32, #tpu.memory_space<vmem_shared>>) target_semaphore(%run_scoped3A : memref<!tpu.dma_semaphore, #tpu.memory_space<semaphore_mem>>)
      %dma_wait3A_122 = arith.constant 0 : i32
      %dma_wait3A_123 = tpu.memref_slice %arg21[%add3A_15, %dma_wait3A_122] : memref<10240x16xf32, #tpu.memory_space<vmem_shared>> -> memref<128x16xf32, #tpu.memory_space<vmem_shared>>
      %dma_wait3A_124 = arith.constant 0 : i32
      %dma_wait3A_125 = tpu.memref_slice %arg21[%add3A_15, %dma_wait3A_124] : memref<10240x16xf32, #tpu.memory_space<vmem_shared>> -> memref<128x16xf32, #tpu.memory_space<vmem_shared>>
      tpu.wait_dma2 semaphore(%run_scoped3A : memref<!tpu.dma_semaphore, #tpu.memory_space<semaphore_mem>>) src(%arg19 : memref<128x16xf32, #tpu.memory_space<vmem>>) dst(%dma_wait3A_125 : memref<128x16xf32, #tpu.memory_space<vmem_shared>>)
      tpu.yield
    }) : () -> ()
    %add3A_16 = arith.constant 512 : i32
    %add3A_17 = arith.addi %mul3A_0, %add3A_16 : i32
    "tpu.region"() ({
      %run_scoped3A = tpu.sem_alloc : memref<!tpu.dma_semaphore, #tpu.memory_space<semaphore_mem>>
      %dma_start3A_118 = arith.constant 0 : i32
      %dma_start3A_119 = tpu.memref_slice %arg20[%add3A_17, %dma_start3A_118] : memref<10240x64xf32, #tpu.memory_space<vmem_shared>> -> memref<128x64xf32, #tpu.memory_space<vmem_shared>>
      %dma_start3A_120 = arith.constant 0 : i32
      %dma_start3A_121 = tpu.memref_slice %arg20[%add3A_17, %dma_start3A_120] : memref<10240x64xf32, #tpu.memory_space<vmem_shared>> -> memref<128x64xf32, #tpu.memory_space<vmem_shared>>
      tpu.enqueue_dma source(%arg18 : memref<128x64xf32, #tpu.memory_space<vmem>>) target(%dma_start3A_121 : memref<128x64xf32, #tpu.memory_space<vmem_shared>>) target_semaphore(%run_scoped3A : memref<!tpu.dma_semaphore, #tpu.memory_space<semaphore_mem>>)
      %dma_wait3A_122 = arith.constant 0 : i32
      %dma_wait3A_123 = tpu.memref_slice %arg20[%add3A_17, %dma_wait3A_122] : memref<10240x64xf32, #tpu.memory_space<vmem_shared>> -> memref<128x64xf32, #tpu.memory_space<vmem_shared>>
      %dma_wait3A_124 = arith.constant 0 : i32
      %dma_wait3A_125 = tpu.memref_slice %arg20[%add3A_17, %dma_wait3A_124] : memref<10240x64xf32, #tpu.memory_space<vmem_shared>> -> memref<128x64xf32, #tpu.memory_space<vmem_shared>>
      tpu.wait_dma2 semaphore(%run_scoped3A : memref<!tpu.dma_semaphore, #tpu.memory_space<semaphore_mem>>) src(%arg18 : memref<128x64xf32, #tpu.memory_space<vmem>>) dst(%dma_wait3A_125 : memref<128x64xf32, #tpu.memory_space<vmem_shared>>)
      tpu.yield
    }) : () -> ()
    %add3A_18 = arith.constant 512 : i32
    %add3A_19 = arith.addi %mul3A_0, %add3A_18 : i32
    "tpu.region"() ({
      %run_scoped3A = tpu.sem_alloc : memref<!tpu.dma_semaphore, #tpu.memory_space<semaphore_mem>>
      %dma_start3A_118 = arith.constant 0 : i32
      %dma_start3A_119 = tpu.memref_slice %arg21[%add3A_19, %dma_start3A_118] : memref<10240x16xf32, #tpu.memory_space<vmem_shared>> -> memref<128x16xf32, #tpu.memory_space<vmem_shared>>
      %dma_start3A_120 = arith.constant 0 : i32
      %dma_start3A_121 = tpu.memref_slice %arg21[%add3A_19, %dma_start3A_120] : memref<10240x16xf32, #tpu.memory_space<vmem_shared>> -> memref<128x16xf32, #tpu.memory_space<vmem_shared>>
      tpu.enqueue_dma source(%arg19 : memref<128x16xf32, #tpu.memory_space<vmem>>) target(%dma_start3A_121 : memref<128x16xf32, #tpu.memory_space<vmem_shared>>) target_semaphore(%run_scoped3A : memref<!tpu.dma_semaphore, #tpu.memory_space<semaphore_mem>>)
      %dma_wait3A_122 = arith.constant 0 : i32
      %dma_wait3A_123 = tpu.memref_slice %arg21[%add3A_19, %dma_wait3A_122] : memref<10240x16xf32, #tpu.memory_space<vmem_shared>> -> memref<128x16xf32, #tpu.memory_space<vmem_shared>>
      %dma_wait3A_124 = arith.constant 0 : i32
      %dma_wait3A_125 = tpu.memref_slice %arg21[%add3A_19, %dma_wait3A_124] : memref<10240x16xf32, #tpu.memory_space<vmem_shared>> -> memref<128x16xf32, #tpu.memory_space<vmem_shared>>
      tpu.wait_dma2 semaphore(%run_scoped3A : memref<!tpu.dma_semaphore, #tpu.memory_space<semaphore_mem>>) src(%arg19 : memref<128x16xf32, #tpu.memory_space<vmem>>) dst(%dma_wait3A_125 : memref<128x16xf32, #tpu.memory_space<vmem_shared>>)
      tpu.yield
    }) : () -> ()
    %barrier3A = arith.constant 0 : index
    tpu.barrier barrier_id(%barrier3A)
    %mul3A_20 = arith.constant 320 : i32
    %mul3A_21 = arith.muli %arg1, %mul3A_20 : i32
    %scan3A = arith.constant 0 : i32
    %scan3A_22 = arith.constant 16 : i32
    %scan3A_23 = arith.addi %scan3A, %scan3A_22 : i32
    %scan3A_24 = arith.constant 1 : i32
    scf.for %scan3A_118 = %scan3A to %scan3A_23 step %scan3A_24  : i32 {
      %mul3A_119 = arith.constant 1 : i32
      %mul3A_120 = arith.muli %scan3A_118, %mul3A_119 : i32
      %add3A_121 = arith.constant 0 : i32
      %add3A_122 = arith.addi %add3A_121, %mul3A_120 : i32
      %mul3A_123 = arith.constant 20 : i32
      %mul3A_124 = arith.muli %add3A_122, %mul3A_123 : i32
      %add3A_125 = arith.addi %mul3A_21, %mul3A_124 : i32
      "tpu.region"() ({
        %run_scoped3A = tpu.sem_alloc : memref<!tpu.dma_semaphore, #tpu.memory_space<semaphore_mem>>
        %dma_start3A_533 = arith.constant 0 : i32
        %dma_start3A_534 = tpu.memref_slice %arg4[%add3A_125, %dma_start3A_533] : memref<5120x128xi32, #tpu.memory_space<hbm>> -> memref<20x128xi32, #tpu.memory_space<hbm>>
        %dma_start3A_535 = arith.constant 0 : i32
        %dma_start3A_536 = tpu.memref_slice %arg4[%add3A_125, %dma_start3A_535] : memref<5120x128xi32, #tpu.memory_space<hbm>> -> memref<20x128xi32, #tpu.memory_space<hbm>>
        tpu.enqueue_dma source(%dma_start3A_536 : memref<20x128xi32, #tpu.memory_space<hbm>>) target(%arg10 : memref<20x128xi32, #tpu.memory_space<vmem>>) target_semaphore(%run_scoped3A : memref<!tpu.dma_semaphore, #tpu.memory_space<semaphore_mem>>)
        %dma_wait3A_537 = arith.constant 0 : i32
        %dma_wait3A_538 = tpu.memref_slice %arg4[%add3A_125, %dma_wait3A_537] : memref<5120x128xi32, #tpu.memory_space<hbm>> -> memref<20x128xi32, #tpu.memory_space<hbm>>
        %dma_wait3A_539 = arith.constant 0 : i32
        %dma_wait3A_540 = tpu.memref_slice %arg4[%add3A_125, %dma_wait3A_539] : memref<5120x128xi32, #tpu.memory_space<hbm>> -> memref<20x128xi32, #tpu.memory_space<hbm>>
        tpu.wait_dma2 semaphore(%run_scoped3A : memref<!tpu.dma_semaphore, #tpu.memory_space<semaphore_mem>>) src(%dma_wait3A_540 : memref<20x128xi32, #tpu.memory_space<hbm>>) dst(%arg10 : memref<20x128xi32, #tpu.memory_space<vmem>>)
        tpu.yield
      }) : () -> ()
      %eq3A = arith.constant 0 : i32
      %eq3A_126 = arith.cmpi eq, %arg0, %eq3A : i32
      %convert_element_type3A = arith.extui %eq3A_126 : i1 to i32
      %cond3A = arith.constant 0 : i32
      %cond3A_127 = arith.cmpi ne, %convert_element_type3A, %cond3A : i32
      scf.if %cond3A_127 {
        %dma_start3A_533 = arith.constant 0 : i32
        %dma_start3A_534 = arith.constant 0 : i32
        %dma_start3A_535 = tpu.memref_slice %arg10[%dma_start3A_533, %dma_start3A_534] : memref<20x128xi32, #tpu.memory_space<vmem>> -> memref<1x128xi32, #tpu.memory_space<vmem>>
        %dma_start3A_536 = tpu.memref_squeeze %dma_start3A_535 : memref<1x128xi32, #tpu.memory_space<vmem>> -> memref<128xi32, #tpu.memory_space<vmem>>
        %dma_start3A_537 = arith.constant 0 : i32
        %dma_start3A_538 = arith.constant 0 : i32
        %dma_start3A_539 = tpu.memref_slice %arg2[%dma_start3A_537, %dma_start3A_538] : memref<10000x64xf32, #tpu.memory_space<hbm>> -> memref<10000x64xf32, #tpu.memory_space<hbm>>
        tpu.enqueue_indirect_dma source(%dma_start3A_539 : memref<10000x64xf32, #tpu.memory_space<hbm>>) target(%arg11 : memref<128x64xf32, #tpu.memory_space<vmem>>) offsets(%dma_start3A_536 : memref<128xi32, #tpu.memory_space<vmem>>) semaphore(%arg22 : memref<!tpu.dma_semaphore, #tpu.memory_space<semaphore_mem>>)
      } else {
      }
      %eq3A_128 = arith.constant 1 : i32
      %eq3A_129 = arith.cmpi eq, %arg0, %eq3A_128 : i32
      %convert_element_type3A_130 = arith.extui %eq3A_129 : i1 to i32
      %cond3A_131 = arith.constant 0 : i32
      %cond3A_132 = arith.cmpi ne, %convert_element_type3A_130, %cond3A_131 : i32
      scf.if %cond3A_132 {
        %dma_start3A_533 = arith.constant 0 : i32
        %dma_start3A_534 = arith.constant 0 : i32
        %dma_start3A_535 = tpu.memref_slice %arg10[%dma_start3A_533, %dma_start3A_534] : memref<20x128xi32, #tpu.memory_space<vmem>> -> memref<1x128xi32, #tpu.memory_space<vmem>>
        %dma_start3A_536 = tpu.memref_squeeze %dma_start3A_535 : memref<1x128xi32, #tpu.memory_space<vmem>> -> memref<128xi32, #tpu.memory_space<vmem>>
        %dma_start3A_537 = arith.constant 0 : i32
        %dma_start3A_538 = arith.constant 0 : i32
        %dma_start3A_539 = tpu.memref_slice %arg3[%dma_start3A_537, %dma_start3A_538] : memref<10000x64xf32, #tpu.memory_space<hbm>> -> memref<10000x64xf32, #tpu.memory_space<hbm>>
        tpu.enqueue_indirect_dma source(%dma_start3A_539 : memref<10000x64xf32, #tpu.memory_space<hbm>>) target(%arg11 : memref<128x64xf32, #tpu.memory_space<vmem>>) offsets(%dma_start3A_536 : memref<128xi32, #tpu.memory_space<vmem>>) semaphore(%arg22 : memref<!tpu.dma_semaphore, #tpu.memory_space<semaphore_mem>>)
      } else {
      }
      %eq3A_133 = arith.constant 0 : i32
      %eq3A_134 = arith.cmpi eq, %arg0, %eq3A_133 : i32
      %convert_element_type3A_135 = arith.extui %eq3A_134 : i1 to i32
      %cond3A_136 = arith.constant 0 : i32
      %cond3A_137 = arith.cmpi ne, %convert_element_type3A_135, %cond3A_136 : i32
      scf.if %cond3A_137 {
        %dma_start3A_533 = arith.constant 2 : i32
        %dma_start3A_534 = arith.constant 0 : i32
        %dma_start3A_535 = tpu.memref_slice %arg10[%dma_start3A_533, %dma_start3A_534] : memref<20x128xi32, #tpu.memory_space<vmem>> -> memref<1x128xi32, #tpu.memory_space<vmem>>
        %dma_start3A_536 = tpu.memref_squeeze %dma_start3A_535 : memref<1x128xi32, #tpu.memory_space<vmem>> -> memref<128xi32, #tpu.memory_space<vmem>>
        %dma_start3A_537 = arith.constant 0 : i32
        %dma_start3A_538 = arith.constant 0 : i32
        %dma_start3A_539 = tpu.memref_slice %arg2[%dma_start3A_537, %dma_start3A_538] : memref<10000x64xf32, #tpu.memory_space<hbm>> -> memref<10000x64xf32, #tpu.memory_space<hbm>>
        tpu.enqueue_indirect_dma source(%dma_start3A_539 : memref<10000x64xf32, #tpu.memory_space<hbm>>) target(%arg12 : memref<128x64xf32, #tpu.memory_space<vmem>>) offsets(%dma_start3A_536 : memref<128xi32, #tpu.memory_space<vmem>>) semaphore(%arg23 : memref<!tpu.dma_semaphore, #tpu.memory_space<semaphore_mem>>)
      } else {
      }
      %eq3A_138 = arith.constant 1 : i32
      %eq3A_139 = arith.cmpi eq, %arg0, %eq3A_138 : i32
      %convert_element_type3A_140 = arith.extui %eq3A_139 : i1 to i32
      %cond3A_141 = arith.constant 0 : i32
      %cond3A_142 = arith.cmpi ne, %convert_element_type3A_140, %cond3A_141 : i32
      scf.if %cond3A_142 {
        %dma_start3A_533 = arith.constant 2 : i32
        %dma_start3A_534 = arith.constant 0 : i32
        %dma_start3A_535 = tpu.memref_slice %arg10[%dma_start3A_533, %dma_start3A_534] : memref<20x128xi32, #tpu.memory_space<vmem>> -> memref<1x128xi32, #tpu.memory_space<vmem>>
        %dma_start3A_536 = tpu.memref_squeeze %dma_start3A_535 : memref<1x128xi32, #tpu.memory_space<vmem>> -> memref<128xi32, #tpu.memory_space<vmem>>
        %dma_start3A_537 = arith.constant 0 : i32
        %dma_start3A_538 = arith.constant 0 : i32
        %dma_start3A_539 = tpu.memref_slice %arg3[%dma_start3A_537, %dma_start3A_538] : memref<10000x64xf32, #tpu.memory_space<hbm>> -> memref<10000x64xf32, #tpu.memory_space<hbm>>
        tpu.enqueue_indirect_dma source(%dma_start3A_539 : memref<10000x64xf32, #tpu.memory_space<hbm>>) target(%arg12 : memref<128x64xf32, #tpu.memory_space<vmem>>) offsets(%dma_start3A_536 : memref<128xi32, #tpu.memory_space<vmem>>) semaphore(%arg23 : memref<!tpu.dma_semaphore, #tpu.memory_space<semaphore_mem>>)
      } else {
      }
      %eq3A_143 = arith.constant 0 : i32
      %eq3A_144 = arith.cmpi eq, %arg0, %eq3A_143 : i32
      %convert_element_type3A_145 = arith.extui %eq3A_144 : i1 to i32
      %cond3A_146 = arith.constant 0 : i32
      %cond3A_147 = arith.cmpi ne, %convert_element_type3A_145, %cond3A_146 : i32
      scf.if %cond3A_147 {
        %dma_start3A_533 = arith.constant 4 : i32
        %dma_start3A_534 = arith.constant 0 : i32
        %dma_start3A_535 = tpu.memref_slice %arg10[%dma_start3A_533, %dma_start3A_534] : memref<20x128xi32, #tpu.memory_space<vmem>> -> memref<1x128xi32, #tpu.memory_space<vmem>>
        %dma_start3A_536 = tpu.memref_squeeze %dma_start3A_535 : memref<1x128xi32, #tpu.memory_space<vmem>> -> memref<128xi32, #tpu.memory_space<vmem>>
        %dma_start3A_537 = arith.constant 0 : i32
        %dma_start3A_538 = arith.constant 0 : i32
        %dma_start3A_539 = tpu.memref_slice %arg2[%dma_start3A_537, %dma_start3A_538] : memref<10000x64xf32, #tpu.memory_space<hbm>> -> memref<10000x64xf32, #tpu.memory_space<hbm>>
        tpu.enqueue_indirect_dma source(%dma_start3A_539 : memref<10000x64xf32, #tpu.memory_space<hbm>>) target(%arg13 : memref<128x64xf32, #tpu.memory_space<vmem>>) offsets(%dma_start3A_536 : memref<128xi32, #tpu.memory_space<vmem>>) semaphore(%arg24 : memref<!tpu.dma_semaphore, #tpu.memory_space<semaphore_mem>>)
      } else {
      }
      %eq3A_148 = arith.constant 1 : i32
      %eq3A_149 = arith.cmpi eq, %arg0, %eq3A_148 : i32
      %convert_element_type3A_150 = arith.extui %eq3A_149 : i1 to i32
      %cond3A_151 = arith.constant 0 : i32
      %cond3A_152 = arith.cmpi ne, %convert_element_type3A_150, %cond3A_151 : i32
      scf.if %cond3A_152 {
        %dma_start3A_533 = arith.constant 4 : i32
        %dma_start3A_534 = arith.constant 0 : i32
        %dma_start3A_535 = tpu.memref_slice %arg10[%dma_start3A_533, %dma_start3A_534] : memref<20x128xi32, #tpu.memory_space<vmem>> -> memref<1x128xi32, #tpu.memory_space<vmem>>
        %dma_start3A_536 = tpu.memref_squeeze %dma_start3A_535 : memref<1x128xi32, #tpu.memory_space<vmem>> -> memref<128xi32, #tpu.memory_space<vmem>>
        %dma_start3A_537 = arith.constant 0 : i32
        %dma_start3A_538 = arith.constant 0 : i32
        %dma_start3A_539 = tpu.memref_slice %arg3[%dma_start3A_537, %dma_start3A_538] : memref<10000x64xf32, #tpu.memory_space<hbm>> -> memref<10000x64xf32, #tpu.memory_space<hbm>>
        tpu.enqueue_indirect_dma source(%dma_start3A_539 : memref<10000x64xf32, #tpu.memory_space<hbm>>) target(%arg13 : memref<128x64xf32, #tpu.memory_space<vmem>>) offsets(%dma_start3A_536 : memref<128xi32, #tpu.memory_space<vmem>>) semaphore(%arg24 : memref<!tpu.dma_semaphore, #tpu.memory_space<semaphore_mem>>)
      } else {
      }
      %dma_wait3A_153 = arith.constant 0 : i32
      %dma_wait3A_154 = arith.constant 0 : i32
      %dma_wait3A_155 = tpu.memref_slice %arg10[%dma_wait3A_153, %dma_wait3A_154] : memref<20x128xi32, #tpu.memory_space<vmem>> -> memref<1x128xi32, #tpu.memory_space<vmem>>
      %dma_wait3A_156 = tpu.memref_squeeze %dma_wait3A_155 : memref<1x128xi32, #tpu.memory_space<vmem>> -> memref<128xi32, #tpu.memory_space<vmem>>
      %dma_wait3A_157 = arith.constant 0 : i32
      %dma_wait3A_158 = arith.constant 0 : i32
      %dma_wait3A_159 = tpu.memref_slice %arg2[%dma_wait3A_157, %dma_wait3A_158] : memref<10000x64xf32, #tpu.memory_space<hbm>> -> memref<10000x64xf32, #tpu.memory_space<hbm>>
      tpu.wait_indirect_dma semaphore(%arg22 : memref<!tpu.dma_semaphore, #tpu.memory_space<semaphore_mem>>) src(%dma_wait3A_159 : memref<10000x64xf32, #tpu.memory_space<hbm>>) dst(%arg11 : memref<128x64xf32, #tpu.memory_space<vmem>>)
      %dma_start3A_160 = arith.constant 1 : i32
      %dma_start3A_161 = arith.constant 0 : i32
      %dma_start3A_162 = tpu.memref_slice %arg10[%dma_start3A_160, %dma_start3A_161] : memref<20x128xi32, #tpu.memory_space<vmem>> -> memref<1x128xi32, #tpu.memory_space<vmem>>
      %dma_start3A_163 = tpu.memref_squeeze %dma_start3A_162 : memref<1x128xi32, #tpu.memory_space<vmem>> -> memref<128xi32, #tpu.memory_space<vmem>>
      %dma_start3A_164 = arith.constant 0 : i32
      %dma_start3A_165 = arith.constant 0 : i32
      %dma_start3A_166 = tpu.memref_slice %arg20[%dma_start3A_164, %dma_start3A_165] : memref<10240x64xf32, #tpu.memory_space<vmem_shared>> -> memref<10240x64xf32, #tpu.memory_space<vmem_shared>>
      tpu.enqueue_indirect_dma source(%arg11 : memref<128x64xf32, #tpu.memory_space<vmem>>) target(%dma_start3A_166 : memref<10240x64xf32, #tpu.memory_space<vmem_shared>>) offsets(%dma_start3A_163 : memref<128xi32, #tpu.memory_space<vmem>>) semaphore(%arg25 : memref<!tpu.dma_semaphore, #tpu.memory_space<semaphore_mem>>) {add = true}
      %eq3A_167 = arith.constant 0 : i32
      %eq3A_168 = arith.cmpi eq, %arg0, %eq3A_167 : i32
      %convert_element_type3A_169 = arith.extui %eq3A_168 : i1 to i32
      %cond3A_170 = arith.constant 0 : i32
      %cond3A_171 = arith.cmpi ne, %convert_element_type3A_169, %cond3A_170 : i32
      scf.if %cond3A_171 {
        %dma_start3A_533 = arith.constant 1 : i32
        %dma_start3A_534 = arith.constant 0 : i32
        %dma_start3A_535 = tpu.memref_slice %arg10[%dma_start3A_533, %dma_start3A_534] : memref<20x128xi32, #tpu.memory_space<vmem>> -> memref<1x128xi32, #tpu.memory_space<vmem>>
        %dma_start3A_536 = tpu.memref_squeeze %dma_start3A_535 : memref<1x128xi32, #tpu.memory_space<vmem>> -> memref<128xi32, #tpu.memory_space<vmem>>
        %dma_start3A_537 = arith.constant 0 : i32
        %dma_start3A_538 = arith.constant 0 : i32
        %dma_start3A_539 = tpu.memref_slice %arg21[%dma_start3A_537, %dma_start3A_538] : memref<10240x16xf32, #tpu.memory_space<vmem_shared>> -> memref<10240x16xf32, #tpu.memory_space<vmem_shared>>
        tpu.enqueue_indirect_dma source(%arg17 : memref<128x16xf32, #tpu.memory_space<vmem>>) target(%dma_start3A_539 : memref<10240x16xf32, #tpu.memory_space<vmem_shared>>) offsets(%dma_start3A_536 : memref<128xi32, #tpu.memory_space<vmem>>) semaphore(%arg27 : memref<!tpu.dma_semaphore, #tpu.memory_space<semaphore_mem>>) {add = true}
      } else {
      }
      %eq3A_172 = arith.constant 0 : i32
      %eq3A_173 = arith.cmpi eq, %arg0, %eq3A_172 : i32
      %convert_element_type3A_174 = arith.extui %eq3A_173 : i1 to i32
      %cond3A_175 = arith.constant 0 : i32
      %cond3A_176 = arith.cmpi ne, %convert_element_type3A_174, %cond3A_175 : i32
      scf.if %cond3A_176 {
        %dma_start3A_533 = arith.constant 6 : i32
        %dma_start3A_534 = arith.constant 0 : i32
        %dma_start3A_535 = tpu.memref_slice %arg10[%dma_start3A_533, %dma_start3A_534] : memref<20x128xi32, #tpu.memory_space<vmem>> -> memref<1x128xi32, #tpu.memory_space<vmem>>
        %dma_start3A_536 = tpu.memref_squeeze %dma_start3A_535 : memref<1x128xi32, #tpu.memory_space<vmem>> -> memref<128xi32, #tpu.memory_space<vmem>>
        %dma_start3A_537 = arith.constant 0 : i32
        %dma_start3A_538 = arith.constant 0 : i32
        %dma_start3A_539 = tpu.memref_slice %arg2[%dma_start3A_537, %dma_start3A_538] : memref<10000x64xf32, #tpu.memory_space<hbm>> -> memref<10000x64xf32, #tpu.memory_space<hbm>>
        tpu.enqueue_indirect_dma source(%dma_start3A_539 : memref<10000x64xf32, #tpu.memory_space<hbm>>) target(%arg14 : memref<128x64xf32, #tpu.memory_space<vmem>>) offsets(%dma_start3A_536 : memref<128xi32, #tpu.memory_space<vmem>>) semaphore(%arg22 : memref<!tpu.dma_semaphore, #tpu.memory_space<semaphore_mem>>)
      } else {
      }
      %eq3A_177 = arith.constant 1 : i32
      %eq3A_178 = arith.cmpi eq, %arg0, %eq3A_177 : i32
      %convert_element_type3A_179 = arith.extui %eq3A_178 : i1 to i32
      %cond3A_180 = arith.constant 0 : i32
      %cond3A_181 = arith.cmpi ne, %convert_element_type3A_179, %cond3A_180 : i32
      scf.if %cond3A_181 {
        %dma_start3A_533 = arith.constant 6 : i32
        %dma_start3A_534 = arith.constant 0 : i32
        %dma_start3A_535 = tpu.memref_slice %arg10[%dma_start3A_533, %dma_start3A_534] : memref<20x128xi32, #tpu.memory_space<vmem>> -> memref<1x128xi32, #tpu.memory_space<vmem>>
        %dma_start3A_536 = tpu.memref_squeeze %dma_start3A_535 : memref<1x128xi32, #tpu.memory_space<vmem>> -> memref<128xi32, #tpu.memory_space<vmem>>
        %dma_start3A_537 = arith.constant 0 : i32
        %dma_start3A_538 = arith.constant 0 : i32
        %dma_start3A_539 = tpu.memref_slice %arg3[%dma_start3A_537, %dma_start3A_538] : memref<10000x64xf32, #tpu.memory_space<hbm>> -> memref<10000x64xf32, #tpu.memory_space<hbm>>
        tpu.enqueue_indirect_dma source(%dma_start3A_539 : memref<10000x64xf32, #tpu.memory_space<hbm>>) target(%arg14 : memref<128x64xf32, #tpu.memory_space<vmem>>) offsets(%dma_start3A_536 : memref<128xi32, #tpu.memory_space<vmem>>) semaphore(%arg22 : memref<!tpu.dma_semaphore, #tpu.memory_space<semaphore_mem>>)
      } else {
      }
      %dma_wait3A_182 = arith.constant 2 : i32
      %dma_wait3A_183 = arith.constant 0 : i32
      %dma_wait3A_184 = tpu.memref_slice %arg10[%dma_wait3A_182, %dma_wait3A_183] : memref<20x128xi32, #tpu.memory_space<vmem>> -> memref<1x128xi32, #tpu.memory_space<vmem>>
      %dma_wait3A_185 = tpu.memref_squeeze %dma_wait3A_184 : memref<1x128xi32, #tpu.memory_space<vmem>> -> memref<128xi32, #tpu.memory_space<vmem>>
      %dma_wait3A_186 = arith.constant 0 : i32
      %dma_wait3A_187 = arith.constant 0 : i32
      %dma_wait3A_188 = tpu.memref_slice %arg2[%dma_wait3A_186, %dma_wait3A_187] : memref<10000x64xf32, #tpu.memory_space<hbm>> -> memref<10000x64xf32, #tpu.memory_space<hbm>>
      tpu.wait_indirect_dma semaphore(%arg23 : memref<!tpu.dma_semaphore, #tpu.memory_space<semaphore_mem>>) src(%dma_wait3A_188 : memref<10000x64xf32, #tpu.memory_space<hbm>>) dst(%arg12 : memref<128x64xf32, #tpu.memory_space<vmem>>)
      %dma_start3A_189 = arith.constant 3 : i32
      %dma_start3A_190 = arith.constant 0 : i32
      %dma_start3A_191 = tpu.memref_slice %arg10[%dma_start3A_189, %dma_start3A_190] : memref<20x128xi32, #tpu.memory_space<vmem>> -> memref<1x128xi32, #tpu.memory_space<vmem>>
      %dma_start3A_192 = tpu.memref_squeeze %dma_start3A_191 : memref<1x128xi32, #tpu.memory_space<vmem>> -> memref<128xi32, #tpu.memory_space<vmem>>
      %dma_start3A_193 = arith.constant 0 : i32
      %dma_start3A_194 = arith.constant 0 : i32
      %dma_start3A_195 = tpu.memref_slice %arg20[%dma_start3A_193, %dma_start3A_194] : memref<10240x64xf32, #tpu.memory_space<vmem_shared>> -> memref<10240x64xf32, #tpu.memory_space<vmem_shared>>
      tpu.enqueue_indirect_dma source(%arg12 : memref<128x64xf32, #tpu.memory_space<vmem>>) target(%dma_start3A_195 : memref<10240x64xf32, #tpu.memory_space<vmem_shared>>) offsets(%dma_start3A_192 : memref<128xi32, #tpu.memory_space<vmem>>) semaphore(%arg26 : memref<!tpu.dma_semaphore, #tpu.memory_space<semaphore_mem>>) {add = true}
      %eq3A_196 = arith.constant 1 : i32
      %eq3A_197 = arith.cmpi eq, %arg0, %eq3A_196 : i32
      %convert_element_type3A_198 = arith.extui %eq3A_197 : i1 to i32
      %cond3A_199 = arith.constant 0 : i32
      %cond3A_200 = arith.cmpi ne, %convert_element_type3A_198, %cond3A_199 : i32
      scf.if %cond3A_200 {
        %dma_start3A_533 = arith.constant 3 : i32
        %dma_start3A_534 = arith.constant 0 : i32
        %dma_start3A_535 = tpu.memref_slice %arg10[%dma_start3A_533, %dma_start3A_534] : memref<20x128xi32, #tpu.memory_space<vmem>> -> memref<1x128xi32, #tpu.memory_space<vmem>>
        %dma_start3A_536 = tpu.memref_squeeze %dma_start3A_535 : memref<1x128xi32, #tpu.memory_space<vmem>> -> memref<128xi32, #tpu.memory_space<vmem>>
        %dma_start3A_537 = arith.constant 0 : i32
        %dma_start3A_538 = arith.constant 0 : i32
        %dma_start3A_539 = tpu.memref_slice %arg21[%dma_start3A_537, %dma_start3A_538] : memref<10240x16xf32, #tpu.memory_space<vmem_shared>> -> memref<10240x16xf32, #tpu.memory_space<vmem_shared>>
        tpu.enqueue_indirect_dma source(%arg17 : memref<128x16xf32, #tpu.memory_space<vmem>>) target(%dma_start3A_539 : memref<10240x16xf32, #tpu.memory_space<vmem_shared>>) offsets(%dma_start3A_536 : memref<128xi32, #tpu.memory_space<vmem>>) semaphore(%arg28 : memref<!tpu.dma_semaphore, #tpu.memory_space<semaphore_mem>>) {add = true}
      } else {
      }
      %eq3A_201 = arith.constant 0 : i32
      %eq3A_202 = arith.cmpi eq, %arg0, %eq3A_201 : i32
      %convert_element_type3A_203 = arith.extui %eq3A_202 : i1 to i32
      %cond3A_204 = arith.constant 0 : i32
      %cond3A_205 = arith.cmpi ne, %convert_element_type3A_203, %cond3A_204 : i32
      scf.if %cond3A_205 {
        %dma_start3A_533 = arith.constant 8 : i32
        %dma_start3A_534 = arith.constant 0 : i32
        %dma_start3A_535 = tpu.memref_slice %arg10[%dma_start3A_533, %dma_start3A_534] : memref<20x128xi32, #tpu.memory_space<vmem>> -> memref<1x128xi32, #tpu.memory_space<vmem>>
        %dma_start3A_536 = tpu.memref_squeeze %dma_start3A_535 : memref<1x128xi32, #tpu.memory_space<vmem>> -> memref<128xi32, #tpu.memory_space<vmem>>
        %dma_start3A_537 = arith.constant 0 : i32
        %dma_start3A_538 = arith.constant 0 : i32
        %dma_start3A_539 = tpu.memref_slice %arg2[%dma_start3A_537, %dma_start3A_538] : memref<10000x64xf32, #tpu.memory_space<hbm>> -> memref<10000x64xf32, #tpu.memory_space<hbm>>
        tpu.enqueue_indirect_dma source(%dma_start3A_539 : memref<10000x64xf32, #tpu.memory_space<hbm>>) target(%arg15 : memref<128x64xf32, #tpu.memory_space<vmem>>) offsets(%dma_start3A_536 : memref<128xi32, #tpu.memory_space<vmem>>) semaphore(%arg23 : memref<!tpu.dma_semaphore, #tpu.memory_space<semaphore_mem>>)
      } else {
      }
      %eq3A_206 = arith.constant 1 : i32
      %eq3A_207 = arith.cmpi eq, %arg0, %eq3A_206 : i32
      %convert_element_type3A_208 = arith.extui %eq3A_207 : i1 to i32
      %cond3A_209 = arith.constant 0 : i32
      %cond3A_210 = arith.cmpi ne, %convert_element_type3A_208, %cond3A_209 : i32
      scf.if %cond3A_210 {
        %dma_start3A_533 = arith.constant 8 : i32
        %dma_start3A_534 = arith.constant 0 : i32
        %dma_start3A_535 = tpu.memref_slice %arg10[%dma_start3A_533, %dma_start3A_534] : memref<20x128xi32, #tpu.memory_space<vmem>> -> memref<1x128xi32, #tpu.memory_space<vmem>>
        %dma_start3A_536 = tpu.memref_squeeze %dma_start3A_535 : memref<1x128xi32, #tpu.memory_space<vmem>> -> memref<128xi32, #tpu.memory_space<vmem>>
        %dma_start3A_537 = arith.constant 0 : i32
        %dma_start3A_538 = arith.constant 0 : i32
        %dma_start3A_539 = tpu.memref_slice %arg3[%dma_start3A_537, %dma_start3A_538] : memref<10000x64xf32, #tpu.memory_space<hbm>> -> memref<10000x64xf32, #tpu.memory_space<hbm>>
        tpu.enqueue_indirect_dma source(%dma_start3A_539 : memref<10000x64xf32, #tpu.memory_space<hbm>>) target(%arg15 : memref<128x64xf32, #tpu.memory_space<vmem>>) offsets(%dma_start3A_536 : memref<128xi32, #tpu.memory_space<vmem>>) semaphore(%arg23 : memref<!tpu.dma_semaphore, #tpu.memory_space<semaphore_mem>>)
      } else {
      }
      %dma_wait3A_211 = arith.constant 4 : i32
      %dma_wait3A_212 = arith.constant 0 : i32
      %dma_wait3A_213 = tpu.memref_slice %arg10[%dma_wait3A_211, %dma_wait3A_212] : memref<20x128xi32, #tpu.memory_space<vmem>> -> memref<1x128xi32, #tpu.memory_space<vmem>>
      %dma_wait3A_214 = tpu.memref_squeeze %dma_wait3A_213 : memref<1x128xi32, #tpu.memory_space<vmem>> -> memref<128xi32, #tpu.memory_space<vmem>>
      %dma_wait3A_215 = arith.constant 0 : i32
      %dma_wait3A_216 = arith.constant 0 : i32
      %dma_wait3A_217 = tpu.memref_slice %arg2[%dma_wait3A_215, %dma_wait3A_216] : memref<10000x64xf32, #tpu.memory_space<hbm>> -> memref<10000x64xf32, #tpu.memory_space<hbm>>
      tpu.wait_indirect_dma semaphore(%arg24 : memref<!tpu.dma_semaphore, #tpu.memory_space<semaphore_mem>>) src(%dma_wait3A_217 : memref<10000x64xf32, #tpu.memory_space<hbm>>) dst(%arg13 : memref<128x64xf32, #tpu.memory_space<vmem>>)
      %dma_wait3A_218 = arith.constant 1 : i32
      %dma_wait3A_219 = arith.constant 0 : i32
      %dma_wait3A_220 = tpu.memref_slice %arg10[%dma_wait3A_218, %dma_wait3A_219] : memref<20x128xi32, #tpu.memory_space<vmem>> -> memref<1x128xi32, #tpu.memory_space<vmem>>
      %dma_wait3A_221 = tpu.memref_squeeze %dma_wait3A_220 : memref<1x128xi32, #tpu.memory_space<vmem>> -> memref<128xi32, #tpu.memory_space<vmem>>
      %dma_wait3A_222 = arith.constant 0 : i32
      %dma_wait3A_223 = arith.constant 0 : i32
      %dma_wait3A_224 = tpu.memref_slice %arg20[%dma_wait3A_222, %dma_wait3A_223] : memref<10240x64xf32, #tpu.memory_space<vmem_shared>> -> memref<10240x64xf32, #tpu.memory_space<vmem_shared>>
      tpu.wait_indirect_dma semaphore(%arg25 : memref<!tpu.dma_semaphore, #tpu.memory_space<semaphore_mem>>) src(%arg11 : memref<128x64xf32, #tpu.memory_space<vmem>>) dst(%dma_wait3A_224 : memref<10240x64xf32, #tpu.memory_space<vmem_shared>>)
      %eq3A_225 = arith.constant 0 : i32
      %eq3A_226 = arith.cmpi eq, %arg0, %eq3A_225 : i32
      %convert_element_type3A_227 = arith.extui %eq3A_226 : i1 to i32
      %cond3A_228 = arith.constant 0 : i32
      %cond3A_229 = arith.cmpi ne, %convert_element_type3A_227, %cond3A_228 : i32
      scf.if %cond3A_229 {
        %dma_wait3A_533 = arith.constant 1 : i32
        %dma_wait3A_534 = arith.constant 0 : i32
        %dma_wait3A_535 = tpu.memref_slice %arg10[%dma_wait3A_533, %dma_wait3A_534] : memref<20x128xi32, #tpu.memory_space<vmem>> -> memref<1x128xi32, #tpu.memory_space<vmem>>
        %dma_wait3A_536 = tpu.memref_squeeze %dma_wait3A_535 : memref<1x128xi32, #tpu.memory_space<vmem>> -> memref<128xi32, #tpu.memory_space<vmem>>
        %dma_wait3A_537 = arith.constant 0 : i32
        %dma_wait3A_538 = arith.constant 0 : i32
        %dma_wait3A_539 = tpu.memref_slice %arg21[%dma_wait3A_537, %dma_wait3A_538] : memref<10240x16xf32, #tpu.memory_space<vmem_shared>> -> memref<10240x16xf32, #tpu.memory_space<vmem_shared>>
        tpu.wait_indirect_dma semaphore(%arg27 : memref<!tpu.dma_semaphore, #tpu.memory_space<semaphore_mem>>) src(%arg17 : memref<128x16xf32, #tpu.memory_space<vmem>>) dst(%dma_wait3A_539 : memref<10240x16xf32, #tpu.memory_space<vmem_shared>>)
      } else {
      }
      %dma_start3A_230 = arith.constant 5 : i32
      %dma_start3A_231 = arith.constant 0 : i32
      %dma_start3A_232 = tpu.memref_slice %arg10[%dma_start3A_230, %dma_start3A_231] : memref<20x128xi32, #tpu.memory_space<vmem>> -> memref<1x128xi32, #tpu.memory_space<vmem>>
      %dma_start3A_233 = tpu.memref_squeeze %dma_start3A_232 : memref<1x128xi32, #tpu.memory_space<vmem>> -> memref<128xi32, #tpu.memory_space<vmem>>
      %dma_start3A_234 = arith.constant 0 : i32
      %dma_start3A_235 = arith.constant 0 : i32
      %dma_start3A_236 = tpu.memref_slice %arg20[%dma_start3A_234, %dma_start3A_235] : memref<10240x64xf32, #tpu.memory_space<vmem_shared>> -> memref<10240x64xf32, #tpu.memory_space<vmem_shared>>
      tpu.enqueue_indirect_dma source(%arg13 : memref<128x64xf32, #tpu.memory_space<vmem>>) target(%dma_start3A_236 : memref<10240x64xf32, #tpu.memory_space<vmem_shared>>) offsets(%dma_start3A_233 : memref<128xi32, #tpu.memory_space<vmem>>) semaphore(%arg25 : memref<!tpu.dma_semaphore, #tpu.memory_space<semaphore_mem>>) {add = true}
      %eq3A_237 = arith.constant 0 : i32
      %eq3A_238 = arith.cmpi eq, %arg0, %eq3A_237 : i32
      %convert_element_type3A_239 = arith.extui %eq3A_238 : i1 to i32
      %cond3A_240 = arith.constant 0 : i32
      %cond3A_241 = arith.cmpi ne, %convert_element_type3A_239, %cond3A_240 : i32
      scf.if %cond3A_241 {
        %dma_start3A_533 = arith.constant 5 : i32
        %dma_start3A_534 = arith.constant 0 : i32
        %dma_start3A_535 = tpu.memref_slice %arg10[%dma_start3A_533, %dma_start3A_534] : memref<20x128xi32, #tpu.memory_space<vmem>> -> memref<1x128xi32, #tpu.memory_space<vmem>>
        %dma_start3A_536 = tpu.memref_squeeze %dma_start3A_535 : memref<1x128xi32, #tpu.memory_space<vmem>> -> memref<128xi32, #tpu.memory_space<vmem>>
        %dma_start3A_537 = arith.constant 0 : i32
        %dma_start3A_538 = arith.constant 0 : i32
        %dma_start3A_539 = tpu.memref_slice %arg21[%dma_start3A_537, %dma_start3A_538] : memref<10240x16xf32, #tpu.memory_space<vmem_shared>> -> memref<10240x16xf32, #tpu.memory_space<vmem_shared>>
        tpu.enqueue_indirect_dma source(%arg17 : memref<128x16xf32, #tpu.memory_space<vmem>>) target(%dma_start3A_539 : memref<10240x16xf32, #tpu.memory_space<vmem_shared>>) offsets(%dma_start3A_536 : memref<128xi32, #tpu.memory_space<vmem>>) semaphore(%arg27 : memref<!tpu.dma_semaphore, #tpu.memory_space<semaphore_mem>>) {add = true}
      } else {
      }
      %eq3A_242 = arith.constant 0 : i32
      %eq3A_243 = arith.cmpi eq, %arg0, %eq3A_242 : i32
      %convert_element_type3A_244 = arith.extui %eq3A_243 : i1 to i32
      %cond3A_245 = arith.constant 0 : i32
      %cond3A_246 = arith.cmpi ne, %convert_element_type3A_244, %cond3A_245 : i32
      scf.if %cond3A_246 {
        %dma_start3A_533 = arith.constant 10 : i32
        %dma_start3A_534 = arith.constant 0 : i32
        %dma_start3A_535 = tpu.memref_slice %arg10[%dma_start3A_533, %dma_start3A_534] : memref<20x128xi32, #tpu.memory_space<vmem>> -> memref<1x128xi32, #tpu.memory_space<vmem>>
        %dma_start3A_536 = tpu.memref_squeeze %dma_start3A_535 : memref<1x128xi32, #tpu.memory_space<vmem>> -> memref<128xi32, #tpu.memory_space<vmem>>
        %dma_start3A_537 = arith.constant 0 : i32
        %dma_start3A_538 = arith.constant 0 : i32
        %dma_start3A_539 = tpu.memref_slice %arg2[%dma_start3A_537, %dma_start3A_538] : memref<10000x64xf32, #tpu.memory_space<hbm>> -> memref<10000x64xf32, #tpu.memory_space<hbm>>
        tpu.enqueue_indirect_dma source(%dma_start3A_539 : memref<10000x64xf32, #tpu.memory_space<hbm>>) target(%arg16 : memref<128x64xf32, #tpu.memory_space<vmem>>) offsets(%dma_start3A_536 : memref<128xi32, #tpu.memory_space<vmem>>) semaphore(%arg24 : memref<!tpu.dma_semaphore, #tpu.memory_space<semaphore_mem>>)
      } else {
      }
      %eq3A_247 = arith.constant 1 : i32
      %eq3A_248 = arith.cmpi eq, %arg0, %eq3A_247 : i32
      %convert_element_type3A_249 = arith.extui %eq3A_248 : i1 to i32
      %cond3A_250 = arith.constant 0 : i32
      %cond3A_251 = arith.cmpi ne, %convert_element_type3A_249, %cond3A_250 : i32
      scf.if %cond3A_251 {
        %dma_start3A_533 = arith.constant 10 : i32
        %dma_start3A_534 = arith.constant 0 : i32
        %dma_start3A_535 = tpu.memref_slice %arg10[%dma_start3A_533, %dma_start3A_534] : memref<20x128xi32, #tpu.memory_space<vmem>> -> memref<1x128xi32, #tpu.memory_space<vmem>>
        %dma_start3A_536 = tpu.memref_squeeze %dma_start3A_535 : memref<1x128xi32, #tpu.memory_space<vmem>> -> memref<128xi32, #tpu.memory_space<vmem>>
        %dma_start3A_537 = arith.constant 0 : i32
        %dma_start3A_538 = arith.constant 0 : i32
        %dma_start3A_539 = tpu.memref_slice %arg3[%dma_start3A_537, %dma_start3A_538] : memref<10000x64xf32, #tpu.memory_space<hbm>> -> memref<10000x64xf32, #tpu.memory_space<hbm>>
        tpu.enqueue_indirect_dma source(%dma_start3A_539 : memref<10000x64xf32, #tpu.memory_space<hbm>>) target(%arg16 : memref<128x64xf32, #tpu.memory_space<vmem>>) offsets(%dma_start3A_536 : memref<128xi32, #tpu.memory_space<vmem>>) semaphore(%arg24 : memref<!tpu.dma_semaphore, #tpu.memory_space<semaphore_mem>>)
      } else {
      }
      %dma_wait3A_252 = arith.constant 6 : i32
      %dma_wait3A_253 = arith.constant 0 : i32
      %dma_wait3A_254 = tpu.memref_slice %arg10[%dma_wait3A_252, %dma_wait3A_253] : memref<20x128xi32, #tpu.memory_space<vmem>> -> memref<1x128xi32, #tpu.memory_space<vmem>>
      %dma_wait3A_255 = tpu.memref_squeeze %dma_wait3A_254 : memref<1x128xi32, #tpu.memory_space<vmem>> -> memref<128xi32, #tpu.memory_space<vmem>>
      %dma_wait3A_256 = arith.constant 0 : i32
      %dma_wait3A_257 = arith.constant 0 : i32
      %dma_wait3A_258 = tpu.memref_slice %arg2[%dma_wait3A_256, %dma_wait3A_257] : memref<10000x64xf32, #tpu.memory_space<hbm>> -> memref<10000x64xf32, #tpu.memory_space<hbm>>
      tpu.wait_indirect_dma semaphore(%arg22 : memref<!tpu.dma_semaphore, #tpu.memory_space<semaphore_mem>>) src(%dma_wait3A_258 : memref<10000x64xf32, #tpu.memory_space<hbm>>) dst(%arg14 : memref<128x64xf32, #tpu.memory_space<vmem>>)
      %dma_wait3A_259 = arith.constant 3 : i32
      %dma_wait3A_260 = arith.constant 0 : i32
      %dma_wait3A_261 = tpu.memref_slice %arg10[%dma_wait3A_259, %dma_wait3A_260] : memref<20x128xi32, #tpu.memory_space<vmem>> -> memref<1x128xi32, #tpu.memory_space<vmem>>
      %dma_wait3A_262 = tpu.memref_squeeze %dma_wait3A_261 : memref<1x128xi32, #tpu.memory_space<vmem>> -> memref<128xi32, #tpu.memory_space<vmem>>
      %dma_wait3A_263 = arith.constant 0 : i32
      %dma_wait3A_264 = arith.constant 0 : i32
      %dma_wait3A_265 = tpu.memref_slice %arg20[%dma_wait3A_263, %dma_wait3A_264] : memref<10240x64xf32, #tpu.memory_space<vmem_shared>> -> memref<10240x64xf32, #tpu.memory_space<vmem_shared>>
      tpu.wait_indirect_dma semaphore(%arg26 : memref<!tpu.dma_semaphore, #tpu.memory_space<semaphore_mem>>) src(%arg12 : memref<128x64xf32, #tpu.memory_space<vmem>>) dst(%dma_wait3A_265 : memref<10240x64xf32, #tpu.memory_space<vmem_shared>>)
      %eq3A_266 = arith.constant 1 : i32
      %eq3A_267 = arith.cmpi eq, %arg0, %eq3A_266 : i32
      %convert_element_type3A_268 = arith.extui %eq3A_267 : i1 to i32
      %cond3A_269 = arith.constant 0 : i32
      %cond3A_270 = arith.cmpi ne, %convert_element_type3A_268, %cond3A_269 : i32
      scf.if %cond3A_270 {
        %dma_wait3A_533 = arith.constant 3 : i32
        %dma_wait3A_534 = arith.constant 0 : i32
        %dma_wait3A_535 = tpu.memref_slice %arg10[%dma_wait3A_533, %dma_wait3A_534] : memref<20x128xi32, #tpu.memory_space<vmem>> -> memref<1x128xi32, #tpu.memory_space<vmem>>
        %dma_wait3A_536 = tpu.memref_squeeze %dma_wait3A_535 : memref<1x128xi32, #tpu.memory_space<vmem>> -> memref<128xi32, #tpu.memory_space<vmem>>
        %dma_wait3A_537 = arith.constant 0 : i32
        %dma_wait3A_538 = arith.constant 0 : i32
        %dma_wait3A_539 = tpu.memref_slice %arg21[%dma_wait3A_537, %dma_wait3A_538] : memref<10240x16xf32, #tpu.memory_space<vmem_shared>> -> memref<10240x16xf32, #tpu.memory_space<vmem_shared>>
        tpu.wait_indirect_dma semaphore(%arg28 : memref<!tpu.dma_semaphore, #tpu.memory_space<semaphore_mem>>) src(%arg17 : memref<128x16xf32, #tpu.memory_space<vmem>>) dst(%dma_wait3A_539 : memref<10240x16xf32, #tpu.memory_space<vmem_shared>>)
      } else {
      }
      %dma_start3A_271 = arith.constant 7 : i32
      %dma_start3A_272 = arith.constant 0 : i32
      %dma_start3A_273 = tpu.memref_slice %arg10[%dma_start3A_271, %dma_start3A_272] : memref<20x128xi32, #tpu.memory_space<vmem>> -> memref<1x128xi32, #tpu.memory_space<vmem>>
      %dma_start3A_274 = tpu.memref_squeeze %dma_start3A_273 : memref<1x128xi32, #tpu.memory_space<vmem>> -> memref<128xi32, #tpu.memory_space<vmem>>
      %dma_start3A_275 = arith.constant 0 : i32
      %dma_start3A_276 = arith.constant 0 : i32
      %dma_start3A_277 = tpu.memref_slice %arg20[%dma_start3A_275, %dma_start3A_276] : memref<10240x64xf32, #tpu.memory_space<vmem_shared>> -> memref<10240x64xf32, #tpu.memory_space<vmem_shared>>
      tpu.enqueue_indirect_dma source(%arg14 : memref<128x64xf32, #tpu.memory_space<vmem>>) target(%dma_start3A_277 : memref<10240x64xf32, #tpu.memory_space<vmem_shared>>) offsets(%dma_start3A_274 : memref<128xi32, #tpu.memory_space<vmem>>) semaphore(%arg26 : memref<!tpu.dma_semaphore, #tpu.memory_space<semaphore_mem>>) {add = true}
      %eq3A_278 = arith.constant 1 : i32
      %eq3A_279 = arith.cmpi eq, %arg0, %eq3A_278 : i32
      %convert_element_type3A_280 = arith.extui %eq3A_279 : i1 to i32
      %cond3A_281 = arith.constant 0 : i32
      %cond3A_282 = arith.cmpi ne, %convert_element_type3A_280, %cond3A_281 : i32
      scf.if %cond3A_282 {
        %dma_start3A_533 = arith.constant 7 : i32
        %dma_start3A_534 = arith.constant 0 : i32
        %dma_start3A_535 = tpu.memref_slice %arg10[%dma_start3A_533, %dma_start3A_534] : memref<20x128xi32, #tpu.memory_space<vmem>> -> memref<1x128xi32, #tpu.memory_space<vmem>>
        %dma_start3A_536 = tpu.memref_squeeze %dma_start3A_535 : memref<1x128xi32, #tpu.memory_space<vmem>> -> memref<128xi32, #tpu.memory_space<vmem>>
        %dma_start3A_537 = arith.constant 0 : i32
        %dma_start3A_538 = arith.constant 0 : i32
        %dma_start3A_539 = tpu.memref_slice %arg21[%dma_start3A_537, %dma_start3A_538] : memref<10240x16xf32, #tpu.memory_space<vmem_shared>> -> memref<10240x16xf32, #tpu.memory_space<vmem_shared>>
        tpu.enqueue_indirect_dma source(%arg17 : memref<128x16xf32, #tpu.memory_space<vmem>>) target(%dma_start3A_539 : memref<10240x16xf32, #tpu.memory_space<vmem_shared>>) offsets(%dma_start3A_536 : memref<128xi32, #tpu.memory_space<vmem>>) semaphore(%arg28 : memref<!tpu.dma_semaphore, #tpu.memory_space<semaphore_mem>>) {add = true}
      } else {
      }
      %eq3A_283 = arith.constant 0 : i32
      %eq3A_284 = arith.cmpi eq, %arg0, %eq3A_283 : i32
      %convert_element_type3A_285 = arith.extui %eq3A_284 : i1 to i32
      %cond3A_286 = arith.constant 0 : i32
      %cond3A_287 = arith.cmpi ne, %convert_element_type3A_285, %cond3A_286 : i32
      scf.if %cond3A_287 {
        %dma_start3A_533 = arith.constant 12 : i32
        %dma_start3A_534 = arith.constant 0 : i32
        %dma_start3A_535 = tpu.memref_slice %arg10[%dma_start3A_533, %dma_start3A_534] : memref<20x128xi32, #tpu.memory_space<vmem>> -> memref<1x128xi32, #tpu.memory_space<vmem>>
        %dma_start3A_536 = tpu.memref_squeeze %dma_start3A_535 : memref<1x128xi32, #tpu.memory_space<vmem>> -> memref<128xi32, #tpu.memory_space<vmem>>
        %dma_start3A_537 = arith.constant 0 : i32
        %dma_start3A_538 = arith.constant 0 : i32
        %dma_start3A_539 = tpu.memref_slice %arg2[%dma_start3A_537, %dma_start3A_538] : memref<10000x64xf32, #tpu.memory_space<hbm>> -> memref<10000x64xf32, #tpu.memory_space<hbm>>
        tpu.enqueue_indirect_dma source(%dma_start3A_539 : memref<10000x64xf32, #tpu.memory_space<hbm>>) target(%arg11 : memref<128x64xf32, #tpu.memory_space<vmem>>) offsets(%dma_start3A_536 : memref<128xi32, #tpu.memory_space<vmem>>) semaphore(%arg22 : memref<!tpu.dma_semaphore, #tpu.memory_space<semaphore_mem>>)
      } else {
      }
      %eq3A_288 = arith.constant 1 : i32
      %eq3A_289 = arith.cmpi eq, %arg0, %eq3A_288 : i32
      %convert_element_type3A_290 = arith.extui %eq3A_289 : i1 to i32
      %cond3A_291 = arith.constant 0 : i32
      %cond3A_292 = arith.cmpi ne, %convert_element_type3A_290, %cond3A_291 : i32
      scf.if %cond3A_292 {
        %dma_start3A_533 = arith.constant 12 : i32
        %dma_start3A_534 = arith.constant 0 : i32
        %dma_start3A_535 = tpu.memref_slice %arg10[%dma_start3A_533, %dma_start3A_534] : memref<20x128xi32, #tpu.memory_space<vmem>> -> memref<1x128xi32, #tpu.memory_space<vmem>>
        %dma_start3A_536 = tpu.memref_squeeze %dma_start3A_535 : memref<1x128xi32, #tpu.memory_space<vmem>> -> memref<128xi32, #tpu.memory_space<vmem>>
        %dma_start3A_537 = arith.constant 0 : i32
        %dma_start3A_538 = arith.constant 0 : i32
        %dma_start3A_539 = tpu.memref_slice %arg3[%dma_start3A_537, %dma_start3A_538] : memref<10000x64xf32, #tpu.memory_space<hbm>> -> memref<10000x64xf32, #tpu.memory_space<hbm>>
        tpu.enqueue_indirect_dma source(%dma_start3A_539 : memref<10000x64xf32, #tpu.memory_space<hbm>>) target(%arg11 : memref<128x64xf32, #tpu.memory_space<vmem>>) offsets(%dma_start3A_536 : memref<128xi32, #tpu.memory_space<vmem>>) semaphore(%arg22 : memref<!tpu.dma_semaphore, #tpu.memory_space<semaphore_mem>>)
      } else {
      }
      %dma_wait3A_293 = arith.constant 8 : i32
      %dma_wait3A_294 = arith.constant 0 : i32
      %dma_wait3A_295 = tpu.memref_slice %arg10[%dma_wait3A_293, %dma_wait3A_294] : memref<20x128xi32, #tpu.memory_space<vmem>> -> memref<1x128xi32, #tpu.memory_space<vmem>>
      %dma_wait3A_296 = tpu.memref_squeeze %dma_wait3A_295 : memref<1x128xi32, #tpu.memory_space<vmem>> -> memref<128xi32, #tpu.memory_space<vmem>>
      %dma_wait3A_297 = arith.constant 0 : i32
      %dma_wait3A_298 = arith.constant 0 : i32
      %dma_wait3A_299 = tpu.memref_slice %arg2[%dma_wait3A_297, %dma_wait3A_298] : memref<10000x64xf32, #tpu.memory_space<hbm>> -> memref<10000x64xf32, #tpu.memory_space<hbm>>
      tpu.wait_indirect_dma semaphore(%arg23 : memref<!tpu.dma_semaphore, #tpu.memory_space<semaphore_mem>>) src(%dma_wait3A_299 : memref<10000x64xf32, #tpu.memory_space<hbm>>) dst(%arg15 : memref<128x64xf32, #tpu.memory_space<vmem>>)
      %dma_wait3A_300 = arith.constant 5 : i32
      %dma_wait3A_301 = arith.constant 0 : i32
      %dma_wait3A_302 = tpu.memref_slice %arg10[%dma_wait3A_300, %dma_wait3A_301] : memref<20x128xi32, #tpu.memory_space<vmem>> -> memref<1x128xi32, #tpu.memory_space<vmem>>
      %dma_wait3A_303 = tpu.memref_squeeze %dma_wait3A_302 : memref<1x128xi32, #tpu.memory_space<vmem>> -> memref<128xi32, #tpu.memory_space<vmem>>
      %dma_wait3A_304 = arith.constant 0 : i32
      %dma_wait3A_305 = arith.constant 0 : i32
      %dma_wait3A_306 = tpu.memref_slice %arg20[%dma_wait3A_304, %dma_wait3A_305] : memref<10240x64xf32, #tpu.memory_space<vmem_shared>> -> memref<10240x64xf32, #tpu.memory_space<vmem_shared>>
      tpu.wait_indirect_dma semaphore(%arg25 : memref<!tpu.dma_semaphore, #tpu.memory_space<semaphore_mem>>) src(%arg13 : memref<128x64xf32, #tpu.memory_space<vmem>>) dst(%dma_wait3A_306 : memref<10240x64xf32, #tpu.memory_space<vmem_shared>>)
      %eq3A_307 = arith.constant 0 : i32
      %eq3A_308 = arith.cmpi eq, %arg0, %eq3A_307 : i32
      %convert_element_type3A_309 = arith.extui %eq3A_308 : i1 to i32
      %cond3A_310 = arith.constant 0 : i32
      %cond3A_311 = arith.cmpi ne, %convert_element_type3A_309, %cond3A_310 : i32
      scf.if %cond3A_311 {
        %dma_wait3A_533 = arith.constant 5 : i32
        %dma_wait3A_534 = arith.constant 0 : i32
        %dma_wait3A_535 = tpu.memref_slice %arg10[%dma_wait3A_533, %dma_wait3A_534] : memref<20x128xi32, #tpu.memory_space<vmem>> -> memref<1x128xi32, #tpu.memory_space<vmem>>
        %dma_wait3A_536 = tpu.memref_squeeze %dma_wait3A_535 : memref<1x128xi32, #tpu.memory_space<vmem>> -> memref<128xi32, #tpu.memory_space<vmem>>
        %dma_wait3A_537 = arith.constant 0 : i32
        %dma_wait3A_538 = arith.constant 0 : i32
        %dma_wait3A_539 = tpu.memref_slice %arg21[%dma_wait3A_537, %dma_wait3A_538] : memref<10240x16xf32, #tpu.memory_space<vmem_shared>> -> memref<10240x16xf32, #tpu.memory_space<vmem_shared>>
        tpu.wait_indirect_dma semaphore(%arg27 : memref<!tpu.dma_semaphore, #tpu.memory_space<semaphore_mem>>) src(%arg17 : memref<128x16xf32, #tpu.memory_space<vmem>>) dst(%dma_wait3A_539 : memref<10240x16xf32, #tpu.memory_space<vmem_shared>>)
      } else {
      }
      %dma_start3A_312 = arith.constant 9 : i32
      %dma_start3A_313 = arith.constant 0 : i32
      %dma_start3A_314 = tpu.memref_slice %arg10[%dma_start3A_312, %dma_start3A_313] : memref<20x128xi32, #tpu.memory_space<vmem>> -> memref<1x128xi32, #tpu.memory_space<vmem>>
      %dma_start3A_315 = tpu.memref_squeeze %dma_start3A_314 : memref<1x128xi32, #tpu.memory_space<vmem>> -> memref<128xi32, #tpu.memory_space<vmem>>
      %dma_start3A_316 = arith.constant 0 : i32
      %dma_start3A_317 = arith.constant 0 : i32
      %dma_start3A_318 = tpu.memref_slice %arg20[%dma_start3A_316, %dma_start3A_317] : memref<10240x64xf32, #tpu.memory_space<vmem_shared>> -> memref<10240x64xf32, #tpu.memory_space<vmem_shared>>
      tpu.enqueue_indirect_dma source(%arg15 : memref<128x64xf32, #tpu.memory_space<vmem>>) target(%dma_start3A_318 : memref<10240x64xf32, #tpu.memory_space<vmem_shared>>) offsets(%dma_start3A_315 : memref<128xi32, #tpu.memory_space<vmem>>) semaphore(%arg25 : memref<!tpu.dma_semaphore, #tpu.memory_space<semaphore_mem>>) {add = true}
      %eq3A_319 = arith.constant 0 : i32
      %eq3A_320 = arith.cmpi eq, %arg0, %eq3A_319 : i32
      %convert_element_type3A_321 = arith.extui %eq3A_320 : i1 to i32
      %cond3A_322 = arith.constant 0 : i32
      %cond3A_323 = arith.cmpi ne, %convert_element_type3A_321, %cond3A_322 : i32
      scf.if %cond3A_323 {
        %dma_start3A_533 = arith.constant 9 : i32
        %dma_start3A_534 = arith.constant 0 : i32
        %dma_start3A_535 = tpu.memref_slice %arg10[%dma_start3A_533, %dma_start3A_534] : memref<20x128xi32, #tpu.memory_space<vmem>> -> memref<1x128xi32, #tpu.memory_space<vmem>>
        %dma_start3A_536 = tpu.memref_squeeze %dma_start3A_535 : memref<1x128xi32, #tpu.memory_space<vmem>> -> memref<128xi32, #tpu.memory_space<vmem>>
        %dma_start3A_537 = arith.constant 0 : i32
        %dma_start3A_538 = arith.constant 0 : i32
        %dma_start3A_539 = tpu.memref_slice %arg21[%dma_start3A_537, %dma_start3A_538] : memref<10240x16xf32, #tpu.memory_space<vmem_shared>> -> memref<10240x16xf32, #tpu.memory_space<vmem_shared>>
        tpu.enqueue_indirect_dma source(%arg17 : memref<128x16xf32, #tpu.memory_space<vmem>>) target(%dma_start3A_539 : memref<10240x16xf32, #tpu.memory_space<vmem_shared>>) offsets(%dma_start3A_536 : memref<128xi32, #tpu.memory_space<vmem>>) semaphore(%arg27 : memref<!tpu.dma_semaphore, #tpu.memory_space<semaphore_mem>>) {add = true}
      } else {
      }
      %eq3A_324 = arith.constant 0 : i32
      %eq3A_325 = arith.cmpi eq, %arg0, %eq3A_324 : i32
      %convert_element_type3A_326 = arith.extui %eq3A_325 : i1 to i32
      %cond3A_327 = arith.constant 0 : i32
      %cond3A_328 = arith.cmpi ne, %convert_element_type3A_326, %cond3A_327 : i32
      scf.if %cond3A_328 {
        %dma_start3A_533 = arith.constant 14 : i32
        %dma_start3A_534 = arith.constant 0 : i32
        %dma_start3A_535 = tpu.memref_slice %arg10[%dma_start3A_533, %dma_start3A_534] : memref<20x128xi32, #tpu.memory_space<vmem>> -> memref<1x128xi32, #tpu.memory_space<vmem>>
        %dma_start3A_536 = tpu.memref_squeeze %dma_start3A_535 : memref<1x128xi32, #tpu.memory_space<vmem>> -> memref<128xi32, #tpu.memory_space<vmem>>
        %dma_start3A_537 = arith.constant 0 : i32
        %dma_start3A_538 = arith.constant 0 : i32
        %dma_start3A_539 = tpu.memref_slice %arg2[%dma_start3A_537, %dma_start3A_538] : memref<10000x64xf32, #tpu.memory_space<hbm>> -> memref<10000x64xf32, #tpu.memory_space<hbm>>
        tpu.enqueue_indirect_dma source(%dma_start3A_539 : memref<10000x64xf32, #tpu.memory_space<hbm>>) target(%arg12 : memref<128x64xf32, #tpu.memory_space<vmem>>) offsets(%dma_start3A_536 : memref<128xi32, #tpu.memory_space<vmem>>) semaphore(%arg23 : memref<!tpu.dma_semaphore, #tpu.memory_space<semaphore_mem>>)
      } else {
      }
      %eq3A_329 = arith.constant 1 : i32
      %eq3A_330 = arith.cmpi eq, %arg0, %eq3A_329 : i32
      %convert_element_type3A_331 = arith.extui %eq3A_330 : i1 to i32
      %cond3A_332 = arith.constant 0 : i32
      %cond3A_333 = arith.cmpi ne, %convert_element_type3A_331, %cond3A_332 : i32
      scf.if %cond3A_333 {
        %dma_start3A_533 = arith.constant 14 : i32
        %dma_start3A_534 = arith.constant 0 : i32
        %dma_start3A_535 = tpu.memref_slice %arg10[%dma_start3A_533, %dma_start3A_534] : memref<20x128xi32, #tpu.memory_space<vmem>> -> memref<1x128xi32, #tpu.memory_space<vmem>>
        %dma_start3A_536 = tpu.memref_squeeze %dma_start3A_535 : memref<1x128xi32, #tpu.memory_space<vmem>> -> memref<128xi32, #tpu.memory_space<vmem>>
        %dma_start3A_537 = arith.constant 0 : i32
        %dma_start3A_538 = arith.constant 0 : i32
        %dma_start3A_539 = tpu.memref_slice %arg3[%dma_start3A_537, %dma_start3A_538] : memref<10000x64xf32, #tpu.memory_space<hbm>> -> memref<10000x64xf32, #tpu.memory_space<hbm>>
        tpu.enqueue_indirect_dma source(%dma_start3A_539 : memref<10000x64xf32, #tpu.memory_space<hbm>>) target(%arg12 : memref<128x64xf32, #tpu.memory_space<vmem>>) offsets(%dma_start3A_536 : memref<128xi32, #tpu.memory_space<vmem>>) semaphore(%arg23 : memref<!tpu.dma_semaphore, #tpu.memory_space<semaphore_mem>>)
      } else {
      }
      %dma_wait3A_334 = arith.constant 10 : i32
      %dma_wait3A_335 = arith.constant 0 : i32
      %dma_wait3A_336 = tpu.memref_slice %arg10[%dma_wait3A_334, %dma_wait3A_335] : memref<20x128xi32, #tpu.memory_space<vmem>> -> memref<1x128xi32, #tpu.memory_space<vmem>>
      %dma_wait3A_337 = tpu.memref_squeeze %dma_wait3A_336 : memref<1x128xi32, #tpu.memory_space<vmem>> -> memref<128xi32, #tpu.memory_space<vmem>>
      %dma_wait3A_338 = arith.constant 0 : i32
      %dma_wait3A_339 = arith.constant 0 : i32
      %dma_wait3A_340 = tpu.memref_slice %arg2[%dma_wait3A_338, %dma_wait3A_339] : memref<10000x64xf32, #tpu.memory_space<hbm>> -> memref<10000x64xf32, #tpu.memory_space<hbm>>
      tpu.wait_indirect_dma semaphore(%arg24 : memref<!tpu.dma_semaphore, #tpu.memory_space<semaphore_mem>>) src(%dma_wait3A_340 : memref<10000x64xf32, #tpu.memory_space<hbm>>) dst(%arg16 : memref<128x64xf32, #tpu.memory_space<vmem>>)
      %dma_wait3A_341 = arith.constant 7 : i32
      %dma_wait3A_342 = arith.constant 0 : i32
      %dma_wait3A_343 = tpu.memref_slice %arg10[%dma_wait3A_341, %dma_wait3A_342] : memref<20x128xi32, #tpu.memory_space<vmem>> -> memref<1x128xi32, #tpu.memory_space<vmem>>
      %dma_wait3A_344 = tpu.memref_squeeze %dma_wait3A_343 : memref<1x128xi32, #tpu.memory_space<vmem>> -> memref<128xi32, #tpu.memory_space<vmem>>
      %dma_wait3A_345 = arith.constant 0 : i32
      %dma_wait3A_346 = arith.constant 0 : i32
      %dma_wait3A_347 = tpu.memref_slice %arg20[%dma_wait3A_345, %dma_wait3A_346] : memref<10240x64xf32, #tpu.memory_space<vmem_shared>> -> memref<10240x64xf32, #tpu.memory_space<vmem_shared>>
      tpu.wait_indirect_dma semaphore(%arg26 : memref<!tpu.dma_semaphore, #tpu.memory_space<semaphore_mem>>) src(%arg14 : memref<128x64xf32, #tpu.memory_space<vmem>>) dst(%dma_wait3A_347 : memref<10240x64xf32, #tpu.memory_space<vmem_shared>>)
      %eq3A_348 = arith.constant 1 : i32
      %eq3A_349 = arith.cmpi eq, %arg0, %eq3A_348 : i32
      %convert_element_type3A_350 = arith.extui %eq3A_349 : i1 to i32
      %cond3A_351 = arith.constant 0 : i32
      %cond3A_352 = arith.cmpi ne, %convert_element_type3A_350, %cond3A_351 : i32
      scf.if %cond3A_352 {
        %dma_wait3A_533 = arith.constant 7 : i32
        %dma_wait3A_534 = arith.constant 0 : i32
        %dma_wait3A_535 = tpu.memref_slice %arg10[%dma_wait3A_533, %dma_wait3A_534] : memref<20x128xi32, #tpu.memory_space<vmem>> -> memref<1x128xi32, #tpu.memory_space<vmem>>
        %dma_wait3A_536 = tpu.memref_squeeze %dma_wait3A_535 : memref<1x128xi32, #tpu.memory_space<vmem>> -> memref<128xi32, #tpu.memory_space<vmem>>
        %dma_wait3A_537 = arith.constant 0 : i32
        %dma_wait3A_538 = arith.constant 0 : i32
        %dma_wait3A_539 = tpu.memref_slice %arg21[%dma_wait3A_537, %dma_wait3A_538] : memref<10240x16xf32, #tpu.memory_space<vmem_shared>> -> memref<10240x16xf32, #tpu.memory_space<vmem_shared>>
        tpu.wait_indirect_dma semaphore(%arg28 : memref<!tpu.dma_semaphore, #tpu.memory_space<semaphore_mem>>) src(%arg17 : memref<128x16xf32, #tpu.memory_space<vmem>>) dst(%dma_wait3A_539 : memref<10240x16xf32, #tpu.memory_space<vmem_shared>>)
      } else {
      }
      %dma_start3A_353 = arith.constant 11 : i32
      %dma_start3A_354 = arith.constant 0 : i32
      %dma_start3A_355 = tpu.memref_slice %arg10[%dma_start3A_353, %dma_start3A_354] : memref<20x128xi32, #tpu.memory_space<vmem>> -> memref<1x128xi32, #tpu.memory_space<vmem>>
      %dma_start3A_356 = tpu.memref_squeeze %dma_start3A_355 : memref<1x128xi32, #tpu.memory_space<vmem>> -> memref<128xi32, #tpu.memory_space<vmem>>
      %dma_start3A_357 = arith.constant 0 : i32
      %dma_start3A_358 = arith.constant 0 : i32
      %dma_start3A_359 = tpu.memref_slice %arg20[%dma_start3A_357, %dma_start3A_358] : memref<10240x64xf32, #tpu.memory_space<vmem_shared>> -> memref<10240x64xf32, #tpu.memory_space<vmem_shared>>
      tpu.enqueue_indirect_dma source(%arg16 : memref<128x64xf32, #tpu.memory_space<vmem>>) target(%dma_start3A_359 : memref<10240x64xf32, #tpu.memory_space<vmem_shared>>) offsets(%dma_start3A_356 : memref<128xi32, #tpu.memory_space<vmem>>) semaphore(%arg26 : memref<!tpu.dma_semaphore, #tpu.memory_space<semaphore_mem>>) {add = true}
      %eq3A_360 = arith.constant 1 : i32
      %eq3A_361 = arith.cmpi eq, %arg0, %eq3A_360 : i32
      %convert_element_type3A_362 = arith.extui %eq3A_361 : i1 to i32
      %cond3A_363 = arith.constant 0 : i32
      %cond3A_364 = arith.cmpi ne, %convert_element_type3A_362, %cond3A_363 : i32
      scf.if %cond3A_364 {
        %dma_start3A_533 = arith.constant 11 : i32
        %dma_start3A_534 = arith.constant 0 : i32
        %dma_start3A_535 = tpu.memref_slice %arg10[%dma_start3A_533, %dma_start3A_534] : memref<20x128xi32, #tpu.memory_space<vmem>> -> memref<1x128xi32, #tpu.memory_space<vmem>>
        %dma_start3A_536 = tpu.memref_squeeze %dma_start3A_535 : memref<1x128xi32, #tpu.memory_space<vmem>> -> memref<128xi32, #tpu.memory_space<vmem>>
        %dma_start3A_537 = arith.constant 0 : i32
        %dma_start3A_538 = arith.constant 0 : i32
        %dma_start3A_539 = tpu.memref_slice %arg21[%dma_start3A_537, %dma_start3A_538] : memref<10240x16xf32, #tpu.memory_space<vmem_shared>> -> memref<10240x16xf32, #tpu.memory_space<vmem_shared>>
        tpu.enqueue_indirect_dma source(%arg17 : memref<128x16xf32, #tpu.memory_space<vmem>>) target(%dma_start3A_539 : memref<10240x16xf32, #tpu.memory_space<vmem_shared>>) offsets(%dma_start3A_536 : memref<128xi32, #tpu.memory_space<vmem>>) semaphore(%arg28 : memref<!tpu.dma_semaphore, #tpu.memory_space<semaphore_mem>>) {add = true}
      } else {
      }
      %eq3A_365 = arith.constant 0 : i32
      %eq3A_366 = arith.cmpi eq, %arg0, %eq3A_365 : i32
      %convert_element_type3A_367 = arith.extui %eq3A_366 : i1 to i32
      %cond3A_368 = arith.constant 0 : i32
      %cond3A_369 = arith.cmpi ne, %convert_element_type3A_367, %cond3A_368 : i32
      scf.if %cond3A_369 {
        %dma_start3A_533 = arith.constant 16 : i32
        %dma_start3A_534 = arith.constant 0 : i32
        %dma_start3A_535 = tpu.memref_slice %arg10[%dma_start3A_533, %dma_start3A_534] : memref<20x128xi32, #tpu.memory_space<vmem>> -> memref<1x128xi32, #tpu.memory_space<vmem>>
        %dma_start3A_536 = tpu.memref_squeeze %dma_start3A_535 : memref<1x128xi32, #tpu.memory_space<vmem>> -> memref<128xi32, #tpu.memory_space<vmem>>
        %dma_start3A_537 = arith.constant 0 : i32
        %dma_start3A_538 = arith.constant 0 : i32
        %dma_start3A_539 = tpu.memref_slice %arg2[%dma_start3A_537, %dma_start3A_538] : memref<10000x64xf32, #tpu.memory_space<hbm>> -> memref<10000x64xf32, #tpu.memory_space<hbm>>
        tpu.enqueue_indirect_dma source(%dma_start3A_539 : memref<10000x64xf32, #tpu.memory_space<hbm>>) target(%arg13 : memref<128x64xf32, #tpu.memory_space<vmem>>) offsets(%dma_start3A_536 : memref<128xi32, #tpu.memory_space<vmem>>) semaphore(%arg24 : memref<!tpu.dma_semaphore, #tpu.memory_space<semaphore_mem>>)
      } else {
      }
      %eq3A_370 = arith.constant 1 : i32
      %eq3A_371 = arith.cmpi eq, %arg0, %eq3A_370 : i32
      %convert_element_type3A_372 = arith.extui %eq3A_371 : i1 to i32
      %cond3A_373 = arith.constant 0 : i32
      %cond3A_374 = arith.cmpi ne, %convert_element_type3A_372, %cond3A_373 : i32
      scf.if %cond3A_374 {
        %dma_start3A_533 = arith.constant 16 : i32
        %dma_start3A_534 = arith.constant 0 : i32
        %dma_start3A_535 = tpu.memref_slice %arg10[%dma_start3A_533, %dma_start3A_534] : memref<20x128xi32, #tpu.memory_space<vmem>> -> memref<1x128xi32, #tpu.memory_space<vmem>>
        %dma_start3A_536 = tpu.memref_squeeze %dma_start3A_535 : memref<1x128xi32, #tpu.memory_space<vmem>> -> memref<128xi32, #tpu.memory_space<vmem>>
        %dma_start3A_537 = arith.constant 0 : i32
        %dma_start3A_538 = arith.constant 0 : i32
        %dma_start3A_539 = tpu.memref_slice %arg3[%dma_start3A_537, %dma_start3A_538] : memref<10000x64xf32, #tpu.memory_space<hbm>> -> memref<10000x64xf32, #tpu.memory_space<hbm>>
        tpu.enqueue_indirect_dma source(%dma_start3A_539 : memref<10000x64xf32, #tpu.memory_space<hbm>>) target(%arg13 : memref<128x64xf32, #tpu.memory_space<vmem>>) offsets(%dma_start3A_536 : memref<128xi32, #tpu.memory_space<vmem>>) semaphore(%arg24 : memref<!tpu.dma_semaphore, #tpu.memory_space<semaphore_mem>>)
      } else {
      }
      %dma_wait3A_375 = arith.constant 12 : i32
      %dma_wait3A_376 = arith.constant 0 : i32
      %dma_wait3A_377 = tpu.memref_slice %arg10[%dma_wait3A_375, %dma_wait3A_376] : memref<20x128xi32, #tpu.memory_space<vmem>> -> memref<1x128xi32, #tpu.memory_space<vmem>>
      %dma_wait3A_378 = tpu.memref_squeeze %dma_wait3A_377 : memref<1x128xi32, #tpu.memory_space<vmem>> -> memref<128xi32, #tpu.memory_space<vmem>>
      %dma_wait3A_379 = arith.constant 0 : i32
      %dma_wait3A_380 = arith.constant 0 : i32
      %dma_wait3A_381 = tpu.memref_slice %arg2[%dma_wait3A_379, %dma_wait3A_380] : memref<10000x64xf32, #tpu.memory_space<hbm>> -> memref<10000x64xf32, #tpu.memory_space<hbm>>
      tpu.wait_indirect_dma semaphore(%arg22 : memref<!tpu.dma_semaphore, #tpu.memory_space<semaphore_mem>>) src(%dma_wait3A_381 : memref<10000x64xf32, #tpu.memory_space<hbm>>) dst(%arg11 : memref<128x64xf32, #tpu.memory_space<vmem>>)
      %dma_wait3A_382 = arith.constant 9 : i32
      %dma_wait3A_383 = arith.constant 0 : i32
      %dma_wait3A_384 = tpu.memref_slice %arg10[%dma_wait3A_382, %dma_wait3A_383] : memref<20x128xi32, #tpu.memory_space<vmem>> -> memref<1x128xi32, #tpu.memory_space<vmem>>
      %dma_wait3A_385 = tpu.memref_squeeze %dma_wait3A_384 : memref<1x128xi32, #tpu.memory_space<vmem>> -> memref<128xi32, #tpu.memory_space<vmem>>
      %dma_wait3A_386 = arith.constant 0 : i32
      %dma_wait3A_387 = arith.constant 0 : i32
      %dma_wait3A_388 = tpu.memref_slice %arg20[%dma_wait3A_386, %dma_wait3A_387] : memref<10240x64xf32, #tpu.memory_space<vmem_shared>> -> memref<10240x64xf32, #tpu.memory_space<vmem_shared>>
      tpu.wait_indirect_dma semaphore(%arg25 : memref<!tpu.dma_semaphore, #tpu.memory_space<semaphore_mem>>) src(%arg15 : memref<128x64xf32, #tpu.memory_space<vmem>>) dst(%dma_wait3A_388 : memref<10240x64xf32, #tpu.memory_space<vmem_shared>>)
      %eq3A_389 = arith.constant 0 : i32
      %eq3A_390 = arith.cmpi eq, %arg0, %eq3A_389 : i32
      %convert_element_type3A_391 = arith.extui %eq3A_390 : i1 to i32
      %cond3A_392 = arith.constant 0 : i32
      %cond3A_393 = arith.cmpi ne, %convert_element_type3A_391, %cond3A_392 : i32
      scf.if %cond3A_393 {
        %dma_wait3A_533 = arith.constant 9 : i32
        %dma_wait3A_534 = arith.constant 0 : i32
        %dma_wait3A_535 = tpu.memref_slice %arg10[%dma_wait3A_533, %dma_wait3A_534] : memref<20x128xi32, #tpu.memory_space<vmem>> -> memref<1x128xi32, #tpu.memory_space<vmem>>
        %dma_wait3A_536 = tpu.memref_squeeze %dma_wait3A_535 : memref<1x128xi32, #tpu.memory_space<vmem>> -> memref<128xi32, #tpu.memory_space<vmem>>
        %dma_wait3A_537 = arith.constant 0 : i32
        %dma_wait3A_538 = arith.constant 0 : i32
        %dma_wait3A_539 = tpu.memref_slice %arg21[%dma_wait3A_537, %dma_wait3A_538] : memref<10240x16xf32, #tpu.memory_space<vmem_shared>> -> memref<10240x16xf32, #tpu.memory_space<vmem_shared>>
        tpu.wait_indirect_dma semaphore(%arg27 : memref<!tpu.dma_semaphore, #tpu.memory_space<semaphore_mem>>) src(%arg17 : memref<128x16xf32, #tpu.memory_space<vmem>>) dst(%dma_wait3A_539 : memref<10240x16xf32, #tpu.memory_space<vmem_shared>>)
      } else {
      }
      %dma_start3A_394 = arith.constant 13 : i32
      %dma_start3A_395 = arith.constant 0 : i32
      %dma_start3A_396 = tpu.memref_slice %arg10[%dma_start3A_394, %dma_start3A_395] : memref<20x128xi32, #tpu.memory_space<vmem>> -> memref<1x128xi32, #tpu.memory_space<vmem>>
      %dma_start3A_397 = tpu.memref_squeeze %dma_start3A_396 : memref<1x128xi32, #tpu.memory_space<vmem>> -> memref<128xi32, #tpu.memory_space<vmem>>
      %dma_start3A_398 = arith.constant 0 : i32
      %dma_start3A_399 = arith.constant 0 : i32
      %dma_start3A_400 = tpu.memref_slice %arg20[%dma_start3A_398, %dma_start3A_399] : memref<10240x64xf32, #tpu.memory_space<vmem_shared>> -> memref<10240x64xf32, #tpu.memory_space<vmem_shared>>
      tpu.enqueue_indirect_dma source(%arg11 : memref<128x64xf32, #tpu.memory_space<vmem>>) target(%dma_start3A_400 : memref<10240x64xf32, #tpu.memory_space<vmem_shared>>) offsets(%dma_start3A_397 : memref<128xi32, #tpu.memory_space<vmem>>) semaphore(%arg25 : memref<!tpu.dma_semaphore, #tpu.memory_space<semaphore_mem>>) {add = true}
      %eq3A_401 = arith.constant 0 : i32
      %eq3A_402 = arith.cmpi eq, %arg0, %eq3A_401 : i32
      %convert_element_type3A_403 = arith.extui %eq3A_402 : i1 to i32
      %cond3A_404 = arith.constant 0 : i32
      %cond3A_405 = arith.cmpi ne, %convert_element_type3A_403, %cond3A_404 : i32
      scf.if %cond3A_405 {
        %dma_start3A_533 = arith.constant 13 : i32
        %dma_start3A_534 = arith.constant 0 : i32
        %dma_start3A_535 = tpu.memref_slice %arg10[%dma_start3A_533, %dma_start3A_534] : memref<20x128xi32, #tpu.memory_space<vmem>> -> memref<1x128xi32, #tpu.memory_space<vmem>>
        %dma_start3A_536 = tpu.memref_squeeze %dma_start3A_535 : memref<1x128xi32, #tpu.memory_space<vmem>> -> memref<128xi32, #tpu.memory_space<vmem>>
        %dma_start3A_537 = arith.constant 0 : i32
        %dma_start3A_538 = arith.constant 0 : i32
        %dma_start3A_539 = tpu.memref_slice %arg21[%dma_start3A_537, %dma_start3A_538] : memref<10240x16xf32, #tpu.memory_space<vmem_shared>> -> memref<10240x16xf32, #tpu.memory_space<vmem_shared>>
        tpu.enqueue_indirect_dma source(%arg17 : memref<128x16xf32, #tpu.memory_space<vmem>>) target(%dma_start3A_539 : memref<10240x16xf32, #tpu.memory_space<vmem_shared>>) offsets(%dma_start3A_536 : memref<128xi32, #tpu.memory_space<vmem>>) semaphore(%arg27 : memref<!tpu.dma_semaphore, #tpu.memory_space<semaphore_mem>>) {add = true}
      } else {
      }
      %eq3A_406 = arith.constant 0 : i32
      %eq3A_407 = arith.cmpi eq, %arg0, %eq3A_406 : i32
      %convert_element_type3A_408 = arith.extui %eq3A_407 : i1 to i32
      %cond3A_409 = arith.constant 0 : i32
      %cond3A_410 = arith.cmpi ne, %convert_element_type3A_408, %cond3A_409 : i32
      scf.if %cond3A_410 {
        %dma_start3A_533 = arith.constant 18 : i32
        %dma_start3A_534 = arith.constant 0 : i32
        %dma_start3A_535 = tpu.memref_slice %arg10[%dma_start3A_533, %dma_start3A_534] : memref<20x128xi32, #tpu.memory_space<vmem>> -> memref<1x128xi32, #tpu.memory_space<vmem>>
        %dma_start3A_536 = tpu.memref_squeeze %dma_start3A_535 : memref<1x128xi32, #tpu.memory_space<vmem>> -> memref<128xi32, #tpu.memory_space<vmem>>
        %dma_start3A_537 = arith.constant 0 : i32
        %dma_start3A_538 = arith.constant 0 : i32
        %dma_start3A_539 = tpu.memref_slice %arg2[%dma_start3A_537, %dma_start3A_538] : memref<10000x64xf32, #tpu.memory_space<hbm>> -> memref<10000x64xf32, #tpu.memory_space<hbm>>
        tpu.enqueue_indirect_dma source(%dma_start3A_539 : memref<10000x64xf32, #tpu.memory_space<hbm>>) target(%arg14 : memref<128x64xf32, #tpu.memory_space<vmem>>) offsets(%dma_start3A_536 : memref<128xi32, #tpu.memory_space<vmem>>) semaphore(%arg22 : memref<!tpu.dma_semaphore, #tpu.memory_space<semaphore_mem>>)
      } else {
      }
      %eq3A_411 = arith.constant 1 : i32
      %eq3A_412 = arith.cmpi eq, %arg0, %eq3A_411 : i32
      %convert_element_type3A_413 = arith.extui %eq3A_412 : i1 to i32
      %cond3A_414 = arith.constant 0 : i32
      %cond3A_415 = arith.cmpi ne, %convert_element_type3A_413, %cond3A_414 : i32
      scf.if %cond3A_415 {
        %dma_start3A_533 = arith.constant 18 : i32
        %dma_start3A_534 = arith.constant 0 : i32
        %dma_start3A_535 = tpu.memref_slice %arg10[%dma_start3A_533, %dma_start3A_534] : memref<20x128xi32, #tpu.memory_space<vmem>> -> memref<1x128xi32, #tpu.memory_space<vmem>>
        %dma_start3A_536 = tpu.memref_squeeze %dma_start3A_535 : memref<1x128xi32, #tpu.memory_space<vmem>> -> memref<128xi32, #tpu.memory_space<vmem>>
        %dma_start3A_537 = arith.constant 0 : i32
        %dma_start3A_538 = arith.constant 0 : i32
        %dma_start3A_539 = tpu.memref_slice %arg3[%dma_start3A_537, %dma_start3A_538] : memref<10000x64xf32, #tpu.memory_space<hbm>> -> memref<10000x64xf32, #tpu.memory_space<hbm>>
        tpu.enqueue_indirect_dma source(%dma_start3A_539 : memref<10000x64xf32, #tpu.memory_space<hbm>>) target(%arg14 : memref<128x64xf32, #tpu.memory_space<vmem>>) offsets(%dma_start3A_536 : memref<128xi32, #tpu.memory_space<vmem>>) semaphore(%arg22 : memref<!tpu.dma_semaphore, #tpu.memory_space<semaphore_mem>>)
      } else {
      }
      %dma_wait3A_416 = arith.constant 14 : i32
      %dma_wait3A_417 = arith.constant 0 : i32
      %dma_wait3A_418 = tpu.memref_slice %arg10[%dma_wait3A_416, %dma_wait3A_417] : memref<20x128xi32, #tpu.memory_space<vmem>> -> memref<1x128xi32, #tpu.memory_space<vmem>>
      %dma_wait3A_419 = tpu.memref_squeeze %dma_wait3A_418 : memref<1x128xi32, #tpu.memory_space<vmem>> -> memref<128xi32, #tpu.memory_space<vmem>>
      %dma_wait3A_420 = arith.constant 0 : i32
      %dma_wait3A_421 = arith.constant 0 : i32
      %dma_wait3A_422 = tpu.memref_slice %arg2[%dma_wait3A_420, %dma_wait3A_421] : memref<10000x64xf32, #tpu.memory_space<hbm>> -> memref<10000x64xf32, #tpu.memory_space<hbm>>
      tpu.wait_indirect_dma semaphore(%arg23 : memref<!tpu.dma_semaphore, #tpu.memory_space<semaphore_mem>>) src(%dma_wait3A_422 : memref<10000x64xf32, #tpu.memory_space<hbm>>) dst(%arg12 : memref<128x64xf32, #tpu.memory_space<vmem>>)
      %dma_wait3A_423 = arith.constant 11 : i32
      %dma_wait3A_424 = arith.constant 0 : i32
      %dma_wait3A_425 = tpu.memref_slice %arg10[%dma_wait3A_423, %dma_wait3A_424] : memref<20x128xi32, #tpu.memory_space<vmem>> -> memref<1x128xi32, #tpu.memory_space<vmem>>
      %dma_wait3A_426 = tpu.memref_squeeze %dma_wait3A_425 : memref<1x128xi32, #tpu.memory_space<vmem>> -> memref<128xi32, #tpu.memory_space<vmem>>
      %dma_wait3A_427 = arith.constant 0 : i32
      %dma_wait3A_428 = arith.constant 0 : i32
      %dma_wait3A_429 = tpu.memref_slice %arg20[%dma_wait3A_427, %dma_wait3A_428] : memref<10240x64xf32, #tpu.memory_space<vmem_shared>> -> memref<10240x64xf32, #tpu.memory_space<vmem_shared>>
      tpu.wait_indirect_dma semaphore(%arg26 : memref<!tpu.dma_semaphore, #tpu.memory_space<semaphore_mem>>) src(%arg16 : memref<128x64xf32, #tpu.memory_space<vmem>>) dst(%dma_wait3A_429 : memref<10240x64xf32, #tpu.memory_space<vmem_shared>>)
      %eq3A_430 = arith.constant 1 : i32
      %eq3A_431 = arith.cmpi eq, %arg0, %eq3A_430 : i32
      %convert_element_type3A_432 = arith.extui %eq3A_431 : i1 to i32
      %cond3A_433 = arith.constant 0 : i32
      %cond3A_434 = arith.cmpi ne, %convert_element_type3A_432, %cond3A_433 : i32
      scf.if %cond3A_434 {
        %dma_wait3A_533 = arith.constant 11 : i32
        %dma_wait3A_534 = arith.constant 0 : i32
        %dma_wait3A_535 = tpu.memref_slice %arg10[%dma_wait3A_533, %dma_wait3A_534] : memref<20x128xi32, #tpu.memory_space<vmem>> -> memref<1x128xi32, #tpu.memory_space<vmem>>
        %dma_wait3A_536 = tpu.memref_squeeze %dma_wait3A_535 : memref<1x128xi32, #tpu.memory_space<vmem>> -> memref<128xi32, #tpu.memory_space<vmem>>
        %dma_wait3A_537 = arith.constant 0 : i32
        %dma_wait3A_538 = arith.constant 0 : i32
        %dma_wait3A_539 = tpu.memref_slice %arg21[%dma_wait3A_537, %dma_wait3A_538] : memref<10240x16xf32, #tpu.memory_space<vmem_shared>> -> memref<10240x16xf32, #tpu.memory_space<vmem_shared>>
        tpu.wait_indirect_dma semaphore(%arg28 : memref<!tpu.dma_semaphore, #tpu.memory_space<semaphore_mem>>) src(%arg17 : memref<128x16xf32, #tpu.memory_space<vmem>>) dst(%dma_wait3A_539 : memref<10240x16xf32, #tpu.memory_space<vmem_shared>>)
      } else {
      }
      %dma_start3A_435 = arith.constant 15 : i32
      %dma_start3A_436 = arith.constant 0 : i32
      %dma_start3A_437 = tpu.memref_slice %arg10[%dma_start3A_435, %dma_start3A_436] : memref<20x128xi32, #tpu.memory_space<vmem>> -> memref<1x128xi32, #tpu.memory_space<vmem>>
      %dma_start3A_438 = tpu.memref_squeeze %dma_start3A_437 : memref<1x128xi32, #tpu.memory_space<vmem>> -> memref<128xi32, #tpu.memory_space<vmem>>
      %dma_start3A_439 = arith.constant 0 : i32
      %dma_start3A_440 = arith.constant 0 : i32
      %dma_start3A_441 = tpu.memref_slice %arg20[%dma_start3A_439, %dma_start3A_440] : memref<10240x64xf32, #tpu.memory_space<vmem_shared>> -> memref<10240x64xf32, #tpu.memory_space<vmem_shared>>
      tpu.enqueue_indirect_dma source(%arg12 : memref<128x64xf32, #tpu.memory_space<vmem>>) target(%dma_start3A_441 : memref<10240x64xf32, #tpu.memory_space<vmem_shared>>) offsets(%dma_start3A_438 : memref<128xi32, #tpu.memory_space<vmem>>) semaphore(%arg26 : memref<!tpu.dma_semaphore, #tpu.memory_space<semaphore_mem>>) {add = true}
      %eq3A_442 = arith.constant 1 : i32
      %eq3A_443 = arith.cmpi eq, %arg0, %eq3A_442 : i32
      %convert_element_type3A_444 = arith.extui %eq3A_443 : i1 to i32
      %cond3A_445 = arith.constant 0 : i32
      %cond3A_446 = arith.cmpi ne, %convert_element_type3A_444, %cond3A_445 : i32
      scf.if %cond3A_446 {
        %dma_start3A_533 = arith.constant 15 : i32
        %dma_start3A_534 = arith.constant 0 : i32
        %dma_start3A_535 = tpu.memref_slice %arg10[%dma_start3A_533, %dma_start3A_534] : memref<20x128xi32, #tpu.memory_space<vmem>> -> memref<1x128xi32, #tpu.memory_space<vmem>>
        %dma_start3A_536 = tpu.memref_squeeze %dma_start3A_535 : memref<1x128xi32, #tpu.memory_space<vmem>> -> memref<128xi32, #tpu.memory_space<vmem>>
        %dma_start3A_537 = arith.constant 0 : i32
        %dma_start3A_538 = arith.constant 0 : i32
        %dma_start3A_539 = tpu.memref_slice %arg21[%dma_start3A_537, %dma_start3A_538] : memref<10240x16xf32, #tpu.memory_space<vmem_shared>> -> memref<10240x16xf32, #tpu.memory_space<vmem_shared>>
        tpu.enqueue_indirect_dma source(%arg17 : memref<128x16xf32, #tpu.memory_space<vmem>>) target(%dma_start3A_539 : memref<10240x16xf32, #tpu.memory_space<vmem_shared>>) offsets(%dma_start3A_536 : memref<128xi32, #tpu.memory_space<vmem>>) semaphore(%arg28 : memref<!tpu.dma_semaphore, #tpu.memory_space<semaphore_mem>>) {add = true}
      } else {
      }
      %dma_wait3A_447 = arith.constant 16 : i32
      %dma_wait3A_448 = arith.constant 0 : i32
      %dma_wait3A_449 = tpu.memref_slice %arg10[%dma_wait3A_447, %dma_wait3A_448] : memref<20x128xi32, #tpu.memory_space<vmem>> -> memref<1x128xi32, #tpu.memory_space<vmem>>
      %dma_wait3A_450 = tpu.memref_squeeze %dma_wait3A_449 : memref<1x128xi32, #tpu.memory_space<vmem>> -> memref<128xi32, #tpu.memory_space<vmem>>
      %dma_wait3A_451 = arith.constant 0 : i32
      %dma_wait3A_452 = arith.constant 0 : i32
      %dma_wait3A_453 = tpu.memref_slice %arg2[%dma_wait3A_451, %dma_wait3A_452] : memref<10000x64xf32, #tpu.memory_space<hbm>> -> memref<10000x64xf32, #tpu.memory_space<hbm>>
      tpu.wait_indirect_dma semaphore(%arg24 : memref<!tpu.dma_semaphore, #tpu.memory_space<semaphore_mem>>) src(%dma_wait3A_453 : memref<10000x64xf32, #tpu.memory_space<hbm>>) dst(%arg13 : memref<128x64xf32, #tpu.memory_space<vmem>>)
      %dma_wait3A_454 = arith.constant 13 : i32
      %dma_wait3A_455 = arith.constant 0 : i32
      %dma_wait3A_456 = tpu.memref_slice %arg10[%dma_wait3A_454, %dma_wait3A_455] : memref<20x128xi32, #tpu.memory_space<vmem>> -> memref<1x128xi32, #tpu.memory_space<vmem>>
      %dma_wait3A_457 = tpu.memref_squeeze %dma_wait3A_456 : memref<1x128xi32, #tpu.memory_space<vmem>> -> memref<128xi32, #tpu.memory_space<vmem>>
      %dma_wait3A_458 = arith.constant 0 : i32
      %dma_wait3A_459 = arith.constant 0 : i32
      %dma_wait3A_460 = tpu.memref_slice %arg20[%dma_wait3A_458, %dma_wait3A_459] : memref<10240x64xf32, #tpu.memory_space<vmem_shared>> -> memref<10240x64xf32, #tpu.memory_space<vmem_shared>>
      tpu.wait_indirect_dma semaphore(%arg25 : memref<!tpu.dma_semaphore, #tpu.memory_space<semaphore_mem>>) src(%arg11 : memref<128x64xf32, #tpu.memory_space<vmem>>) dst(%dma_wait3A_460 : memref<10240x64xf32, #tpu.memory_space<vmem_shared>>)
      %eq3A_461 = arith.constant 0 : i32
      %eq3A_462 = arith.cmpi eq, %arg0, %eq3A_461 : i32
      %convert_element_type3A_463 = arith.extui %eq3A_462 : i1 to i32
      %cond3A_464 = arith.constant 0 : i32
      %cond3A_465 = arith.cmpi ne, %convert_element_type3A_463, %cond3A_464 : i32
      scf.if %cond3A_465 {
        %dma_wait3A_533 = arith.constant 13 : i32
        %dma_wait3A_534 = arith.constant 0 : i32
        %dma_wait3A_535 = tpu.memref_slice %arg10[%dma_wait3A_533, %dma_wait3A_534] : memref<20x128xi32, #tpu.memory_space<vmem>> -> memref<1x128xi32, #tpu.memory_space<vmem>>
        %dma_wait3A_536 = tpu.memref_squeeze %dma_wait3A_535 : memref<1x128xi32, #tpu.memory_space<vmem>> -> memref<128xi32, #tpu.memory_space<vmem>>
        %dma_wait3A_537 = arith.constant 0 : i32
        %dma_wait3A_538 = arith.constant 0 : i32
        %dma_wait3A_539 = tpu.memref_slice %arg21[%dma_wait3A_537, %dma_wait3A_538] : memref<10240x16xf32, #tpu.memory_space<vmem_shared>> -> memref<10240x16xf32, #tpu.memory_space<vmem_shared>>
        tpu.wait_indirect_dma semaphore(%arg27 : memref<!tpu.dma_semaphore, #tpu.memory_space<semaphore_mem>>) src(%arg17 : memref<128x16xf32, #tpu.memory_space<vmem>>) dst(%dma_wait3A_539 : memref<10240x16xf32, #tpu.memory_space<vmem_shared>>)
      } else {
      }
      %dma_start3A_466 = arith.constant 17 : i32
      %dma_start3A_467 = arith.constant 0 : i32
      %dma_start3A_468 = tpu.memref_slice %arg10[%dma_start3A_466, %dma_start3A_467] : memref<20x128xi32, #tpu.memory_space<vmem>> -> memref<1x128xi32, #tpu.memory_space<vmem>>
      %dma_start3A_469 = tpu.memref_squeeze %dma_start3A_468 : memref<1x128xi32, #tpu.memory_space<vmem>> -> memref<128xi32, #tpu.memory_space<vmem>>
      %dma_start3A_470 = arith.constant 0 : i32
      %dma_start3A_471 = arith.constant 0 : i32
      %dma_start3A_472 = tpu.memref_slice %arg20[%dma_start3A_470, %dma_start3A_471] : memref<10240x64xf32, #tpu.memory_space<vmem_shared>> -> memref<10240x64xf32, #tpu.memory_space<vmem_shared>>
      tpu.enqueue_indirect_dma source(%arg13 : memref<128x64xf32, #tpu.memory_space<vmem>>) target(%dma_start3A_472 : memref<10240x64xf32, #tpu.memory_space<vmem_shared>>) offsets(%dma_start3A_469 : memref<128xi32, #tpu.memory_space<vmem>>) semaphore(%arg25 : memref<!tpu.dma_semaphore, #tpu.memory_space<semaphore_mem>>) {add = true}
      %eq3A_473 = arith.constant 0 : i32
      %eq3A_474 = arith.cmpi eq, %arg0, %eq3A_473 : i32
      %convert_element_type3A_475 = arith.extui %eq3A_474 : i1 to i32
      %cond3A_476 = arith.constant 0 : i32
      %cond3A_477 = arith.cmpi ne, %convert_element_type3A_475, %cond3A_476 : i32
      scf.if %cond3A_477 {
        %dma_start3A_533 = arith.constant 17 : i32
        %dma_start3A_534 = arith.constant 0 : i32
        %dma_start3A_535 = tpu.memref_slice %arg10[%dma_start3A_533, %dma_start3A_534] : memref<20x128xi32, #tpu.memory_space<vmem>> -> memref<1x128xi32, #tpu.memory_space<vmem>>
        %dma_start3A_536 = tpu.memref_squeeze %dma_start3A_535 : memref<1x128xi32, #tpu.memory_space<vmem>> -> memref<128xi32, #tpu.memory_space<vmem>>
        %dma_start3A_537 = arith.constant 0 : i32
        %dma_start3A_538 = arith.constant 0 : i32
        %dma_start3A_539 = tpu.memref_slice %arg21[%dma_start3A_537, %dma_start3A_538] : memref<10240x16xf32, #tpu.memory_space<vmem_shared>> -> memref<10240x16xf32, #tpu.memory_space<vmem_shared>>
        tpu.enqueue_indirect_dma source(%arg17 : memref<128x16xf32, #tpu.memory_space<vmem>>) target(%dma_start3A_539 : memref<10240x16xf32, #tpu.memory_space<vmem_shared>>) offsets(%dma_start3A_536 : memref<128xi32, #tpu.memory_space<vmem>>) semaphore(%arg27 : memref<!tpu.dma_semaphore, #tpu.memory_space<semaphore_mem>>) {add = true}
      } else {
      }
      %dma_wait3A_478 = arith.constant 18 : i32
      %dma_wait3A_479 = arith.constant 0 : i32
      %dma_wait3A_480 = tpu.memref_slice %arg10[%dma_wait3A_478, %dma_wait3A_479] : memref<20x128xi32, #tpu.memory_space<vmem>> -> memref<1x128xi32, #tpu.memory_space<vmem>>
      %dma_wait3A_481 = tpu.memref_squeeze %dma_wait3A_480 : memref<1x128xi32, #tpu.memory_space<vmem>> -> memref<128xi32, #tpu.memory_space<vmem>>
      %dma_wait3A_482 = arith.constant 0 : i32
      %dma_wait3A_483 = arith.constant 0 : i32
      %dma_wait3A_484 = tpu.memref_slice %arg2[%dma_wait3A_482, %dma_wait3A_483] : memref<10000x64xf32, #tpu.memory_space<hbm>> -> memref<10000x64xf32, #tpu.memory_space<hbm>>
      tpu.wait_indirect_dma semaphore(%arg22 : memref<!tpu.dma_semaphore, #tpu.memory_space<semaphore_mem>>) src(%dma_wait3A_484 : memref<10000x64xf32, #tpu.memory_space<hbm>>) dst(%arg14 : memref<128x64xf32, #tpu.memory_space<vmem>>)
      %dma_wait3A_485 = arith.constant 15 : i32
      %dma_wait3A_486 = arith.constant 0 : i32
      %dma_wait3A_487 = tpu.memref_slice %arg10[%dma_wait3A_485, %dma_wait3A_486] : memref<20x128xi32, #tpu.memory_space<vmem>> -> memref<1x128xi32, #tpu.memory_space<vmem>>
      %dma_wait3A_488 = tpu.memref_squeeze %dma_wait3A_487 : memref<1x128xi32, #tpu.memory_space<vmem>> -> memref<128xi32, #tpu.memory_space<vmem>>
      %dma_wait3A_489 = arith.constant 0 : i32
      %dma_wait3A_490 = arith.constant 0 : i32
      %dma_wait3A_491 = tpu.memref_slice %arg20[%dma_wait3A_489, %dma_wait3A_490] : memref<10240x64xf32, #tpu.memory_space<vmem_shared>> -> memref<10240x64xf32, #tpu.memory_space<vmem_shared>>
      tpu.wait_indirect_dma semaphore(%arg26 : memref<!tpu.dma_semaphore, #tpu.memory_space<semaphore_mem>>) src(%arg12 : memref<128x64xf32, #tpu.memory_space<vmem>>) dst(%dma_wait3A_491 : memref<10240x64xf32, #tpu.memory_space<vmem_shared>>)
      %eq3A_492 = arith.constant 1 : i32
      %eq3A_493 = arith.cmpi eq, %arg0, %eq3A_492 : i32
      %convert_element_type3A_494 = arith.extui %eq3A_493 : i1 to i32
      %cond3A_495 = arith.constant 0 : i32
      %cond3A_496 = arith.cmpi ne, %convert_element_type3A_494, %cond3A_495 : i32
      scf.if %cond3A_496 {
        %dma_wait3A_533 = arith.constant 15 : i32
        %dma_wait3A_534 = arith.constant 0 : i32
        %dma_wait3A_535 = tpu.memref_slice %arg10[%dma_wait3A_533, %dma_wait3A_534] : memref<20x128xi32, #tpu.memory_space<vmem>> -> memref<1x128xi32, #tpu.memory_space<vmem>>
        %dma_wait3A_536 = tpu.memref_squeeze %dma_wait3A_535 : memref<1x128xi32, #tpu.memory_space<vmem>> -> memref<128xi32, #tpu.memory_space<vmem>>
        %dma_wait3A_537 = arith.constant 0 : i32
        %dma_wait3A_538 = arith.constant 0 : i32
        %dma_wait3A_539 = tpu.memref_slice %arg21[%dma_wait3A_537, %dma_wait3A_538] : memref<10240x16xf32, #tpu.memory_space<vmem_shared>> -> memref<10240x16xf32, #tpu.memory_space<vmem_shared>>
        tpu.wait_indirect_dma semaphore(%arg28 : memref<!tpu.dma_semaphore, #tpu.memory_space<semaphore_mem>>) src(%arg17 : memref<128x16xf32, #tpu.memory_space<vmem>>) dst(%dma_wait3A_539 : memref<10240x16xf32, #tpu.memory_space<vmem_shared>>)
      } else {
      }
      %dma_start3A_497 = arith.constant 19 : i32
      %dma_start3A_498 = arith.constant 0 : i32
      %dma_start3A_499 = tpu.memref_slice %arg10[%dma_start3A_497, %dma_start3A_498] : memref<20x128xi32, #tpu.memory_space<vmem>> -> memref<1x128xi32, #tpu.memory_space<vmem>>
      %dma_start3A_500 = tpu.memref_squeeze %dma_start3A_499 : memref<1x128xi32, #tpu.memory_space<vmem>> -> memref<128xi32, #tpu.memory_space<vmem>>
      %dma_start3A_501 = arith.constant 0 : i32
      %dma_start3A_502 = arith.constant 0 : i32
      %dma_start3A_503 = tpu.memref_slice %arg20[%dma_start3A_501, %dma_start3A_502] : memref<10240x64xf32, #tpu.memory_space<vmem_shared>> -> memref<10240x64xf32, #tpu.memory_space<vmem_shared>>
      tpu.enqueue_indirect_dma source(%arg14 : memref<128x64xf32, #tpu.memory_space<vmem>>) target(%dma_start3A_503 : memref<10240x64xf32, #tpu.memory_space<vmem_shared>>) offsets(%dma_start3A_500 : memref<128xi32, #tpu.memory_space<vmem>>) semaphore(%arg26 : memref<!tpu.dma_semaphore, #tpu.memory_space<semaphore_mem>>) {add = true}
      %eq3A_504 = arith.constant 1 : i32
      %eq3A_505 = arith.cmpi eq, %arg0, %eq3A_504 : i32
      %convert_element_type3A_506 = arith.extui %eq3A_505 : i1 to i32
      %cond3A_507 = arith.constant 0 : i32
      %cond3A_508 = arith.cmpi ne, %convert_element_type3A_506, %cond3A_507 : i32
      scf.if %cond3A_508 {
        %dma_start3A_533 = arith.constant 19 : i32
        %dma_start3A_534 = arith.constant 0 : i32
        %dma_start3A_535 = tpu.memref_slice %arg10[%dma_start3A_533, %dma_start3A_534] : memref<20x128xi32, #tpu.memory_space<vmem>> -> memref<1x128xi32, #tpu.memory_space<vmem>>
        %dma_start3A_536 = tpu.memref_squeeze %dma_start3A_535 : memref<1x128xi32, #tpu.memory_space<vmem>> -> memref<128xi32, #tpu.memory_space<vmem>>
        %dma_start3A_537 = arith.constant 0 : i32
        %dma_start3A_538 = arith.constant 0 : i32
        %dma_start3A_539 = tpu.memref_slice %arg21[%dma_start3A_537, %dma_start3A_538] : memref<10240x16xf32, #tpu.memory_space<vmem_shared>> -> memref<10240x16xf32, #tpu.memory_space<vmem_shared>>
        tpu.enqueue_indirect_dma source(%arg17 : memref<128x16xf32, #tpu.memory_space<vmem>>) target(%dma_start3A_539 : memref<10240x16xf32, #tpu.memory_space<vmem_shared>>) offsets(%dma_start3A_536 : memref<128xi32, #tpu.memory_space<vmem>>) semaphore(%arg28 : memref<!tpu.dma_semaphore, #tpu.memory_space<semaphore_mem>>) {add = true}
      } else {
      }
      %dma_wait3A_509 = arith.constant 17 : i32
      %dma_wait3A_510 = arith.constant 0 : i32
      %dma_wait3A_511 = tpu.memref_slice %arg10[%dma_wait3A_509, %dma_wait3A_510] : memref<20x128xi32, #tpu.memory_space<vmem>> -> memref<1x128xi32, #tpu.memory_space<vmem>>
      %dma_wait3A_512 = tpu.memref_squeeze %dma_wait3A_511 : memref<1x128xi32, #tpu.memory_space<vmem>> -> memref<128xi32, #tpu.memory_space<vmem>>
      %dma_wait3A_513 = arith.constant 0 : i32
      %dma_wait3A_514 = arith.constant 0 : i32
      %dma_wait3A_515 = tpu.memref_slice %arg20[%dma_wait3A_513, %dma_wait3A_514] : memref<10240x64xf32, #tpu.memory_space<vmem_shared>> -> memref<10240x64xf32, #tpu.memory_space<vmem_shared>>
      tpu.wait_indirect_dma semaphore(%arg25 : memref<!tpu.dma_semaphore, #tpu.memory_space<semaphore_mem>>) src(%arg13 : memref<128x64xf32, #tpu.memory_space<vmem>>) dst(%dma_wait3A_515 : memref<10240x64xf32, #tpu.memory_space<vmem_shared>>)
      %eq3A_516 = arith.constant 0 : i32
      %eq3A_517 = arith.cmpi eq, %arg0, %eq3A_516 : i32
      %convert_element_type3A_518 = arith.extui %eq3A_517 : i1 to i32
      %cond3A_519 = arith.constant 0 : i32
      %cond3A_520 = arith.cmpi ne, %convert_element_type3A_518, %cond3A_519 : i32
      scf.if %cond3A_520 {
        %dma_wait3A_533 = arith.constant 17 : i32
        %dma_wait3A_534 = arith.constant 0 : i32
        %dma_wait3A_535 = tpu.memref_slice %arg10[%dma_wait3A_533, %dma_wait3A_534] : memref<20x128xi32, #tpu.memory_space<vmem>> -> memref<1x128xi32, #tpu.memory_space<vmem>>
        %dma_wait3A_536 = tpu.memref_squeeze %dma_wait3A_535 : memref<1x128xi32, #tpu.memory_space<vmem>> -> memref<128xi32, #tpu.memory_space<vmem>>
        %dma_wait3A_537 = arith.constant 0 : i32
        %dma_wait3A_538 = arith.constant 0 : i32
        %dma_wait3A_539 = tpu.memref_slice %arg21[%dma_wait3A_537, %dma_wait3A_538] : memref<10240x16xf32, #tpu.memory_space<vmem_shared>> -> memref<10240x16xf32, #tpu.memory_space<vmem_shared>>
        tpu.wait_indirect_dma semaphore(%arg27 : memref<!tpu.dma_semaphore, #tpu.memory_space<semaphore_mem>>) src(%arg17 : memref<128x16xf32, #tpu.memory_space<vmem>>) dst(%dma_wait3A_539 : memref<10240x16xf32, #tpu.memory_space<vmem_shared>>)
      } else {
      }
      %dma_wait3A_521 = arith.constant 19 : i32
      %dma_wait3A_522 = arith.constant 0 : i32
      %dma_wait3A_523 = tpu.memref_slice %arg10[%dma_wait3A_521, %dma_wait3A_522] : memref<20x128xi32, #tpu.memory_space<vmem>> -> memref<1x128xi32, #tpu.memory_space<vmem>>
      %dma_wait3A_524 = tpu.memref_squeeze %dma_wait3A_523 : memref<1x128xi32, #tpu.memory_space<vmem>> -> memref<128xi32, #tpu.memory_space<vmem>>
      %dma_wait3A_525 = arith.constant 0 : i32
      %dma_wait3A_526 = arith.constant 0 : i32
      %dma_wait3A_527 = tpu.memref_slice %arg20[%dma_wait3A_525, %dma_wait3A_526] : memref<10240x64xf32, #tpu.memory_space<vmem_shared>> -> memref<10240x64xf32, #tpu.memory_space<vmem_shared>>
      tpu.wait_indirect_dma semaphore(%arg26 : memref<!tpu.dma_semaphore, #tpu.memory_space<semaphore_mem>>) src(%arg14 : memref<128x64xf32, #tpu.memory_space<vmem>>) dst(%dma_wait3A_527 : memref<10240x64xf32, #tpu.memory_space<vmem_shared>>)
      %eq3A_528 = arith.constant 1 : i32
      %eq3A_529 = arith.cmpi eq, %arg0, %eq3A_528 : i32
      %convert_element_type3A_530 = arith.extui %eq3A_529 : i1 to i32
      %cond3A_531 = arith.constant 0 : i32
      %cond3A_532 = arith.cmpi ne, %convert_element_type3A_530, %cond3A_531 : i32
      scf.if %cond3A_532 {
        %dma_wait3A_533 = arith.constant 19 : i32
        %dma_wait3A_534 = arith.constant 0 : i32
        %dma_wait3A_535 = tpu.memref_slice %arg10[%dma_wait3A_533, %dma_wait3A_534] : memref<20x128xi32, #tpu.memory_space<vmem>> -> memref<1x128xi32, #tpu.memory_space<vmem>>
        %dma_wait3A_536 = tpu.memref_squeeze %dma_wait3A_535 : memref<1x128xi32, #tpu.memory_space<vmem>> -> memref<128xi32, #tpu.memory_space<vmem>>
        %dma_wait3A_537 = arith.constant 0 : i32
        %dma_wait3A_538 = arith.constant 0 : i32
        %dma_wait3A_539 = tpu.memref_slice %arg21[%dma_wait3A_537, %dma_wait3A_538] : memref<10240x16xf32, #tpu.memory_space<vmem_shared>> -> memref<10240x16xf32, #tpu.memory_space<vmem_shared>>
        tpu.wait_indirect_dma semaphore(%arg28 : memref<!tpu.dma_semaphore, #tpu.memory_space<semaphore_mem>>) src(%arg17 : memref<128x16xf32, #tpu.memory_space<vmem>>) dst(%dma_wait3A_539 : memref<10240x16xf32, #tpu.memory_space<vmem_shared>>)
      } else {
      }
    }
    %scan3A_25 = arith.constant 16 : i32
    %barrier3A_26 = arith.constant 0 : index
    tpu.barrier barrier_id(%barrier3A_26)
    %mul3A_27 = arith.constant 10240 : i32
    %mul3A_28 = arith.muli %arg0, %mul3A_27 : i32
    %add3A_29 = arith.addi %mul3A_28, %mul3A_0 : i32
    %add3A_30 = arith.constant 0 : i32
    %add3A_31 = arith.addi %mul3A_0, %add3A_30 : i32
    %dma_start3A = arith.constant 0 : i32
    %dma_start3A_32 = tpu.memref_slice %arg20[%add3A_31, %dma_start3A] : memref<10240x64xf32, #tpu.memory_space<vmem_shared>> -> memref<128x64xf32, #tpu.memory_space<vmem_shared>>
    %dma_start3A_33 = arith.constant 0 : i32
    %dma_start3A_34 = tpu.memref_slice %arg20[%add3A_31, %dma_start3A_33] : memref<10240x64xf32, #tpu.memory_space<vmem_shared>> -> memref<128x64xf32, #tpu.memory_space<vmem_shared>>
    tpu.enqueue_dma source(%dma_start3A_34 : memref<128x64xf32, #tpu.memory_space<vmem_shared>>) target(%arg11 : memref<128x64xf32, #tpu.memory_space<vmem>>) target_semaphore(%arg22 : memref<!tpu.dma_semaphore, #tpu.memory_space<semaphore_mem>>)
    %add3A_35 = arith.constant 128 : i32
    %add3A_36 = arith.addi %mul3A_0, %add3A_35 : i32
    %dma_start3A_37 = arith.constant 0 : i32
    %dma_start3A_38 = tpu.memref_slice %arg20[%add3A_36, %dma_start3A_37] : memref<10240x64xf32, #tpu.memory_space<vmem_shared>> -> memref<128x64xf32, #tpu.memory_space<vmem_shared>>
    %dma_start3A_39 = arith.constant 0 : i32
    %dma_start3A_40 = tpu.memref_slice %arg20[%add3A_36, %dma_start3A_39] : memref<10240x64xf32, #tpu.memory_space<vmem_shared>> -> memref<128x64xf32, #tpu.memory_space<vmem_shared>>
    tpu.enqueue_dma source(%dma_start3A_40 : memref<128x64xf32, #tpu.memory_space<vmem_shared>>) target(%arg12 : memref<128x64xf32, #tpu.memory_space<vmem>>) target_semaphore(%arg23 : memref<!tpu.dma_semaphore, #tpu.memory_space<semaphore_mem>>)
    %add3A_41 = arith.constant 256 : i32
    %add3A_42 = arith.addi %mul3A_0, %add3A_41 : i32
    %dma_start3A_43 = arith.constant 0 : i32
    %dma_start3A_44 = tpu.memref_slice %arg20[%add3A_42, %dma_start3A_43] : memref<10240x64xf32, #tpu.memory_space<vmem_shared>> -> memref<128x64xf32, #tpu.memory_space<vmem_shared>>
    %dma_start3A_45 = arith.constant 0 : i32
    %dma_start3A_46 = tpu.memref_slice %arg20[%add3A_42, %dma_start3A_45] : memref<10240x64xf32, #tpu.memory_space<vmem_shared>> -> memref<128x64xf32, #tpu.memory_space<vmem_shared>>
    tpu.enqueue_dma source(%dma_start3A_46 : memref<128x64xf32, #tpu.memory_space<vmem_shared>>) target(%arg13 : memref<128x64xf32, #tpu.memory_space<vmem>>) target_semaphore(%arg24 : memref<!tpu.dma_semaphore, #tpu.memory_space<semaphore_mem>>)
    %add3A_47 = arith.constant 0 : i32
    %add3A_48 = arith.addi %mul3A_0, %add3A_47 : i32
    %dma_wait3A = arith.constant 0 : i32
    %dma_wait3A_49 = tpu.memref_slice %arg20[%add3A_48, %dma_wait3A] : memref<10240x64xf32, #tpu.memory_space<vmem_shared>> -> memref<128x64xf32, #tpu.memory_space<vmem_shared>>
    %dma_wait3A_50 = arith.constant 0 : i32
    %dma_wait3A_51 = tpu.memref_slice %arg20[%add3A_48, %dma_wait3A_50] : memref<10240x64xf32, #tpu.memory_space<vmem_shared>> -> memref<128x64xf32, #tpu.memory_space<vmem_shared>>
    tpu.wait_dma2 semaphore(%arg22 : memref<!tpu.dma_semaphore, #tpu.memory_space<semaphore_mem>>) src(%dma_wait3A_51 : memref<128x64xf32, #tpu.memory_space<vmem_shared>>) dst(%arg11 : memref<128x64xf32, #tpu.memory_space<vmem>>)
    %add3A_52 = arith.constant 0 : i32
    %add3A_53 = arith.addi %add3A_29, %add3A_52 : i32
    "tpu.region"() ({
      %run_scoped3A = tpu.sem_alloc : memref<!tpu.dma_semaphore, #tpu.memory_space<semaphore_mem>>
      %dma_start3A_118 = arith.constant 0 : i32
      %dma_start3A_119 = tpu.memref_slice %arg8[%add3A_53, %dma_start3A_118] : memref<20480x64xf32, #tpu.memory_space<hbm>> -> memref<128x64xf32, #tpu.memory_space<hbm>>
      %dma_start3A_120 = arith.constant 0 : i32
      %dma_start3A_121 = tpu.memref_slice %arg8[%add3A_53, %dma_start3A_120] : memref<20480x64xf32, #tpu.memory_space<hbm>> -> memref<128x64xf32, #tpu.memory_space<hbm>>
      tpu.enqueue_dma source(%arg11 : memref<128x64xf32, #tpu.memory_space<vmem>>) target(%dma_start3A_121 : memref<128x64xf32, #tpu.memory_space<hbm>>) target_semaphore(%run_scoped3A : memref<!tpu.dma_semaphore, #tpu.memory_space<semaphore_mem>>)
      %dma_wait3A_122 = arith.constant 0 : i32
      %dma_wait3A_123 = tpu.memref_slice %arg8[%add3A_53, %dma_wait3A_122] : memref<20480x64xf32, #tpu.memory_space<hbm>> -> memref<128x64xf32, #tpu.memory_space<hbm>>
      %dma_wait3A_124 = arith.constant 0 : i32
      %dma_wait3A_125 = tpu.memref_slice %arg8[%add3A_53, %dma_wait3A_124] : memref<20480x64xf32, #tpu.memory_space<hbm>> -> memref<128x64xf32, #tpu.memory_space<hbm>>
      tpu.wait_dma2 semaphore(%run_scoped3A : memref<!tpu.dma_semaphore, #tpu.memory_space<semaphore_mem>>) src(%arg11 : memref<128x64xf32, #tpu.memory_space<vmem>>) dst(%dma_wait3A_125 : memref<128x64xf32, #tpu.memory_space<hbm>>)
      tpu.yield
    }) : () -> ()
    %add3A_54 = arith.constant 384 : i32
    %add3A_55 = arith.addi %mul3A_0, %add3A_54 : i32
    %dma_start3A_56 = arith.constant 0 : i32
    %dma_start3A_57 = tpu.memref_slice %arg20[%add3A_55, %dma_start3A_56] : memref<10240x64xf32, #tpu.memory_space<vmem_shared>> -> memref<128x64xf32, #tpu.memory_space<vmem_shared>>
    %dma_start3A_58 = arith.constant 0 : i32
    %dma_start3A_59 = tpu.memref_slice %arg20[%add3A_55, %dma_start3A_58] : memref<10240x64xf32, #tpu.memory_space<vmem_shared>> -> memref<128x64xf32, #tpu.memory_space<vmem_shared>>
    tpu.enqueue_dma source(%dma_start3A_59 : memref<128x64xf32, #tpu.memory_space<vmem_shared>>) target(%arg11 : memref<128x64xf32, #tpu.memory_space<vmem>>) target_semaphore(%arg22 : memref<!tpu.dma_semaphore, #tpu.memory_space<semaphore_mem>>)
    %add3A_60 = arith.constant 0 : i32
    %add3A_61 = arith.addi %mul3A_0, %add3A_60 : i32
    "tpu.region"() ({
      %run_scoped3A = tpu.sem_alloc : memref<!tpu.dma_semaphore, #tpu.memory_space<semaphore_mem>>
      %dma_start3A_118 = arith.constant 0 : i32
      %dma_start3A_119 = tpu.memref_slice %arg21[%add3A_61, %dma_start3A_118] : memref<10240x16xf32, #tpu.memory_space<vmem_shared>> -> memref<128x16xf32, #tpu.memory_space<vmem_shared>>
      %dma_start3A_120 = arith.constant 0 : i32
      %dma_start3A_121 = tpu.memref_slice %arg21[%add3A_61, %dma_start3A_120] : memref<10240x16xf32, #tpu.memory_space<vmem_shared>> -> memref<128x16xf32, #tpu.memory_space<vmem_shared>>
      tpu.enqueue_dma source(%dma_start3A_121 : memref<128x16xf32, #tpu.memory_space<vmem_shared>>) target(%arg19 : memref<128x16xf32, #tpu.memory_space<vmem>>) target_semaphore(%run_scoped3A : memref<!tpu.dma_semaphore, #tpu.memory_space<semaphore_mem>>)
      %dma_wait3A_122 = arith.constant 0 : i32
      %dma_wait3A_123 = tpu.memref_slice %arg21[%add3A_61, %dma_wait3A_122] : memref<10240x16xf32, #tpu.memory_space<vmem_shared>> -> memref<128x16xf32, #tpu.memory_space<vmem_shared>>
      %dma_wait3A_124 = arith.constant 0 : i32
      %dma_wait3A_125 = tpu.memref_slice %arg21[%add3A_61, %dma_wait3A_124] : memref<10240x16xf32, #tpu.memory_space<vmem_shared>> -> memref<128x16xf32, #tpu.memory_space<vmem_shared>>
      tpu.wait_dma2 semaphore(%run_scoped3A : memref<!tpu.dma_semaphore, #tpu.memory_space<semaphore_mem>>) src(%dma_wait3A_125 : memref<128x16xf32, #tpu.memory_space<vmem_shared>>) dst(%arg19 : memref<128x16xf32, #tpu.memory_space<vmem>>)
      tpu.yield
    }) : () -> ()
    %add3A_62 = arith.constant 0 : i32
    %add3A_63 = arith.addi %add3A_29, %add3A_62 : i32
    "tpu.region"() ({
      %run_scoped3A = tpu.sem_alloc : memref<!tpu.dma_semaphore, #tpu.memory_space<semaphore_mem>>
      %dma_start3A_118 = arith.constant 0 : i32
      %dma_start3A_119 = tpu.memref_slice %arg9[%add3A_63, %dma_start3A_118] : memref<20480x16xf32, #tpu.memory_space<hbm>> -> memref<128x16xf32, #tpu.memory_space<hbm>>
      %dma_start3A_120 = arith.constant 0 : i32
      %dma_start3A_121 = tpu.memref_slice %arg9[%add3A_63, %dma_start3A_120] : memref<20480x16xf32, #tpu.memory_space<hbm>> -> memref<128x16xf32, #tpu.memory_space<hbm>>
      tpu.enqueue_dma source(%arg19 : memref<128x16xf32, #tpu.memory_space<vmem>>) target(%dma_start3A_121 : memref<128x16xf32, #tpu.memory_space<hbm>>) target_semaphore(%run_scoped3A : memref<!tpu.dma_semaphore, #tpu.memory_space<semaphore_mem>>)
      %dma_wait3A_122 = arith.constant 0 : i32
      %dma_wait3A_123 = tpu.memref_slice %arg9[%add3A_63, %dma_wait3A_122] : memref<20480x16xf32, #tpu.memory_space<hbm>> -> memref<128x16xf32, #tpu.memory_space<hbm>>
      %dma_wait3A_124 = arith.constant 0 : i32
      %dma_wait3A_125 = tpu.memref_slice %arg9[%add3A_63, %dma_wait3A_124] : memref<20480x16xf32, #tpu.memory_space<hbm>> -> memref<128x16xf32, #tpu.memory_space<hbm>>
      tpu.wait_dma2 semaphore(%run_scoped3A : memref<!tpu.dma_semaphore, #tpu.memory_space<semaphore_mem>>) src(%arg19 : memref<128x16xf32, #tpu.memory_space<vmem>>) dst(%dma_wait3A_125 : memref<128x16xf32, #tpu.memory_space<hbm>>)
      tpu.yield
    }) : () -> ()
    %add3A_64 = arith.constant 128 : i32
    %add3A_65 = arith.addi %mul3A_0, %add3A_64 : i32
    %dma_wait3A_66 = arith.constant 0 : i32
    %dma_wait3A_67 = tpu.memref_slice %arg20[%add3A_65, %dma_wait3A_66] : memref<10240x64xf32, #tpu.memory_space<vmem_shared>> -> memref<128x64xf32, #tpu.memory_space<vmem_shared>>
    %dma_wait3A_68 = arith.constant 0 : i32
    %dma_wait3A_69 = tpu.memref_slice %arg20[%add3A_65, %dma_wait3A_68] : memref<10240x64xf32, #tpu.memory_space<vmem_shared>> -> memref<128x64xf32, #tpu.memory_space<vmem_shared>>
    tpu.wait_dma2 semaphore(%arg23 : memref<!tpu.dma_semaphore, #tpu.memory_space<semaphore_mem>>) src(%dma_wait3A_69 : memref<128x64xf32, #tpu.memory_space<vmem_shared>>) dst(%arg12 : memref<128x64xf32, #tpu.memory_space<vmem>>)
    %add3A_70 = arith.constant 128 : i32
    %add3A_71 = arith.addi %add3A_29, %add3A_70 : i32
    "tpu.region"() ({
      %run_scoped3A = tpu.sem_alloc : memref<!tpu.dma_semaphore, #tpu.memory_space<semaphore_mem>>
      %dma_start3A_118 = arith.constant 0 : i32
      %dma_start3A_119 = tpu.memref_slice %arg8[%add3A_71, %dma_start3A_118] : memref<20480x64xf32, #tpu.memory_space<hbm>> -> memref<128x64xf32, #tpu.memory_space<hbm>>
      %dma_start3A_120 = arith.constant 0 : i32
      %dma_start3A_121 = tpu.memref_slice %arg8[%add3A_71, %dma_start3A_120] : memref<20480x64xf32, #tpu.memory_space<hbm>> -> memref<128x64xf32, #tpu.memory_space<hbm>>
      tpu.enqueue_dma source(%arg12 : memref<128x64xf32, #tpu.memory_space<vmem>>) target(%dma_start3A_121 : memref<128x64xf32, #tpu.memory_space<hbm>>) target_semaphore(%run_scoped3A : memref<!tpu.dma_semaphore, #tpu.memory_space<semaphore_mem>>)
      %dma_wait3A_122 = arith.constant 0 : i32
      %dma_wait3A_123 = tpu.memref_slice %arg8[%add3A_71, %dma_wait3A_122] : memref<20480x64xf32, #tpu.memory_space<hbm>> -> memref<128x64xf32, #tpu.memory_space<hbm>>
      %dma_wait3A_124 = arith.constant 0 : i32
      %dma_wait3A_125 = tpu.memref_slice %arg8[%add3A_71, %dma_wait3A_124] : memref<20480x64xf32, #tpu.memory_space<hbm>> -> memref<128x64xf32, #tpu.memory_space<hbm>>
      tpu.wait_dma2 semaphore(%run_scoped3A : memref<!tpu.dma_semaphore, #tpu.memory_space<semaphore_mem>>) src(%arg12 : memref<128x64xf32, #tpu.memory_space<vmem>>) dst(%dma_wait3A_125 : memref<128x64xf32, #tpu.memory_space<hbm>>)
      tpu.yield
    }) : () -> ()
    %add3A_72 = arith.constant 512 : i32
    %add3A_73 = arith.addi %mul3A_0, %add3A_72 : i32
    %dma_start3A_74 = arith.constant 0 : i32
    %dma_start3A_75 = tpu.memref_slice %arg20[%add3A_73, %dma_start3A_74] : memref<10240x64xf32, #tpu.memory_space<vmem_shared>> -> memref<128x64xf32, #tpu.memory_space<vmem_shared>>
    %dma_start3A_76 = arith.constant 0 : i32
    %dma_start3A_77 = tpu.memref_slice %arg20[%add3A_73, %dma_start3A_76] : memref<10240x64xf32, #tpu.memory_space<vmem_shared>> -> memref<128x64xf32, #tpu.memory_space<vmem_shared>>
    tpu.enqueue_dma source(%dma_start3A_77 : memref<128x64xf32, #tpu.memory_space<vmem_shared>>) target(%arg12 : memref<128x64xf32, #tpu.memory_space<vmem>>) target_semaphore(%arg23 : memref<!tpu.dma_semaphore, #tpu.memory_space<semaphore_mem>>)
    %add3A_78 = arith.constant 128 : i32
    %add3A_79 = arith.addi %mul3A_0, %add3A_78 : i32
    "tpu.region"() ({
      %run_scoped3A = tpu.sem_alloc : memref<!tpu.dma_semaphore, #tpu.memory_space<semaphore_mem>>
      %dma_start3A_118 = arith.constant 0 : i32
      %dma_start3A_119 = tpu.memref_slice %arg21[%add3A_79, %dma_start3A_118] : memref<10240x16xf32, #tpu.memory_space<vmem_shared>> -> memref<128x16xf32, #tpu.memory_space<vmem_shared>>
      %dma_start3A_120 = arith.constant 0 : i32
      %dma_start3A_121 = tpu.memref_slice %arg21[%add3A_79, %dma_start3A_120] : memref<10240x16xf32, #tpu.memory_space<vmem_shared>> -> memref<128x16xf32, #tpu.memory_space<vmem_shared>>
      tpu.enqueue_dma source(%dma_start3A_121 : memref<128x16xf32, #tpu.memory_space<vmem_shared>>) target(%arg19 : memref<128x16xf32, #tpu.memory_space<vmem>>) target_semaphore(%run_scoped3A : memref<!tpu.dma_semaphore, #tpu.memory_space<semaphore_mem>>)
      %dma_wait3A_122 = arith.constant 0 : i32
      %dma_wait3A_123 = tpu.memref_slice %arg21[%add3A_79, %dma_wait3A_122] : memref<10240x16xf32, #tpu.memory_space<vmem_shared>> -> memref<128x16xf32, #tpu.memory_space<vmem_shared>>
      %dma_wait3A_124 = arith.constant 0 : i32
      %dma_wait3A_125 = tpu.memref_slice %arg21[%add3A_79, %dma_wait3A_124] : memref<10240x16xf32, #tpu.memory_space<vmem_shared>> -> memref<128x16xf32, #tpu.memory_space<vmem_shared>>
      tpu.wait_dma2 semaphore(%run_scoped3A : memref<!tpu.dma_semaphore, #tpu.memory_space<semaphore_mem>>) src(%dma_wait3A_125 : memref<128x16xf32, #tpu.memory_space<vmem_shared>>) dst(%arg19 : memref<128x16xf32, #tpu.memory_space<vmem>>)
      tpu.yield
    }) : () -> ()
    %add3A_80 = arith.constant 128 : i32
    %add3A_81 = arith.addi %add3A_29, %add3A_80 : i32
    "tpu.region"() ({
      %run_scoped3A = tpu.sem_alloc : memref<!tpu.dma_semaphore, #tpu.memory_space<semaphore_mem>>
      %dma_start3A_118 = arith.constant 0 : i32
      %dma_start3A_119 = tpu.memref_slice %arg9[%add3A_81, %dma_start3A_118] : memref<20480x16xf32, #tpu.memory_space<hbm>> -> memref<128x16xf32, #tpu.memory_space<hbm>>
      %dma_start3A_120 = arith.constant 0 : i32
      %dma_start3A_121 = tpu.memref_slice %arg9[%add3A_81, %dma_start3A_120] : memref<20480x16xf32, #tpu.memory_space<hbm>> -> memref<128x16xf32, #tpu.memory_space<hbm>>
      tpu.enqueue_dma source(%arg19 : memref<128x16xf32, #tpu.memory_space<vmem>>) target(%dma_start3A_121 : memref<128x16xf32, #tpu.memory_space<hbm>>) target_semaphore(%run_scoped3A : memref<!tpu.dma_semaphore, #tpu.memory_space<semaphore_mem>>)
      %dma_wait3A_122 = arith.constant 0 : i32
      %dma_wait3A_123 = tpu.memref_slice %arg9[%add3A_81, %dma_wait3A_122] : memref<20480x16xf32, #tpu.memory_space<hbm>> -> memref<128x16xf32, #tpu.memory_space<hbm>>
      %dma_wait3A_124 = arith.constant 0 : i32
      %dma_wait3A_125 = tpu.memref_slice %arg9[%add3A_81, %dma_wait3A_124] : memref<20480x16xf32, #tpu.memory_space<hbm>> -> memref<128x16xf32, #tpu.memory_space<hbm>>
      tpu.wait_dma2 semaphore(%run_scoped3A : memref<!tpu.dma_semaphore, #tpu.memory_space<semaphore_mem>>) src(%arg19 : memref<128x16xf32, #tpu.memory_space<vmem>>) dst(%dma_wait3A_125 : memref<128x16xf32, #tpu.memory_space<hbm>>)
      tpu.yield
    }) : () -> ()
    %add3A_82 = arith.constant 256 : i32
    %add3A_83 = arith.addi %mul3A_0, %add3A_82 : i32
    %dma_wait3A_84 = arith.constant 0 : i32
    %dma_wait3A_85 = tpu.memref_slice %arg20[%add3A_83, %dma_wait3A_84] : memref<10240x64xf32, #tpu.memory_space<vmem_shared>> -> memref<128x64xf32, #tpu.memory_space<vmem_shared>>
    %dma_wait3A_86 = arith.constant 0 : i32
    %dma_wait3A_87 = tpu.memref_slice %arg20[%add3A_83, %dma_wait3A_86] : memref<10240x64xf32, #tpu.memory_space<vmem_shared>> -> memref<128x64xf32, #tpu.memory_space<vmem_shared>>
    tpu.wait_dma2 semaphore(%arg24 : memref<!tpu.dma_semaphore, #tpu.memory_space<semaphore_mem>>) src(%dma_wait3A_87 : memref<128x64xf32, #tpu.memory_space<vmem_shared>>) dst(%arg13 : memref<128x64xf32, #tpu.memory_space<vmem>>)
    %add3A_88 = arith.constant 256 : i32
    %add3A_89 = arith.addi %add3A_29, %add3A_88 : i32
    "tpu.region"() ({
      %run_scoped3A = tpu.sem_alloc : memref<!tpu.dma_semaphore, #tpu.memory_space<semaphore_mem>>
      %dma_start3A_118 = arith.constant 0 : i32
      %dma_start3A_119 = tpu.memref_slice %arg8[%add3A_89, %dma_start3A_118] : memref<20480x64xf32, #tpu.memory_space<hbm>> -> memref<128x64xf32, #tpu.memory_space<hbm>>
      %dma_start3A_120 = arith.constant 0 : i32
      %dma_start3A_121 = tpu.memref_slice %arg8[%add3A_89, %dma_start3A_120] : memref<20480x64xf32, #tpu.memory_space<hbm>> -> memref<128x64xf32, #tpu.memory_space<hbm>>
      tpu.enqueue_dma source(%arg13 : memref<128x64xf32, #tpu.memory_space<vmem>>) target(%dma_start3A_121 : memref<128x64xf32, #tpu.memory_space<hbm>>) target_semaphore(%run_scoped3A : memref<!tpu.dma_semaphore, #tpu.memory_space<semaphore_mem>>)
      %dma_wait3A_122 = arith.constant 0 : i32
      %dma_wait3A_123 = tpu.memref_slice %arg8[%add3A_89, %dma_wait3A_122] : memref<20480x64xf32, #tpu.memory_space<hbm>> -> memref<128x64xf32, #tpu.memory_space<hbm>>
      %dma_wait3A_124 = arith.constant 0 : i32
      %dma_wait3A_125 = tpu.memref_slice %arg8[%add3A_89, %dma_wait3A_124] : memref<20480x64xf32, #tpu.memory_space<hbm>> -> memref<128x64xf32, #tpu.memory_space<hbm>>
      tpu.wait_dma2 semaphore(%run_scoped3A : memref<!tpu.dma_semaphore, #tpu.memory_space<semaphore_mem>>) src(%arg13 : memref<128x64xf32, #tpu.memory_space<vmem>>) dst(%dma_wait3A_125 : memref<128x64xf32, #tpu.memory_space<hbm>>)
      tpu.yield
    }) : () -> ()
    %add3A_90 = arith.constant 256 : i32
    %add3A_91 = arith.addi %mul3A_0, %add3A_90 : i32
    "tpu.region"() ({
      %run_scoped3A = tpu.sem_alloc : memref<!tpu.dma_semaphore, #tpu.memory_space<semaphore_mem>>
      %dma_start3A_118 = arith.constant 0 : i32
      %dma_start3A_119 = tpu.memref_slice %arg21[%add3A_91, %dma_start3A_118] : memref<10240x16xf32, #tpu.memory_space<vmem_shared>> -> memref<128x16xf32, #tpu.memory_space<vmem_shared>>
      %dma_start3A_120 = arith.constant 0 : i32
      %dma_start3A_121 = tpu.memref_slice %arg21[%add3A_91, %dma_start3A_120] : memref<10240x16xf32, #tpu.memory_space<vmem_shared>> -> memref<128x16xf32, #tpu.memory_space<vmem_shared>>
      tpu.enqueue_dma source(%dma_start3A_121 : memref<128x16xf32, #tpu.memory_space<vmem_shared>>) target(%arg19 : memref<128x16xf32, #tpu.memory_space<vmem>>) target_semaphore(%run_scoped3A : memref<!tpu.dma_semaphore, #tpu.memory_space<semaphore_mem>>)
      %dma_wait3A_122 = arith.constant 0 : i32
      %dma_wait3A_123 = tpu.memref_slice %arg21[%add3A_91, %dma_wait3A_122] : memref<10240x16xf32, #tpu.memory_space<vmem_shared>> -> memref<128x16xf32, #tpu.memory_space<vmem_shared>>
      %dma_wait3A_124 = arith.constant 0 : i32
      %dma_wait3A_125 = tpu.memref_slice %arg21[%add3A_91, %dma_wait3A_124] : memref<10240x16xf32, #tpu.memory_space<vmem_shared>> -> memref<128x16xf32, #tpu.memory_space<vmem_shared>>
      tpu.wait_dma2 semaphore(%run_scoped3A : memref<!tpu.dma_semaphore, #tpu.memory_space<semaphore_mem>>) src(%dma_wait3A_125 : memref<128x16xf32, #tpu.memory_space<vmem_shared>>) dst(%arg19 : memref<128x16xf32, #tpu.memory_space<vmem>>)
      tpu.yield
    }) : () -> ()
    %add3A_92 = arith.constant 256 : i32
    %add3A_93 = arith.addi %add3A_29, %add3A_92 : i32
    "tpu.region"() ({
      %run_scoped3A = tpu.sem_alloc : memref<!tpu.dma_semaphore, #tpu.memory_space<semaphore_mem>>
      %dma_start3A_118 = arith.constant 0 : i32
      %dma_start3A_119 = tpu.memref_slice %arg9[%add3A_93, %dma_start3A_118] : memref<20480x16xf32, #tpu.memory_space<hbm>> -> memref<128x16xf32, #tpu.memory_space<hbm>>
      %dma_start3A_120 = arith.constant 0 : i32
      %dma_start3A_121 = tpu.memref_slice %arg9[%add3A_93, %dma_start3A_120] : memref<20480x16xf32, #tpu.memory_space<hbm>> -> memref<128x16xf32, #tpu.memory_space<hbm>>
      tpu.enqueue_dma source(%arg19 : memref<128x16xf32, #tpu.memory_space<vmem>>) target(%dma_start3A_121 : memref<128x16xf32, #tpu.memory_space<hbm>>) target_semaphore(%run_scoped3A : memref<!tpu.dma_semaphore, #tpu.memory_space<semaphore_mem>>)
      %dma_wait3A_122 = arith.constant 0 : i32
      %dma_wait3A_123 = tpu.memref_slice %arg9[%add3A_93, %dma_wait3A_122] : memref<20480x16xf32, #tpu.memory_space<hbm>> -> memref<128x16xf32, #tpu.memory_space<hbm>>
      %dma_wait3A_124 = arith.constant 0 : i32
      %dma_wait3A_125 = tpu.memref_slice %arg9[%add3A_93, %dma_wait3A_124] : memref<20480x16xf32, #tpu.memory_space<hbm>> -> memref<128x16xf32, #tpu.memory_space<hbm>>
      tpu.wait_dma2 semaphore(%run_scoped3A : memref<!tpu.dma_semaphore, #tpu.memory_space<semaphore_mem>>) src(%arg19 : memref<128x16xf32, #tpu.memory_space<vmem>>) dst(%dma_wait3A_125 : memref<128x16xf32, #tpu.memory_space<hbm>>)
      tpu.yield
    }) : () -> ()
    %add3A_94 = arith.constant 384 : i32
    %add3A_95 = arith.addi %mul3A_0, %add3A_94 : i32
    %dma_wait3A_96 = arith.constant 0 : i32
    %dma_wait3A_97 = tpu.memref_slice %arg20[%add3A_95, %dma_wait3A_96] : memref<10240x64xf32, #tpu.memory_space<vmem_shared>> -> memref<128x64xf32, #tpu.memory_space<vmem_shared>>
    %dma_wait3A_98 = arith.constant 0 : i32
    %dma_wait3A_99 = tpu.memref_slice %arg20[%add3A_95, %dma_wait3A_98] : memref<10240x64xf32, #tpu.memory_space<vmem_shared>> -> memref<128x64xf32, #tpu.memory_space<vmem_shared>>
    tpu.wait_dma2 semaphore(%arg22 : memref<!tpu.dma_semaphore, #tpu.memory_space<semaphore_mem>>) src(%dma_wait3A_99 : memref<128x64xf32, #tpu.memory_space<vmem_shared>>) dst(%arg11 : memref<128x64xf32, #tpu.memory_space<vmem>>)
    %add3A_100 = arith.constant 384 : i32
    %add3A_101 = arith.addi %add3A_29, %add3A_100 : i32
    "tpu.region"() ({
      %run_scoped3A = tpu.sem_alloc : memref<!tpu.dma_semaphore, #tpu.memory_space<semaphore_mem>>
      %dma_start3A_118 = arith.constant 0 : i32
      %dma_start3A_119 = tpu.memref_slice %arg8[%add3A_101, %dma_start3A_118] : memref<20480x64xf32, #tpu.memory_space<hbm>> -> memref<128x64xf32, #tpu.memory_space<hbm>>
      %dma_start3A_120 = arith.constant 0 : i32
      %dma_start3A_121 = tpu.memref_slice %arg8[%add3A_101, %dma_start3A_120] : memref<20480x64xf32, #tpu.memory_space<hbm>> -> memref<128x64xf32, #tpu.memory_space<hbm>>
      tpu.enqueue_dma source(%arg11 : memref<128x64xf32, #tpu.memory_space<vmem>>) target(%dma_start3A_121 : memref<128x64xf32, #tpu.memory_space<hbm>>) target_semaphore(%run_scoped3A : memref<!tpu.dma_semaphore, #tpu.memory_space<semaphore_mem>>)
      %dma_wait3A_122 = arith.constant 0 : i32
      %dma_wait3A_123 = tpu.memref_slice %arg8[%add3A_101, %dma_wait3A_122] : memref<20480x64xf32, #tpu.memory_space<hbm>> -> memref<128x64xf32, #tpu.memory_space<hbm>>
      %dma_wait3A_124 = arith.constant 0 : i32
      %dma_wait3A_125 = tpu.memref_slice %arg8[%add3A_101, %dma_wait3A_124] : memref<20480x64xf32, #tpu.memory_space<hbm>> -> memref<128x64xf32, #tpu.memory_space<hbm>>
      tpu.wait_dma2 semaphore(%run_scoped3A : memref<!tpu.dma_semaphore, #tpu.memory_space<semaphore_mem>>) src(%arg11 : memref<128x64xf32, #tpu.memory_space<vmem>>) dst(%dma_wait3A_125 : memref<128x64xf32, #tpu.memory_space<hbm>>)
      tpu.yield
    }) : () -> ()
    %add3A_102 = arith.constant 384 : i32
    %add3A_103 = arith.addi %mul3A_0, %add3A_102 : i32
    "tpu.region"() ({
      %run_scoped3A = tpu.sem_alloc : memref<!tpu.dma_semaphore, #tpu.memory_space<semaphore_mem>>
      %dma_start3A_118 = arith.constant 0 : i32
      %dma_start3A_119 = tpu.memref_slice %arg21[%add3A_103, %dma_start3A_118] : memref<10240x16xf32, #tpu.memory_space<vmem_shared>> -> memref<128x16xf32, #tpu.memory_space<vmem_shared>>
      %dma_start3A_120 = arith.constant 0 : i32
      %dma_start3A_121 = tpu.memref_slice %arg21[%add3A_103, %dma_start3A_120] : memref<10240x16xf32, #tpu.memory_space<vmem_shared>> -> memref<128x16xf32, #tpu.memory_space<vmem_shared>>
      tpu.enqueue_dma source(%dma_start3A_121 : memref<128x16xf32, #tpu.memory_space<vmem_shared>>) target(%arg19 : memref<128x16xf32, #tpu.memory_space<vmem>>) target_semaphore(%run_scoped3A : memref<!tpu.dma_semaphore, #tpu.memory_space<semaphore_mem>>)
      %dma_wait3A_122 = arith.constant 0 : i32
      %dma_wait3A_123 = tpu.memref_slice %arg21[%add3A_103, %dma_wait3A_122] : memref<10240x16xf32, #tpu.memory_space<vmem_shared>> -> memref<128x16xf32, #tpu.memory_space<vmem_shared>>
      %dma_wait3A_124 = arith.constant 0 : i32
      %dma_wait3A_125 = tpu.memref_slice %arg21[%add3A_103, %dma_wait3A_124] : memref<10240x16xf32, #tpu.memory_space<vmem_shared>> -> memref<128x16xf32, #tpu.memory_space<vmem_shared>>
      tpu.wait_dma2 semaphore(%run_scoped3A : memref<!tpu.dma_semaphore, #tpu.memory_space<semaphore_mem>>) src(%dma_wait3A_125 : memref<128x16xf32, #tpu.memory_space<vmem_shared>>) dst(%arg19 : memref<128x16xf32, #tpu.memory_space<vmem>>)
      tpu.yield
    }) : () -> ()
    %add3A_104 = arith.constant 384 : i32
    %add3A_105 = arith.addi %add3A_29, %add3A_104 : i32
    "tpu.region"() ({
      %run_scoped3A = tpu.sem_alloc : memref<!tpu.dma_semaphore, #tpu.memory_space<semaphore_mem>>
      %dma_start3A_118 = arith.constant 0 : i32
      %dma_start3A_119 = tpu.memref_slice %arg9[%add3A_105, %dma_start3A_118] : memref<20480x16xf32, #tpu.memory_space<hbm>> -> memref<128x16xf32, #tpu.memory_space<hbm>>
      %dma_start3A_120 = arith.constant 0 : i32
      %dma_start3A_121 = tpu.memref_slice %arg9[%add3A_105, %dma_start3A_120] : memref<20480x16xf32, #tpu.memory_space<hbm>> -> memref<128x16xf32, #tpu.memory_space<hbm>>
      tpu.enqueue_dma source(%arg19 : memref<128x16xf32, #tpu.memory_space<vmem>>) target(%dma_start3A_121 : memref<128x16xf32, #tpu.memory_space<hbm>>) target_semaphore(%run_scoped3A : memref<!tpu.dma_semaphore, #tpu.memory_space<semaphore_mem>>)
      %dma_wait3A_122 = arith.constant 0 : i32
      %dma_wait3A_123 = tpu.memref_slice %arg9[%add3A_105, %dma_wait3A_122] : memref<20480x16xf32, #tpu.memory_space<hbm>> -> memref<128x16xf32, #tpu.memory_space<hbm>>
      %dma_wait3A_124 = arith.constant 0 : i32
      %dma_wait3A_125 = tpu.memref_slice %arg9[%add3A_105, %dma_wait3A_124] : memref<20480x16xf32, #tpu.memory_space<hbm>> -> memref<128x16xf32, #tpu.memory_space<hbm>>
      tpu.wait_dma2 semaphore(%run_scoped3A : memref<!tpu.dma_semaphore, #tpu.memory_space<semaphore_mem>>) src(%arg19 : memref<128x16xf32, #tpu.memory_space<vmem>>) dst(%dma_wait3A_125 : memref<128x16xf32, #tpu.memory_space<hbm>>)
      tpu.yield
    }) : () -> ()
    %add3A_106 = arith.constant 512 : i32
    %add3A_107 = arith.addi %mul3A_0, %add3A_106 : i32
    %dma_wait3A_108 = arith.constant 0 : i32
    %dma_wait3A_109 = tpu.memref_slice %arg20[%add3A_107, %dma_wait3A_108] : memref<10240x64xf32, #tpu.memory_space<vmem_shared>> -> memref<128x64xf32, #tpu.memory_space<vmem_shared>>
    %dma_wait3A_110 = arith.constant 0 : i32
    %dma_wait3A_111 = tpu.memref_slice %arg20[%add3A_107, %dma_wait3A_110] : memref<10240x64xf32, #tpu.memory_space<vmem_shared>> -> memref<128x64xf32, #tpu.memory_space<vmem_shared>>
    tpu.wait_dma2 semaphore(%arg23 : memref<!tpu.dma_semaphore, #tpu.memory_space<semaphore_mem>>) src(%dma_wait3A_111 : memref<128x64xf32, #tpu.memory_space<vmem_shared>>) dst(%arg12 : memref<128x64xf32, #tpu.memory_space<vmem>>)
    %add3A_112 = arith.constant 512 : i32
    %add3A_113 = arith.addi %add3A_29, %add3A_112 : i32
    "tpu.region"() ({
      %run_scoped3A = tpu.sem_alloc : memref<!tpu.dma_semaphore, #tpu.memory_space<semaphore_mem>>
      %dma_start3A_118 = arith.constant 0 : i32
      %dma_start3A_119 = tpu.memref_slice %arg8[%add3A_113, %dma_start3A_118] : memref<20480x64xf32, #tpu.memory_space<hbm>> -> memref<128x64xf32, #tpu.memory_space<hbm>>
      %dma_start3A_120 = arith.constant 0 : i32
      %dma_start3A_121 = tpu.memref_slice %arg8[%add3A_113, %dma_start3A_120] : memref<20480x64xf32, #tpu.memory_space<hbm>> -> memref<128x64xf32, #tpu.memory_space<hbm>>
      tpu.enqueue_dma source(%arg12 : memref<128x64xf32, #tpu.memory_space<vmem>>) target(%dma_start3A_121 : memref<128x64xf32, #tpu.memory_space<hbm>>) target_semaphore(%run_scoped3A : memref<!tpu.dma_semaphore, #tpu.memory_space<semaphore_mem>>)
      %dma_wait3A_122 = arith.constant 0 : i32
      %dma_wait3A_123 = tpu.memref_slice %arg8[%add3A_113, %dma_wait3A_122] : memref<20480x64xf32, #tpu.memory_space<hbm>> -> memref<128x64xf32, #tpu.memory_space<hbm>>
      %dma_wait3A_124 = arith.constant 0 : i32
      %dma_wait3A_125 = tpu.memref_slice %arg8[%add3A_113, %dma_wait3A_124] : memref<20480x64xf32, #tpu.memory_space<hbm>> -> memref<128x64xf32, #tpu.memory_space<hbm>>
      tpu.wait_dma2 semaphore(%run_scoped3A : memref<!tpu.dma_semaphore, #tpu.memory_space<semaphore_mem>>) src(%arg12 : memref<128x64xf32, #tpu.memory_space<vmem>>) dst(%dma_wait3A_125 : memref<128x64xf32, #tpu.memory_space<hbm>>)
      tpu.yield
    }) : () -> ()
    %add3A_114 = arith.constant 512 : i32
    %add3A_115 = arith.addi %mul3A_0, %add3A_114 : i32
    "tpu.region"() ({
      %run_scoped3A = tpu.sem_alloc : memref<!tpu.dma_semaphore, #tpu.memory_space<semaphore_mem>>
      %dma_start3A_118 = arith.constant 0 : i32
      %dma_start3A_119 = tpu.memref_slice %arg21[%add3A_115, %dma_start3A_118] : memref<10240x16xf32, #tpu.memory_space<vmem_shared>> -> memref<128x16xf32, #tpu.memory_space<vmem_shared>>
      %dma_start3A_120 = arith.constant 0 : i32
      %dma_start3A_121 = tpu.memref_slice %arg21[%add3A_115, %dma_start3A_120] : memref<10240x16xf32, #tpu.memory_space<vmem_shared>> -> memref<128x16xf32, #tpu.memory_space<vmem_shared>>
      tpu.enqueue_dma source(%dma_start3A_121 : memref<128x16xf32, #tpu.memory_space<vmem_shared>>) target(%arg19 : memref<128x16xf32, #tpu.memory_space<vmem>>) target_semaphore(%run_scoped3A : memref<!tpu.dma_semaphore, #tpu.memory_space<semaphore_mem>>)
      %dma_wait3A_122 = arith.constant 0 : i32
      %dma_wait3A_123 = tpu.memref_slice %arg21[%add3A_115, %dma_wait3A_122] : memref<10240x16xf32, #tpu.memory_space<vmem_shared>> -> memref<128x16xf32, #tpu.memory_space<vmem_shared>>
      %dma_wait3A_124 = arith.constant 0 : i32
      %dma_wait3A_125 = tpu.memref_slice %arg21[%add3A_115, %dma_wait3A_124] : memref<10240x16xf32, #tpu.memory_space<vmem_shared>> -> memref<128x16xf32, #tpu.memory_space<vmem_shared>>
      tpu.wait_dma2 semaphore(%run_scoped3A : memref<!tpu.dma_semaphore, #tpu.memory_space<semaphore_mem>>) src(%dma_wait3A_125 : memref<128x16xf32, #tpu.memory_space<vmem_shared>>) dst(%arg19 : memref<128x16xf32, #tpu.memory_space<vmem>>)
      tpu.yield
    }) : () -> ()
    %add3A_116 = arith.constant 512 : i32
    %add3A_117 = arith.addi %add3A_29, %add3A_116 : i32
    "tpu.region"() ({
      %run_scoped3A = tpu.sem_alloc : memref<!tpu.dma_semaphore, #tpu.memory_space<semaphore_mem>>
      %dma_start3A_118 = arith.constant 0 : i32
      %dma_start3A_119 = tpu.memref_slice %arg9[%add3A_117, %dma_start3A_118] : memref<20480x16xf32, #tpu.memory_space<hbm>> -> memref<128x16xf32, #tpu.memory_space<hbm>>
      %dma_start3A_120 = arith.constant 0 : i32
      %dma_start3A_121 = tpu.memref_slice %arg9[%add3A_117, %dma_start3A_120] : memref<20480x16xf32, #tpu.memory_space<hbm>> -> memref<128x16xf32, #tpu.memory_space<hbm>>
      tpu.enqueue_dma source(%arg19 : memref<128x16xf32, #tpu.memory_space<vmem>>) target(%dma_start3A_121 : memref<128x16xf32, #tpu.memory_space<hbm>>) target_semaphore(%run_scoped3A : memref<!tpu.dma_semaphore, #tpu.memory_space<semaphore_mem>>)
      %dma_wait3A_122 = arith.constant 0 : i32
      %dma_wait3A_123 = tpu.memref_slice %arg9[%add3A_117, %dma_wait3A_122] : memref<20480x16xf32, #tpu.memory_space<hbm>> -> memref<128x16xf32, #tpu.memory_space<hbm>>
      %dma_wait3A_124 = arith.constant 0 : i32
      %dma_wait3A_125 = tpu.memref_slice %arg9[%add3A_117, %dma_wait3A_124] : memref<20480x16xf32, #tpu.memory_space<hbm>> -> memref<128x16xf32, #tpu.memory_space<hbm>>
      tpu.wait_dma2 semaphore(%run_scoped3A : memref<!tpu.dma_semaphore, #tpu.memory_space<semaphore_mem>>) src(%arg19 : memref<128x16xf32, #tpu.memory_space<vmem>>) dst(%dma_wait3A_125 : memref<128x16xf32, #tpu.memory_space<hbm>>)
      tpu.yield
    }) : () -> ()
    return
  }
}

module attributes {stable_mosaic.version = 14 : i64} {
  func.func @_tc_matmul_body(%arg0: i32, %arg1: memref<2000x128xf32, #tpu.memory_space<vmem>>, %arg2: memref<128x128xf32, #tpu.memory_space<vmem>>, %arg3: memref<1x128xf32, #tpu.memory_space<vmem>>, %arg4: memref<2000x128xf32, #tpu.memory_space<vmem>>) attributes {dimension_semantics = [#tpu.dimension_semantics<arbitrary>], iteration_bounds = array<i64: 5>, scalar_prefetch = 0 : i64, scratch_operands = 0 : i64, tpu.core_type = #tpu.core_type<tc>, window_params = [{transform_indices = @transform_0, window_bounds = array<i64: 2000, 128>}, {pipeline_mode = #tpu.pipeline_mode<synchronous>, transform_indices = @transform_1, window_bounds = array<i64: 128, 128>}, {pipeline_mode = #tpu.pipeline_mode<synchronous>, transform_indices = @transform_2, window_bounds = array<i64: 1, 128>}, {transform_indices = @transform_3, window_bounds = array<i64: 2000, 128>}]} {
    %get3A = arith.constant 0 : index
    %get3A_0 = arith.constant 0 : index
    %get3A_1 = vector.load %arg1[%get3A, %get3A_0] : memref<2000x128xf32, #tpu.memory_space<vmem>>, vector<2000x128xf32>
    %get3A_2 = arith.constant 0 : index
    %get3A_3 = arith.constant 0 : index
    %get3A_4 = vector.load %arg2[%get3A_2, %get3A_3] : memref<128x128xf32, #tpu.memory_space<vmem>>, vector<128x128xf32>
    %dot_general3A = arith.constant dense<0.000000e+00> : vector<2000x128xf32>
    %dot_general3A_5 = tpu.matmul %get3A_1, %get3A_4, %dot_general3A {dimension_numbers = #tpu.dot_dimension_numbers<[1], [1], [0], [0], [0, 0, 1, 0], [], []>, transpose_lhs_hint = false} : vector<2000x128xf32>, vector<128x128xf32>, vector<2000x128xf32> -> vector<2000x128xf32>
    %get3A_6 = arith.constant 0 : index
    %get3A_7 = arith.constant 0 : index
    %get3A_8 = vector.load %arg3[%get3A_6, %get3A_7] : memref<1x128xf32, #tpu.memory_space<vmem>>, vector<1x128xf32>
    %add3A = vector.broadcast %get3A_8 : vector<1x128xf32> to vector<2000x128xf32>
    %add3A_9 = arith.addf %dot_general3A_5, %add3A : vector<2000x128xf32>
    %swap3A = arith.constant 0 : index
    %swap3A_10 = arith.constant 0 : index
    %swap3A_11 = vector.load %arg4[%swap3A, %swap3A_10] : memref<2000x128xf32, #tpu.memory_space<vmem>>, vector<2000x128xf32>
    tpu.vector_store %arg4[%swap3A, %swap3A_10], %add3A_9 {strides = array<i32>} : memref<2000x128xf32, #tpu.memory_space<vmem>>, vector<2000x128xf32>,
    return
  }
  func.func @transform_0(%arg0: i32) -> (i32, i32) {
    %c0_i32 = arith.constant 0 : i32
    %c0_i32_0 = arith.constant 0 : i32
    return %arg0, %c0_i32 : i32, i32
  }
  func.func @transform_1(%arg0: i32) -> (i32, i32) {
    %c0_i32 = arith.constant 0 : i32
    %c0_i32_0 = arith.constant 0 : i32
    %c0_i32_1 = arith.constant 0 : i32
    return %c0_i32, %c0_i32_0 : i32, i32
  }
  func.func @transform_2(%arg0: i32) -> (i32, i32) {
    %c0_i32 = arith.constant 0 : i32
    %c0_i32_0 = arith.constant 0 : i32
    %c0_i32_1 = arith.constant 0 : i32
    return %c0_i32, %c0_i32_0 : i32, i32
  }
  func.func @transform_3(%arg0: i32) -> (i32, i32) {
    %c0_i32 = arith.constant 0 : i32
    %c0_i32_0 = arith.constant 0 : i32
    return %arg0, %c0_i32 : i32, i32
  }
}

module attributes {stable_mosaic.version = 14 : i64} {
  func.func @_tc_combine_body(%arg0: i32, %arg1: memref<2x2000x64xf32, #tpu.memory_space<vmem>>, %arg2: memref<2x2000x16xf32, #tpu.memory_space<vmem>>, %arg3: memref<2000x128xf32, #tpu.memory_space<vmem>>, %arg4: memref<128x128xf32, #tpu.memory_space<vmem>>, %arg5: memref<2000x128xf32, #tpu.memory_space<vmem>>, %arg6: memref<2000x64xf32, #tpu.memory_space<vmem>>, %arg7: memref<2000x64xf32, #tpu.memory_space<vmem>>) attributes {dimension_semantics = [#tpu.dimension_semantics<arbitrary>], iteration_bounds = array<i64: 5>, scalar_prefetch = 0 : i64, scratch_operands = 0 : i64, tpu.core_type = #tpu.core_type<tc>, window_params = [{transform_indices = @transform_0, window_bounds = array<i64: 2, 2000, 64>}, {transform_indices = @transform_1, window_bounds = array<i64: 2, 2000, 16>}, {transform_indices = @transform_2, window_bounds = array<i64: 2000, 128>}, {pipeline_mode = #tpu.pipeline_mode<synchronous>, transform_indices = @transform_3, window_bounds = array<i64: 128, 128>}, {transform_indices = @transform_4, window_bounds = array<i64: 2000, 128>}, {transform_indices = @transform_5, window_bounds = array<i64: 2000, 64>}, {transform_indices = @transform_6, window_bounds = array<i64: 2000, 64>}]} {
    %get3A = arith.constant 0 : index
    %get3A_0 = arith.constant 0 : index
    %get3A_1 = arith.constant 0 : index
    %get3A_2 = vector.load %arg1[%get3A, %get3A_0, %get3A_1] : memref<2x2000x64xf32, #tpu.memory_space<vmem>>, vector<1x2000x64xf32>
    %get3A_3 = vector.shape_cast %get3A_2 : vector<1x2000x64xf32> to vector<2000x64xf32>
    %get3A_4 = arith.constant 1 : index
    %get3A_5 = arith.constant 0 : index
    %get3A_6 = arith.constant 0 : index
    %get3A_7 = vector.load %arg1[%get3A_4, %get3A_5, %get3A_6] : memref<2x2000x64xf32, #tpu.memory_space<vmem>>, vector<1x2000x64xf32>
    %get3A_8 = vector.shape_cast %get3A_7 : vector<1x2000x64xf32> to vector<2000x64xf32>
    %concatenate3A = tpu.concatenate %get3A_3, %get3A_8 in 1 : vector<2000x64xf32>, vector<2000x64xf32> -> vector<2000x128xf32>
    %get3A_9 = arith.constant 0 : index
    %get3A_10 = arith.constant 0 : index
    %get3A_11 = arith.constant 0 : index
    %get3A_12 = vector.load %arg2[%get3A_9, %get3A_10, %get3A_11] : memref<2x2000x16xf32, #tpu.memory_space<vmem>>, vector<1x2000x16xf32>
    %get3A_13 = vector.shape_cast %get3A_12 : vector<1x2000x16xf32> to vector<2000x16xf32>
    %slice3A = vector.extract_strided_slice %get3A_13 {offsets = [0, 0], sizes = [2000, 1], strides = [1, 1]} : vector<2000x16xf32> to vector<2000x1xf32>
    %get3A_14 = arith.constant 1 : index
    %get3A_15 = arith.constant 0 : index
    %get3A_16 = arith.constant 0 : index
    %get3A_17 = vector.load %arg2[%get3A_14, %get3A_15, %get3A_16] : memref<2x2000x16xf32, #tpu.memory_space<vmem>>, vector<1x2000x16xf32>
    %get3A_18 = vector.shape_cast %get3A_17 : vector<1x2000x16xf32> to vector<2000x16xf32>
    %slice3A_19 = vector.extract_strided_slice %get3A_18 {offsets = [0, 0], sizes = [2000, 1], strides = [1, 1]} : vector<2000x16xf32> to vector<2000x1xf32>
    %add3A = arith.addf %slice3A, %slice3A_19 : vector<2000x1xf32>
    %max3A = arith.constant 1.000000e+00 : f32
    %max3A_20 = vector.broadcast %max3A : f32 to vector<2000x1xf32>
    %max3A_21 = arith.maximumf %add3A, %max3A_20 : vector<2000x1xf32>
    %div3A = vector.broadcast %max3A_21 : vector<2000x1xf32> to vector<2000x128xf32>
    %div3A_22 = arith.divf %concatenate3A, %div3A : vector<2000x128xf32>
    %get3A_23 = arith.constant 0 : index
    %get3A_24 = arith.constant 0 : index
    %get3A_25 = vector.load %arg4[%get3A_23, %get3A_24] : memref<128x128xf32, #tpu.memory_space<vmem>>, vector<128x128xf32>
    %dot_general3A = arith.constant dense<0.000000e+00> : vector<2000x128xf32>
    %dot_general3A_26 = tpu.matmul %div3A_22, %get3A_25, %dot_general3A {dimension_numbers = #tpu.dot_dimension_numbers<[1], [1], [0], [0], [0, 0, 1, 0], [], []>, transpose_lhs_hint = false} : vector<2000x128xf32>, vector<128x128xf32>, vector<2000x128xf32> -> vector<2000x128xf32>
    %get3A_27 = arith.constant 0 : index
    %get3A_28 = arith.constant 0 : index
    %get3A_29 = vector.load %arg3[%get3A_27, %get3A_28] : memref<2000x128xf32, #tpu.memory_space<vmem>>, vector<2000x128xf32>
    %add3A_30 = arith.addf %dot_general3A_26, %get3A_29 : vector<2000x128xf32>
    %max3A_31 = arith.constant 0.000000e+00 : f32
    %max3A_32 = vector.broadcast %max3A_31 : f32 to vector<2000x128xf32>
    %max3A_33 = arith.maximumf %add3A_30, %max3A_32 : vector<2000x128xf32>
    %swap3A = arith.constant 0 : index
    %swap3A_34 = arith.constant 0 : index
    %swap3A_35 = vector.load %arg5[%swap3A, %swap3A_34] : memref<2000x128xf32, #tpu.memory_space<vmem>>, vector<2000x128xf32>
    tpu.vector_store %arg5[%swap3A, %swap3A_34], %max3A_33 {strides = array<i32>} : memref<2000x128xf32, #tpu.memory_space<vmem>>, vector<2000x128xf32>,
    %slice3A_36 = vector.extract_strided_slice %max3A_33 {offsets = [0, 0], sizes = [2000, 64], strides = [1, 1]} : vector<2000x128xf32> to vector<2000x64xf32>
    %swap3A_37 = arith.constant 0 : index
    %swap3A_38 = arith.constant 0 : index
    %swap3A_39 = vector.load %arg6[%swap3A_37, %swap3A_38] : memref<2000x64xf32, #tpu.memory_space<vmem>>, vector<2000x64xf32>
    tpu.vector_store %arg6[%swap3A_37, %swap3A_38], %slice3A_36 {strides = array<i32>} : memref<2000x64xf32, #tpu.memory_space<vmem>>, vector<2000x64xf32>,
    %slice3A_40 = vector.extract_strided_slice %max3A_33 {offsets = [0, 64], sizes = [2000, 64], strides = [1, 1]} : vector<2000x128xf32> to vector<2000x64xf32>
    %swap3A_41 = arith.constant 0 : index
    %swap3A_42 = arith.constant 0 : index
    %swap3A_43 = vector.load %arg7[%swap3A_41, %swap3A_42] : memref<2000x64xf32, #tpu.memory_space<vmem>>, vector<2000x64xf32>
    tpu.vector_store %arg7[%swap3A_41, %swap3A_42], %slice3A_40 {strides = array<i32>} : memref<2000x64xf32, #tpu.memory_space<vmem>>, vector<2000x64xf32>,
    return
  }
  func.func @transform_0(%arg0: i32) -> (i32, i32, i32) {
    %c0_i32 = arith.constant 0 : i32
    %c0_i32_0 = arith.constant 0 : i32
    %c0_i32_1 = arith.constant 0 : i32
    return %c0_i32, %arg0, %c0_i32_0 : i32, i32, i32
  }
  func.func @transform_1(%arg0: i32) -> (i32, i32, i32) {
    %c0_i32 = arith.constant 0 : i32
    %c0_i32_0 = arith.constant 0 : i32
    %c0_i32_1 = arith.constant 0 : i32
    return %c0_i32, %arg0, %c0_i32_0 : i32, i32, i32
  }
  func.func @transform_2(%arg0: i32) -> (i32, i32) {
    %c0_i32 = arith.constant 0 : i32
    %c0_i32_0 = arith.constant 0 : i32
    return %arg0, %c0_i32 : i32, i32
  }
  func.func @transform_3(%arg0: i32) -> (i32, i32) {
    %c0_i32 = arith.constant 0 : i32
    %c0_i32_0 = arith.constant 0 : i32
    %c0_i32_1 = arith.constant 0 : i32
    return %c0_i32, %c0_i32_0 : i32, i32
  }
  func.func @transform_4(%arg0: i32) -> (i32, i32) {
    %c0_i32 = arith.constant 0 : i32
    %c0_i32_0 = arith.constant 0 : i32
    return %arg0, %c0_i32 : i32, i32
  }
  func.func @transform_5(%arg0: i32) -> (i32, i32) {
    %c0_i32 = arith.constant 0 : i32
    %c0_i32_0 = arith.constant 0 : i32
    return %arg0, %c0_i32 : i32, i32
  }
  func.func @transform_6(%arg0: i32) -> (i32, i32) {
    %c0_i32 = arith.constant 0 : i32
    %c0_i32_0 = arith.constant 0 : i32
    return %arg0, %c0_i32 : i32, i32
  }
}

module attributes {stable_mosaic.version = 14 : i64} {
  func.func @_tc_combine_body(%arg0: i32, %arg1: memref<2x2000x64xf32, #tpu.memory_space<vmem>>, %arg2: memref<2x2000x16xf32, #tpu.memory_space<vmem>>, %arg3: memref<2000x128xf32, #tpu.memory_space<vmem>>, %arg4: memref<128x128xf32, #tpu.memory_space<vmem>>, %arg5: memref<2000x128xf32, #tpu.memory_space<vmem>>) attributes {dimension_semantics = [#tpu.dimension_semantics<arbitrary>], iteration_bounds = array<i64: 5>, scalar_prefetch = 0 : i64, scratch_operands = 0 : i64, tpu.core_type = #tpu.core_type<tc>, window_params = [{transform_indices = @transform_0, window_bounds = array<i64: 2, 2000, 64>}, {transform_indices = @transform_1, window_bounds = array<i64: 2, 2000, 16>}, {transform_indices = @transform_2, window_bounds = array<i64: 2000, 128>}, {pipeline_mode = #tpu.pipeline_mode<synchronous>, transform_indices = @transform_3, window_bounds = array<i64: 128, 128>}, {transform_indices = @transform_4, window_bounds = array<i64: 2000, 128>}]} {
    %get3A = arith.constant 0 : index
    %get3A_0 = arith.constant 0 : index
    %get3A_1 = arith.constant 0 : index
    %get3A_2 = vector.load %arg1[%get3A, %get3A_0, %get3A_1] : memref<2x2000x64xf32, #tpu.memory_space<vmem>>, vector<1x2000x64xf32>
    %get3A_3 = vector.shape_cast %get3A_2 : vector<1x2000x64xf32> to vector<2000x64xf32>
    %get3A_4 = arith.constant 1 : index
    %get3A_5 = arith.constant 0 : index
    %get3A_6 = arith.constant 0 : index
    %get3A_7 = vector.load %arg1[%get3A_4, %get3A_5, %get3A_6] : memref<2x2000x64xf32, #tpu.memory_space<vmem>>, vector<1x2000x64xf32>
    %get3A_8 = vector.shape_cast %get3A_7 : vector<1x2000x64xf32> to vector<2000x64xf32>
    %concatenate3A = tpu.concatenate %get3A_3, %get3A_8 in 1 : vector<2000x64xf32>, vector<2000x64xf32> -> vector<2000x128xf32>
    %get3A_9 = arith.constant 0 : index
    %get3A_10 = arith.constant 0 : index
    %get3A_11 = arith.constant 0 : index
    %get3A_12 = vector.load %arg2[%get3A_9, %get3A_10, %get3A_11] : memref<2x2000x16xf32, #tpu.memory_space<vmem>>, vector<1x2000x16xf32>
    %get3A_13 = vector.shape_cast %get3A_12 : vector<1x2000x16xf32> to vector<2000x16xf32>
    %slice3A = vector.extract_strided_slice %get3A_13 {offsets = [0, 0], sizes = [2000, 1], strides = [1, 1]} : vector<2000x16xf32> to vector<2000x1xf32>
    %get3A_14 = arith.constant 1 : index
    %get3A_15 = arith.constant 0 : index
    %get3A_16 = arith.constant 0 : index
    %get3A_17 = vector.load %arg2[%get3A_14, %get3A_15, %get3A_16] : memref<2x2000x16xf32, #tpu.memory_space<vmem>>, vector<1x2000x16xf32>
    %get3A_18 = vector.shape_cast %get3A_17 : vector<1x2000x16xf32> to vector<2000x16xf32>
    %slice3A_19 = vector.extract_strided_slice %get3A_18 {offsets = [0, 0], sizes = [2000, 1], strides = [1, 1]} : vector<2000x16xf32> to vector<2000x1xf32>
    %add3A = arith.addf %slice3A, %slice3A_19 : vector<2000x1xf32>
    %max3A = arith.constant 1.000000e+00 : f32
    %max3A_20 = vector.broadcast %max3A : f32 to vector<2000x1xf32>
    %max3A_21 = arith.maximumf %add3A, %max3A_20 : vector<2000x1xf32>
    %div3A = vector.broadcast %max3A_21 : vector<2000x1xf32> to vector<2000x128xf32>
    %div3A_22 = arith.divf %concatenate3A, %div3A : vector<2000x128xf32>
    %get3A_23 = arith.constant 0 : index
    %get3A_24 = arith.constant 0 : index
    %get3A_25 = vector.load %arg4[%get3A_23, %get3A_24] : memref<128x128xf32, #tpu.memory_space<vmem>>, vector<128x128xf32>
    %dot_general3A = arith.constant dense<0.000000e+00> : vector<2000x128xf32>
    %dot_general3A_26 = tpu.matmul %div3A_22, %get3A_25, %dot_general3A {dimension_numbers = #tpu.dot_dimension_numbers<[1], [1], [0], [0], [0, 0, 1, 0], [], []>, transpose_lhs_hint = false} : vector<2000x128xf32>, vector<128x128xf32>, vector<2000x128xf32> -> vector<2000x128xf32>
    %get3A_27 = arith.constant 0 : index
    %get3A_28 = arith.constant 0 : index
    %get3A_29 = vector.load %arg3[%get3A_27, %get3A_28] : memref<2000x128xf32, #tpu.memory_space<vmem>>, vector<2000x128xf32>
    %add3A_30 = arith.addf %dot_general3A_26, %get3A_29 : vector<2000x128xf32>
    %swap3A = arith.constant 0 : index
    %swap3A_31 = arith.constant 0 : index
    %swap3A_32 = vector.load %arg5[%swap3A, %swap3A_31] : memref<2000x128xf32, #tpu.memory_space<vmem>>, vector<2000x128xf32>
    tpu.vector_store %arg5[%swap3A, %swap3A_31], %add3A_30 {strides = array<i32>} : memref<2000x128xf32, #tpu.memory_space<vmem>>, vector<2000x128xf32>,
    return
  }
  func.func @transform_0(%arg0: i32) -> (i32, i32, i32) {
    %c0_i32 = arith.constant 0 : i32
    %c0_i32_0 = arith.constant 0 : i32
    %c0_i32_1 = arith.constant 0 : i32
    return %c0_i32, %arg0, %c0_i32_0 : i32, i32, i32
  }
  func.func @transform_1(%arg0: i32) -> (i32, i32, i32) {
    %c0_i32 = arith.constant 0 : i32
    %c0_i32_0 = arith.constant 0 : i32
    %c0_i32_1 = arith.constant 0 : i32
    return %c0_i32, %arg0, %c0_i32_0 : i32, i32, i32
  }
  func.func @transform_2(%arg0: i32) -> (i32, i32) {
    %c0_i32 = arith.constant 0 : i32
    %c0_i32_0 = arith.constant 0 : i32
    return %arg0, %c0_i32 : i32, i32
  }
  func.func @transform_3(%arg0: i32) -> (i32, i32) {
    %c0_i32 = arith.constant 0 : i32
    %c0_i32_0 = arith.constant 0 : i32
    %c0_i32_1 = arith.constant 0 : i32
    return %c0_i32, %c0_i32_0 : i32, i32
  }
  func.func @transform_4(%arg0: i32) -> (i32, i32) {
    %c0_i32 = arith.constant 0 : i32
    %c0_i32_0 = arith.constant 0 : i32
    return %arg0, %c0_i32 : i32, i32
  }
}

</mosaic_0001>

<sc_bundles>
// kernel: kernel.11.cloned.1.call-start
scs
__scs_entry_jumppad:
0x0: {  	(pc) =	sbr.rel $0x88, $3  }
0x1: {  	(tag) =	ssettag $0x0;
	lr =	simm.s32 $0x1  }
0x2: {  	[smem:$0x3F99] =	sst lr;
	_ =	strace $0xD0000000  }
0x3: {  	_ = 	snop  }
0x4: {  	_ = 	snop  }
0x5: {  	_ = 	snop  }
0x6: {  	_ = 	snop  }
0x7: {  	_ = 	snop  }
__scs_overlays_trampoline_lowered:
0x8: {  	[smem:$0x3FA8] =	sst s0  }
0x9: {  	[smem:$0x3FA9] =	sst s1  }
0xa: {  	[smem:$0x3FAA] =	sst s2  }
0xb: {  	[smem:$0x3FAB] =	sst s3  }
0xc: {  	[smem:$0x3FAC] =	sst s4  }
0xd: {  	[smem:$0x3FAD] =	sst s5  }
0xe: {  	[smem:$0x3FAE] =	sst s6  }
0xf: {  	[smem:$0x3FAF] =	sst s7  }
0x10: {  	[smem:$0x3FB0] =	sst s8  }
0x11: {  	[smem:$0x3FB1] =	sst s9;
	s0 =	simm.s32 @!p0 $0x0  }
0x12: {  	s1 =	sld [smem:$0x3F97];
	s0 =	simm.s32 @p0 $0x1  }
0x13: {  	[smem:$0x3FB2] =	sst s0;
	s0 =	simm.s32 @!p1 $0x0  }
0x14: {  	s2 =	sld [smem:$0x3F96];
	s0 =	simm.s32 @p1 $0x1  }
0x15: {  	[smem:$0x3FB3] =	sst s0;
	s0 =	simm.s32 @!p2 $0x0  }
0x16: {  	s3 =	sld [smem:$0x3FDB];
	s0 =	simm.s32 @p2 $0x1  }
0x17: {  	s4 =	simm.s32 $0x1BF5;
	[smem:$0x3FB5] =	sst s0  }
0x18: {  	s0 =	sld [smem:$0x3F98];
	_ =	swait.ge [sflag:s4], $0x0  }
0x19: {  	s7 =	sld [smem:$0x3F99]  }
0x1a: {  	s8 =	sadd.s32 $0xFFFFE003, lr  }
0x1b: {  	s9 =	sadd.s32 $0xFFFFFEF7, lr;
	s5 =	simm.s32 $0xFFFFFFFF;
	p2 =	slt.u32 s8, $0xFFFFF086  }
0x1c: {  	p1 =	slt.u32 s9, $0xF7A;
	s5 =	simm.s32 @!p2 $0x0  }
0x1d: {  	s5 =	simm.s32 @p1 $0x1;
	p0 =	seq.s32 s7, s2  }
0x1e: {  	s7 =	smul.u32 @!p0 $0xF7A, s2;
	p2 =	seq.s32 @!p0 s5, $0x0  }
0x1f: {  	s9 =	smul.u32 $0xF7A, s1;
	s8 =	simm.s32 @!p0 $0x1BF5;
	p2 =	por !p2, p0  }
0x20: {  	[sflag:s8] =	ssyncset.s32 @!p0 $0xFFFFF086;
	s6 =	sadd.s32 @!p0 s3, s7;
	s7 =	simm.s32 @!p0 $0x108  }
0x21: {  	s3 =	sadd.s32 s3, s9;
	s6 =	sadd.s32 @!p0 $0x88, s6;
	s7 =	simm.s32 @p2 $0x1082  }
0x22: {  	[simem:s7], [sflag:s8] =	dma.local @!p0 [hbm:s6], $0xF7A  }
0x23: {  	s9 =	sor.u32 $0xD0000000, s2;
	s6 =	simm.s32 $0x108;
	_ =	swait.ge @!p0 [sflag:s8], $0x0  }
0x24: {  	s3 =	sadd.s32 $0x88, s3;
	s6 =	simm.s32 @!p1 $0x1082;
	[sflag:s4] =	ssyncset.s32 $0xFFFFF086  }
0x25: {  	[simem:s6], [sflag:s4] =	dma.local [hbm:s3], $0xF7A  }
0x26: {  	[smem:$0x3F99] =	sst s1;
	(tag) =	ssettag s2;
	_ =	strace s9  }
0x27: {  	s1 =	sld [smem:$0x3FA9]  }
0x28: {  	s2 =	sld [smem:$0x3FAA]  }
0x29: {  	s4 =	sld [smem:$0x3FAC]  }
0x2a: {  	p0 =	seq.s32 s5, $0x0;
	s5 =	sld [smem:$0x3FAD]  }
0x2b: {  	s6 =	sld [smem:$0x3FAE]  }
0x2c: {  	s7 =	sld [smem:$0x3FAF]  }
0x2d: {  	s3 =	simm.s32 $0x108;
	s8 =	sld [smem:$0x3FB0]  }
0x2e: {  	s3 =	simm.s32 @!p0 $0x1082;
	s9 =	sld [smem:$0x3FB1]  }
0x2f: {  	lr =	sadd.s32 s0, s3;
	s0 =	sld [smem:$0x3FA8]  }
0x30: {  	s3 =	sld [smem:$0x3FAB]  }
0x31: {  	[smem:$0x3FB4] =	sst s10  }
0x32: {  	s10 =	sld [smem:$0x3FB2];
	_ =	sdelay $0x3  }
0x33: {  	p0 =	seq.s32 s10, $0x1;
	s10 =	sld [smem:$0x3FB4];
	_ =	sdelay $0x3  }
0x34: {  	[smem:$0x3FB4] =	sst s10  }
0x35: {  	s10 =	sld [smem:$0x3FB3];
	_ =	sdelay $0x3  }
0x36: {  	p1 =	seq.s32 s10, $0x1;
	s10 =	sld [smem:$0x3FB4];
	_ =	sdelay $0x3  }
0x37: {  	[smem:$0x3FB4] =	sst s10  }
0x38: {  	s10 =	sld [smem:$0x3FB5]  }
0x39: {  	_ = 	snop;
	(pc) =	sbr.ind lr, $3  }
0x3a: {  	_ = 	snop  }
0x3b: {  	_ = 	snop  }
0x3c: {  	p2 =	seq.s32 s10, $0x1;
	s10 =	sld [smem:$0x3FB4]  }
0x3d: {  	_ =	shalt  }
0x3e: {  	_ =	shalt  }
0x3f: {  	_ =	shalt  }
0x40: {  	_ =	shalt  }
0x41: {  	_ =	shalt  }
0x42: {  	_ =	shalt  }
0x43: {  	_ =	shalt  }
0x44: {  	_ =	shalt  }
0x45: {  	_ =	shalt  }
0x46: {  	_ =	shalt  }
0x47: {  	_ =	shalt  }
0x48: {  	_ =	shalt  }
0x49: {  	_ =	shalt  }
0x4a: {  	_ =	shalt  }
0x4b: {  	_ =	shalt  }
0x4c: {  	_ =	shalt  }
0x4d: {  	_ =	shalt  }
0x4e: {  	_ =	shalt  }
0x4f: {  	_ =	shalt  }
0x50: {  	_ =	shalt  }
0x51: {  	_ =	shalt  }
0x52: {  	_ =	shalt  }
0x53: {  	_ =	shalt  }
0x54: {  	_ =	shalt  }
0x55: {  	_ =	shalt  }
0x56: {  	_ =	shalt  }
0x57: {  	_ =	shalt  }
0x58: {  	_ =	shalt  }
0x59: {  	_ =	shalt  }
0x5a: {  	_ =	shalt  }
0x5b: {  	_ =	shalt  }
0x5c: {  	_ =	shalt  }
0x5d: {  	_ =	shalt  }
0x5e: {  	_ =	shalt  }
0x5f: {  	_ =	shalt  }
0x60: {  	_ =	shalt  }
0x61: {  	_ =	shalt  }
0x62: {  	_ =	shalt  }
0x63: {  	_ =	shalt  }
0x64: {  	_ =	shalt  }
0x65: {  	_ =	shalt  }
0x66: {  	_ =	shalt  }
0x67: {  	_ =	shalt  }
0x68: {  	_ =	shalt  }
0x69: {  	_ =	shalt  }
0x6a: {  	_ =	shalt  }
0x6b: {  	_ =	shalt  }
0x6c: {  	_ =	shalt  }
0x6d: {  	_ =	shalt  }
0x6e: {  	_ =	shalt  }
0x6f: {  	_ =	shalt  }
0x70: {  	_ =	shalt  }
0x71: {  	_ =	shalt  }
0x72: {  	_ =	shalt  }
0x73: {  	_ =	shalt  }
0x74: {  	_ =	shalt  }
0x75: {  	_ =	shalt  }
0x76: {  	_ =	shalt  }
0x77: {  	_ =	shalt  }
0x78: {  	_ =	shalt  }
0x79: {  	_ =	shalt  }
0x7a: {  	_ =	shalt  }
0x7b: {  	_ =	shalt  }
0x7c: {  	_ =	shalt  }
0x7d: {  	_ =	shalt  }
0x7e: {  	_ =	shalt  }
0x7f: {  	_ =	shalt  }
0x80: {  	_ =	shalt  }
0x81: {  	_ =	shalt  }
0x82: {  	_ =	shalt  }
0x83: {  	_ =	shalt  }
0x84: {  	_ =	shalt  }
0x85: {  	_ =	shalt  }
0x86: {  	_ =	shalt  }
0x87: {  	_ =	shalt  }
.Lfunc_end0:
.L_simem_size_0:
called_computation.1_lowered:
.L_overlay_start_0:
0x88: {  	s2 =	sld [smem:$0x3FD9]  }
0x89: {  	s3 =	sld [smem:$0x3FFE];
	_ =	sdelay $0x1  }
0x8a: {  	s1 =	srdreg.scid  }
0x8b: {  	s0 =	sand.u32 $0x1, s1  }
0x8c: {  	s17 =	sshll.u32 s0, $0xA;
	s2 =	sadd.s32 s3, s2  }
0x8d: {  	s2 =	sadd.s32 s2, s17  }
0x8e: {  	[smem:$0x3FC0] =	sst s2  }
0x8f: {  	_ = 	snop  }
0x90: {  	s2 =	sld [smem:$0x3FD0];
	(tm) =	ssettm $0x1  }
0x91: {  	s18 =	sld [smem:$0x3FFB];
	_ =	sdelay $0x3  }
0x92: {  	_ =	strace s18  }
0x93: {  	s3 =	sld [smem:$0x3FFC];
	_ =	sdelay $0x3  }
0x94: {  	_ =	strace s3  }
0x95: {  	s3 =	sld [smem:$0x3FFD];
	_ =	sdelay $0x3  }
0x96: {  	_ =	strace s3  }
0x97: {  	_ =	strace $0x8FFFFFFF  }
0x98: {  	s19 =	sld [smem:$0x3FDB];
	_ =	sdelay $0x1  }
0x99: {  	s4 =	simm.s32 $_scs_section_size  }
0x9a: {  	s5 =	simm.s32 $_size__tile_overlayer_lowered;
	s6 =	simm.s32 $_tile_overlayer_lowered  }
0x9b: {  	s22 =	simm.s32 $0x1BFF;
	s21 =	sshll.u32 s6, $0x1;
	s3 =	sadd.s32 s4, s19  }
0x9c: {  	s7 =	simm.s32 $0x0;
	s20 =	sshll.u32 s5, $0x1;
	s5 =	sadd.s32 s21, s3  }
0x9d: {  	[timem:s7], [sflag:s22] =	dma.local [hbm:s5], s20  }
0x9e: {  	_ =	swait.ge [sflag:s22], s20  }
0x9f: {  	s4 =	ssub.s32 $0x0, s20;
	[sflag:s22] =	ssyncset.done $0x0  }
0xa0: {  	[sflag:s22] =	ssyncadd.s32 s4;
	_ =	sdelay $0x1  }
0xa1: {  	s23 =	simm.s32 $0x1B8B  }
0xa2: {  	_ =	swait.ge [sflag:s23], $0x1  }
0xa3: {  	[sflag:s23] =	ssyncset.done $0x0  }
0xa4: {  	s25 =	simm.s32 $0x1B8E;
	s24 =	sld [smem:$0x3FFE];
	[sflag:s23] =	ssyncadd.s32 $0xFFFFFFFF  }
0xa5: {  	s26 =	simm.s32 $execute0_lowered;
	[smem:$0x3FD2] =	sst s25  }
0xa6: {  	s5 =	sshll.u32 s26, $0x1;
	_ =	strace $0x80000049;
	[dreg:$0x1] =	wrdreg $0xFFFFFFFF  }
0xa7: {  	s28 =	simm.s32 $_size_execute0_lowered;
	s3 =	sadd.s32 s3, s5;
	[dreg:$0x0] =	wrdreg $0x0  }
0xa8: {  	s5 =	sshll.u32 s28, $0x1;
	[dreg:$0x2] =	wrdreg s3  }
0xa9: {  	[dreg:$0x3] =	wrdreg s5  }
0xaa: {  	[dreg:$0x4] =	wrdreg $0xC0  }
0xab: {  	_ =	task [dreg:s7], $0x5FFFF  }
0xac: {  	[dreg:$0x1] =	wrdreg $0xFFFFFFFF  }
0xad: {  	[dreg:$0x0] =	wrdreg $0x60  }
0xae: {  	[dreg:$0x2] =	wrdreg s24  }
0xaf: {  	[dreg:$0x3] =	wrdreg s2  }
0xb0: {  	[dreg:$0x4] =	wrdreg $0xFA000  }
0xb1: {  	[dreg:$0x5] =	wrdreg $0x19A000  }
0xb2: {  	[dreg:$0x6] =	wrdreg $0x9  }
0xb3: {  	_ =	task.clear_ibuf [dreg:s7], $0x7FFFF;
	_ =	strace $0x90000049  }
0xb4: {  	s29 =	simm.s32 $0x9;
	_ =	strace $0x8000004B  }
0xb5: {  	_ =	swait.ge [sflag:s29], $0x1  }
0xb6: {  	[sflag:s29] =	ssyncadd.s32 $0xFFFFFFFF  }
0xb7: {  	_ =	strace $0x9000004B  }
0xb8: {  	_ =	sfence  }
0xb9: {  	s30 =	sld [smem:$0x0];
	_ =	sdelay $0x2  }
0xba: {  	s31 =	sshll.u32 s1, $0xD;
	s1 =	sshrl.u32 s1, $0x2  }
0xbb: {  	s3 =	sand.u32 $0x4000, s31;
	s1 =	sadd.s32 s1, s30  }
0xbc: {  	s0 =	sor.u32 s3, s0;
	s1 =	sshll.u32 s1, $0x11  }
0xbd: {  	s0 =	sor.u32 s1, s0  }
0xbe: {  	s0 =	sadd.s32 $0x8F2B, s0  }
0xbf: {  	[sflag:s0] =	ssyncadd.remote.s32 $0x1  }
0xc0: {  	_ =	sfence.sel $0xFFFF  }
0xc1: {  	[dreg:$0x0] =	wrdreg $0xFFFFFFFF;
	(pc) =	sbr.abs _section_cstart, $3  }
0xc2: {  	[dreg:$0x1] =	wrdreg $0xFFFFFFFF  }
0xc3: {  	_ =	task.clear_ibuf [dreg:s7], $0x2FFFF;
	_ =	strace $0x9FFFFFFF  }
0xc4: {  	(tm) =	ssettm $0x7FFFFFFF  }
0xc5: {  	_ =	shalt  }
tec
execute0_lowered:
.L_overlay_start_1:
0x0: {  	(tag) =	ssettag $0x1  }
0x1: {  	s4 =	rddreg [dreg:$0x0]  }
0x2: {  	s5 =	rddreg [dreg:$0x1]  }
0x3: {  	s19 =	rddreg [dreg:$0x2]  }
0x4: {  	s3 =	rddreg [dreg:$0x3];
	s2 =	simm.s32 $0x0;
	s0 =	srdreg.scid  }
0x5: {  	s17 =	stileid.u32;
	[smem:$0x7FF] =	sst s2;
	s7 =	sand.u32 $0x1, s0  }
0x6: {  	s0 =	smul.u32 $0x280, s17;
	s6 =	sadd.s32 $0x1E00, s4;
	s8 =	sadd.s32 $0x29600, s4  }
0x7: {  	s9 =	sadd.s32 $0x29400, s4;
	_ =	strace $0x8000004A;
	[dreg:$0x10] =	wrdreg s8  }
0x8: {  	s18 =	sadd.s32 $0x15800, s4;
	s29 =	sadd.s32 $0x29200, s4;
	[dreg:$0x11] =	wrdreg s9  }
0x9: {  	s11 =	sadd.s32 $0x29A00, s4;
	s4 =	sadd.s32 $0x51A00, s4;
	[dreg:$0x17] =	wrdreg s29  }
0xa: {  	s16 =	smul.u32 $0x2800, s7;
	s20 =	ssub.s32 $0x2, s7;
	[dreg:$0xe] =	wrdreg s18  }
0xb: {  	s30 =	smul.u32 $0x28000, s17;
	[dreg:$0xd] =	wrdreg s6;
	s21 =	sshrl.u32 s20, $0x1  }
0xc: {  	s10 =	sadd.s32 s0, s16;
	s2 =	ssub.s32 s20, s21;
	s16 =	smul.u32 $0x1400, s17  }
0xd: {  	s20 =	simm.s32 $0x800;
	s22 =	sadd.s32 $0x80, s10;
	s23 =	sshll.u32 s10, $0x3  }
0xe: {  	s13 =	sadd.s32 $0x100, s10;
	s26 =	sadd.s32 $0x180, s10;
	s28 =	sadd.s32 $0x200, s10  }
0xf: {  	s10 =	sshll.u32 s10, $0x1;
	[dreg:$0xb] =	wrdreg s20;
	s9 =	sadd.s32 s11, s23  }
0x10: {  	s12 =	sshll.u32 s22, $0x3;
	s10 =	sadd.s32 s4, s10;
	[dreg:$0x12] =	wrdreg s9  }
0x11: {  	s25 =	sshll.u32 s13, $0x3;
	s5 =	sadd.s32 s16, s5;
	[dreg:$0x18] =	wrdreg s10  }
0x12: {  	s31 =	sshll.u32 s13, $0x1;
	s13 =	simm.s32 $0x200;
	[dreg:$0x5] =	wrdreg s5  }
0x13: {  	s16 =	smul.u32 $0xA000, s17;
	s17 =	simm.s32 $0x600;
	[dreg:$0x7] =	wrdreg s13  }
0x14: {  	p0 =	seq.s32 s7, $0x0;
	s24 =	sadd.s32 s11, s12;
	[dreg:$0xa] =	wrdreg s17  }
0x15: {  	s14 =	sshll.u32 s26, $0x3;
	s9 =	sadd.s32 s11, s25;
	[dreg:$0x13] =	wrdreg s24  }
0x16: {  	s15 =	sshll.u32 s28, $0x3;
	s14 =	sadd.s32 s11, s14;
	[dreg:$0x14] =	wrdreg s9  }
0x17: {  	s8 =	sshll.u32 s22, $0x1;
	s11 =	sadd.s32 s11, s15;
	[dreg:$0x15] =	wrdreg s14  }
0x18: {  	s21 =	sadd.s32 $0x80, s0;
	s8 =	sadd.s32 s4, s8;
	[dreg:$0x16] =	wrdreg s11  }
0x19: {  	s22 =	sshll.u32 s21, $0x6;
	s1 =	sadd.s32 s4, s31;
	[dreg:$0x19] =	wrdreg s8  }
0x1a: {  	s23 =	sadd.s32 $0x100, s0;
	s12 =	simm.s32 $0x100;
	[dreg:$0x1a] =	wrdreg s1  }
0x1b: {  	s10 =	sshll.u32 s28, $0x1;
	s15 =	simm.s32 $0x8A00;
	[dreg:$0x6] =	wrdreg s12  }
0x1c: {  	s25 =	sadd.s32 $0x180, s0;
	s31 =	smax.u32 s2, $0x1;
	[dreg:$0x9] =	wrdreg s15  }
0x1d: {  	s0 =	sadd.s32 $0x200, s0;
	s14 =	simm.s32 $0x400;
	[smem:$0x7F6] =	sst s31  }
0x1e: {  	s9 =	sshll.u32 s26, $0x1;
	s11 =	sadd.s32 s22, s19;
	[dreg:$0x8] =	wrdreg s14  }
0x1f: {  	s8 =	smov.u32 s18;
	s9 =	sadd.s32 s4, s9;
	[dreg:$0x1f] =	wrdreg s11  }
0x20: {  	s18 =	sshrl.u32 s30, $0x2;
	s4 =	sadd.s32 s4, s10;
	[dreg:$0x1b] =	wrdreg s9  }
0x21: {  	s5 =	sshrl.u32 s16, $0x2;
	s8 =	smov.u32 @p0 s6;
	[dreg:$0x1c] =	wrdreg s4  }
0x22: {  	s24 =	sshll.u32 s23, $0x6;
	s10 =	sadd.s32 s5, s3;
	[dreg:$0xc] =	wrdreg s8  }
0x23: {  	s26 =	sshll.u32 s23, $0x4;
	s16 =	sadd.s32 s24, s19;
	[dreg:$0x1e] =	wrdreg s10  }
0x24: {  	s30 =	sshll.u32 s0, $0x6;
	s17 =	sadd.s32 s26, s3;
	[smem:$0x7F8] =	sst s16  }
0x25: {  	s0 =	sshll.u32 s0, $0x4;
	s5 =	sadd.s32 s30, s19;
	[smem:$0x7F9] =	sst s17  }
0x26: {  	p0 =	sne.s32 s7, $0x0;
	s7 =	sadd.s32 s0, s3;
	[smem:$0x7FC] =	sst s5  }
0x27: {  	s28 =	sshll.u32 s25, $0x6;
	s8 =	sadd.s32 s18, s19;
	[smem:$0x7FD] =	sst s7  }
0x28: {  	s4 =	sshll.u32 s21, $0x4;
	s18 =	sadd.s32 s28, s19;
	[dreg:$0x1d] =	wrdreg s8  }
0x29: {  	s29 =	sshll.u32 s25, $0x4;
	s12 =	sadd.s32 s4, s3;
	[smem:$0x7FA] =	sst s18  }
0x2a: {  	s4 =	sadd.s32 s29, s3;
	[smem:$0x7F7] =	sst s12  }
0x2b: {  	s20 =	simm.s32 $0x0;
	s1 =	simm.s32 $0xF200;
	[smem:$0x7FB] =	sst s4  }
.LBB2_1:
0x2c: {  	[smem:$0x7F5] =	sst s20;
	s2 =	simm.s32 $0x0  }
0x2d: {  	s0 =	rddreg [dreg:$0x10];
	s21 =	simm.s32 $0xD200;
	s22 =	simm.s32 $0x8  }
0x2e: {  	[tilespmem:s21], [sflag:$0x8] =	stream.linear.gather [hbm4b:s0+s2], $0x2000, $0x38;
	[tilespmem:$0x1C200] =	vst v63  }
0x2f: {  	_ =	swait.ge [sflag:s22], $0x2000  }
0x30: {  	[sflag:s22] =	ssyncset.done $0x0  }
0x31: {  	s15 =	rddreg [dreg:$0x11];
	[sflag:s22] =	ssyncadd.s32 $0xFFFFE000  }
0x32: {  	[tilespmem:s1], [sflag:$0x8] =	stream.linear.gather [hbm4b:s15+s2], $0x800, $0x38;
	[tilespmem:$0x1C200] =	vst v63  }
0x33: {  	_ =	swait.ge [sflag:s22], $0x800  }
0x34: {  	[sflag:s22] =	ssyncset.done $0x0  }
0x35: {  	s24 =	simm.s32 $0xCA00;
	s20 =	rddreg [dreg:$0x17];
	[sflag:s22] =	ssyncadd.s32 $0xFFFFF800  }
0x36: {  	[tilespmem:s24], [sflag:$0x8] =	stream.linear.gather [hbm4b:s20+s2], $0x800, $0x38;
	[tilespmem:$0x1C200] =	vst v63  }
0x37: {  	_ =	swait.ge [sflag:s22], $0x800  }
0x38: {  	[sflag:s22] =	ssyncset.done $0x0  }
0x39: {  	[sflag:s22] =	ssyncadd.s32 $0xFFFFF800  }
0x3a: {  	[spmem:s8] =	stream.linear.scatter [tilespmem:s21], [sflag:$0x8], $0x2000, $0x38;
	[tilespmem:$0x1C200] =	vst v63  }
0x3b: {  	_ =	swait.ge [sflag:s22], $0x2000  }
0x3c: {  	[sflag:s22] =	ssyncset.done $0x0  }
0x3d: {  	[sflag:s22] =	ssyncadd.s32 $0xFFFFE000  }
0x3e: {  	[spmem:s10] =	stream.linear.scatter [tilespmem:s1], [sflag:$0x8], $0x800, $0x38;
	[tilespmem:$0x1C200] =	vst v63  }
0x3f: {  	_ =	swait.ge [sflag:s22], $0x800  }
0x40: {  	[sflag:s22] =	ssyncset.done $0x0  }
0x41: {  	[sflag:s22] =	ssyncadd.s32 $0xFFFFF800  }
0x42: {  	[spmem:s11] =	stream.linear.scatter [tilespmem:s21], [sflag:$0x8], $0x2000, $0x38;
	[tilespmem:$0x1C200] =	vst v63  }
0x43: {  	_ =	swait.ge [sflag:s22], $0x2000  }
0x44: {  	[sflag:s22] =	ssyncset.done $0x0  }
0x45: {  	[sflag:s22] =	ssyncadd.s32 $0xFFFFE000  }
0x46: {  	[spmem:s12] =	stream.linear.scatter [tilespmem:s1], [sflag:$0x8], $0x800, $0x38;
	[tilespmem:$0x1C200] =	vst v63  }
0x47: {  	_ =	swait.ge [sflag:s22], $0x800  }
0x48: {  	[sflag:s22] =	ssyncset.done $0x0  }
0x49: {  	[sflag:s22] =	ssyncadd.s32 $0xFFFFF800  }
0x4a: {  	[spmem:s16] =	stream.linear.scatter [tilespmem:s21], [sflag:$0x8], $0x2000, $0x38;
	[tilespmem:$0x1C200] =	vst v63  }
0x4b: {  	_ =	swait.ge [sflag:s22], $0x2000  }
0x4c: {  	[sflag:s22] =	ssyncset.done $0x0  }
0x4d: {  	[sflag:s22] =	ssyncadd.s32 $0xFFFFE000  }
0x4e: {  	[spmem:s17] =	stream.linear.scatter [tilespmem:s1], [sflag:$0x8], $0x800, $0x38;
	[tilespmem:$0x1C200] =	vst v63  }
0x4f: {  	_ =	swait.ge [sflag:s22], $0x800  }
0x50: {  	[sflag:s22] =	ssyncset.done $0x0  }
0x51: {  	[sflag:s22] =	ssyncadd.s32 $0xFFFFF800  }
0x52: {  	[spmem:s18] =	stream.linear.scatter [tilespmem:s21], [sflag:$0x8], $0x2000, $0x38;
	[tilespmem:$0x1C200] =	vst v63  }
0x53: {  	_ =	swait.ge [sflag:s22], $0x2000  }
0x54: {  	[sflag:s22] =	ssyncset.done $0x0  }
0x55: {  	[sflag:s22] =	ssyncadd.s32 $0xFFFFE000  }
0x56: {  	[spmem:s4] =	stream.linear.scatter [tilespmem:s1], [sflag:$0x8], $0x800, $0x38;
	[tilespmem:$0x1C200] =	vst v63  }
0x57: {  	_ =	swait.ge [sflag:s22], $0x800  }
0x58: {  	[sflag:s22] =	ssyncset.done $0x0  }
0x59: {  	[sflag:s22] =	ssyncadd.s32 $0xFFFFF800  }
0x5a: {  	[spmem:s5] =	stream.linear.scatter [tilespmem:s21], [sflag:$0x8], $0x2000, $0x38;
	[tilespmem:$0x1C200] =	vst v63  }
0x5b: {  	_ =	swait.ge [sflag:s22], $0x2000  }
0x5c: {  	[sflag:s22] =	ssyncset.done $0x0  }
0x5d: {  	[sflag:s22] =	ssyncadd.s32 $0xFFFFE000  }
0x5e: {  	[spmem:s7] =	stream.linear.scatter [tilespmem:s1], [sflag:$0x8], $0x800, $0x38;
	[tilespmem:$0x1C200] =	vst v63  }
0x5f: {  	_ =	swait.ge [sflag:s22], $0x800  }
0x60: {  	[sflag:s22] =	ssyncset.done $0x0  }
0x61: {  	[sflag:s22] =	ssyncadd.s32 $0xFFFFF800  }
0x62: {  	[bflag:$0x0] =	sbarrier.arrive $0xFFFF  }
0x63: {  	s23 =	rddreg [dreg:$0x5]  }
0x64: {  	s0 =	sadd.s32 $0x0, s23  }
0x65: {  	[tilespmem:s2], [sflag:$0x8] =	stream.linear.gather [hbm4b:s0+s2], $0xA00, $0x38;
	[tilespmem:$0x1C200] =	vst v63  }
0x66: {  	_ =	swait.ge [sflag:s22], $0xA00  }
0x67: {  	s20 =	simm.s32 $0x80;
	[sflag:s22] =	ssyncset.done $0x0  }
0x68: {  	s8 =	simm.s32 $0xA00;
	s25 =	rddreg [dreg:$0xc];
	[sflag:s22] =	ssyncadd.s32 $0xFFFFF600  }
0x69: {  	[tilespmem:s8], [sflag:$0x1] =	stream.indirect.gather [hbm4b:s25+s20], $0x40, s2, s20, $0xb8;
	[tilespmem:$0x1C200] =	vst v63  }
0x6a: {  	s29 =	simm.s32 $0x2A00;
	s24 =	rddreg [dreg:$0x6]  }
0x6b: {  	[tilespmem:s29], [sflag:$0x2] =	stream.indirect.gather [hbm4b:s25+s20], $0x40, s24, s20, $0xb8;
	[tilespmem:$0x1C200] =	vst v63  }
0x6c: {  	s3 =	simm.s32 $0x1;
	s11 =	simm.s32 $0x4A00;
	s26 =	rddreg [dreg:$0x7]  }
0x6d: {  	[tilespmem:s11], [sflag:$0x3] =	stream.indirect.gather [hbm4b:s25+s20], $0x40, s26, s20, $0xb8;
	[tilespmem:$0x1C200] =	vst v63  }
0x6e: {  	_ =	swait.ge [sflag:s3], $0x2000  }
0x6f: {  	[sflag:s3] =	ssyncset.done $0x0  }
0x70: {  	s13 =	simm.s32 @p0 $0x2;
	s18 =	simm.s32 @p0 $0x6A00;
	[sflag:s3] =	ssyncadd.s32 $0xFFFFE000  }
0x71: {  	[spmem:s19] =	stream.indirect.scatter.add.f32 [tilespmem:s8], [sflag:$0x4], $0x40, s20, s20, $0xb8;
	[tilespmem:$0x1C200] =	vst v63  }
0x72: {  	s21 =	simm.s32 @p0 $0x80;
	s2 =	simm.s32 @p0 $0x300;
	s6 =	rddreg [dreg:$0xe]  }
0x73: {  	[tilespmem:s18], [sflag:$0x1] =	stream.indirect.gather @p0 [hbm4b:s6+s21], $0x40, s2, s21, $0xb8;
	[tilespmem:$0x1C200] =	vst v63  }
0x74: {  	_ =	swait.ge @p0 [sflag:s13], $0x2000  }
0x75: {  	[sflag:s13] =	ssyncset.done @p0 $0x0  }
0x76: {  	s12 =	simm.s32 @p0 $0x2A00;
	s2 =	simm.s32 @p0 $0x180;
	[sflag:s13] =	ssyncadd.s32 @p0 $0xFFFFE000  }
0x77: {  	[spmem:s19] =	stream.indirect.scatter.add.f32 @p0 [tilespmem:s12], [sflag:$0x5], $0x40, s2, s21, $0xb8;
	[tilespmem:$0x1C200] =	vst v63  }
0x78: {  	s25 =	simm.s32 @p0 $0xCA00;
	s0 =	rddreg [dreg:$0x3]  }
0x79: {  	[spmem:s0] =	stream.indirect.scatter.add.f32 @p0 [tilespmem:s25], [sflag:$0x7], $0x10, s2, s21, $0xb8;
	[tilespmem:$0x1C200] =	vst v63  }
0x7a: {  	s28 =	simm.s32 @!p0 $0x80;
	s9 =	simm.s32 @!p0 $0x6A00;
	s26 =	simm.s32 @!p0 $0xCA00  }
0x7b: {  	[spmem:s0] =	stream.indirect.scatter.add.f32 @!p0 [tilespmem:s26], [sflag:$0x6], $0x10, s28, s28, $0xb8;
	[tilespmem:$0x1C200] =	vst v63  }
0x7c: {  	s4 =	simm.s32 @!p0 $0x300;
	s24 =	rddreg [dreg:$0xd];
	s2 =	simm.s32 @!p0 $0x2  }
0x7d: {  	[tilespmem:s9], [sflag:$0x1] =	stream.indirect.gather @!p0 [hbm4b:s24+s28], $0x40, s4, s28, $0xb8;
	[tilespmem:$0x1C200] =	vst v63  }
0x7e: {  	_ =	swait.ge @!p0 [sflag:s2], $0x2000  }
0x7f: {  	[sflag:s2] =	ssyncset.done @!p0 $0x0  }
0x80: {  	s16 =	simm.s32 @!p0 $0x2A00;
	s5 =	simm.s32 @!p0 $0x180;
	[sflag:s2] =	ssyncadd.s32 @!p0 $0xFFFFE000  }
0x81: {  	[spmem:s19] =	stream.indirect.scatter.add.f32 @!p0 [tilespmem:s16], [sflag:$0x5], $0x40, s5, s28, $0xb8;
	[tilespmem:$0x1C200] =	vst v63  }
0x82: {  	s31 =	rddreg [dreg:$0x9];
	s5 =	smov.u32 s24  }
0x83: {  	s14 =	simm.s32 $0x3;
	s1 =	rddreg [dreg:$0x8];
	s5 =	smov.u32 @p0 s6  }
0x84: {  	[tilespmem:s31], [sflag:$0x2] =	stream.indirect.gather [hbm4b:s5+s20], $0x40, s1, s20, $0xb8;
	[tilespmem:$0x1C200] =	vst v63  }
0x85: {  	_ =	swait.ge [sflag:s14], $0x2000  }
0x86: {  	[sflag:s14] =	ssyncset.done $0x0  }
0x87: {  	s1 =	simm.s32 $0x4;
	[sflag:s14] =	ssyncadd.s32 $0xFFFFE000  }
0x88: {  	_ =	swait.ge [sflag:s1], $0x2000  }
0x89: {  	[sflag:s1] =	ssyncset.done $0x0  }
0x8a: {  	s17 =	simm.s32 @p0 $0x4A00;
	s4 =	simm.s32 @p0 $0x280;
	[sflag:s1] =	ssyncadd.s32 $0xFFFFE000  }
0x8b: {  	[spmem:s19] =	stream.indirect.scatter.add.f32 @p0 [tilespmem:s17], [sflag:$0x4], $0x40, s4, s21, $0xb8;
	[tilespmem:$0x1C200] =	vst v63  }
0x8c: {  	s15 =	simm.s32 @p0 $0xAA00;
	s7 =	simm.s32 @p0 $0x1;
	s4 =	simm.s32 @p0 $0x500  }
0x8d: {  	[tilespmem:s15], [sflag:$0x3] =	stream.indirect.gather @p0 [hbm4b:s6+s21], $0x40, s4, s21, $0xb8;
	[tilespmem:$0x1C200] =	vst v63  }
0x8e: {  	_ =	swait.ge @p0 [sflag:s7], $0x2000  }
0x8f: {  	[sflag:s7] =	ssyncset.done @p0 $0x0  }
0x90: {  	s30 =	simm.s32 @p0 $0x5;
	[sflag:s7] =	ssyncadd.s32 @p0 $0xFFFFE000  }
0x91: {  	_ =	swait.ge @p0 [sflag:s30], $0x2000  }
0x92: {  	[sflag:s30] =	ssyncset.done @p0 $0x0  }
0x93: {  	s4 =	simm.s32 @p0 $0x7;
	[sflag:s30] =	ssyncadd.s32 @p0 $0xFFFFE000  }
0x94: {  	_ =	swait.ge @p0 [sflag:s4], $0x800  }
0x95: {  	[sflag:s4] =	ssyncset.done @p0 $0x0  }
0x96: {  	s7 =	simm.s32 @p0 $0x380;
	[sflag:s4] =	ssyncadd.s32 @p0 $0xFFFFF800  }
0x97: {  	[spmem:s19] =	stream.indirect.scatter.add.f32 @p0 [tilespmem:s18], [sflag:$0x5], $0x40, s7, s21, $0xb8;
	[tilespmem:$0x1C200] =	vst v63  }
0x98: {  	s10 =	simm.s32 @!p0 $0x6  }
0x99: {  	[spmem:s0] =	stream.indirect.scatter.add.f32 @p0 [tilespmem:s25], [sflag:$0x7], $0x10, s7, s21, $0xb8;
	[tilespmem:$0x1C200] =	vst v63  }
0x9a: {  	_ =	swait.ge @!p0 [sflag:s10], $0x800  }
0x9b: {  	[sflag:s10] =	ssyncset.done @!p0 $0x0  }
0x9c: {  	s23 =	simm.s32 @!p0 $0x4A00;
	s7 =	simm.s32 @!p0 $0x280;
	[sflag:s10] =	ssyncadd.s32 @!p0 $0xFFFFF800  }
0x9d: {  	[spmem:s19] =	stream.indirect.scatter.add.f32 @!p0 [tilespmem:s23], [sflag:$0x4], $0x40, s7, s28, $0xb8;
	[tilespmem:$0x1C200] =	vst v63  }
0x9e: {  	_ = 	snop  }
0x9f: {  	[spmem:s0] =	stream.indirect.scatter.add.f32 @!p0 [tilespmem:s26], [sflag:$0x6], $0x10, s7, s28, $0xb8;
	[tilespmem:$0x1C200] =	vst v63  }
0xa0: {  	s29 =	simm.s32 @!p0 $0xAA00;
	s7 =	simm.s32 @!p0 $0x500  }
0xa1: {  	[tilespmem:s29], [sflag:$0x3] =	stream.indirect.gather @!p0 [hbm4b:s24+s28], $0x40, s7, s28, $0xb8;
	[tilespmem:$0x1C200] =	vst v63  }
0xa2: {  	s7 =	simm.s32 @!p0 $0x1  }
0xa3: {  	_ =	swait.ge @!p0 [sflag:s7], $0x2000  }
0xa4: {  	[sflag:s7] =	ssyncset.done @!p0 $0x0  }
0xa5: {  	s22 =	simm.s32 @!p0 $0x5;
	[sflag:s7] =	ssyncadd.s32 @!p0 $0xFFFFE000  }
0xa6: {  	_ =	swait.ge @!p0 [sflag:s22], $0x2000  }
0xa7: {  	[sflag:s22] =	ssyncset.done @!p0 $0x0  }
0xa8: {  	s31 =	simm.s32 @!p0 $0x380;
	[sflag:s22] =	ssyncadd.s32 @!p0 $0xFFFFE000  }
0xa9: {  	[spmem:s19] =	stream.indirect.scatter.add.f32 @!p0 [tilespmem:s9], [sflag:$0x5], $0x40, s31, s28, $0xb8;
	[tilespmem:$0x1C200] =	vst v63  }
0xaa: {  	s7 =	rddreg [dreg:$0xa]  }
0xab: {  	[tilespmem:s8], [sflag:$0x1] =	stream.indirect.gather [hbm4b:s5+s20], $0x40, s7, s20, $0xb8;
	[tilespmem:$0x1C200] =	vst v63  }
0xac: {  	s8 =	simm.s32 $0x2  }
0xad: {  	_ =	swait.ge [sflag:s8], $0x2000  }
0xae: {  	[sflag:s8] =	ssyncset.done $0x0  }
0xaf: {  	[sflag:s8] =	ssyncadd.s32 $0xFFFFE000  }
0xb0: {  	_ =	swait.ge [sflag:s1], $0x2000  }
0xb1: {  	[sflag:s1] =	ssyncset.done $0x0  }
0xb2: {  	s7 =	simm.s32 @p0 $0x480;
	s8 =	simm.s32 @p0 $0x8A00;
	[sflag:s1] =	ssyncadd.s32 $0xFFFFE000  }
0xb3: {  	[spmem:s19] =	stream.indirect.scatter.add.f32 @p0 [tilespmem:s8], [sflag:$0x4], $0x40, s7, s21, $0xb8;
	[tilespmem:$0x1C200] =	vst v63  }
0xb4: {  	s7 =	simm.s32 @p0 $0x700  }
0xb5: {  	[tilespmem:s12], [sflag:$0x2] =	stream.indirect.gather @p0 [hbm4b:s6+s21], $0x40, s7, s21, $0xb8;
	[tilespmem:$0x1C200] =	vst v63  }
0xb6: {  	s7 =	simm.s32 @p0 $0x3  }
0xb7: {  	_ =	swait.ge @p0 [sflag:s7], $0x2000  }
0xb8: {  	[sflag:s7] =	ssyncset.done @p0 $0x0  }
0xb9: {  	[sflag:s7] =	ssyncadd.s32 @p0 $0xFFFFE000  }
0xba: {  	_ =	swait.ge @p0 [sflag:s30], $0x2000  }
0xbb: {  	[sflag:s30] =	ssyncset.done @p0 $0x0  }
0xbc: {  	[sflag:s30] =	ssyncadd.s32 @p0 $0xFFFFE000  }
0xbd: {  	_ =	swait.ge @p0 [sflag:s4], $0x800  }
0xbe: {  	[sflag:s4] =	ssyncset.done @p0 $0x0  }
0xbf: {  	s7 =	simm.s32 @p0 $0x580;
	[sflag:s4] =	ssyncadd.s32 @p0 $0xFFFFF800  }
0xc0: {  	[spmem:s19] =	stream.indirect.scatter.add.f32 @p0 [tilespmem:s15], [sflag:$0x5], $0x40, s7, s21, $0xb8;
	[tilespmem:$0x1C200] =	vst v63  }
0xc1: {  	_ = 	snop  }
0xc2: {  	[spmem:s0] =	stream.indirect.scatter.add.f32 @p0 [tilespmem:s25], [sflag:$0x7], $0x10, s7, s21, $0xb8;
	[tilespmem:$0x1C200] =	vst v63  }
0xc3: {  	_ =	swait.ge @!p0 [sflag:s10], $0x800  }
0xc4: {  	[sflag:s10] =	ssyncset.done @!p0 $0x0  }
0xc5: {  	s8 =	simm.s32 @!p0 $0x8A00;
	s7 =	simm.s32 @!p0 $0x480;
	[sflag:s10] =	ssyncadd.s32 @!p0 $0xFFFFF800  }
0xc6: {  	[spmem:s19] =	stream.indirect.scatter.add.f32 @!p0 [tilespmem:s8], [sflag:$0x4], $0x40, s7, s28, $0xb8;
	[tilespmem:$0x1C200] =	vst v63  }
0xc7: {  	_ = 	snop  }
0xc8: {  	[spmem:s0] =	stream.indirect.scatter.add.f32 @!p0 [tilespmem:s26], [sflag:$0x6], $0x10, s7, s28, $0xb8;
	[tilespmem:$0x1C200] =	vst v63  }
0xc9: {  	s7 =	simm.s32 @!p0 $0x700  }
0xca: {  	[tilespmem:s16], [sflag:$0x2] =	stream.indirect.gather @!p0 [hbm4b:s24+s28], $0x40, s7, s28, $0xb8;
	[tilespmem:$0x1C200] =	vst v63  }
0xcb: {  	s7 =	simm.s32 @!p0 $0x3  }
0xcc: {  	_ =	swait.ge @!p0 [sflag:s7], $0x2000  }
0xcd: {  	[sflag:s7] =	ssyncset.done @!p0 $0x0  }
0xce: {  	[sflag:s7] =	ssyncadd.s32 @!p0 $0xFFFFE000  }
0xcf: {  	_ =	swait.ge @!p0 [sflag:s22], $0x2000  }
0xd0: {  	[sflag:s22] =	ssyncset.done @!p0 $0x0  }
0xd1: {  	s8 =	simm.s32 @!p0 $0x580;
	[dreg:$0xf] =	wrdreg s5;
	[sflag:s22] =	ssyncadd.s32 @!p0 $0xFFFFE000  }
0xd2: {  	[spmem:s19] =	stream.indirect.scatter.add.f32 @!p0 [tilespmem:s29], [sflag:$0x5], $0x40, s8, s28, $0xb8;
	[tilespmem:$0x1C200] =	vst v63  }
0xd3: {  	s15 =	rddreg [dreg:$0xb]  }
0xd4: {  	[tilespmem:s11], [sflag:$0x3] =	stream.indirect.gather [hbm4b:s5+s20], $0x40, s15, s20, $0xb8;
	[tilespmem:$0x1C200] =	vst v63  }
0xd5: {  	_ =	swait.ge [sflag:s3], $0x2000  }
0xd6: {  	[sflag:s3] =	ssyncset.done $0x0  }
0xd7: {  	[sflag:s3] =	ssyncadd.s32 $0xFFFFE000  }
0xd8: {  	_ =	swait.ge [sflag:s1], $0x2000  }
0xd9: {  	[sflag:s1] =	ssyncset.done $0x0  }
0xda: {  	s7 =	simm.s32 @p0 $0xA00;
	s5 =	simm.s32 @p0 $0x680;
	[sflag:s1] =	ssyncadd.s32 $0xFFFFE000  }
0xdb: {  	[spmem:s19] =	stream.indirect.scatter.add.f32 @p0 [tilespmem:s7], [sflag:$0x4], $0x40, s5, s21, $0xb8;
	[tilespmem:$0x1C200] =	vst v63  }
0xdc: {  	s5 =	simm.s32 @p0 $0x900  }
0xdd: {  	[tilespmem:s18], [sflag:$0x1] =	stream.indirect.gather @p0 [hbm4b:s6+s21], $0x40, s5, s21, $0xb8;
	[tilespmem:$0x1C200] =	vst v63  }
0xde: {  	_ =	swait.ge @p0 [sflag:s13], $0x2000  }
0xdf: {  	[sflag:s13] =	ssyncset.done @p0 $0x0  }
0xe0: {  	[sflag:s13] =	ssyncadd.s32 @p0 $0xFFFFE000  }
0xe1: {  	_ =	swait.ge @p0 [sflag:s30], $0x2000  }
0xe2: {  	[sflag:s30] =	ssyncset.done @p0 $0x0  }
0xe3: {  	[sflag:s30] =	ssyncadd.s32 @p0 $0xFFFFE000  }
0xe4: {  	_ =	swait.ge @p0 [sflag:s4], $0x800  }
0xe5: {  	[sflag:s4] =	ssyncset.done @p0 $0x0  }
0xe6: {  	s5 =	simm.s32 @p0 $0x780;
	[sflag:s4] =	ssyncadd.s32 @p0 $0xFFFFF800  }
0xe7: {  	[spmem:s19] =	stream.indirect.scatter.add.f32 @p0 [tilespmem:s12], [sflag:$0x5], $0x40, s5, s21, $0xb8;
	[tilespmem:$0x1C200] =	vst v63  }
0xe8: {  	_ = 	snop  }
0xe9: {  	[spmem:s0] =	stream.indirect.scatter.add.f32 @p0 [tilespmem:s25], [sflag:$0x7], $0x10, s5, s21, $0xb8;
	[tilespmem:$0x1C200] =	vst v63  }
0xea: {  	_ =	swait.ge @!p0 [sflag:s10], $0x800  }
0xeb: {  	[sflag:s10] =	ssyncset.done @!p0 $0x0  }
0xec: {  	s6 =	simm.s32 @!p0 $0xA00;
	s5 =	simm.s32 @!p0 $0x680;
	[sflag:s10] =	ssyncadd.s32 @!p0 $0xFFFFF800  }
0xed: {  	[spmem:s19] =	stream.indirect.scatter.add.f32 @!p0 [tilespmem:s6], [sflag:$0x4], $0x40, s5, s28, $0xb8;
	[tilespmem:$0x1C200] =	vst v63  }
0xee: {  	_ = 	snop  }
0xef: {  	[spmem:s0] =	stream.indirect.scatter.add.f32 @!p0 [tilespmem:s26], [sflag:$0x6], $0x10, s5, s28, $0xb8;
	[tilespmem:$0x1C200] =	vst v63  }
0xf0: {  	s5 =	simm.s32 @!p0 $0x900  }
0xf1: {  	[tilespmem:s9], [sflag:$0x1] =	stream.indirect.gather @!p0 [hbm4b:s24+s28], $0x40, s5, s28, $0xb8;
	[tilespmem:$0x1C200] =	vst v63  }
0xf2: {  	_ =	swait.ge @!p0 [sflag:s2], $0x2000  }
0xf3: {  	[sflag:s2] =	ssyncset.done @!p0 $0x0  }
0xf4: {  	[sflag:s2] =	ssyncadd.s32 @!p0 $0xFFFFE000  }
0xf5: {  	_ =	swait.ge @!p0 [sflag:s22], $0x2000  }
0xf6: {  	[sflag:s22] =	ssyncset.done @!p0 $0x0  }
0xf7: {  	s2 =	simm.s32 @!p0 $0x780;
	[sflag:s22] =	ssyncadd.s32 @!p0 $0xFFFFE000  }
0xf8: {  	[spmem:s19] =	stream.indirect.scatter.add.f32 @!p0 [tilespmem:s16], [sflag:$0x5], $0x40, s2, s28, $0xb8;
	[tilespmem:$0x1C200] =	vst v63  }
0xf9: {  	_ =	swait.ge [sflag:s14], $0x2000  }
0xfa: {  	[sflag:s14] =	ssyncset.done $0x0  }
0xfb: {  	[sflag:s14] =	ssyncadd.s32 $0xFFFFE000  }
0xfc: {  	_ =	swait.ge [sflag:s1], $0x2000  }
0xfd: {  	[sflag:s1] =	ssyncset.done $0x0  }
0xfe: {  	[sflag:s1] =	ssyncadd.s32 $0xFFFFE000;
	s1 =	simm.s32 @p0 $0x880  }
0xff: {  	[spmem:s19] =	stream.indirect.scatter.add.f32 @p0 [tilespmem:s17], [sflag:$0x4], $0x40, s1, s21, $0xb8;
	[tilespmem:$0x1C200] =	vst v63  }
0x100: {  	_ =	swait.ge @!p0 [sflag:s10], $0x800  }
0x101: {  	[sflag:s10] =	ssyncset.done @!p0 $0x0  }
0x102: {  	s1 =	simm.s32 @!p0 $0x880;
	[sflag:s10] =	ssyncadd.s32 @!p0 $0xFFFFF800  }
0x103: {  	[spmem:s19] =	stream.indirect.scatter.add.f32 @!p0 [tilespmem:s23], [sflag:$0x4], $0x40, s1, s28, $0xb8;
	[tilespmem:$0x1C200] =	vst v63  }
0x104: {  	_ = 	snop  }
0x105: {  	[spmem:s0] =	stream.indirect.scatter.add.f32 @!p0 [tilespmem:s26], [sflag:$0x6], $0x10, s1, s28, $0xb8;
	[tilespmem:$0x1C200] =	vst v63  }
0x106: {  	_ =	swait.ge [sflag:s3], $0x2000  }
0x107: {  	[sflag:s3] =	ssyncset.done $0x0  }
0x108: {  	s31 =	simm.s32 $0x5;
	[sflag:s3] =	ssyncadd.s32 $0xFFFFE000  }
0x109: {  	_ =	swait.ge [sflag:s31], $0x2000  }
0x10a: {  	[sflag:s31] =	ssyncset.done $0x0  }
0x10b: {  	[sflag:s31] =	ssyncadd.s32 $0xFFFFE000  }
0x10c: {  	_ =	swait.ge @p0 [sflag:s4], $0x800  }
0x10d: {  	[sflag:s4] =	ssyncset.done @p0 $0x0  }
0x10e: {  	s1 =	simm.s32 @p0 $0x980;
	[sflag:s4] =	ssyncadd.s32 @p0 $0xFFFFF800  }
0x10f: {  	[spmem:s19] =	stream.indirect.scatter.add.f32 @p0 [tilespmem:s18], [sflag:$0x5], $0x40, s1, s21, $0xb8;
	[tilespmem:$0x1C200] =	vst v63  }
0x110: {  	_ = 	snop  }
0x111: {  	[spmem:s0] =	stream.indirect.scatter.add.f32 @p0 [tilespmem:s25], [sflag:$0x7], $0x10, s1, s21, $0xb8;
	[tilespmem:$0x1C200] =	vst v63  }
0x112: {  	s0 =	simm.s32 @p0 $0x4  }
0x113: {  	_ =	swait.ge @p0 [sflag:s0], $0x2000  }
0x114: {  	[sflag:s0] =	ssyncset.done @p0 $0x0  }
0x115: {  	[sflag:s0] =	ssyncadd.s32 @p0 $0xFFFFE000  }
0x116: {  	_ =	swait.ge @p0 [sflag:s30], $0x2000  }
0x117: {  	[sflag:s30] =	ssyncset.done @p0 $0x0  }
0x118: {  	[sflag:s30] =	ssyncadd.s32 @p0 $0xFFFFE000  }
0x119: {  	_ =	swait.ge @p0 [sflag:s4], $0x800  }
0x11a: {  	[sflag:s4] =	ssyncset.done @p0 $0x0  }
0x11b: {  	s0 =	simm.s32 @!p0 $0x980;
	[sflag:s4] =	ssyncadd.s32 @p0 $0xFFFFF800  }
0x11c: {  	[spmem:s19] =	stream.indirect.scatter.add.f32 @!p0 [tilespmem:s9], [sflag:$0x5], $0x40, s0, s28, $0xb8;
	[tilespmem:$0x1C200] =	vst v63  }
0x11d: {  	s0 =	simm.s32 @!p0 $0x4  }
0x11e: {  	_ =	swait.ge @!p0 [sflag:s0], $0x2000  }
0x11f: {  	[sflag:s0] =	ssyncset.done @!p0 $0x0  }
0x120: {  	[sflag:s0] =	ssyncadd.s32 @!p0 $0xFFFFE000  }
0x121: {  	_ =	swait.ge @!p0 [sflag:s10], $0x800  }
0x122: {  	[sflag:s10] =	ssyncset.done @!p0 $0x0  }
0x123: {  	[sflag:s10] =	ssyncadd.s32 @!p0 $0xFFFFF800  }
0x124: {  	s7 =	simm.s32 $0x140;
	_ =	swait.ge @!p0 [sflag:s22], $0x2000  }
0x125: {  	s25 =	simm.s32 $0x280;
	[sflag:s22] =	ssyncset.done @!p0 $0x0;
	s18 =	rddreg [dreg:$0x5]  }
.LBB2_2:
0x126: {  	[sflag:s22] =	ssyncadd.s32 @!p0 $0xFFFFE000  }
0x127: {  	s18 =	sadd.s32 s7, s18;
	s24 =	simm.s32 $0x0;
	s14 =	simm.s32 $0x8  }
0x128: {  	[tilespmem:s24], [sflag:$0x8] =	stream.linear.gather [hbm4b:s18+s24], $0xA00, $0x38;
	[tilespmem:$0x1C200] =	vst v63  }
0x129: {  	_ =	swait.ge [sflag:s14], $0xA00  }
0x12a: {  	s20 =	simm.s32 $0xA00;
	[sflag:s14] =	ssyncset.done $0x0  }
0x12b: {  	s12 =	simm.s32 $0x80;
	s8 =	rddreg [dreg:$0xc];
	[sflag:s14] =	ssyncadd.s32 $0xFFFFF600  }
0x12c: {  	[tilespmem:s20], [sflag:$0x1] =	stream.indirect.gather [hbm4b:s8+s12], $0x40, s24, s12, $0xb8;
	[tilespmem:$0x1C200] =	vst v63  }
0x12d: {  	s17 =	simm.s32 $0x2A00;
	s15 =	rddreg [dreg:$0x6]  }
0x12e: {  	[tilespmem:s17], [sflag:$0x2] =	stream.indirect.gather [hbm4b:s8+s12], $0x40, s15, s12, $0xb8;
	[tilespmem:$0x1C200] =	vst v63  }
0x12f: {  	s3 =	simm.s32 $0x1;
	s16 =	rddreg [dreg:$0x7];
	s24 =	simm.s32 $0x4A00  }
0x130: {  	[tilespmem:s24], [sflag:$0x3] =	stream.indirect.gather [hbm4b:s8+s12], $0x40, s16, s12, $0xb8;
	[tilespmem:$0x1C200] =	vst v63  }
0x131: {  	_ =	swait.ge [sflag:s3], $0x2000  }
0x132: {  	[sflag:s3] =	ssyncset.done $0x0  }
0x133: {  	s31 =	simm.s32 @p0 $0x6A00;
	[sflag:s3] =	ssyncadd.s32 $0xFFFFE000  }
0x134: {  	[spmem:s19] =	stream.indirect.scatter.add.f32 [tilespmem:s20], [sflag:$0x4], $0x40, s12, s12, $0xb8;
	[tilespmem:$0x1C200] =	vst v63  }
0x135: {  	s2 =	simm.s32 @p0 $0x2;
	s8 =	simm.s32 @p0 $0x300;
	s26 =	rddreg [dreg:$0xe]  }
0x136: {  	[tilespmem:s31], [sflag:$0x1] =	stream.indirect.gather @p0 [hbm4b:s26+s21], $0x40, s8, s21, $0xb8;
	[tilespmem:$0x1C200] =	vst v63  }
0x137: {  	_ =	swait.ge @p0 [sflag:s2], $0x2000  }
0x138: {  	[sflag:s2] =	ssyncset.done @p0 $0x0  }
0x139: {  	s14 =	simm.s32 @p0 $0x2A00;
	s8 =	simm.s32 @p0 $0x180;
	[sflag:s2] =	ssyncadd.s32 @p0 $0xFFFFE000  }
0x13a: {  	[spmem:s19] =	stream.indirect.scatter.add.f32 @p0 [tilespmem:s14], [sflag:$0x5], $0x40, s8, s21, $0xb8;
	[tilespmem:$0x1C200] =	vst v63  }
0x13b: {  	s29 =	simm.s32 @p0 $0xCA00;
	s0 =	rddreg [dreg:$0x3]  }
0x13c: {  	[spmem:s0] =	stream.indirect.scatter.add.f32 @p0 [tilespmem:s29], [sflag:$0x7], $0x10, s8, s21, $0xb8;
	[tilespmem:$0x1C200] =	vst v63  }
0x13d: {  	s5 =	simm.s32 @!p0 $0xCA00;
	s9 =	simm.s32 @!p0 $0x6A00  }
0x13e: {  	[spmem:s0] =	stream.indirect.scatter.add.f32 @!p0 [tilespmem:s5], [sflag:$0x6], $0x10, s28, s28, $0xb8;
	[tilespmem:$0x1C200] =	vst v63  }
0x13f: {  	s15 =	simm.s32 @!p0 $0x2;
	s6 =	rddreg [dreg:$0xd];
	s8 =	simm.s32 @!p0 $0x300  }
0x140: {  	[tilespmem:s9], [sflag:$0x1] =	stream.indirect.gather @!p0 [hbm4b:s6+s28], $0x40, s8, s28, $0xb8;
	[tilespmem:$0x1C200] =	vst v63  }
0x141: {  	_ =	swait.ge @!p0 [sflag:s15], $0x2000  }
0x142: {  	s16 =	simm.s32 @!p0 $0x2A00;
	[sflag:s15] =	ssyncset.done @!p0 $0x0;
	s23 =	rddreg [dreg:$0x9]  }
0x143: {  	s8 =	simm.s32 @!p0 $0x180;
	s1 =	rddreg [dreg:$0x8];
	[sflag:s15] =	ssyncadd.s32 @!p0 $0xFFFFE000  }
0x144: {  	[spmem:s19] =	stream.indirect.scatter.add.f32 @!p0 [tilespmem:s16], [sflag:$0x5], $0x40, s8, s28, $0xb8;
	[tilespmem:$0x1C200] =	vst v63  }
0x145: {  	s18 =	simm.s32 $0x3;
	s13 =	rddreg [dreg:$0xf]  }
0x146: {  	[tilespmem:s23], [sflag:$0x2] =	stream.indirect.gather [hbm4b:s13+s12], $0x40, s1, s12, $0xb8;
	[tilespmem:$0x1C200] =	vst v63  }
0x147: {  	_ =	swait.ge [sflag:s18], $0x2000  }
0x148: {  	[sflag:s18] =	ssyncset.done $0x0  }
0x149: {  	s1 =	simm.s32 $0x4;
	[sflag:s18] =	ssyncadd.s32 $0xFFFFE000  }
0x14a: {  	s11 =	smov.u32 s25;
	_ =	swait.ge [sflag:s1], $0x2000  }
0x14b: {  	s7 =	smov.u32 s11;
	[sflag:s1] =	ssyncset.done $0x0  }
0x14c: {  	s11 =	simm.s32 @p0 $0x4A00;
	s8 =	simm.s32 @p0 $0x280;
	[sflag:s1] =	ssyncadd.s32 $0xFFFFE000  }
0x14d: {  	[spmem:s19] =	stream.indirect.scatter.add.f32 @p0 [tilespmem:s11], [sflag:$0x4], $0x40, s8, s21, $0xb8;
	[tilespmem:$0x1C200] =	vst v63  }
0x14e: {  	s17 =	simm.s32 @p0 $0xAA00;
	s8 =	simm.s32 @p0 $0x500  }
0x14f: {  	[tilespmem:s17], [sflag:$0x3] =	stream.indirect.gather @p0 [hbm4b:s26+s21], $0x40, s8, s21, $0xb8;
	[tilespmem:$0x1C200] =	vst v63  }
0x150: {  	s8 =	simm.s32 @p0 $0x1  }
0x151: {  	_ =	swait.ge @p0 [sflag:s8], $0x2000  }
0x152: {  	[sflag:s8] =	ssyncset.done @p0 $0x0  }
0x153: {  	[sflag:s8] =	ssyncadd.s32 @p0 $0xFFFFE000  }
0x154: {  	_ =	swait.ge @p0 [sflag:s30], $0x2000  }
0x155: {  	[sflag:s30] =	ssyncset.done @p0 $0x0  }
0x156: {  	[sflag:s30] =	ssyncadd.s32 @p0 $0xFFFFE000  }
0x157: {  	_ =	swait.ge @p0 [sflag:s4], $0x800  }
0x158: {  	[sflag:s4] =	ssyncset.done @p0 $0x0  }
0x159: {  	s8 =	simm.s32 @p0 $0x380;
	[sflag:s4] =	ssyncadd.s32 @p0 $0xFFFFF800  }
0x15a: {  	[spmem:s19] =	stream.indirect.scatter.add.f32 @p0 [tilespmem:s31], [sflag:$0x5], $0x40, s8, s21, $0xb8;
	[tilespmem:$0x1C200] =	vst v63  }
0x15b: {  	_ = 	snop  }
0x15c: {  	[spmem:s0] =	stream.indirect.scatter.add.f32 @p0 [tilespmem:s29], [sflag:$0x7], $0x10, s8, s21, $0xb8;
	[tilespmem:$0x1C200] =	vst v63  }
0x15d: {  	_ =	swait.ge @!p0 [sflag:s10], $0x800  }
0x15e: {  	[sflag:s10] =	ssyncset.done @!p0 $0x0  }
0x15f: {  	s11 =	simm.s32 @!p0 $0x4A00;
	s8 =	simm.s32 @!p0 $0x280;
	[sflag:s10] =	ssyncadd.s32 @!p0 $0xFFFFF800  }
0x160: {  	[spmem:s19] =	stream.indirect.scatter.add.f32 @!p0 [tilespmem:s11], [sflag:$0x4], $0x40, s8, s28, $0xb8;
	[tilespmem:$0x1C200] =	vst v63  }
0x161: {  	_ = 	snop  }
0x162: {  	[spmem:s0] =	stream.indirect.scatter.add.f32 @!p0 [tilespmem:s5], [sflag:$0x6], $0x10, s8, s28, $0xb8;
	[tilespmem:$0x1C200] =	vst v63  }
0x163: {  	s23 =	simm.s32 @!p0 $0xAA00;
	s8 =	simm.s32 @!p0 $0x500  }
0x164: {  	[tilespmem:s23], [sflag:$0x3] =	stream.indirect.gather @!p0 [hbm4b:s6+s28], $0x40, s8, s28, $0xb8;
	[tilespmem:$0x1C200] =	vst v63  }
0x165: {  	s8 =	simm.s32 @!p0 $0x1  }
0x166: {  	_ =	swait.ge @!p0 [sflag:s8], $0x2000  }
0x167: {  	[sflag:s8] =	ssyncset.done @!p0 $0x0  }
0x168: {  	[sflag:s8] =	ssyncadd.s32 @!p0 $0xFFFFE000  }
0x169: {  	_ =	swait.ge @!p0 [sflag:s22], $0x2000  }
0x16a: {  	[sflag:s22] =	ssyncset.done @!p0 $0x0  }
0x16b: {  	s8 =	simm.s32 @!p0 $0x380;
	[sflag:s22] =	ssyncadd.s32 @!p0 $0xFFFFE000  }
0x16c: {  	[spmem:s19] =	stream.indirect.scatter.add.f32 @!p0 [tilespmem:s9], [sflag:$0x5], $0x40, s8, s28, $0xb8;
	[tilespmem:$0x1C200] =	vst v63  }
0x16d: {  	s11 =	rddreg [dreg:$0xa]  }
0x16e: {  	[tilespmem:s20], [sflag:$0x1] =	stream.indirect.gather [hbm4b:s13+s12], $0x40, s11, s12, $0xb8;
	[tilespmem:$0x1C200] =	vst v63  }
0x16f: {  	s11 =	simm.s32 $0x2  }
0x170: {  	_ =	swait.ge [sflag:s11], $0x2000  }
0x171: {  	[sflag:s11] =	ssyncset.done $0x0  }
0x172: {  	[sflag:s11] =	ssyncadd.s32 $0xFFFFE000  }
0x173: {  	_ =	swait.ge [sflag:s1], $0x2000  }
0x174: {  	[sflag:s1] =	ssyncset.done $0x0  }
0x175: {  	s8 =	simm.s32 @p0 $0x480;
	s11 =	simm.s32 @p0 $0x8A00;
	[sflag:s1] =	ssyncadd.s32 $0xFFFFE000  }
0x176: {  	[spmem:s19] =	stream.indirect.scatter.add.f32 @p0 [tilespmem:s11], [sflag:$0x4], $0x40, s8, s21, $0xb8;
	[tilespmem:$0x1C200] =	vst v63  }
0x177: {  	s8 =	simm.s32 @p0 $0x700  }
0x178: {  	[tilespmem:s14], [sflag:$0x2] =	stream.indirect.gather @p0 [hbm4b:s26+s21], $0x40, s8, s21, $0xb8;
	[tilespmem:$0x1C200] =	vst v63  }
0x179: {  	s8 =	simm.s32 @p0 $0x3  }
0x17a: {  	_ =	swait.ge @p0 [sflag:s8], $0x2000  }
0x17b: {  	[sflag:s8] =	ssyncset.done @p0 $0x0  }
0x17c: {  	[sflag:s8] =	ssyncadd.s32 @p0 $0xFFFFE000  }
0x17d: {  	_ =	swait.ge @p0 [sflag:s30], $0x2000  }
0x17e: {  	[sflag:s30] =	ssyncset.done @p0 $0x0  }
0x17f: {  	[sflag:s30] =	ssyncadd.s32 @p0 $0xFFFFE000  }
0x180: {  	_ =	swait.ge @p0 [sflag:s4], $0x800  }
0x181: {  	[sflag:s4] =	ssyncset.done @p0 $0x0  }
0x182: {  	s8 =	simm.s32 @p0 $0x580;
	[sflag:s4] =	ssyncadd.s32 @p0 $0xFFFFF800  }
0x183: {  	[spmem:s19] =	stream.indirect.scatter.add.f32 @p0 [tilespmem:s17], [sflag:$0x5], $0x40, s8, s21, $0xb8;
	[tilespmem:$0x1C200] =	vst v63  }
0x184: {  	_ = 	snop  }
0x185: {  	[spmem:s0] =	stream.indirect.scatter.add.f32 @p0 [tilespmem:s29], [sflag:$0x7], $0x10, s8, s21, $0xb8;
	[tilespmem:$0x1C200] =	vst v63  }
0x186: {  	_ =	swait.ge @!p0 [sflag:s10], $0x800  }
0x187: {  	[sflag:s10] =	ssyncset.done @!p0 $0x0  }
0x188: {  	s11 =	simm.s32 @!p0 $0x8A00;
	s8 =	simm.s32 @!p0 $0x480;
	[sflag:s10] =	ssyncadd.s32 @!p0 $0xFFFFF800  }
0x189: {  	[spmem:s19] =	stream.indirect.scatter.add.f32 @!p0 [tilespmem:s11], [sflag:$0x4], $0x40, s8, s28, $0xb8;
	[tilespmem:$0x1C200] =	vst v63  }
0x18a: {  	_ = 	snop  }
0x18b: {  	[spmem:s0] =	stream.indirect.scatter.add.f32 @!p0 [tilespmem:s5], [sflag:$0x6], $0x10, s8, s28, $0xb8;
	[tilespmem:$0x1C200] =	vst v63  }
0x18c: {  	s8 =	simm.s32 @!p0 $0x700  }
0x18d: {  	[tilespmem:s16], [sflag:$0x2] =	stream.indirect.gather @!p0 [hbm4b:s6+s28], $0x40, s8, s28, $0xb8;
	[tilespmem:$0x1C200] =	vst v63  }
0x18e: {  	s8 =	simm.s32 @!p0 $0x3  }
0x18f: {  	_ =	swait.ge @!p0 [sflag:s8], $0x2000  }
0x190: {  	[sflag:s8] =	ssyncset.done @!p0 $0x0  }
0x191: {  	[sflag:s8] =	ssyncadd.s32 @!p0 $0xFFFFE000  }
0x192: {  	_ =	swait.ge @!p0 [sflag:s22], $0x2000  }
0x193: {  	[sflag:s22] =	ssyncset.done @!p0 $0x0  }
0x194: {  	s8 =	simm.s32 @!p0 $0x580;
	[sflag:s22] =	ssyncadd.s32 @!p0 $0xFFFFE000  }
0x195: {  	[spmem:s19] =	stream.indirect.scatter.add.f32 @!p0 [tilespmem:s23], [sflag:$0x5], $0x40, s8, s28, $0xb8;
	[tilespmem:$0x1C200] =	vst v63  }
0x196: {  	s20 =	rddreg [dreg:$0xb]  }
0x197: {  	[tilespmem:s24], [sflag:$0x3] =	stream.indirect.gather [hbm4b:s13+s12], $0x40, s20, s12, $0xb8;
	[tilespmem:$0x1C200] =	vst v63  }
0x198: {  	_ =	swait.ge [sflag:s3], $0x2000  }
0x199: {  	[sflag:s3] =	ssyncset.done $0x0  }
0x19a: {  	[sflag:s3] =	ssyncadd.s32 $0xFFFFE000  }
0x19b: {  	_ =	swait.ge [sflag:s1], $0x2000  }
0x19c: {  	[sflag:s1] =	ssyncset.done $0x0  }
0x19d: {  	s11 =	simm.s32 @p0 $0xA00;
	s8 =	simm.s32 @p0 $0x680;
	[sflag:s1] =	ssyncadd.s32 $0xFFFFE000  }
0x19e: {  	[spmem:s19] =	stream.indirect.scatter.add.f32 @p0 [tilespmem:s11], [sflag:$0x4], $0x40, s8, s21, $0xb8;
	[tilespmem:$0x1C200] =	vst v63  }
0x19f: {  	s8 =	simm.s32 @p0 $0x900  }
0x1a0: {  	[tilespmem:s31], [sflag:$0x1] =	stream.indirect.gather @p0 [hbm4b:s26+s21], $0x40, s8, s21, $0xb8;
	[tilespmem:$0x1C200] =	vst v63  }
0x1a1: {  	_ =	swait.ge @p0 [sflag:s2], $0x2000  }
0x1a2: {  	[sflag:s2] =	ssyncset.done @p0 $0x0  }
0x1a3: {  	[sflag:s2] =	ssyncadd.s32 @p0 $0xFFFFE000  }
0x1a4: {  	_ =	swait.ge @p0 [sflag:s30], $0x2000  }
0x1a5: {  	[sflag:s30] =	ssyncset.done @p0 $0x0  }
0x1a6: {  	[sflag:s30] =	ssyncadd.s32 @p0 $0xFFFFE000  }
0x1a7: {  	_ =	swait.ge @p0 [sflag:s4], $0x800  }
0x1a8: {  	[sflag:s4] =	ssyncset.done @p0 $0x0  }
0x1a9: {  	s2 =	simm.s32 @p0 $0x780;
	[sflag:s4] =	ssyncadd.s32 @p0 $0xFFFFF800  }
0x1aa: {  	[spmem:s19] =	stream.indirect.scatter.add.f32 @p0 [tilespmem:s14], [sflag:$0x5], $0x40, s2, s21, $0xb8;
	[tilespmem:$0x1C200] =	vst v63  }
0x1ab: {  	_ = 	snop  }
0x1ac: {  	[spmem:s0] =	stream.indirect.scatter.add.f32 @p0 [tilespmem:s29], [sflag:$0x7], $0x10, s2, s21, $0xb8;
	[tilespmem:$0x1C200] =	vst v63  }
0x1ad: {  	_ =	swait.ge @!p0 [sflag:s10], $0x800  }
0x1ae: {  	[sflag:s10] =	ssyncset.done @!p0 $0x0  }
0x1af: {  	s8 =	simm.s32 @!p0 $0xA00;
	s2 =	simm.s32 @!p0 $0x680;
	[sflag:s10] =	ssyncadd.s32 @!p0 $0xFFFFF800  }
0x1b0: {  	[spmem:s19] =	stream.indirect.scatter.add.f32 @!p0 [tilespmem:s8], [sflag:$0x4], $0x40, s2, s28, $0xb8;
	[tilespmem:$0x1C200] =	vst v63  }
0x1b1: {  	_ = 	snop  }
0x1b2: {  	[spmem:s0] =	stream.indirect.scatter.add.f32 @!p0 [tilespmem:s5], [sflag:$0x6], $0x10, s2, s28, $0xb8;
	[tilespmem:$0x1C200] =	vst v63  }
0x1b3: {  	s2 =	simm.s32 @!p0 $0x900  }
0x1b4: {  	[tilespmem:s9], [sflag:$0x1] =	stream.indirect.gather @!p0 [hbm4b:s6+s28], $0x40, s2, s28, $0xb8;
	[tilespmem:$0x1C200] =	vst v63  }
0x1b5: {  	_ =	swait.ge @!p0 [sflag:s15], $0x2000  }
0x1b6: {  	[sflag:s15] =	ssyncset.done @!p0 $0x0  }
0x1b7: {  	[sflag:s15] =	ssyncadd.s32 @!p0 $0xFFFFE000  }
0x1b8: {  	_ =	swait.ge @!p0 [sflag:s22], $0x2000  }
0x1b9: {  	[sflag:s22] =	ssyncset.done @!p0 $0x0  }
0x1ba: {  	s2 =	simm.s32 @!p0 $0x780;
	[sflag:s22] =	ssyncadd.s32 @!p0 $0xFFFFE000  }
0x1bb: {  	[spmem:s19] =	stream.indirect.scatter.add.f32 @!p0 [tilespmem:s16], [sflag:$0x5], $0x40, s2, s28, $0xb8;
	[tilespmem:$0x1C200] =	vst v63  }
0x1bc: {  	_ =	swait.ge [sflag:s18], $0x2000  }
0x1bd: {  	[sflag:s18] =	ssyncset.done $0x0  }
0x1be: {  	[sflag:s18] =	ssyncadd.s32 $0xFFFFE000  }
0x1bf: {  	_ =	swait.ge [sflag:s1], $0x2000  }
0x1c0: {  	[sflag:s1] =	ssyncset.done $0x0  }
0x1c1: {  	s2 =	simm.s32 @p0 $0x4A00;
	[sflag:s1] =	ssyncadd.s32 $0xFFFFE000;
	s1 =	simm.s32 @p0 $0x880  }
0x1c2: {  	[spmem:s19] =	stream.indirect.scatter.add.f32 @p0 [tilespmem:s2], [sflag:$0x4], $0x40, s1, s21, $0xb8;
	[tilespmem:$0x1C200] =	vst v63  }
0x1c3: {  	_ =	swait.ge @!p0 [sflag:s10], $0x800  }
0x1c4: {  	[sflag:s10] =	ssyncset.done @!p0 $0x0  }
0x1c5: {  	s1 =	simm.s32 @!p0 $0x880;
	s2 =	simm.s32 @!p0 $0x4A00;
	[sflag:s10] =	ssyncadd.s32 @!p0 $0xFFFFF800  }
0x1c6: {  	[spmem:s19] =	stream.indirect.scatter.add.f32 @!p0 [tilespmem:s2], [sflag:$0x4], $0x40, s1, s28, $0xb8;
	[tilespmem:$0x1C200] =	vst v63  }
0x1c7: {  	_ = 	snop  }
0x1c8: {  	[spmem:s0] =	stream.indirect.scatter.add.f32 @!p0 [tilespmem:s5], [sflag:$0x6], $0x10, s1, s28, $0xb8;
	[tilespmem:$0x1C200] =	vst v63  }
0x1c9: {  	_ =	swait.ge [sflag:s3], $0x2000  }
0x1ca: {  	[sflag:s3] =	ssyncset.done $0x0  }
0x1cb: {  	s26 =	simm.s32 $0x5;
	[sflag:s3] =	ssyncadd.s32 $0xFFFFE000  }
0x1cc: {  	_ =	swait.ge [sflag:s26], $0x2000  }
0x1cd: {  	[sflag:s26] =	ssyncset.done $0x0  }
0x1ce: {  	[sflag:s26] =	ssyncadd.s32 $0xFFFFE000  }
0x1cf: {  	_ =	swait.ge @p0 [sflag:s4], $0x800  }
0x1d0: {  	[sflag:s4] =	ssyncset.done @p0 $0x0  }
0x1d1: {  	s1 =	simm.s32 @p0 $0x980;
	[sflag:s4] =	ssyncadd.s32 @p0 $0xFFFFF800  }
0x1d2: {  	[spmem:s19] =	stream.indirect.scatter.add.f32 @p0 [tilespmem:s31], [sflag:$0x5], $0x40, s1, s21, $0xb8;
	[tilespmem:$0x1C200] =	vst v63  }
0x1d3: {  	_ = 	snop  }
0x1d4: {  	[spmem:s0] =	stream.indirect.scatter.add.f32 @p0 [tilespmem:s29], [sflag:$0x7], $0x10, s1, s21, $0xb8;
	[tilespmem:$0x1C200] =	vst v63  }
0x1d5: {  	s0 =	simm.s32 @p0 $0x4  }
0x1d6: {  	_ =	swait.ge @p0 [sflag:s0], $0x2000  }
0x1d7: {  	[sflag:s0] =	ssyncset.done @p0 $0x0  }
0x1d8: {  	[sflag:s0] =	ssyncadd.s32 @p0 $0xFFFFE000  }
0x1d9: {  	_ =	swait.ge @p0 [sflag:s30], $0x2000  }
0x1da: {  	[sflag:s30] =	ssyncset.done @p0 $0x0  }
0x1db: {  	[sflag:s30] =	ssyncadd.s32 @p0 $0xFFFFE000  }
0x1dc: {  	_ =	swait.ge @p0 [sflag:s4], $0x800  }
0x1dd: {  	[sflag:s4] =	ssyncset.done @p0 $0x0  }
0x1de: {  	s0 =	simm.s32 @!p0 $0x980;
	[sflag:s4] =	ssyncadd.s32 @p0 $0xFFFFF800  }
0x1df: {  	[spmem:s19] =	stream.indirect.scatter.add.f32 @!p0 [tilespmem:s9], [sflag:$0x5], $0x40, s0, s28, $0xb8;
	[tilespmem:$0x1C200] =	vst v63  }
0x1e0: {  	s0 =	simm.s32 @!p0 $0x4  }
0x1e1: {  	_ =	swait.ge @!p0 [sflag:s0], $0x2000  }
0x1e2: {  	s25 =	sadd.s32 $0x140, s25;
	[sflag:s0] =	ssyncset.done @!p0 $0x0  }
0x1e3: {  	p1 =	sne.s32 s25, $0x1400;
	[sflag:s0] =	ssyncadd.s32 @!p0 $0xFFFFE000  }
.Ltmp0:
0x1e4: {  	_ =	swait.ge @!p0 [sflag:s10], $0x800;
	(pc) =	sbr.rel @p1 .LBB2_2-.Ltmp0, $4  }
0x1e5: {  	[sflag:s10] =	ssyncset.done @!p0 $0x0  }
0x1e6: {  	[sflag:s10] =	ssyncadd.s32 @!p0 $0xFFFFF800  }
0x1e7: {  	_ =	swait.ge @!p0 [sflag:s22], $0x2000  }
0x1e8: {  	s18 =	rddreg [dreg:$0x5];
	[sflag:s22] =	ssyncset.done @!p0 $0x0  }
0x1e9: {  	[sflag:s22] =	ssyncadd.s32 @!p0 $0xFFFFE000  }
0x1ea: {  	s0 =	sadd.s32 s7, s18;
	s31 =	simm.s32 $0x0;
	s2 =	simm.s32 $0x8  }
0x1eb: {  	[tilespmem:s31], [sflag:$0x8] =	stream.linear.gather [hbm4b:s0+s31], $0xA00, $0x38;
	[tilespmem:$0x1C200] =	vst v63  }
0x1ec: {  	_ =	swait.ge [sflag:s2], $0xA00  }
0x1ed: {  	s20 =	simm.s32 $0xA00;
	[sflag:s2] =	ssyncset.done $0x0  }
0x1ee: {  	s9 =	simm.s32 $0x80;
	s8 =	rddreg [dreg:$0xc];
	[sflag:s2] =	ssyncadd.s32 $0xFFFFF600  }
0x1ef: {  	[tilespmem:s20], [sflag:$0x1] =	stream.indirect.gather [hbm4b:s8+s9], $0x40, s31, s9, $0xb8;
	[tilespmem:$0x1C200] =	vst v63  }
0x1f0: {  	s1 =	simm.s32 $0x2A00;
	s26 =	rddreg [dreg:$0x6]  }
0x1f1: {  	[tilespmem:s1], [sflag:$0x2] =	stream.indirect.gather [hbm4b:s8+s9], $0x40, s26, s9, $0xb8;
	[tilespmem:$0x1C200] =	vst v63  }
0x1f2: {  	s28 =	simm.s32 $0x4A00;
	s3 =	simm.s32 $0x1;
	s4 =	rddreg [dreg:$0x7]  }
0x1f3: {  	[tilespmem:s28], [sflag:$0x3] =	stream.indirect.gather [hbm4b:s8+s9], $0x40, s4, s9, $0xb8;
	[tilespmem:$0x1C200] =	vst v63  }
0x1f4: {  	_ =	swait.ge [sflag:s3], $0x2000  }
0x1f5: {  	[sflag:s3] =	ssyncset.done $0x0  }
0x1f6: {  	s22 =	simm.s32 @p0 $0x2;
	s25 =	simm.s32 @p0 $0x6A00;
	[sflag:s3] =	ssyncadd.s32 $0xFFFFE000  }
0x1f7: {  	[spmem:s19] =	stream.indirect.scatter.add.f32 [tilespmem:s20], [sflag:$0x4], $0x40, s9, s9, $0xb8;
	[tilespmem:$0x1C200] =	vst v63  }
0x1f8: {  	s0 =	simm.s32 @p0 $0x80;
	s4 =	simm.s32 @p0 $0x300;
	s23 =	rddreg [dreg:$0xe]  }
0x1f9: {  	[tilespmem:s25], [sflag:$0x1] =	stream.indirect.gather @p0 [hbm4b:s23+s0], $0x40, s4, s0, $0xb8;
	[tilespmem:$0x1C200] =	vst v63  }
0x1fa: {  	_ =	swait.ge @p0 [sflag:s22], $0x2000  }
0x1fb: {  	[sflag:s22] =	ssyncset.done @p0 $0x0  }
0x1fc: {  	s15 =	simm.s32 @p0 $0x2A00;
	s4 =	simm.s32 @p0 $0x180;
	[sflag:s22] =	ssyncadd.s32 @p0 $0xFFFFE000  }
0x1fd: {  	[spmem:s19] =	stream.indirect.scatter.add.f32 @p0 [tilespmem:s15], [sflag:$0x5], $0x40, s4, s0, $0xb8;
	[tilespmem:$0x1C200] =	vst v63  }
0x1fe: {  	s8 =	simm.s32 @p0 $0xCA00;
	s13 =	rddreg [dreg:$0x3]  }
0x1ff: {  	[spmem:s13] =	stream.indirect.scatter.add.f32 @p0 [tilespmem:s8], [sflag:$0x7], $0x10, s4, s0, $0xb8;
	[tilespmem:$0x1C200] =	vst v63  }
0x200: {  	s10 =	simm.s32 @!p0 $0xCA00;
	s11 =	simm.s32 @!p0 $0x300;
	s4 =	simm.s32 @!p0 $0x80  }
0x201: {  	[spmem:s13] =	stream.indirect.scatter.add.f32 @!p0 [tilespmem:s10], [sflag:$0x6], $0x10, s4, s4, $0xb8;
	[tilespmem:$0x1C200] =	vst v63  }
0x202: {  	s24 =	simm.s32 @!p0 $0x6A00;
	s18 =	simm.s32 @!p0 $0x2;
	s6 =	rddreg [dreg:$0xd]  }
0x203: {  	[tilespmem:s24], [sflag:$0x1] =	stream.indirect.gather @!p0 [hbm4b:s6+s4], $0x40, s11, s4, $0xb8;
	[tilespmem:$0x1C200] =	vst v63  }
0x204: {  	_ =	swait.ge @!p0 [sflag:s18], $0x2000  }
0x205: {  	s17 =	simm.s32 @!p0 $0x2A00;
	[sflag:s18] =	ssyncset.done @!p0 $0x0;
	s29 =	rddreg [dreg:$0x9]  }
0x206: {  	s12 =	simm.s32 @!p0 $0x180;
	s16 =	rddreg [dreg:$0x8];
	[sflag:s18] =	ssyncadd.s32 @!p0 $0xFFFFE000  }
0x207: {  	[spmem:s19] =	stream.indirect.scatter.add.f32 @!p0 [tilespmem:s17], [sflag:$0x5], $0x40, s12, s4, $0xb8;
	[tilespmem:$0x1C200] =	vst v63  }
0x208: {  	s14 =	simm.s32 $0x3;
	s5 =	rddreg [dreg:$0xf]  }
0x209: {  	[tilespmem:s29], [sflag:$0x2] =	stream.indirect.gather [hbm4b:s5+s9], $0x40, s16, s9, $0xb8;
	[tilespmem:$0x1C200] =	vst v63  }
0x20a: {  	_ =	swait.ge [sflag:s14], $0x2000  }
0x20b: {  	[sflag:s14] =	ssyncset.done $0x0  }
0x20c: {  	s1 =	simm.s32 $0x4;
	[sflag:s14] =	ssyncadd.s32 $0xFFFFE000  }
0x20d: {  	_ =	swait.ge [sflag:s1], $0x2000  }
0x20e: {  	[sflag:s1] =	ssyncset.done $0x0  }
0x20f: {  	s7 =	simm.s32 @p0 $0x4A00;
	s11 =	simm.s32 @p0 $0x280;
	[sflag:s1] =	ssyncadd.s32 $0xFFFFE000  }
0x210: {  	[spmem:s19] =	stream.indirect.scatter.add.f32 @p0 [tilespmem:s7], [sflag:$0x4], $0x40, s11, s0, $0xb8;
	[tilespmem:$0x1C200] =	vst v63  }
0x211: {  	s26 =	simm.s32 @p0 $0xAA00;
	s12 =	simm.s32 @p0 $0x1;
	s11 =	simm.s32 @p0 $0x500  }
0x212: {  	[tilespmem:s26], [sflag:$0x3] =	stream.indirect.gather @p0 [hbm4b:s23+s0], $0x40, s11, s0, $0xb8;
	[tilespmem:$0x1C200] =	vst v63  }
0x213: {  	_ =	swait.ge @p0 [sflag:s12], $0x2000  }
0x214: {  	[sflag:s12] =	ssyncset.done @p0 $0x0  }
0x215: {  	[sflag:s12] =	ssyncadd.s32 @p0 $0xFFFFE000;
	s12 =	simm.s32 @p0 $0x5  }
0x216: {  	_ =	swait.ge @p0 [sflag:s12], $0x2000  }
0x217: {  	[sflag:s12] =	ssyncset.done @p0 $0x0  }
0x218: {  	s16 =	simm.s32 @p0 $0x7;
	[sflag:s12] =	ssyncadd.s32 @p0 $0xFFFFE000  }
0x219: {  	_ =	swait.ge @p0 [sflag:s16], $0x800  }
0x21a: {  	[sflag:s16] =	ssyncset.done @p0 $0x0  }
0x21b: {  	s21 =	simm.s32 @p0 $0x380;
	[sflag:s16] =	ssyncadd.s32 @p0 $0xFFFFF800  }
0x21c: {  	[spmem:s19] =	stream.indirect.scatter.add.f32 @p0 [tilespmem:s25], [sflag:$0x5], $0x40, s21, s0, $0xb8;
	[tilespmem:$0x1C200] =	vst v63  }
0x21d: {  	s11 =	simm.s32 @!p0 $0x6  }
0x21e: {  	[spmem:s13] =	stream.indirect.scatter.add.f32 @p0 [tilespmem:s8], [sflag:$0x7], $0x10, s21, s0, $0xb8;
	[tilespmem:$0x1C200] =	vst v63  }
0x21f: {  	_ =	swait.ge @!p0 [sflag:s11], $0x800  }
0x220: {  	[sflag:s11] =	ssyncset.done @!p0 $0x0  }
0x221: {  	s7 =	simm.s32 @!p0 $0x4A00;
	s21 =	simm.s32 @!p0 $0x280;
	[sflag:s11] =	ssyncadd.s32 @!p0 $0xFFFFF800  }
0x222: {  	[spmem:s19] =	stream.indirect.scatter.add.f32 @!p0 [tilespmem:s7], [sflag:$0x4], $0x40, s21, s4, $0xb8;
	[tilespmem:$0x1C200] =	vst v63  }
0x223: {  	_ = 	snop  }
0x224: {  	[spmem:s13] =	stream.indirect.scatter.add.f32 @!p0 [tilespmem:s10], [sflag:$0x6], $0x10, s21, s4, $0xb8;
	[tilespmem:$0x1C200] =	vst v63  }
0x225: {  	s28 =	simm.s32 @!p0 $0xAA00;
	s29 =	simm.s32 @!p0 $0x1;
	s21 =	simm.s32 @!p0 $0x500  }
0x226: {  	[tilespmem:s28], [sflag:$0x3] =	stream.indirect.gather @!p0 [hbm4b:s6+s4], $0x40, s21, s4, $0xb8;
	[tilespmem:$0x1C200] =	vst v63  }
0x227: {  	_ =	swait.ge @!p0 [sflag:s29], $0x2000  }
0x228: {  	[sflag:s29] =	ssyncset.done @!p0 $0x0  }
0x229: {  	s21 =	simm.s32 @!p0 $0x5;
	[sflag:s29] =	ssyncadd.s32 @!p0 $0xFFFFE000  }
0x22a: {  	_ =	swait.ge @!p0 [sflag:s21], $0x2000  }
0x22b: {  	[sflag:s21] =	ssyncset.done @!p0 $0x0  }
0x22c: {  	s29 =	simm.s32 @!p0 $0x380;
	[sflag:s21] =	ssyncadd.s32 @!p0 $0xFFFFE000  }
0x22d: {  	[spmem:s19] =	stream.indirect.scatter.add.f32 @!p0 [tilespmem:s24], [sflag:$0x5], $0x40, s29, s4, $0xb8;
	[tilespmem:$0x1C200] =	vst v63  }
0x22e: {  	s7 =	simm.s32 $0x2;
	s30 =	rddreg [dreg:$0xa]  }
0x22f: {  	[tilespmem:s20], [sflag:$0x1] =	stream.indirect.gather [hbm4b:s5+s9], $0x40, s30, s9, $0xb8;
	[tilespmem:$0x1C200] =	vst v63  }
0x230: {  	_ =	swait.ge [sflag:s7], $0x2000  }
0x231: {  	[sflag:s7] =	ssyncset.done $0x0  }
0x232: {  	[sflag:s7] =	ssyncadd.s32 $0xFFFFE000  }
0x233: {  	_ =	swait.ge [sflag:s1], $0x2000  }
0x234: {  	[sflag:s1] =	ssyncset.done $0x0  }
0x235: {  	s29 =	simm.s32 @p0 $0x480;
	s30 =	simm.s32 @p0 $0x8A00;
	[sflag:s1] =	ssyncadd.s32 $0xFFFFE000  }
0x236: {  	[spmem:s19] =	stream.indirect.scatter.add.f32 @p0 [tilespmem:s30], [sflag:$0x4], $0x40, s29, s0, $0xb8;
	[tilespmem:$0x1C200] =	vst v63  }
0x237: {  	s29 =	simm.s32 @p0 $0x700  }
0x238: {  	[tilespmem:s15], [sflag:$0x2] =	stream.indirect.gather @p0 [hbm4b:s23+s0], $0x40, s29, s0, $0xb8;
	[tilespmem:$0x1C200] =	vst v63  }
0x239: {  	s29 =	simm.s32 @p0 $0x3  }
0x23a: {  	_ =	swait.ge @p0 [sflag:s29], $0x2000  }
0x23b: {  	[sflag:s29] =	ssyncset.done @p0 $0x0  }
0x23c: {  	[sflag:s29] =	ssyncadd.s32 @p0 $0xFFFFE000  }
0x23d: {  	_ =	swait.ge @p0 [sflag:s12], $0x2000  }
0x23e: {  	[sflag:s12] =	ssyncset.done @p0 $0x0  }
0x23f: {  	[sflag:s12] =	ssyncadd.s32 @p0 $0xFFFFE000  }
0x240: {  	_ =	swait.ge @p0 [sflag:s16], $0x800  }
0x241: {  	[sflag:s16] =	ssyncset.done @p0 $0x0  }
0x242: {  	s29 =	simm.s32 @p0 $0x580;
	[sflag:s16] =	ssyncadd.s32 @p0 $0xFFFFF800  }
0x243: {  	[spmem:s19] =	stream.indirect.scatter.add.f32 @p0 [tilespmem:s26], [sflag:$0x5], $0x40, s29, s0, $0xb8;
	[tilespmem:$0x1C200] =	vst v63  }
0x244: {  	_ = 	snop  }
0x245: {  	[spmem:s13] =	stream.indirect.scatter.add.f32 @p0 [tilespmem:s8], [sflag:$0x7], $0x10, s29, s0, $0xb8;
	[tilespmem:$0x1C200] =	vst v63  }
0x246: {  	_ =	swait.ge @!p0 [sflag:s11], $0x800  }
0x247: {  	[sflag:s11] =	ssyncset.done @!p0 $0x0  }
0x248: {  	s26 =	simm.s32 @!p0 $0x480;
	s29 =	simm.s32 @!p0 $0x8A00;
	[sflag:s11] =	ssyncadd.s32 @!p0 $0xFFFFF800  }
0x249: {  	[spmem:s19] =	stream.indirect.scatter.add.f32 @!p0 [tilespmem:s29], [sflag:$0x4], $0x40, s26, s4, $0xb8;
	[tilespmem:$0x1C200] =	vst v63  }
0x24a: {  	_ = 	snop  }
0x24b: {  	[spmem:s13] =	stream.indirect.scatter.add.f32 @!p0 [tilespmem:s10], [sflag:$0x6], $0x10, s26, s4, $0xb8;
	[tilespmem:$0x1C200] =	vst v63  }
0x24c: {  	s29 =	simm.s32 @!p0 $0x3;
	s26 =	simm.s32 @!p0 $0x700  }
0x24d: {  	[tilespmem:s17], [sflag:$0x2] =	stream.indirect.gather @!p0 [hbm4b:s6+s4], $0x40, s26, s4, $0xb8;
	[tilespmem:$0x1C200] =	vst v63  }
0x24e: {  	_ =	swait.ge @!p0 [sflag:s29], $0x2000  }
0x24f: {  	[sflag:s29] =	ssyncset.done @!p0 $0x0  }
0x250: {  	[sflag:s29] =	ssyncadd.s32 @!p0 $0xFFFFE000  }
0x251: {  	_ =	swait.ge @!p0 [sflag:s21], $0x2000  }
0x252: {  	[sflag:s21] =	ssyncset.done @!p0 $0x0  }
0x253: {  	s26 =	simm.s32 @!p0 $0x580;
	[sflag:s21] =	ssyncadd.s32 @!p0 $0xFFFFE000  }
0x254: {  	[spmem:s19] =	stream.indirect.scatter.add.f32 @!p0 [tilespmem:s28], [sflag:$0x5], $0x40, s26, s4, $0xb8;
	[tilespmem:$0x1C200] =	vst v63  }
0x255: {  	s30 =	rddreg [dreg:$0xb];
	s28 =	simm.s32 $0x4A00  }
0x256: {  	[tilespmem:s28], [sflag:$0x3] =	stream.indirect.gather [hbm4b:s5+s9], $0x40, s30, s9, $0xb8;
	[tilespmem:$0x1C200] =	vst v63  }
0x257: {  	_ =	swait.ge [sflag:s3], $0x2000  }
0x258: {  	[sflag:s3] =	ssyncset.done $0x0  }
0x259: {  	[sflag:s3] =	ssyncadd.s32 $0xFFFFE000  }
0x25a: {  	_ =	swait.ge [sflag:s1], $0x2000  }
0x25b: {  	[sflag:s1] =	ssyncset.done $0x0  }
0x25c: {  	s26 =	simm.s32 @p0 $0xA00;
	s5 =	simm.s32 @p0 $0x680;
	[sflag:s1] =	ssyncadd.s32 $0xFFFFE000  }
0x25d: {  	[spmem:s19] =	stream.indirect.scatter.add.f32 @p0 [tilespmem:s26], [sflag:$0x4], $0x40, s5, s0, $0xb8;
	[tilespmem:$0x1C200] =	vst v63  }
0x25e: {  	s5 =	simm.s32 @p0 $0x900  }
0x25f: {  	[tilespmem:s25], [sflag:$0x1] =	stream.indirect.gather @p0 [hbm4b:s23+s0], $0x40, s5, s0, $0xb8;
	[tilespmem:$0x1C200] =	vst v63  }
0x260: {  	_ =	swait.ge @p0 [sflag:s22], $0x2000  }
0x261: {  	[sflag:s22] =	ssyncset.done @p0 $0x0  }
0x262: {  	[sflag:s22] =	ssyncadd.s32 @p0 $0xFFFFE000  }
0x263: {  	_ =	swait.ge @p0 [sflag:s12], $0x2000  }
0x264: {  	[sflag:s12] =	ssyncset.done @p0 $0x0  }
0x265: {  	[sflag:s12] =	ssyncadd.s32 @p0 $0xFFFFE000  }
0x266: {  	_ =	swait.ge @p0 [sflag:s16], $0x800  }
0x267: {  	[sflag:s16] =	ssyncset.done @p0 $0x0  }
0x268: {  	s5 =	simm.s32 @p0 $0x780;
	[sflag:s16] =	ssyncadd.s32 @p0 $0xFFFFF800  }
0x269: {  	[spmem:s19] =	stream.indirect.scatter.add.f32 @p0 [tilespmem:s15], [sflag:$0x5], $0x40, s5, s0, $0xb8;
	[tilespmem:$0x1C200] =	vst v63  }
0x26a: {  	_ = 	snop  }
0x26b: {  	[spmem:s13] =	stream.indirect.scatter.add.f32 @p0 [tilespmem:s8], [sflag:$0x7], $0x10, s5, s0, $0xb8;
	[tilespmem:$0x1C200] =	vst v63  }
0x26c: {  	_ =	swait.ge @!p0 [sflag:s11], $0x800  }
0x26d: {  	[sflag:s11] =	ssyncset.done @!p0 $0x0  }
0x26e: {  	s22 =	simm.s32 @!p0 $0xA00;
	s5 =	simm.s32 @!p0 $0x680;
	[sflag:s11] =	ssyncadd.s32 @!p0 $0xFFFFF800  }
0x26f: {  	[spmem:s19] =	stream.indirect.scatter.add.f32 @!p0 [tilespmem:s22], [sflag:$0x4], $0x40, s5, s4, $0xb8;
	[tilespmem:$0x1C200] =	vst v63  }
0x270: {  	_ = 	snop  }
0x271: {  	[spmem:s13] =	stream.indirect.scatter.add.f32 @!p0 [tilespmem:s10], [sflag:$0x6], $0x10, s5, s4, $0xb8;
	[tilespmem:$0x1C200] =	vst v63  }
0x272: {  	s5 =	simm.s32 @!p0 $0x900  }
0x273: {  	[tilespmem:s24], [sflag:$0x1] =	stream.indirect.gather @!p0 [hbm4b:s6+s4], $0x40, s5, s4, $0xb8;
	[tilespmem:$0x1C200] =	vst v63  }
0x274: {  	_ =	swait.ge @!p0 [sflag:s18], $0x2000  }
0x275: {  	[sflag:s18] =	ssyncset.done @!p0 $0x0  }
0x276: {  	[sflag:s18] =	ssyncadd.s32 @!p0 $0xFFFFE000  }
0x277: {  	_ =	swait.ge @!p0 [sflag:s21], $0x2000  }
0x278: {  	[sflag:s21] =	ssyncset.done @!p0 $0x0  }
0x279: {  	s5 =	simm.s32 @!p0 $0x780;
	[sflag:s21] =	ssyncadd.s32 @!p0 $0xFFFFE000  }
0x27a: {  	[spmem:s19] =	stream.indirect.scatter.add.f32 @!p0 [tilespmem:s17], [sflag:$0x5], $0x40, s5, s4, $0xb8;
	[tilespmem:$0x1C200] =	vst v63  }
0x27b: {  	_ =	swait.ge [sflag:s14], $0x2000  }
0x27c: {  	[sflag:s14] =	ssyncset.done $0x0  }
0x27d: {  	[sflag:s14] =	ssyncadd.s32 $0xFFFFE000  }
0x27e: {  	_ =	swait.ge [sflag:s1], $0x2000  }
0x27f: {  	[sflag:s1] =	ssyncset.done $0x0  }
0x280: {  	s5 =	simm.s32 @p0 $0x880;
	[sflag:s1] =	ssyncadd.s32 $0xFFFFE000;
	s1 =	simm.s32 @p0 $0x4A00  }
0x281: {  	[spmem:s19] =	stream.indirect.scatter.add.f32 @p0 [tilespmem:s1], [sflag:$0x4], $0x40, s5, s0, $0xb8;
	[tilespmem:$0x1C200] =	vst v63  }
0x282: {  	_ =	swait.ge @!p0 [sflag:s11], $0x800  }
0x283: {  	[sflag:s11] =	ssyncset.done @!p0 $0x0  }
0x284: {  	s5 =	simm.s32 @!p0 $0x880;
	s1 =	simm.s32 @!p0 $0x4A00;
	[sflag:s11] =	ssyncadd.s32 @!p0 $0xFFFFF800  }
0x285: {  	[spmem:s19] =	stream.indirect.scatter.add.f32 @!p0 [tilespmem:s1], [sflag:$0x4], $0x40, s5, s4, $0xb8;
	[tilespmem:$0x1C200] =	vst v63  }
0x286: {  	_ = 	snop  }
0x287: {  	[spmem:s13] =	stream.indirect.scatter.add.f32 @!p0 [tilespmem:s10], [sflag:$0x6], $0x10, s5, s4, $0xb8;
	[tilespmem:$0x1C200] =	vst v63  }
0x288: {  	_ =	swait.ge [sflag:s3], $0x2000  }
0x289: {  	[sflag:s3] =	ssyncset.done $0x0  }
0x28a: {  	s29 =	simm.s32 $0x5;
	[sflag:s3] =	ssyncadd.s32 $0xFFFFE000  }
0x28b: {  	_ =	swait.ge [sflag:s29], $0x2000  }
0x28c: {  	[sflag:s29] =	ssyncset.done $0x0  }
0x28d: {  	[sflag:s29] =	ssyncadd.s32 $0xFFFFE000  }
0x28e: {  	_ =	swait.ge @p0 [sflag:s16], $0x800  }
0x28f: {  	[sflag:s16] =	ssyncset.done @p0 $0x0  }
0x290: {  	s5 =	simm.s32 @p0 $0x980;
	[sflag:s16] =	ssyncadd.s32 @p0 $0xFFFFF800  }
0x291: {  	[spmem:s19] =	stream.indirect.scatter.add.f32 @p0 [tilespmem:s25], [sflag:$0x5], $0x40, s5, s0, $0xb8;
	[tilespmem:$0x1C200] =	vst v63  }
0x292: {  	_ = 	snop  }
0x293: {  	[spmem:s13] =	stream.indirect.scatter.add.f32 @p0 [tilespmem:s8], [sflag:$0x7], $0x10, s5, s0, $0xb8;
	[tilespmem:$0x1C200] =	vst v63  }
0x294: {  	s0 =	simm.s32 @p0 $0x4  }
0x295: {  	_ =	swait.ge @p0 [sflag:s0], $0x2000  }
0x296: {  	[sflag:s0] =	ssyncset.done @p0 $0x0  }
0x297: {  	[sflag:s0] =	ssyncadd.s32 @p0 $0xFFFFE000  }
0x298: {  	_ =	swait.ge @p0 [sflag:s12], $0x2000  }
0x299: {  	[sflag:s12] =	ssyncset.done @p0 $0x0  }
0x29a: {  	[sflag:s12] =	ssyncadd.s32 @p0 $0xFFFFE000  }
0x29b: {  	_ =	swait.ge @p0 [sflag:s16], $0x800  }
0x29c: {  	[sflag:s16] =	ssyncset.done @p0 $0x0  }
0x29d: {  	s0 =	simm.s32 @!p0 $0x980;
	[sflag:s16] =	ssyncadd.s32 @p0 $0xFFFFF800  }
0x29e: {  	[spmem:s19] =	stream.indirect.scatter.add.f32 @!p0 [tilespmem:s24], [sflag:$0x5], $0x40, s0, s4, $0xb8;
	[tilespmem:$0x1C200] =	vst v63  }
0x29f: {  	s0 =	simm.s32 @!p0 $0x4  }
0x2a0: {  	_ =	swait.ge @!p0 [sflag:s0], $0x2000  }
0x2a1: {  	[sflag:s0] =	ssyncset.done @!p0 $0x0  }
0x2a2: {  	[sflag:s0] =	ssyncadd.s32 @!p0 $0xFFFFE000  }
0x2a3: {  	_ =	swait.ge @!p0 [sflag:s11], $0x800  }
0x2a4: {  	[sflag:s11] =	ssyncset.done @!p0 $0x0  }
0x2a5: {  	[sflag:s11] =	ssyncadd.s32 @!p0 $0xFFFFF800  }
0x2a6: {  	_ =	swait.ge @!p0 [sflag:s21], $0x2000  }
0x2a7: {  	[sflag:s21] =	ssyncset.done @!p0 $0x0  }
0x2a8: {  	[sflag:s21] =	ssyncadd.s32 @!p0 $0xFFFFE000  }
0x2a9: {  	[bflag:$0x0] =	sbarrier.arrive $0xFFFF  }
0x2aa: {  	s8 =	rddreg [dreg:$0x1d]  }
0x2ab: {  	s11 =	rddreg [dreg:$0x1f]  }
0x2ac: {  	[tilespmem:s20], [sflag:$0x1] =	stream.linear.gather [spmem:s8], $0x2000, $0x38;
	[tilespmem:$0x1C200] =	vst v63  }
0x2ad: {  	s30 =	simm.s32 $0x2A00;
	s16 =	sld [smem:$0x7F8]  }
0x2ae: {  	[tilespmem:s30], [sflag:$0x2] =	stream.linear.gather [spmem:s11], $0x2000, $0x38;
	[tilespmem:$0x1C200] =	vst v63  }
0x2af: {  	s6 =	simm.s32 $0x4A00  }
0x2b0: {  	[tilespmem:s6], [sflag:$0x3] =	stream.linear.gather [spmem:s16], $0x2000, $0x38;
	[tilespmem:$0x1C200] =	vst v63  }
0x2b1: {  	_ =	swait.ge [sflag:s3], $0x2000  }
0x2b2: {  	[sflag:s3] =	ssyncset.done $0x0  }
0x2b3: {  	s13 =	rddreg [dreg:$0x12];
	[sflag:s3] =	ssyncadd.s32 $0xFFFFE000  }
0x2b4: {  	[hbm4b:s13+s31] =	stream.linear.scatter [tilespmem:s20], [sflag:$0x8], $0x2000, $0x38;
	[tilespmem:$0x1C200] =	vst v63  }
0x2b5: {  	_ =	swait.ge [sflag:s2], $0x2000  }
0x2b6: {  	s18 =	sld [smem:$0x7FA]  }
0x2b7: {  	[sflag:s2] =	ssyncset.done $0x0  }
0x2b8: {  	[sflag:s2] =	ssyncadd.s32 $0xFFFFE000  }
0x2b9: {  	[tilespmem:s20], [sflag:$0x1] =	stream.linear.gather [spmem:s18], $0x2000, $0x38;
	[tilespmem:$0x1C200] =	vst v63  }
0x2ba: {  	s1 =	simm.s32 $0xF200;
	s10 =	rddreg [dreg:$0x1e]  }
0x2bb: {  	[tilespmem:s1], [sflag:$0x8] =	stream.linear.gather [spmem:s10], $0x800, $0x38;
	[tilespmem:$0x1C200] =	vst v63  }
0x2bc: {  	_ =	swait.ge [sflag:s2], $0x800  }
0x2bd: {  	[sflag:s2] =	ssyncset.done $0x0  }
0x2be: {  	s15 =	rddreg [dreg:$0x18];
	[sflag:s2] =	ssyncadd.s32 $0xFFFFF800  }
0x2bf: {  	[hbm4b:s15+s31] =	stream.linear.scatter [tilespmem:s1], [sflag:$0x8], $0x800, $0x38;
	[tilespmem:$0x1C200] =	vst v63  }
0x2c0: {  	_ =	swait.ge [sflag:s2], $0x800  }
0x2c1: {  	[sflag:s2] =	ssyncset.done $0x0  }
0x2c2: {  	[sflag:s2] =	ssyncadd.s32 $0xFFFFF800  }
0x2c3: {  	_ =	swait.ge [sflag:s7], $0x2000  }
0x2c4: {  	[sflag:s7] =	ssyncset.done $0x0  }
0x2c5: {  	s17 =	rddreg [dreg:$0x13];
	[sflag:s7] =	ssyncadd.s32 $0xFFFFE000  }
0x2c6: {  	[hbm4b:s17+s31] =	stream.linear.scatter [tilespmem:s30], [sflag:$0x8], $0x2000, $0x38;
	[tilespmem:$0x1C200] =	vst v63  }
0x2c7: {  	_ =	swait.ge [sflag:s2], $0x2000  }
0x2c8: {  	s5 =	sld [smem:$0x7FC]  }
0x2c9: {  	[sflag:s2] =	ssyncset.done $0x0  }
0x2ca: {  	s12 =	sld [smem:$0x7F7];
	[sflag:s2] =	ssyncadd.s32 $0xFFFFE000  }
0x2cb: {  	[tilespmem:s30], [sflag:$0x2] =	stream.linear.gather [spmem:s5], $0x2000, $0x38;
	[tilespmem:$0x1C200] =	vst v63  }
0x2cc: {  	_ = 	snop  }
0x2cd: {  	[tilespmem:s1], [sflag:$0x8] =	stream.linear.gather [spmem:s12], $0x800, $0x38;
	[tilespmem:$0x1C200] =	vst v63  }
0x2ce: {  	_ =	swait.ge [sflag:s2], $0x800  }
0x2cf: {  	[sflag:s2] =	ssyncset.done $0x0  }
0x2d0: {  	s22 =	rddreg [dreg:$0x19];
	[sflag:s2] =	ssyncadd.s32 $0xFFFFF800  }
0x2d1: {  	[hbm4b:s22+s31] =	stream.linear.scatter [tilespmem:s1], [sflag:$0x8], $0x800, $0x38;
	[tilespmem:$0x1C200] =	vst v63  }
0x2d2: {  	_ =	swait.ge [sflag:s2], $0x800  }
0x2d3: {  	[sflag:s2] =	ssyncset.done $0x0  }
0x2d4: {  	[sflag:s2] =	ssyncadd.s32 $0xFFFFF800  }
0x2d5: {  	_ =	swait.ge [sflag:s14], $0x2000  }
0x2d6: {  	[sflag:s14] =	ssyncset.done $0x0  }
0x2d7: {  	s23 =	rddreg [dreg:$0x14];
	[sflag:s14] =	ssyncadd.s32 $0xFFFFE000  }
0x2d8: {  	[hbm4b:s23+s31] =	stream.linear.scatter [tilespmem:s6], [sflag:$0x8], $0x2000, $0x38;
	[tilespmem:$0x1C200] =	vst v63  }
0x2d9: {  	_ =	swait.ge [sflag:s2], $0x2000  }
0x2da: {  	s17 =	sld [smem:$0x7F9]  }
0x2db: {  	[sflag:s2] =	ssyncset.done $0x0  }
0x2dc: {  	[sflag:s2] =	ssyncadd.s32 $0xFFFFE000  }
0x2dd: {  	[tilespmem:s1], [sflag:$0x8] =	stream.linear.gather [spmem:s17], $0x800, $0x38;
	[tilespmem:$0x1C200] =	vst v63  }
0x2de: {  	_ =	swait.ge [sflag:s2], $0x800  }
0x2df: {  	[sflag:s2] =	ssyncset.done $0x0  }
0x2e0: {  	s24 =	rddreg [dreg:$0x1a];
	[sflag:s2] =	ssyncadd.s32 $0xFFFFF800  }
0x2e1: {  	[hbm4b:s24+s31] =	stream.linear.scatter [tilespmem:s1], [sflag:$0x8], $0x800, $0x38;
	[tilespmem:$0x1C200] =	vst v63  }
0x2e2: {  	_ =	swait.ge [sflag:s2], $0x800  }
0x2e3: {  	[sflag:s2] =	ssyncset.done $0x0  }
0x2e4: {  	[sflag:s2] =	ssyncadd.s32 $0xFFFFF800  }
0x2e5: {  	_ =	swait.ge [sflag:s3], $0x2000  }
0x2e6: {  	[sflag:s3] =	ssyncset.done $0x0  }
0x2e7: {  	s25 =	rddreg [dreg:$0x15];
	[sflag:s3] =	ssyncadd.s32 $0xFFFFE000  }
0x2e8: {  	[hbm4b:s25+s31] =	stream.linear.scatter [tilespmem:s20], [sflag:$0x8], $0x2000, $0x38;
	[tilespmem:$0x1C200] =	vst v63  }
0x2e9: {  	_ =	swait.ge [sflag:s2], $0x2000  }
0x2ea: {  	s4 =	sld [smem:$0x7FB]  }
0x2eb: {  	[sflag:s2] =	ssyncset.done $0x0  }
0x2ec: {  	[sflag:s2] =	ssyncadd.s32 $0xFFFFE000  }
0x2ed: {  	[tilespmem:s1], [sflag:$0x8] =	stream.linear.gather [spmem:s4], $0x800, $0x38;
	[tilespmem:$0x1C200] =	vst v63  }
0x2ee: {  	_ =	swait.ge [sflag:s2], $0x800  }
0x2ef: {  	[sflag:s2] =	ssyncset.done $0x0  }
0x2f0: {  	s26 =	rddreg [dreg:$0x1b];
	[sflag:s2] =	ssyncadd.s32 $0xFFFFF800  }
0x2f1: {  	[hbm4b:s26+s31] =	stream.linear.scatter [tilespmem:s1], [sflag:$0x8], $0x800, $0x38;
	[tilespmem:$0x1C200] =	vst v63  }
0x2f2: {  	_ =	swait.ge [sflag:s2], $0x800  }
0x2f3: {  	[sflag:s2] =	ssyncset.done $0x0  }
0x2f4: {  	[sflag:s2] =	ssyncadd.s32 $0xFFFFF800  }
0x2f5: {  	_ =	swait.ge [sflag:s7], $0x2000  }
0x2f6: {  	[sflag:s7] =	ssyncset.done $0x0  }
0x2f7: {  	s21 =	simm.s32 $0x2A00;
	s28 =	rddreg [dreg:$0x16];
	[sflag:s7] =	ssyncadd.s32 $0xFFFFE000  }
0x2f8: {  	[hbm4b:s28+s31] =	stream.linear.scatter [tilespmem:s21], [sflag:$0x8], $0x2000, $0x38;
	[tilespmem:$0x1C200] =	vst v63  }
0x2f9: {  	_ =	swait.ge [sflag:s2], $0x2000  }
0x2fa: {  	s7 =	sld [smem:$0x7FD]  }
0x2fb: {  	[sflag:s2] =	ssyncset.done $0x0  }
0x2fc: {  	[sflag:s2] =	ssyncadd.s32 $0xFFFFE000  }
0x2fd: {  	[tilespmem:s1], [sflag:$0x8] =	stream.linear.gather [spmem:s7], $0x800, $0x38;
	[tilespmem:$0x1C200] =	vst v63  }
0x2fe: {  	_ =	swait.ge [sflag:s2], $0x800  }
0x2ff: {  	[sflag:s2] =	ssyncset.done $0x0  }
0x300: {  	s29 =	rddreg [dreg:$0x1c];
	[sflag:s2] =	ssyncadd.s32 $0xFFFFF800  }
0x301: {  	[hbm4b:s29+s31] =	stream.linear.scatter [tilespmem:s1], [sflag:$0x8], $0x800, $0x38;
	[tilespmem:$0x1C200] =	vst v63  }
0x302: {  	_ =	swait.ge [sflag:s2], $0x800  }
0x303: {  	s30 =	sld [smem:$0x7F5]  }
0x304: {  	s31 =	sld [smem:$0x7F6];
	_ =	sdelay $0x1  }
0x305: {  	s20 =	sadd.s32 $0x1, s30  }
0x306: {  	p1 =	sne.s32 s20, s31  }
.Ltmp1:
0x307: {  	_ = 	snop;
	(pc) =	sbr.rel @p1 .LBB2_1-.Ltmp1, $3  }
0x308: {  	_ =	sdelay $0x1  }
0x309: {  	[sflag:s2] =	ssyncset.done $0x0  }
0x30a: {  	[sflag:s2] =	ssyncadd.s32 $0xFFFFF800  }
0x30b: {  	_ =	sfence.sel $0x180000  }
0x30c: {  	[bflag:$0x0] =	sbarrier.arrive $0xFFFF  }
0x30d: {  	_ =	strace $0x9000004A  }
0x30e: {  	s0 =	stileid.u32;
	[bflag:$0x2] =	sbarrier.arrive $0xFFFF  }
0x30f: {  	p0 =	sne.s32 s0, $0x0;
	s0 =	rddreg [dreg:$0x4]  }
0x310: {  	s0 =	sadd.s32 @!p0 $0x100000, s0  }
0x311: {  	[sflag:s0] =	ssyncadd.tile.s32 @!p0 $0x1;
	_ =	shalt  }
.Lfunc_end2:
_tile_overlayer_lowered:
.L_overlay_start_2:
0x312: {  	(tag) =	ssettag $0x2  }
0x313: {  	s0 =	rddreg [dreg:$0x0];
	s2 =	stileid.u32  }
0x314: {  	s1 =	rddreg [dreg:$0x1];
	p0 =	sne.s32 s2, $0x0  }
0x315: {  	s3 =	rddreg [dreg:$0x2];
	[bflag:$0x3] =	sbarrier.arrive $0xFFFF;
	s2 =	simm.s32 @!p0 $0x1C08  }
0x316: {  	[timem:s3], [sflag:s2] =	dma.local @!p0 [hbm:s0], s1  }
0x317: {  	s0 =	simm.s32 @!p0 $0x8  }
0x318: {  	_ =	swait.ge @!p0 [sflag:s0], s1  }
0x319: {  	s1 =	ssub.s32 @!p0 $0x0, s1;
	[sflag:s0] =	ssyncset.done @!p0 $0x0  }
0x31a: {  	[sflag:s0] =	ssyncadd.s32 @!p0 s1  }
0x31b: {  	[bflag:$0x3] =	sbarrier.arrive $0xFFFF  }
0x31c: {  	_ =	shalt  }

// kernel: kernel.8.cloned.1.call-start
scs
__scs_entry_jumppad:
0x0: {  	(pc) =	sbr.rel $0x88, $3  }
0x1: {  	(tag) =	ssettag $0x0;
	lr =	simm.s32 $0x1  }
0x2: {  	[smem:$0x3F99] =	sst lr;
	_ =	strace $0xD0000000  }
0x3: {  	_ = 	snop  }
0x4: {  	_ = 	snop  }
0x5: {  	_ = 	snop  }
0x6: {  	_ = 	snop  }
0x7: {  	_ = 	snop  }
__scs_overlays_trampoline_lowered:
0x8: {  	[smem:$0x3FA8] =	sst s0  }
0x9: {  	[smem:$0x3FA9] =	sst s1  }
0xa: {  	[smem:$0x3FAA] =	sst s2  }
0xb: {  	[smem:$0x3FAB] =	sst s3  }
0xc: {  	[smem:$0x3FAC] =	sst s4  }
0xd: {  	[smem:$0x3FAD] =	sst s5  }
0xe: {  	[smem:$0x3FAE] =	sst s6  }
0xf: {  	[smem:$0x3FAF] =	sst s7  }
0x10: {  	[smem:$0x3FB0] =	sst s8  }
0x11: {  	[smem:$0x3FB1] =	sst s9;
	s0 =	simm.s32 @!p0 $0x0  }
0x12: {  	s1 =	sld [smem:$0x3F97];
	s0 =	simm.s32 @p0 $0x1  }
0x13: {  	[smem:$0x3FB2] =	sst s0;
	s0 =	simm.s32 @!p1 $0x0  }
0x14: {  	s2 =	sld [smem:$0x3F96];
	s0 =	simm.s32 @p1 $0x1  }
0x15: {  	[smem:$0x3FB3] =	sst s0;
	s0 =	simm.s32 @!p2 $0x0  }
0x16: {  	s3 =	sld [smem:$0x3FDB];
	s0 =	simm.s32 @p2 $0x1  }
0x17: {  	s4 =	simm.s32 $0x1BF5;
	[smem:$0x3FB5] =	sst s0  }
0x18: {  	s0 =	sld [smem:$0x3F98];
	_ =	swait.ge [sflag:s4], $0x0  }
0x19: {  	s7 =	sld [smem:$0x3F99]  }
0x1a: {  	s8 =	sadd.s32 $0xFFFFE003, lr  }
0x1b: {  	s9 =	sadd.s32 $0xFFFFFEF7, lr;
	s5 =	simm.s32 $0xFFFFFFFF;
	p2 =	slt.u32 s8, $0xFFFFF086  }
0x1c: {  	p1 =	slt.u32 s9, $0xF7A;
	s5 =	simm.s32 @!p2 $0x0  }
0x1d: {  	s5 =	simm.s32 @p1 $0x1;
	p0 =	seq.s32 s7, s2  }
0x1e: {  	s7 =	smul.u32 @!p0 $0xF7A, s2;
	p2 =	seq.s32 @!p0 s5, $0x0  }
0x1f: {  	s9 =	smul.u32 $0xF7A, s1;
	s8 =	simm.s32 @!p0 $0x1BF5;
	p2 =	por !p2, p0  }
0x20: {  	[sflag:s8] =	ssyncset.s32 @!p0 $0xFFFFF086;
	s6 =	sadd.s32 @!p0 s3, s7;
	s7 =	simm.s32 @!p0 $0x108  }
0x21: {  	s3 =	sadd.s32 s3, s9;
	s6 =	sadd.s32 @!p0 $0x88, s6;
	s7 =	simm.s32 @p2 $0x1082  }
0x22: {  	[simem:s7], [sflag:s8] =	dma.local @!p0 [hbm:s6], $0xF7A  }
0x23: {  	s9 =	sor.u32 $0xD0000000, s2;
	s6 =	simm.s32 $0x108;
	_ =	swait.ge @!p0 [sflag:s8], $0x0  }
0x24: {  	s3 =	sadd.s32 $0x88, s3;
	s6 =	simm.s32 @!p1 $0x1082;
	[sflag:s4] =	ssyncset.s32 $0xFFFFF086  }
0x25: {  	[simem:s6], [sflag:s4] =	dma.local [hbm:s3], $0xF7A  }
0x26: {  	[smem:$0x3F99] =	sst s1;
	(tag) =	ssettag s2;
	_ =	strace s9  }
0x27: {  	s1 =	sld [smem:$0x3FA9]  }
0x28: {  	s2 =	sld [smem:$0x3FAA]  }
0x29: {  	s4 =	sld [smem:$0x3FAC]  }
0x2a: {  	p0 =	seq.s32 s5, $0x0;
	s5 =	sld [smem:$0x3FAD]  }
0x2b: {  	s6 =	sld [smem:$0x3FAE]  }
0x2c: {  	s7 =	sld [smem:$0x3FAF]  }
0x2d: {  	s3 =	simm.s32 $0x108;
	s8 =	sld [smem:$0x3FB0]  }
0x2e: {  	s3 =	simm.s32 @!p0 $0x1082;
	s9 =	sld [smem:$0x3FB1]  }
0x2f: {  	lr =	sadd.s32 s0, s3;
	s0 =	sld [smem:$0x3FA8]  }
0x30: {  	s3 =	sld [smem:$0x3FAB]  }
0x31: {  	[smem:$0x3FB4] =	sst s10  }
0x32: {  	s10 =	sld [smem:$0x3FB2];
	_ =	sdelay $0x3  }
0x33: {  	p0 =	seq.s32 s10, $0x1;
	s10 =	sld [smem:$0x3FB4];
	_ =	sdelay $0x3  }
0x34: {  	[smem:$0x3FB4] =	sst s10  }
0x35: {  	s10 =	sld [smem:$0x3FB3];
	_ =	sdelay $0x3  }
0x36: {  	p1 =	seq.s32 s10, $0x1;
	s10 =	sld [smem:$0x3FB4];
	_ =	sdelay $0x3  }
0x37: {  	[smem:$0x3FB4] =	sst s10  }
0x38: {  	s10 =	sld [smem:$0x3FB5]  }
0x39: {  	_ = 	snop;
	(pc) =	sbr.ind lr, $3  }
0x3a: {  	_ = 	snop  }
0x3b: {  	_ = 	snop  }
0x3c: {  	p2 =	seq.s32 s10, $0x1;
	s10 =	sld [smem:$0x3FB4]  }
0x3d: {  	_ =	shalt  }
0x3e: {  	_ =	shalt  }
0x3f: {  	_ =	shalt  }
0x40: {  	_ =	shalt  }
0x41: {  	_ =	shalt  }
0x42: {  	_ =	shalt  }
0x43: {  	_ =	shalt  }
0x44: {  	_ =	shalt  }
0x45: {  	_ =	shalt  }
0x46: {  	_ =	shalt  }
0x47: {  	_ =	shalt  }
0x48: {  	_ =	shalt  }
0x49: {  	_ =	shalt  }
0x4a: {  	_ =	shalt  }
0x4b: {  	_ =	shalt  }
0x4c: {  	_ =	shalt  }
0x4d: {  	_ =	shalt  }
0x4e: {  	_ =	shalt  }
0x4f: {  	_ =	shalt  }
0x50: {  	_ =	shalt  }
0x51: {  	_ =	shalt  }
0x52: {  	_ =	shalt  }
0x53: {  	_ =	shalt  }
0x54: {  	_ =	shalt  }
0x55: {  	_ =	shalt  }
0x56: {  	_ =	shalt  }
0x57: {  	_ =	shalt  }
0x58: {  	_ =	shalt  }
0x59: {  	_ =	shalt  }
0x5a: {  	_ =	shalt  }
0x5b: {  	_ =	shalt  }
0x5c: {  	_ =	shalt  }
0x5d: {  	_ =	shalt  }
0x5e: {  	_ =	shalt  }
0x5f: {  	_ =	shalt  }
0x60: {  	_ =	shalt  }
0x61: {  	_ =	shalt  }
0x62: {  	_ =	shalt  }
0x63: {  	_ =	shalt  }
0x64: {  	_ =	shalt  }
0x65: {  	_ =	shalt  }
0x66: {  	_ =	shalt  }
0x67: {  	_ =	shalt  }
0x68: {  	_ =	shalt  }
0x69: {  	_ =	shalt  }
0x6a: {  	_ =	shalt  }
0x6b: {  	_ =	shalt  }
0x6c: {  	_ =	shalt  }
0x6d: {  	_ =	shalt  }
0x6e: {  	_ =	shalt  }
0x6f: {  	_ =	shalt  }
0x70: {  	_ =	shalt  }
0x71: {  	_ =	shalt  }
0x72: {  	_ =	shalt  }
0x73: {  	_ =	shalt  }
0x74: {  	_ =	shalt  }
0x75: {  	_ =	shalt  }
0x76: {  	_ =	shalt  }
0x77: {  	_ =	shalt  }
0x78: {  	_ =	shalt  }
0x79: {  	_ =	shalt  }
0x7a: {  	_ =	shalt  }
0x7b: {  	_ =	shalt  }
0x7c: {  	_ =	shalt  }
0x7d: {  	_ =	shalt  }
0x7e: {  	_ =	shalt  }
0x7f: {  	_ =	shalt  }
0x80: {  	_ =	shalt  }
0x81: {  	_ =	shalt  }
0x82: {  	_ =	shalt  }
0x83: {  	_ =	shalt  }
0x84: {  	_ =	shalt  }
0x85: {  	_ =	shalt  }
0x86: {  	_ =	shalt  }
0x87: {  	_ =	shalt  }
.Lfunc_end0:
.L_simem_size_0:
called_computation_lowered:
.L_overlay_start_0:
0x88: {  	s2 =	sld [smem:$0x3FD9]  }
0x89: {  	s3 =	sld [smem:$0x3FFE];
	_ =	sdelay $0x1  }
0x8a: {  	s1 =	srdreg.scid  }
0x8b: {  	s0 =	sand.u32 $0x1, s1  }
0x8c: {  	s17 =	sshll.u32 s0, $0xA;
	s2 =	sadd.s32 s3, s2  }
0x8d: {  	s2 =	sadd.s32 s2, s17  }
0x8e: {  	[smem:$0x3FC0] =	sst s2  }
0x8f: {  	_ = 	snop  }
0x90: {  	s2 =	sld [smem:$0x3FD0];
	(tm) =	ssettm $0x1  }
0x91: {  	s18 =	sld [smem:$0x3FFB];
	_ =	sdelay $0x3  }
0x92: {  	_ =	strace s18  }
0x93: {  	s3 =	sld [smem:$0x3FFC];
	_ =	sdelay $0x3  }
0x94: {  	_ =	strace s3  }
0x95: {  	s3 =	sld [smem:$0x3FFD];
	_ =	sdelay $0x3  }
0x96: {  	_ =	strace s3  }
0x97: {  	_ =	strace $0x8FFFFFFF  }
0x98: {  	s19 =	sld [smem:$0x3FDB];
	_ =	sdelay $0x1  }
0x99: {  	s4 =	simm.s32 $_scs_section_size  }
0x9a: {  	s5 =	simm.s32 $_size__tile_overlayer_lowered;
	s6 =	simm.s32 $_tile_overlayer_lowered  }
0x9b: {  	s22 =	simm.s32 $0x1BFF;
	s21 =	sshll.u32 s6, $0x1;
	s3 =	sadd.s32 s4, s19  }
0x9c: {  	s7 =	simm.s32 $0x0;
	s20 =	sshll.u32 s5, $0x1;
	s5 =	sadd.s32 s21, s3  }
0x9d: {  	[timem:s7], [sflag:s22] =	dma.local [hbm:s5], s20  }
0x9e: {  	_ =	swait.ge [sflag:s22], s20  }
0x9f: {  	s4 =	ssub.s32 $0x0, s20;
	[sflag:s22] =	ssyncset.done $0x0  }
0xa0: {  	[sflag:s22] =	ssyncadd.s32 s4;
	_ =	sdelay $0x1  }
0xa1: {  	s23 =	simm.s32 $0x1B8B  }
0xa2: {  	_ =	swait.ge [sflag:s23], $0x1  }
0xa3: {  	[sflag:s23] =	ssyncset.done $0x0  }
0xa4: {  	s25 =	simm.s32 $0x1B8E;
	s24 =	sld [smem:$0x3FFE];
	[sflag:s23] =	ssyncadd.s32 $0xFFFFFFFF  }
0xa5: {  	s26 =	simm.s32 $execute0_lowered;
	[smem:$0x3FD2] =	sst s25  }
0xa6: {  	s5 =	sshll.u32 s26, $0x1;
	_ =	strace $0x80000046;
	[dreg:$0x1] =	wrdreg $0xFFFFFFFF  }
0xa7: {  	s28 =	simm.s32 $_size_execute0_lowered;
	s3 =	sadd.s32 s3, s5;
	[dreg:$0x0] =	wrdreg $0x0  }
0xa8: {  	s5 =	sshll.u32 s28, $0x1;
	[dreg:$0x2] =	wrdreg s3  }
0xa9: {  	[dreg:$0x3] =	wrdreg s5  }
0xaa: {  	[dreg:$0x4] =	wrdreg $0xC0  }
0xab: {  	_ =	task [dreg:s7], $0x5FFFF  }
0xac: {  	[dreg:$0x1] =	wrdreg $0xFFFFFFFF  }
0xad: {  	[dreg:$0x0] =	wrdreg $0x60  }
0xae: {  	[dreg:$0x2] =	wrdreg s24  }
0xaf: {  	[dreg:$0x3] =	wrdreg s2  }
0xb0: {  	[dreg:$0x4] =	wrdreg $0xFA000  }
0xb1: {  	[dreg:$0x5] =	wrdreg $0x19A000  }
0xb2: {  	[dreg:$0x6] =	wrdreg $0x9  }
0xb3: {  	_ =	task.clear_ibuf [dreg:s7], $0x7FFFF;
	_ =	strace $0x90000046  }
0xb4: {  	s29 =	simm.s32 $0x9;
	_ =	strace $0x80000048  }
0xb5: {  	_ =	swait.ge [sflag:s29], $0x1  }
0xb6: {  	[sflag:s29] =	ssyncadd.s32 $0xFFFFFFFF  }
0xb7: {  	_ =	strace $0x90000048  }
0xb8: {  	_ =	sfence  }
0xb9: {  	s30 =	sld [smem:$0x0];
	_ =	sdelay $0x2  }
0xba: {  	s31 =	sshll.u32 s1, $0xD;
	s1 =	sshrl.u32 s1, $0x2  }
0xbb: {  	s3 =	sand.u32 $0x4000, s31;
	s1 =	sadd.s32 s1, s30  }
0xbc: {  	s0 =	sor.u32 s3, s0;
	s1 =	sshll.u32 s1, $0x11  }
0xbd: {  	s0 =	sor.u32 s1, s0  }
0xbe: {  	s0 =	sadd.s32 $0x8F2B, s0  }
0xbf: {  	[sflag:s0] =	ssyncadd.remote.s32 $0x1  }
0xc0: {  	_ =	sfence.sel $0xFFFF  }
0xc1: {  	[dreg:$0x0] =	wrdreg $0xFFFFFFFF;
	(pc) =	sbr.abs _section_cstart, $3  }
0xc2: {  	[dreg:$0x1] =	wrdreg $0xFFFFFFFF  }
0xc3: {  	_ =	task.clear_ibuf [dreg:s7], $0x2FFFF;
	_ =	strace $0x9FFFFFFF  }
0xc4: {  	(tm) =	ssettm $0x7FFFFFFF  }
0xc5: {  	_ =	shalt  }
tec
execute0_lowered:
.L_overlay_start_1:
0x0: {  	(tag) =	ssettag $0x1  }
0x1: {  	s4 =	rddreg [dreg:$0x0]  }
0x2: {  	s5 =	rddreg [dreg:$0x1]  }
0x3: {  	s19 =	rddreg [dreg:$0x2]  }
0x4: {  	s3 =	rddreg [dreg:$0x3];
	s2 =	simm.s32 $0x0;
	s0 =	srdreg.scid  }
0x5: {  	s17 =	stileid.u32;
	[smem:$0x7FF] =	sst s2;
	s7 =	sand.u32 $0x1, s0  }
0x6: {  	s0 =	smul.u32 $0x280, s17;
	s6 =	sadd.s32 $0x15800, s4;
	s8 =	sadd.s32 $0x29600, s4  }
0x7: {  	s9 =	sadd.s32 $0x29400, s4;
	_ =	strace $0x80000047;
	[dreg:$0x10] =	wrdreg s8  }
0x8: {  	s18 =	sadd.s32 $0x1E00, s4;
	s29 =	sadd.s32 $0x29200, s4;
	[dreg:$0x11] =	wrdreg s9  }
0x9: {  	s11 =	sadd.s32 $0x29A00, s4;
	s4 =	sadd.s32 $0x51A00, s4;
	[dreg:$0x17] =	wrdreg s29  }
0xa: {  	s16 =	smul.u32 $0x2800, s7;
	s20 =	ssub.s32 $0x2, s7;
	[dreg:$0xe] =	wrdreg s18  }
0xb: {  	s30 =	smul.u32 $0x28000, s17;
	[dreg:$0xd] =	wrdreg s6;
	s21 =	sshrl.u32 s20, $0x1  }
0xc: {  	s10 =	sadd.s32 s0, s16;
	s2 =	ssub.s32 s20, s21;
	s16 =	smul.u32 $0x1400, s17  }
0xd: {  	s20 =	simm.s32 $0x800;
	s22 =	sadd.s32 $0x80, s10;
	s23 =	sshll.u32 s10, $0x3  }
0xe: {  	s13 =	sadd.s32 $0x100, s10;
	s26 =	sadd.s32 $0x180, s10;
	s28 =	sadd.s32 $0x200, s10  }
0xf: {  	s10 =	sshll.u32 s10, $0x1;
	[dreg:$0xb] =	wrdreg s20;
	s9 =	sadd.s32 s11, s23  }
0x10: {  	s12 =	sshll.u32 s22, $0x3;
	s10 =	sadd.s32 s4, s10;
	[dreg:$0x12] =	wrdreg s9  }
0x11: {  	s25 =	sshll.u32 s13, $0x3;
	s5 =	sadd.s32 s16, s5;
	[dreg:$0x18] =	wrdreg s10  }
0x12: {  	s31 =	sshll.u32 s13, $0x1;
	s13 =	simm.s32 $0x200;
	[dreg:$0x5] =	wrdreg s5  }
0x13: {  	s16 =	smul.u32 $0xA000, s17;
	s17 =	simm.s32 $0x600;
	[dreg:$0x7] =	wrdreg s13  }
0x14: {  	p0 =	seq.s32 s7, $0x0;
	s24 =	sadd.s32 s11, s12;
	[dreg:$0xa] =	wrdreg s17  }
0x15: {  	s14 =	sshll.u32 s26, $0x3;
	s9 =	sadd.s32 s11, s25;
	[dreg:$0x13] =	wrdreg s24  }
0x16: {  	s15 =	sshll.u32 s28, $0x3;
	s14 =	sadd.s32 s11, s14;
	[dreg:$0x14] =	wrdreg s9  }
0x17: {  	s8 =	sshll.u32 s22, $0x1;
	s11 =	sadd.s32 s11, s15;
	[dreg:$0x15] =	wrdreg s14  }
0x18: {  	s21 =	sadd.s32 $0x80, s0;
	s8 =	sadd.s32 s4, s8;
	[dreg:$0x16] =	wrdreg s11  }
0x19: {  	s22 =	sshll.u32 s21, $0x6;
	s1 =	sadd.s32 s4, s31;
	[dreg:$0x19] =	wrdreg s8  }
0x1a: {  	s23 =	sadd.s32 $0x100, s0;
	s12 =	simm.s32 $0x100;
	[dreg:$0x1a] =	wrdreg s1  }
0x1b: {  	s10 =	sshll.u32 s28, $0x1;
	s15 =	simm.s32 $0x8A00;
	[dreg:$0x6] =	wrdreg s12  }
0x1c: {  	s25 =	sadd.s32 $0x180, s0;
	s31 =	smax.u32 s2, $0x1;
	[dreg:$0x9] =	wrdreg s15  }
0x1d: {  	s0 =	sadd.s32 $0x200, s0;
	s14 =	simm.s32 $0x400;
	[smem:$0x7F6] =	sst s31  }
0x1e: {  	s9 =	sshll.u32 s26, $0x1;
	s11 =	sadd.s32 s22, s19;
	[dreg:$0x8] =	wrdreg s14  }
0x1f: {  	s8 =	smov.u32 s18;
	s9 =	sadd.s32 s4, s9;
	[dreg:$0x1f] =	wrdreg s11  }
0x20: {  	s18 =	sshrl.u32 s30, $0x2;
	s4 =	sadd.s32 s4, s10;
	[dreg:$0x1b] =	wrdreg s9  }
0x21: {  	s5 =	sshrl.u32 s16, $0x2;
	s8 =	smov.u32 @p0 s6;
	[dreg:$0x1c] =	wrdreg s4  }
0x22: {  	s24 =	sshll.u32 s23, $0x6;
	s10 =	sadd.s32 s5, s3;
	[dreg:$0xc] =	wrdreg s8  }
0x23: {  	s26 =	sshll.u32 s23, $0x4;
	s16 =	sadd.s32 s24, s19;
	[dreg:$0x1e] =	wrdreg s10  }
0x24: {  	s30 =	sshll.u32 s0, $0x6;
	s17 =	sadd.s32 s26, s3;
	[smem:$0x7F8] =	sst s16  }
0x25: {  	s0 =	sshll.u32 s0, $0x4;
	s5 =	sadd.s32 s30, s19;
	[smem:$0x7F9] =	sst s17  }
0x26: {  	p0 =	sne.s32 s7, $0x0;
	s7 =	sadd.s32 s0, s3;
	[smem:$0x7FC] =	sst s5  }
0x27: {  	s28 =	sshll.u32 s25, $0x6;
	s8 =	sadd.s32 s18, s19;
	[smem:$0x7FD] =	sst s7  }
0x28: {  	s4 =	sshll.u32 s21, $0x4;
	s18 =	sadd.s32 s28, s19;
	[dreg:$0x1d] =	wrdreg s8  }
0x29: {  	s29 =	sshll.u32 s25, $0x4;
	s12 =	sadd.s32 s4, s3;
	[smem:$0x7FA] =	sst s18  }
0x2a: {  	s4 =	sadd.s32 s29, s3;
	[smem:$0x7F7] =	sst s12  }
0x2b: {  	s20 =	simm.s32 $0x0;
	s1 =	simm.s32 $0xF200;
	[smem:$0x7FB] =	sst s4  }
.LBB2_1:
0x2c: {  	[smem:$0x7F5] =	sst s20;
	s2 =	simm.s32 $0x0  }
0x2d: {  	s0 =	rddreg [dreg:$0x10];
	s21 =	simm.s32 $0xD200;
	s22 =	simm.s32 $0x8  }
0x2e: {  	[tilespmem:s21], [sflag:$0x8] =	stream.linear.gather [hbm4b:s0+s2], $0x2000, $0x38;
	[tilespmem:$0x1C200] =	vst v63  }
0x2f: {  	_ =	swait.ge [sflag:s22], $0x2000  }
0x30: {  	[sflag:s22] =	ssyncset.done $0x0  }
0x31: {  	s15 =	rddreg [dreg:$0x11];
	[sflag:s22] =	ssyncadd.s32 $0xFFFFE000  }
0x32: {  	[tilespmem:s1], [sflag:$0x8] =	stream.linear.gather [hbm4b:s15+s2], $0x800, $0x38;
	[tilespmem:$0x1C200] =	vst v63  }
0x33: {  	_ =	swait.ge [sflag:s22], $0x800  }
0x34: {  	[sflag:s22] =	ssyncset.done $0x0  }
0x35: {  	s24 =	simm.s32 $0xCA00;
	s20 =	rddreg [dreg:$0x17];
	[sflag:s22] =	ssyncadd.s32 $0xFFFFF800  }
0x36: {  	[tilespmem:s24], [sflag:$0x8] =	stream.linear.gather [hbm4b:s20+s2], $0x800, $0x38;
	[tilespmem:$0x1C200] =	vst v63  }
0x37: {  	_ =	swait.ge [sflag:s22], $0x800  }
0x38: {  	[sflag:s22] =	ssyncset.done $0x0  }
0x39: {  	[sflag:s22] =	ssyncadd.s32 $0xFFFFF800  }
0x3a: {  	[spmem:s8] =	stream.linear.scatter [tilespmem:s21], [sflag:$0x8], $0x2000, $0x38;
	[tilespmem:$0x1C200] =	vst v63  }
0x3b: {  	_ =	swait.ge [sflag:s22], $0x2000  }
0x3c: {  	[sflag:s22] =	ssyncset.done $0x0  }
0x3d: {  	[sflag:s22] =	ssyncadd.s32 $0xFFFFE000  }
0x3e: {  	[spmem:s10] =	stream.linear.scatter [tilespmem:s1], [sflag:$0x8], $0x800, $0x38;
	[tilespmem:$0x1C200] =	vst v63  }
0x3f: {  	_ =	swait.ge [sflag:s22], $0x800  }
0x40: {  	[sflag:s22] =	ssyncset.done $0x0  }
0x41: {  	[sflag:s22] =	ssyncadd.s32 $0xFFFFF800  }
0x42: {  	[spmem:s11] =	stream.linear.scatter [tilespmem:s21], [sflag:$0x8], $0x2000, $0x38;
	[tilespmem:$0x1C200] =	vst v63  }
0x43: {  	_ =	swait.ge [sflag:s22], $0x2000  }
0x44: {  	[sflag:s22] =	ssyncset.done $0x0  }
0x45: {  	[sflag:s22] =	ssyncadd.s32 $0xFFFFE000  }
0x46: {  	[spmem:s12] =	stream.linear.scatter [tilespmem:s1], [sflag:$0x8], $0x800, $0x38;
	[tilespmem:$0x1C200] =	vst v63  }
0x47: {  	_ =	swait.ge [sflag:s22], $0x800  }
0x48: {  	[sflag:s22] =	ssyncset.done $0x0  }
0x49: {  	[sflag:s22] =	ssyncadd.s32 $0xFFFFF800  }
0x4a: {  	[spmem:s16] =	stream.linear.scatter [tilespmem:s21], [sflag:$0x8], $0x2000, $0x38;
	[tilespmem:$0x1C200] =	vst v63  }
0x4b: {  	_ =	swait.ge [sflag:s22], $0x2000  }
0x4c: {  	[sflag:s22] =	ssyncset.done $0x0  }
0x4d: {  	[sflag:s22] =	ssyncadd.s32 $0xFFFFE000  }
0x4e: {  	[spmem:s17] =	stream.linear.scatter [tilespmem:s1], [sflag:$0x8], $0x800, $0x38;
	[tilespmem:$0x1C200] =	vst v63  }
0x4f: {  	_ =	swait.ge [sflag:s22], $0x800  }
0x50: {  	[sflag:s22] =	ssyncset.done $0x0  }
0x51: {  	[sflag:s22] =	ssyncadd.s32 $0xFFFFF800  }
0x52: {  	[spmem:s18] =	stream.linear.scatter [tilespmem:s21], [sflag:$0x8], $0x2000, $0x38;
	[tilespmem:$0x1C200] =	vst v63  }
0x53: {  	_ =	swait.ge [sflag:s22], $0x2000  }
0x54: {  	[sflag:s22] =	ssyncset.done $0x0  }
0x55: {  	[sflag:s22] =	ssyncadd.s32 $0xFFFFE000  }
0x56: {  	[spmem:s4] =	stream.linear.scatter [tilespmem:s1], [sflag:$0x8], $0x800, $0x38;
	[tilespmem:$0x1C200] =	vst v63  }
0x57: {  	_ =	swait.ge [sflag:s22], $0x800  }
0x58: {  	[sflag:s22] =	ssyncset.done $0x0  }
0x59: {  	[sflag:s22] =	ssyncadd.s32 $0xFFFFF800  }
0x5a: {  	[spmem:s5] =	stream.linear.scatter [tilespmem:s21], [sflag:$0x8], $0x2000, $0x38;
	[tilespmem:$0x1C200] =	vst v63  }
0x5b: {  	_ =	swait.ge [sflag:s22], $0x2000  }
0x5c: {  	[sflag:s22] =	ssyncset.done $0x0  }
0x5d: {  	[sflag:s22] =	ssyncadd.s32 $0xFFFFE000  }
0x5e: {  	[spmem:s7] =	stream.linear.scatter [tilespmem:s1], [sflag:$0x8], $0x800, $0x38;
	[tilespmem:$0x1C200] =	vst v63  }
0x5f: {  	_ =	swait.ge [sflag:s22], $0x800  }
0x60: {  	[sflag:s22] =	ssyncset.done $0x0  }
0x61: {  	[sflag:s22] =	ssyncadd.s32 $0xFFFFF800  }
0x62: {  	[bflag:$0x0] =	sbarrier.arrive $0xFFFF  }
0x63: {  	s23 =	rddreg [dreg:$0x5]  }
0x64: {  	s0 =	sadd.s32 $0x0, s23  }
0x65: {  	[tilespmem:s2], [sflag:$0x8] =	stream.linear.gather [hbm4b:s0+s2], $0xA00, $0x38;
	[tilespmem:$0x1C200] =	vst v63  }
0x66: {  	_ =	swait.ge [sflag:s22], $0xA00  }
0x67: {  	s20 =	simm.s32 $0x80;
	[sflag:s22] =	ssyncset.done $0x0  }
0x68: {  	s8 =	simm.s32 $0xA00;
	s25 =	rddreg [dreg:$0xc];
	[sflag:s22] =	ssyncadd.s32 $0xFFFFF600  }
0x69: {  	[tilespmem:s8], [sflag:$0x1] =	stream.indirect.gather [hbm4b:s25+s20], $0x40, s2, s20, $0xb8;
	[tilespmem:$0x1C200] =	vst v63  }
0x6a: {  	s29 =	simm.s32 $0x2A00;
	s24 =	rddreg [dreg:$0x6]  }
0x6b: {  	[tilespmem:s29], [sflag:$0x2] =	stream.indirect.gather [hbm4b:s25+s20], $0x40, s24, s20, $0xb8;
	[tilespmem:$0x1C200] =	vst v63  }
0x6c: {  	s3 =	simm.s32 $0x1;
	s11 =	simm.s32 $0x4A00;
	s26 =	rddreg [dreg:$0x7]  }
0x6d: {  	[tilespmem:s11], [sflag:$0x3] =	stream.indirect.gather [hbm4b:s25+s20], $0x40, s26, s20, $0xb8;
	[tilespmem:$0x1C200] =	vst v63  }
0x6e: {  	_ =	swait.ge [sflag:s3], $0x2000  }
0x6f: {  	[sflag:s3] =	ssyncset.done $0x0  }
0x70: {  	s13 =	simm.s32 @p0 $0x2;
	s18 =	simm.s32 @p0 $0x6A00;
	[sflag:s3] =	ssyncadd.s32 $0xFFFFE000  }
0x71: {  	[spmem:s19] =	stream.indirect.scatter.add.f32 [tilespmem:s8], [sflag:$0x4], $0x40, s20, s20, $0xb8;
	[tilespmem:$0x1C200] =	vst v63  }
0x72: {  	s21 =	simm.s32 @p0 $0x80;
	s2 =	simm.s32 @p0 $0x300;
	s6 =	rddreg [dreg:$0xe]  }
0x73: {  	[tilespmem:s18], [sflag:$0x1] =	stream.indirect.gather @p0 [hbm4b:s6+s21], $0x40, s2, s21, $0xb8;
	[tilespmem:$0x1C200] =	vst v63  }
0x74: {  	_ =	swait.ge @p0 [sflag:s13], $0x2000  }
0x75: {  	[sflag:s13] =	ssyncset.done @p0 $0x0  }
0x76: {  	s12 =	simm.s32 @p0 $0x2A00;
	s2 =	simm.s32 @p0 $0x180;
	[sflag:s13] =	ssyncadd.s32 @p0 $0xFFFFE000  }
0x77: {  	[spmem:s19] =	stream.indirect.scatter.add.f32 @p0 [tilespmem:s12], [sflag:$0x5], $0x40, s2, s21, $0xb8;
	[tilespmem:$0x1C200] =	vst v63  }
0x78: {  	s25 =	simm.s32 @p0 $0xCA00;
	s0 =	rddreg [dreg:$0x3]  }
0x79: {  	[spmem:s0] =	stream.indirect.scatter.add.f32 @p0 [tilespmem:s25], [sflag:$0x7], $0x10, s2, s21, $0xb8;
	[tilespmem:$0x1C200] =	vst v63  }
0x7a: {  	s28 =	simm.s32 @!p0 $0x80;
	s9 =	simm.s32 @!p0 $0x6A00;
	s26 =	simm.s32 @!p0 $0xCA00  }
0x7b: {  	[spmem:s0] =	stream.indirect.scatter.add.f32 @!p0 [tilespmem:s26], [sflag:$0x6], $0x10, s28, s28, $0xb8;
	[tilespmem:$0x1C200] =	vst v63  }
0x7c: {  	s4 =	simm.s32 @!p0 $0x300;
	s24 =	rddreg [dreg:$0xd];
	s2 =	simm.s32 @!p0 $0x2  }
0x7d: {  	[tilespmem:s9], [sflag:$0x1] =	stream.indirect.gather @!p0 [hbm4b:s24+s28], $0x40, s4, s28, $0xb8;
	[tilespmem:$0x1C200] =	vst v63  }
0x7e: {  	_ =	swait.ge @!p0 [sflag:s2], $0x2000  }
0x7f: {  	[sflag:s2] =	ssyncset.done @!p0 $0x0  }
0x80: {  	s16 =	simm.s32 @!p0 $0x2A00;
	s5 =	simm.s32 @!p0 $0x180;
	[sflag:s2] =	ssyncadd.s32 @!p0 $0xFFFFE000  }
0x81: {  	[spmem:s19] =	stream.indirect.scatter.add.f32 @!p0 [tilespmem:s16], [sflag:$0x5], $0x40, s5, s28, $0xb8;
	[tilespmem:$0x1C200] =	vst v63  }
0x82: {  	s31 =	rddreg [dreg:$0x9];
	s5 =	smov.u32 s24  }
0x83: {  	s14 =	simm.s32 $0x3;
	s1 =	rddreg [dreg:$0x8];
	s5 =	smov.u32 @p0 s6  }
0x84: {  	[tilespmem:s31], [sflag:$0x2] =	stream.indirect.gather [hbm4b:s5+s20], $0x40, s1, s20, $0xb8;
	[tilespmem:$0x1C200] =	vst v63  }
0x85: {  	_ =	swait.ge [sflag:s14], $0x2000  }
0x86: {  	[sflag:s14] =	ssyncset.done $0x0  }
0x87: {  	s1 =	simm.s32 $0x4;
	[sflag:s14] =	ssyncadd.s32 $0xFFFFE000  }
0x88: {  	_ =	swait.ge [sflag:s1], $0x2000  }
0x89: {  	[sflag:s1] =	ssyncset.done $0x0  }
0x8a: {  	s17 =	simm.s32 @p0 $0x4A00;
	s4 =	simm.s32 @p0 $0x280;
	[sflag:s1] =	ssyncadd.s32 $0xFFFFE000  }
0x8b: {  	[spmem:s19] =	stream.indirect.scatter.add.f32 @p0 [tilespmem:s17], [sflag:$0x4], $0x40, s4, s21, $0xb8;
	[tilespmem:$0x1C200] =	vst v63  }
0x8c: {  	s15 =	simm.s32 @p0 $0xAA00;
	s7 =	simm.s32 @p0 $0x1;
	s4 =	simm.s32 @p0 $0x500  }
0x8d: {  	[tilespmem:s15], [sflag:$0x3] =	stream.indirect.gather @p0 [hbm4b:s6+s21], $0x40, s4, s21, $0xb8;
	[tilespmem:$0x1C200] =	vst v63  }
0x8e: {  	_ =	swait.ge @p0 [sflag:s7], $0x2000  }
0x8f: {  	[sflag:s7] =	ssyncset.done @p0 $0x0  }
0x90: {  	s30 =	simm.s32 @p0 $0x5;
	[sflag:s7] =	ssyncadd.s32 @p0 $0xFFFFE000  }
0x91: {  	_ =	swait.ge @p0 [sflag:s30], $0x2000  }
0x92: {  	[sflag:s30] =	ssyncset.done @p0 $0x0  }
0x93: {  	s4 =	simm.s32 @p0 $0x7;
	[sflag:s30] =	ssyncadd.s32 @p0 $0xFFFFE000  }
0x94: {  	_ =	swait.ge @p0 [sflag:s4], $0x800  }
0x95: {  	[sflag:s4] =	ssyncset.done @p0 $0x0  }
0x96: {  	s7 =	simm.s32 @p0 $0x380;
	[sflag:s4] =	ssyncadd.s32 @p0 $0xFFFFF800  }
0x97: {  	[spmem:s19] =	stream.indirect.scatter.add.f32 @p0 [tilespmem:s18], [sflag:$0x5], $0x40, s7, s21, $0xb8;
	[tilespmem:$0x1C200] =	vst v63  }
0x98: {  	s10 =	simm.s32 @!p0 $0x6  }
0x99: {  	[spmem:s0] =	stream.indirect.scatter.add.f32 @p0 [tilespmem:s25], [sflag:$0x7], $0x10, s7, s21, $0xb8;
	[tilespmem:$0x1C200] =	vst v63  }
0x9a: {  	_ =	swait.ge @!p0 [sflag:s10], $0x800  }
0x9b: {  	[sflag:s10] =	ssyncset.done @!p0 $0x0  }
0x9c: {  	s23 =	simm.s32 @!p0 $0x4A00;
	s7 =	simm.s32 @!p0 $0x280;
	[sflag:s10] =	ssyncadd.s32 @!p0 $0xFFFFF800  }
0x9d: {  	[spmem:s19] =	stream.indirect.scatter.add.f32 @!p0 [tilespmem:s23], [sflag:$0x4], $0x40, s7, s28, $0xb8;
	[tilespmem:$0x1C200] =	vst v63  }
0x9e: {  	_ = 	snop  }
0x9f: {  	[spmem:s0] =	stream.indirect.scatter.add.f32 @!p0 [tilespmem:s26], [sflag:$0x6], $0x10, s7, s28, $0xb8;
	[tilespmem:$0x1C200] =	vst v63  }
0xa0: {  	s29 =	simm.s32 @!p0 $0xAA00;
	s7 =	simm.s32 @!p0 $0x500  }
0xa1: {  	[tilespmem:s29], [sflag:$0x3] =	stream.indirect.gather @!p0 [hbm4b:s24+s28], $0x40, s7, s28, $0xb8;
	[tilespmem:$0x1C200] =	vst v63  }
0xa2: {  	s7 =	simm.s32 @!p0 $0x1  }
0xa3: {  	_ =	swait.ge @!p0 [sflag:s7], $0x2000  }
0xa4: {  	[sflag:s7] =	ssyncset.done @!p0 $0x0  }
0xa5: {  	s22 =	simm.s32 @!p0 $0x5;
	[sflag:s7] =	ssyncadd.s32 @!p0 $0xFFFFE000  }
0xa6: {  	_ =	swait.ge @!p0 [sflag:s22], $0x2000  }
0xa7: {  	[sflag:s22] =	ssyncset.done @!p0 $0x0  }
0xa8: {  	s31 =	simm.s32 @!p0 $0x380;
	[sflag:s22] =	ssyncadd.s32 @!p0 $0xFFFFE000  }
0xa9: {  	[spmem:s19] =	stream.indirect.scatter.add.f32 @!p0 [tilespmem:s9], [sflag:$0x5], $0x40, s31, s28, $0xb8;
	[tilespmem:$0x1C200] =	vst v63  }
0xaa: {  	s7 =	rddreg [dreg:$0xa]  }
0xab: {  	[tilespmem:s8], [sflag:$0x1] =	stream.indirect.gather [hbm4b:s5+s20], $0x40, s7, s20, $0xb8;
	[tilespmem:$0x1C200] =	vst v63  }
0xac: {  	s8 =	simm.s32 $0x2  }
0xad: {  	_ =	swait.ge [sflag:s8], $0x2000  }
0xae: {  	[sflag:s8] =	ssyncset.done $0x0  }
0xaf: {  	[sflag:s8] =	ssyncadd.s32 $0xFFFFE000  }
0xb0: {  	_ =	swait.ge [sflag:s1], $0x2000  }
0xb1: {  	[sflag:s1] =	ssyncset.done $0x0  }
0xb2: {  	s7 =	simm.s32 @p0 $0x480;
	s8 =	simm.s32 @p0 $0x8A00;
	[sflag:s1] =	ssyncadd.s32 $0xFFFFE000  }
0xb3: {  	[spmem:s19] =	stream.indirect.scatter.add.f32 @p0 [tilespmem:s8], [sflag:$0x4], $0x40, s7, s21, $0xb8;
	[tilespmem:$0x1C200] =	vst v63  }
0xb4: {  	s7 =	simm.s32 @p0 $0x700  }
0xb5: {  	[tilespmem:s12], [sflag:$0x2] =	stream.indirect.gather @p0 [hbm4b:s6+s21], $0x40, s7, s21, $0xb8;
	[tilespmem:$0x1C200] =	vst v63  }
0xb6: {  	s7 =	simm.s32 @p0 $0x3  }
0xb7: {  	_ =	swait.ge @p0 [sflag:s7], $0x2000  }
0xb8: {  	[sflag:s7] =	ssyncset.done @p0 $0x0  }
0xb9: {  	[sflag:s7] =	ssyncadd.s32 @p0 $0xFFFFE000  }
0xba: {  	_ =	swait.ge @p0 [sflag:s30], $0x2000  }
0xbb: {  	[sflag:s30] =	ssyncset.done @p0 $0x0  }
0xbc: {  	[sflag:s30] =	ssyncadd.s32 @p0 $0xFFFFE000  }
0xbd: {  	_ =	swait.ge @p0 [sflag:s4], $0x800  }
0xbe: {  	[sflag:s4] =	ssyncset.done @p0 $0x0  }
0xbf: {  	s7 =	simm.s32 @p0 $0x580;
	[sflag:s4] =	ssyncadd.s32 @p0 $0xFFFFF800  }
0xc0: {  	[spmem:s19] =	stream.indirect.scatter.add.f32 @p0 [tilespmem:s15], [sflag:$0x5], $0x40, s7, s21, $0xb8;
	[tilespmem:$0x1C200] =	vst v63  }
0xc1: {  	_ = 	snop  }
0xc2: {  	[spmem:s0] =	stream.indirect.scatter.add.f32 @p0 [tilespmem:s25], [sflag:$0x7], $0x10, s7, s21, $0xb8;
	[tilespmem:$0x1C200] =	vst v63  }
0xc3: {  	_ =	swait.ge @!p0 [sflag:s10], $0x800  }
0xc4: {  	[sflag:s10] =	ssyncset.done @!p0 $0x0  }
0xc5: {  	s8 =	simm.s32 @!p0 $0x8A00;
	s7 =	simm.s32 @!p0 $0x480;
	[sflag:s10] =	ssyncadd.s32 @!p0 $0xFFFFF800  }
0xc6: {  	[spmem:s19] =	stream.indirect.scatter.add.f32 @!p0 [tilespmem:s8], [sflag:$0x4], $0x40, s7, s28, $0xb8;
	[tilespmem:$0x1C200] =	vst v63  }
0xc7: {  	_ = 	snop  }
0xc8: {  	[spmem:s0] =	stream.indirect.scatter.add.f32 @!p0 [tilespmem:s26], [sflag:$0x6], $0x10, s7, s28, $0xb8;
	[tilespmem:$0x1C200] =	vst v63  }
0xc9: {  	s7 =	simm.s32 @!p0 $0x700  }
0xca: {  	[tilespmem:s16], [sflag:$0x2] =	stream.indirect.gather @!p0 [hbm4b:s24+s28], $0x40, s7, s28, $0xb8;
	[tilespmem:$0x1C200] =	vst v63  }
0xcb: {  	s7 =	simm.s32 @!p0 $0x3  }
0xcc: {  	_ =	swait.ge @!p0 [sflag:s7], $0x2000  }
0xcd: {  	[sflag:s7] =	ssyncset.done @!p0 $0x0  }
0xce: {  	[sflag:s7] =	ssyncadd.s32 @!p0 $0xFFFFE000  }
0xcf: {  	_ =	swait.ge @!p0 [sflag:s22], $0x2000  }
0xd0: {  	[sflag:s22] =	ssyncset.done @!p0 $0x0  }
0xd1: {  	s8 =	simm.s32 @!p0 $0x580;
	[dreg:$0xf] =	wrdreg s5;
	[sflag:s22] =	ssyncadd.s32 @!p0 $0xFFFFE000  }
0xd2: {  	[spmem:s19] =	stream.indirect.scatter.add.f32 @!p0 [tilespmem:s29], [sflag:$0x5], $0x40, s8, s28, $0xb8;
	[tilespmem:$0x1C200] =	vst v63  }
0xd3: {  	s15 =	rddreg [dreg:$0xb]  }
0xd4: {  	[tilespmem:s11], [sflag:$0x3] =	stream.indirect.gather [hbm4b:s5+s20], $0x40, s15, s20, $0xb8;
	[tilespmem:$0x1C200] =	vst v63  }
0xd5: {  	_ =	swait.ge [sflag:s3], $0x2000  }
0xd6: {  	[sflag:s3] =	ssyncset.done $0x0  }
0xd7: {  	[sflag:s3] =	ssyncadd.s32 $0xFFFFE000  }
0xd8: {  	_ =	swait.ge [sflag:s1], $0x2000  }
0xd9: {  	[sflag:s1] =	ssyncset.done $0x0  }
0xda: {  	s7 =	simm.s32 @p0 $0xA00;
	s5 =	simm.s32 @p0 $0x680;
	[sflag:s1] =	ssyncadd.s32 $0xFFFFE000  }
0xdb: {  	[spmem:s19] =	stream.indirect.scatter.add.f32 @p0 [tilespmem:s7], [sflag:$0x4], $0x40, s5, s21, $0xb8;
	[tilespmem:$0x1C200] =	vst v63  }
0xdc: {  	s5 =	simm.s32 @p0 $0x900  }
0xdd: {  	[tilespmem:s18], [sflag:$0x1] =	stream.indirect.gather @p0 [hbm4b:s6+s21], $0x40, s5, s21, $0xb8;
	[tilespmem:$0x1C200] =	vst v63  }
0xde: {  	_ =	swait.ge @p0 [sflag:s13], $0x2000  }
0xdf: {  	[sflag:s13] =	ssyncset.done @p0 $0x0  }
0xe0: {  	[sflag:s13] =	ssyncadd.s32 @p0 $0xFFFFE000  }
0xe1: {  	_ =	swait.ge @p0 [sflag:s30], $0x2000  }
0xe2: {  	[sflag:s30] =	ssyncset.done @p0 $0x0  }
0xe3: {  	[sflag:s30] =	ssyncadd.s32 @p0 $0xFFFFE000  }
0xe4: {  	_ =	swait.ge @p0 [sflag:s4], $0x800  }
0xe5: {  	[sflag:s4] =	ssyncset.done @p0 $0x0  }
0xe6: {  	s5 =	simm.s32 @p0 $0x780;
	[sflag:s4] =	ssyncadd.s32 @p0 $0xFFFFF800  }
0xe7: {  	[spmem:s19] =	stream.indirect.scatter.add.f32 @p0 [tilespmem:s12], [sflag:$0x5], $0x40, s5, s21, $0xb8;
	[tilespmem:$0x1C200] =	vst v63  }
0xe8: {  	_ = 	snop  }
0xe9: {  	[spmem:s0] =	stream.indirect.scatter.add.f32 @p0 [tilespmem:s25], [sflag:$0x7], $0x10, s5, s21, $0xb8;
	[tilespmem:$0x1C200] =	vst v63  }
0xea: {  	_ =	swait.ge @!p0 [sflag:s10], $0x800  }
0xeb: {  	[sflag:s10] =	ssyncset.done @!p0 $0x0  }
0xec: {  	s6 =	simm.s32 @!p0 $0xA00;
	s5 =	simm.s32 @!p0 $0x680;
	[sflag:s10] =	ssyncadd.s32 @!p0 $0xFFFFF800  }
0xed: {  	[spmem:s19] =	stream.indirect.scatter.add.f32 @!p0 [tilespmem:s6], [sflag:$0x4], $0x40, s5, s28, $0xb8;
	[tilespmem:$0x1C200] =	vst v63  }
0xee: {  	_ = 	snop  }
0xef: {  	[spmem:s0] =	stream.indirect.scatter.add.f32 @!p0 [tilespmem:s26], [sflag:$0x6], $0x10, s5, s28, $0xb8;
	[tilespmem:$0x1C200] =	vst v63  }
0xf0: {  	s5 =	simm.s32 @!p0 $0x900  }
0xf1: {  	[tilespmem:s9], [sflag:$0x1] =	stream.indirect.gather @!p0 [hbm4b:s24+s28], $0x40, s5, s28, $0xb8;
	[tilespmem:$0x1C200] =	vst v63  }
0xf2: {  	_ =	swait.ge @!p0 [sflag:s2], $0x2000  }
0xf3: {  	[sflag:s2] =	ssyncset.done @!p0 $0x0  }
0xf4: {  	[sflag:s2] =	ssyncadd.s32 @!p0 $0xFFFFE000  }
0xf5: {  	_ =	swait.ge @!p0 [sflag:s22], $0x2000  }
0xf6: {  	[sflag:s22] =	ssyncset.done @!p0 $0x0  }
0xf7: {  	s2 =	simm.s32 @!p0 $0x780;
	[sflag:s22] =	ssyncadd.s32 @!p0 $0xFFFFE000  }
0xf8: {  	[spmem:s19] =	stream.indirect.scatter.add.f32 @!p0 [tilespmem:s16], [sflag:$0x5], $0x40, s2, s28, $0xb8;
	[tilespmem:$0x1C200] =	vst v63  }
0xf9: {  	_ =	swait.ge [sflag:s14], $0x2000  }
0xfa: {  	[sflag:s14] =	ssyncset.done $0x0  }
0xfb: {  	[sflag:s14] =	ssyncadd.s32 $0xFFFFE000  }
0xfc: {  	_ =	swait.ge [sflag:s1], $0x2000  }
0xfd: {  	[sflag:s1] =	ssyncset.done $0x0  }
0xfe: {  	[sflag:s1] =	ssyncadd.s32 $0xFFFFE000;
	s1 =	simm.s32 @p0 $0x880  }
0xff: {  	[spmem:s19] =	stream.indirect.scatter.add.f32 @p0 [tilespmem:s17], [sflag:$0x4], $0x40, s1, s21, $0xb8;
	[tilespmem:$0x1C200] =	vst v63  }
0x100: {  	_ =	swait.ge @!p0 [sflag:s10], $0x800  }
0x101: {  	[sflag:s10] =	ssyncset.done @!p0 $0x0  }
0x102: {  	s1 =	simm.s32 @!p0 $0x880;
	[sflag:s10] =	ssyncadd.s32 @!p0 $0xFFFFF800  }
0x103: {  	[spmem:s19] =	stream.indirect.scatter.add.f32 @!p0 [tilespmem:s23], [sflag:$0x4], $0x40, s1, s28, $0xb8;
	[tilespmem:$0x1C200] =	vst v63  }
0x104: {  	_ = 	snop  }
0x105: {  	[spmem:s0] =	stream.indirect.scatter.add.f32 @!p0 [tilespmem:s26], [sflag:$0x6], $0x10, s1, s28, $0xb8;
	[tilespmem:$0x1C200] =	vst v63  }
0x106: {  	_ =	swait.ge [sflag:s3], $0x2000  }
0x107: {  	[sflag:s3] =	ssyncset.done $0x0  }
0x108: {  	s31 =	simm.s32 $0x5;
	[sflag:s3] =	ssyncadd.s32 $0xFFFFE000  }
0x109: {  	_ =	swait.ge [sflag:s31], $0x2000  }
0x10a: {  	[sflag:s31] =	ssyncset.done $0x0  }
0x10b: {  	[sflag:s31] =	ssyncadd.s32 $0xFFFFE000  }
0x10c: {  	_ =	swait.ge @p0 [sflag:s4], $0x800  }
0x10d: {  	[sflag:s4] =	ssyncset.done @p0 $0x0  }
0x10e: {  	s1 =	simm.s32 @p0 $0x980;
	[sflag:s4] =	ssyncadd.s32 @p0 $0xFFFFF800  }
0x10f: {  	[spmem:s19] =	stream.indirect.scatter.add.f32 @p0 [tilespmem:s18], [sflag:$0x5], $0x40, s1, s21, $0xb8;
	[tilespmem:$0x1C200] =	vst v63  }
0x110: {  	_ = 	snop  }
0x111: {  	[spmem:s0] =	stream.indirect.scatter.add.f32 @p0 [tilespmem:s25], [sflag:$0x7], $0x10, s1, s21, $0xb8;
	[tilespmem:$0x1C200] =	vst v63  }
0x112: {  	s0 =	simm.s32 @p0 $0x4  }
0x113: {  	_ =	swait.ge @p0 [sflag:s0], $0x2000  }
0x114: {  	[sflag:s0] =	ssyncset.done @p0 $0x0  }
0x115: {  	[sflag:s0] =	ssyncadd.s32 @p0 $0xFFFFE000  }
0x116: {  	_ =	swait.ge @p0 [sflag:s30], $0x2000  }
0x117: {  	[sflag:s30] =	ssyncset.done @p0 $0x0  }
0x118: {  	[sflag:s30] =	ssyncadd.s32 @p0 $0xFFFFE000  }
0x119: {  	_ =	swait.ge @p0 [sflag:s4], $0x800  }
0x11a: {  	[sflag:s4] =	ssyncset.done @p0 $0x0  }
0x11b: {  	s0 =	simm.s32 @!p0 $0x980;
	[sflag:s4] =	ssyncadd.s32 @p0 $0xFFFFF800  }
0x11c: {  	[spmem:s19] =	stream.indirect.scatter.add.f32 @!p0 [tilespmem:s9], [sflag:$0x5], $0x40, s0, s28, $0xb8;
	[tilespmem:$0x1C200] =	vst v63  }
0x11d: {  	s0 =	simm.s32 @!p0 $0x4  }
0x11e: {  	_ =	swait.ge @!p0 [sflag:s0], $0x2000  }
0x11f: {  	[sflag:s0] =	ssyncset.done @!p0 $0x0  }
0x120: {  	[sflag:s0] =	ssyncadd.s32 @!p0 $0xFFFFE000  }
0x121: {  	_ =	swait.ge @!p0 [sflag:s10], $0x800  }
0x122: {  	[sflag:s10] =	ssyncset.done @!p0 $0x0  }
0x123: {  	[sflag:s10] =	ssyncadd.s32 @!p0 $0xFFFFF800  }
0x124: {  	s7 =	simm.s32 $0x140;
	_ =	swait.ge @!p0 [sflag:s22], $0x2000  }
0x125: {  	s25 =	simm.s32 $0x280;
	[sflag:s22] =	ssyncset.done @!p0 $0x0;
	s18 =	rddreg [dreg:$0x5]  }
.LBB2_2:
0x126: {  	[sflag:s22] =	ssyncadd.s32 @!p0 $0xFFFFE000  }
0x127: {  	s18 =	sadd.s32 s7, s18;
	s24 =	simm.s32 $0x0;
	s14 =	simm.s32 $0x8  }
0x128: {  	[tilespmem:s24], [sflag:$0x8] =	stream.linear.gather [hbm4b:s18+s24], $0xA00, $0x38;
	[tilespmem:$0x1C200] =	vst v63  }
0x129: {  	_ =	swait.ge [sflag:s14], $0xA00  }
0x12a: {  	s20 =	simm.s32 $0xA00;
	[sflag:s14] =	ssyncset.done $0x0  }
0x12b: {  	s12 =	simm.s32 $0x80;
	s8 =	rddreg [dreg:$0xc];
	[sflag:s14] =	ssyncadd.s32 $0xFFFFF600  }
0x12c: {  	[tilespmem:s20], [sflag:$0x1] =	stream.indirect.gather [hbm4b:s8+s12], $0x40, s24, s12, $0xb8;
	[tilespmem:$0x1C200] =	vst v63  }
0x12d: {  	s17 =	simm.s32 $0x2A00;
	s15 =	rddreg [dreg:$0x6]  }
0x12e: {  	[tilespmem:s17], [sflag:$0x2] =	stream.indirect.gather [hbm4b:s8+s12], $0x40, s15, s12, $0xb8;
	[tilespmem:$0x1C200] =	vst v63  }
0x12f: {  	s3 =	simm.s32 $0x1;
	s16 =	rddreg [dreg:$0x7];
	s24 =	simm.s32 $0x4A00  }
0x130: {  	[tilespmem:s24], [sflag:$0x3] =	stream.indirect.gather [hbm4b:s8+s12], $0x40, s16, s12, $0xb8;
	[tilespmem:$0x1C200] =	vst v63  }
0x131: {  	_ =	swait.ge [sflag:s3], $0x2000  }
0x132: {  	[sflag:s3] =	ssyncset.done $0x0  }
0x133: {  	s31 =	simm.s32 @p0 $0x6A00;
	[sflag:s3] =	ssyncadd.s32 $0xFFFFE000  }
0x134: {  	[spmem:s19] =	stream.indirect.scatter.add.f32 [tilespmem:s20], [sflag:$0x4], $0x40, s12, s12, $0xb8;
	[tilespmem:$0x1C200] =	vst v63  }
0x135: {  	s2 =	simm.s32 @p0 $0x2;
	s8 =	simm.s32 @p0 $0x300;
	s26 =	rddreg [dreg:$0xe]  }
0x136: {  	[tilespmem:s31], [sflag:$0x1] =	stream.indirect.gather @p0 [hbm4b:s26+s21], $0x40, s8, s21, $0xb8;
	[tilespmem:$0x1C200] =	vst v63  }
0x137: {  	_ =	swait.ge @p0 [sflag:s2], $0x2000  }
0x138: {  	[sflag:s2] =	ssyncset.done @p0 $0x0  }
0x139: {  	s14 =	simm.s32 @p0 $0x2A00;
	s8 =	simm.s32 @p0 $0x180;
	[sflag:s2] =	ssyncadd.s32 @p0 $0xFFFFE000  }
0x13a: {  	[spmem:s19] =	stream.indirect.scatter.add.f32 @p0 [tilespmem:s14], [sflag:$0x5], $0x40, s8, s21, $0xb8;
	[tilespmem:$0x1C200] =	vst v63  }
0x13b: {  	s29 =	simm.s32 @p0 $0xCA00;
	s0 =	rddreg [dreg:$0x3]  }
0x13c: {  	[spmem:s0] =	stream.indirect.scatter.add.f32 @p0 [tilespmem:s29], [sflag:$0x7], $0x10, s8, s21, $0xb8;
	[tilespmem:$0x1C200] =	vst v63  }
0x13d: {  	s5 =	simm.s32 @!p0 $0xCA00;
	s9 =	simm.s32 @!p0 $0x6A00  }
0x13e: {  	[spmem:s0] =	stream.indirect.scatter.add.f32 @!p0 [tilespmem:s5], [sflag:$0x6], $0x10, s28, s28, $0xb8;
	[tilespmem:$0x1C200] =	vst v63  }
0x13f: {  	s15 =	simm.s32 @!p0 $0x2;
	s6 =	rddreg [dreg:$0xd];
	s8 =	simm.s32 @!p0 $0x300  }
0x140: {  	[tilespmem:s9], [sflag:$0x1] =	stream.indirect.gather @!p0 [hbm4b:s6+s28], $0x40, s8, s28, $0xb8;
	[tilespmem:$0x1C200] =	vst v63  }
0x141: {  	_ =	swait.ge @!p0 [sflag:s15], $0x2000  }
0x142: {  	s16 =	simm.s32 @!p0 $0x2A00;
	[sflag:s15] =	ssyncset.done @!p0 $0x0;
	s23 =	rddreg [dreg:$0x9]  }
0x143: {  	s8 =	simm.s32 @!p0 $0x180;
	s1 =	rddreg [dreg:$0x8];
	[sflag:s15] =	ssyncadd.s32 @!p0 $0xFFFFE000  }
0x144: {  	[spmem:s19] =	stream.indirect.scatter.add.f32 @!p0 [tilespmem:s16], [sflag:$0x5], $0x40, s8, s28, $0xb8;
	[tilespmem:$0x1C200] =	vst v63  }
0x145: {  	s18 =	simm.s32 $0x3;
	s13 =	rddreg [dreg:$0xf]  }
0x146: {  	[tilespmem:s23], [sflag:$0x2] =	stream.indirect.gather [hbm4b:s13+s12], $0x40, s1, s12, $0xb8;
	[tilespmem:$0x1C200] =	vst v63  }
0x147: {  	_ =	swait.ge [sflag:s18], $0x2000  }
0x148: {  	[sflag:s18] =	ssyncset.done $0x0  }
0x149: {  	s1 =	simm.s32 $0x4;
	[sflag:s18] =	ssyncadd.s32 $0xFFFFE000  }
0x14a: {  	s11 =	smov.u32 s25;
	_ =	swait.ge [sflag:s1], $0x2000  }
0x14b: {  	s7 =	smov.u32 s11;
	[sflag:s1] =	ssyncset.done $0x0  }
0x14c: {  	s11 =	simm.s32 @p0 $0x4A00;
	s8 =	simm.s32 @p0 $0x280;
	[sflag:s1] =	ssyncadd.s32 $0xFFFFE000  }
0x14d: {  	[spmem:s19] =	stream.indirect.scatter.add.f32 @p0 [tilespmem:s11], [sflag:$0x4], $0x40, s8, s21, $0xb8;
	[tilespmem:$0x1C200] =	vst v63  }
0x14e: {  	s17 =	simm.s32 @p0 $0xAA00;
	s8 =	simm.s32 @p0 $0x500  }
0x14f: {  	[tilespmem:s17], [sflag:$0x3] =	stream.indirect.gather @p0 [hbm4b:s26+s21], $0x40, s8, s21, $0xb8;
	[tilespmem:$0x1C200] =	vst v63  }
0x150: {  	s8 =	simm.s32 @p0 $0x1  }
0x151: {  	_ =	swait.ge @p0 [sflag:s8], $0x2000  }
0x152: {  	[sflag:s8] =	ssyncset.done @p0 $0x0  }
0x153: {  	[sflag:s8] =	ssyncadd.s32 @p0 $0xFFFFE000  }
0x154: {  	_ =	swait.ge @p0 [sflag:s30], $0x2000  }
0x155: {  	[sflag:s30] =	ssyncset.done @p0 $0x0  }
0x156: {  	[sflag:s30] =	ssyncadd.s32 @p0 $0xFFFFE000  }
0x157: {  	_ =	swait.ge @p0 [sflag:s4], $0x800  }
0x158: {  	[sflag:s4] =	ssyncset.done @p0 $0x0  }
0x159: {  	s8 =	simm.s32 @p0 $0x380;
	[sflag:s4] =	ssyncadd.s32 @p0 $0xFFFFF800  }
0x15a: {  	[spmem:s19] =	stream.indirect.scatter.add.f32 @p0 [tilespmem:s31], [sflag:$0x5], $0x40, s8, s21, $0xb8;
	[tilespmem:$0x1C200] =	vst v63  }
0x15b: {  	_ = 	snop  }
0x15c: {  	[spmem:s0] =	stream.indirect.scatter.add.f32 @p0 [tilespmem:s29], [sflag:$0x7], $0x10, s8, s21, $0xb8;
	[tilespmem:$0x1C200] =	vst v63  }
0x15d: {  	_ =	swait.ge @!p0 [sflag:s10], $0x800  }
0x15e: {  	[sflag:s10] =	ssyncset.done @!p0 $0x0  }
0x15f: {  	s11 =	simm.s32 @!p0 $0x4A00;
	s8 =	simm.s32 @!p0 $0x280;
	[sflag:s10] =	ssyncadd.s32 @!p0 $0xFFFFF800  }
0x160: {  	[spmem:s19] =	stream.indirect.scatter.add.f32 @!p0 [tilespmem:s11], [sflag:$0x4], $0x40, s8, s28, $0xb8;
	[tilespmem:$0x1C200] =	vst v63  }
0x161: {  	_ = 	snop  }
0x162: {  	[spmem:s0] =	stream.indirect.scatter.add.f32 @!p0 [tilespmem:s5], [sflag:$0x6], $0x10, s8, s28, $0xb8;
	[tilespmem:$0x1C200] =	vst v63  }
0x163: {  	s23 =	simm.s32 @!p0 $0xAA00;
	s8 =	simm.s32 @!p0 $0x500  }
0x164: {  	[tilespmem:s23], [sflag:$0x3] =	stream.indirect.gather @!p0 [hbm4b:s6+s28], $0x40, s8, s28, $0xb8;
	[tilespmem:$0x1C200] =	vst v63  }
0x165: {  	s8 =	simm.s32 @!p0 $0x1  }
0x166: {  	_ =	swait.ge @!p0 [sflag:s8], $0x2000  }
0x167: {  	[sflag:s8] =	ssyncset.done @!p0 $0x0  }
0x168: {  	[sflag:s8] =	ssyncadd.s32 @!p0 $0xFFFFE000  }
0x169: {  	_ =	swait.ge @!p0 [sflag:s22], $0x2000  }
0x16a: {  	[sflag:s22] =	ssyncset.done @!p0 $0x0  }
0x16b: {  	s8 =	simm.s32 @!p0 $0x380;
	[sflag:s22] =	ssyncadd.s32 @!p0 $0xFFFFE000  }
0x16c: {  	[spmem:s19] =	stream.indirect.scatter.add.f32 @!p0 [tilespmem:s9], [sflag:$0x5], $0x40, s8, s28, $0xb8;
	[tilespmem:$0x1C200] =	vst v63  }
0x16d: {  	s11 =	rddreg [dreg:$0xa]  }
0x16e: {  	[tilespmem:s20], [sflag:$0x1] =	stream.indirect.gather [hbm4b:s13+s12], $0x40, s11, s12, $0xb8;
	[tilespmem:$0x1C200] =	vst v63  }
0x16f: {  	s11 =	simm.s32 $0x2  }
0x170: {  	_ =	swait.ge [sflag:s11], $0x2000  }
0x171: {  	[sflag:s11] =	ssyncset.done $0x0  }
0x172: {  	[sflag:s11] =	ssyncadd.s32 $0xFFFFE000  }
0x173: {  	_ =	swait.ge [sflag:s1], $0x2000  }
0x174: {  	[sflag:s1] =	ssyncset.done $0x0  }
0x175: {  	s8 =	simm.s32 @p0 $0x480;
	s11 =	simm.s32 @p0 $0x8A00;
	[sflag:s1] =	ssyncadd.s32 $0xFFFFE000  }
0x176: {  	[spmem:s19] =	stream.indirect.scatter.add.f32 @p0 [tilespmem:s11], [sflag:$0x4], $0x40, s8, s21, $0xb8;
	[tilespmem:$0x1C200] =	vst v63  }
0x177: {  	s8 =	simm.s32 @p0 $0x700  }
0x178: {  	[tilespmem:s14], [sflag:$0x2] =	stream.indirect.gather @p0 [hbm4b:s26+s21], $0x40, s8, s21, $0xb8;
	[tilespmem:$0x1C200] =	vst v63  }
0x179: {  	s8 =	simm.s32 @p0 $0x3  }
0x17a: {  	_ =	swait.ge @p0 [sflag:s8], $0x2000  }
0x17b: {  	[sflag:s8] =	ssyncset.done @p0 $0x0  }
0x17c: {  	[sflag:s8] =	ssyncadd.s32 @p0 $0xFFFFE000  }
0x17d: {  	_ =	swait.ge @p0 [sflag:s30], $0x2000  }
0x17e: {  	[sflag:s30] =	ssyncset.done @p0 $0x0  }
0x17f: {  	[sflag:s30] =	ssyncadd.s32 @p0 $0xFFFFE000  }
0x180: {  	_ =	swait.ge @p0 [sflag:s4], $0x800  }
0x181: {  	[sflag:s4] =	ssyncset.done @p0 $0x0  }
0x182: {  	s8 =	simm.s32 @p0 $0x580;
	[sflag:s4] =	ssyncadd.s32 @p0 $0xFFFFF800  }
0x183: {  	[spmem:s19] =	stream.indirect.scatter.add.f32 @p0 [tilespmem:s17], [sflag:$0x5], $0x40, s8, s21, $0xb8;
	[tilespmem:$0x1C200] =	vst v63  }
0x184: {  	_ = 	snop  }
0x185: {  	[spmem:s0] =	stream.indirect.scatter.add.f32 @p0 [tilespmem:s29], [sflag:$0x7], $0x10, s8, s21, $0xb8;
	[tilespmem:$0x1C200] =	vst v63  }
0x186: {  	_ =	swait.ge @!p0 [sflag:s10], $0x800  }
0x187: {  	[sflag:s10] =	ssyncset.done @!p0 $0x0  }
0x188: {  	s11 =	simm.s32 @!p0 $0x8A00;
	s8 =	simm.s32 @!p0 $0x480;
	[sflag:s10] =	ssyncadd.s32 @!p0 $0xFFFFF800  }
0x189: {  	[spmem:s19] =	stream.indirect.scatter.add.f32 @!p0 [tilespmem:s11], [sflag:$0x4], $0x40, s8, s28, $0xb8;
	[tilespmem:$0x1C200] =	vst v63  }
0x18a: {  	_ = 	snop  }
0x18b: {  	[spmem:s0] =	stream.indirect.scatter.add.f32 @!p0 [tilespmem:s5], [sflag:$0x6], $0x10, s8, s28, $0xb8;
	[tilespmem:$0x1C200] =	vst v63  }
0x18c: {  	s8 =	simm.s32 @!p0 $0x700  }
0x18d: {  	[tilespmem:s16], [sflag:$0x2] =	stream.indirect.gather @!p0 [hbm4b:s6+s28], $0x40, s8, s28, $0xb8;
	[tilespmem:$0x1C200] =	vst v63  }
0x18e: {  	s8 =	simm.s32 @!p0 $0x3  }
0x18f: {  	_ =	swait.ge @!p0 [sflag:s8], $0x2000  }
0x190: {  	[sflag:s8] =	ssyncset.done @!p0 $0x0  }
0x191: {  	[sflag:s8] =	ssyncadd.s32 @!p0 $0xFFFFE000  }
0x192: {  	_ =	swait.ge @!p0 [sflag:s22], $0x2000  }
0x193: {  	[sflag:s22] =	ssyncset.done @!p0 $0x0  }
0x194: {  	s8 =	simm.s32 @!p0 $0x580;
	[sflag:s22] =	ssyncadd.s32 @!p0 $0xFFFFE000  }
0x195: {  	[spmem:s19] =	stream.indirect.scatter.add.f32 @!p0 [tilespmem:s23], [sflag:$0x5], $0x40, s8, s28, $0xb8;
	[tilespmem:$0x1C200] =	vst v63  }
0x196: {  	s20 =	rddreg [dreg:$0xb]  }
0x197: {  	[tilespmem:s24], [sflag:$0x3] =	stream.indirect.gather [hbm4b:s13+s12], $0x40, s20, s12, $0xb8;
	[tilespmem:$0x1C200] =	vst v63  }
0x198: {  	_ =	swait.ge [sflag:s3], $0x2000  }
0x199: {  	[sflag:s3] =	ssyncset.done $0x0  }
0x19a: {  	[sflag:s3] =	ssyncadd.s32 $0xFFFFE000  }
0x19b: {  	_ =	swait.ge [sflag:s1], $0x2000  }
0x19c: {  	[sflag:s1] =	ssyncset.done $0x0  }
0x19d: {  	s11 =	simm.s32 @p0 $0xA00;
	s8 =	simm.s32 @p0 $0x680;
	[sflag:s1] =	ssyncadd.s32 $0xFFFFE000  }
0x19e: {  	[spmem:s19] =	stream.indirect.scatter.add.f32 @p0 [tilespmem:s11], [sflag:$0x4], $0x40, s8, s21, $0xb8;
	[tilespmem:$0x1C200] =	vst v63  }
0x19f: {  	s8 =	simm.s32 @p0 $0x900  }
0x1a0: {  	[tilespmem:s31], [sflag:$0x1] =	stream.indirect.gather @p0 [hbm4b:s26+s21], $0x40, s8, s21, $0xb8;
	[tilespmem:$0x1C200] =	vst v63  }
0x1a1: {  	_ =	swait.ge @p0 [sflag:s2], $0x2000  }
0x1a2: {  	[sflag:s2] =	ssyncset.done @p0 $0x0  }
0x1a3: {  	[sflag:s2] =	ssyncadd.s32 @p0 $0xFFFFE000  }
0x1a4: {  	_ =	swait.ge @p0 [sflag:s30], $0x2000  }
0x1a5: {  	[sflag:s30] =	ssyncset.done @p0 $0x0  }
0x1a6: {  	[sflag:s30] =	ssyncadd.s32 @p0 $0xFFFFE000  }
0x1a7: {  	_ =	swait.ge @p0 [sflag:s4], $0x800  }
0x1a8: {  	[sflag:s4] =	ssyncset.done @p0 $0x0  }
0x1a9: {  	s2 =	simm.s32 @p0 $0x780;
	[sflag:s4] =	ssyncadd.s32 @p0 $0xFFFFF800  }
0x1aa: {  	[spmem:s19] =	stream.indirect.scatter.add.f32 @p0 [tilespmem:s14], [sflag:$0x5], $0x40, s2, s21, $0xb8;
	[tilespmem:$0x1C200] =	vst v63  }
0x1ab: {  	_ = 	snop  }
0x1ac: {  	[spmem:s0] =	stream.indirect.scatter.add.f32 @p0 [tilespmem:s29], [sflag:$0x7], $0x10, s2, s21, $0xb8;
	[tilespmem:$0x1C200] =	vst v63  }
0x1ad: {  	_ =	swait.ge @!p0 [sflag:s10], $0x800  }
0x1ae: {  	[sflag:s10] =	ssyncset.done @!p0 $0x0  }
0x1af: {  	s8 =	simm.s32 @!p0 $0xA00;
	s2 =	simm.s32 @!p0 $0x680;
	[sflag:s10] =	ssyncadd.s32 @!p0 $0xFFFFF800  }
0x1b0: {  	[spmem:s19] =	stream.indirect.scatter.add.f32 @!p0 [tilespmem:s8], [sflag:$0x4], $0x40, s2, s28, $0xb8;
	[tilespmem:$0x1C200] =	vst v63  }
0x1b1: {  	_ = 	snop  }
0x1b2: {  	[spmem:s0] =	stream.indirect.scatter.add.f32 @!p0 [tilespmem:s5], [sflag:$0x6], $0x10, s2, s28, $0xb8;
	[tilespmem:$0x1C200] =	vst v63  }
0x1b3: {  	s2 =	simm.s32 @!p0 $0x900  }
0x1b4: {  	[tilespmem:s9], [sflag:$0x1] =	stream.indirect.gather @!p0 [hbm4b:s6+s28], $0x40, s2, s28, $0xb8;
	[tilespmem:$0x1C200] =	vst v63  }
0x1b5: {  	_ =	swait.ge @!p0 [sflag:s15], $0x2000  }
0x1b6: {  	[sflag:s15] =	ssyncset.done @!p0 $0x0  }
0x1b7: {  	[sflag:s15] =	ssyncadd.s32 @!p0 $0xFFFFE000  }
0x1b8: {  	_ =	swait.ge @!p0 [sflag:s22], $0x2000  }
0x1b9: {  	[sflag:s22] =	ssyncset.done @!p0 $0x0  }
0x1ba: {  	s2 =	simm.s32 @!p0 $0x780;
	[sflag:s22] =	ssyncadd.s32 @!p0 $0xFFFFE000  }
0x1bb: {  	[spmem:s19] =	stream.indirect.scatter.add.f32 @!p0 [tilespmem:s16], [sflag:$0x5], $0x40, s2, s28, $0xb8;
	[tilespmem:$0x1C200] =	vst v63  }
0x1bc: {  	_ =	swait.ge [sflag:s18], $0x2000  }
0x1bd: {  	[sflag:s18] =	ssyncset.done $0x0  }
0x1be: {  	[sflag:s18] =	ssyncadd.s32 $0xFFFFE000  }
0x1bf: {  	_ =	swait.ge [sflag:s1], $0x2000  }
0x1c0: {  	[sflag:s1] =	ssyncset.done $0x0  }
0x1c1: {  	s2 =	simm.s32 @p0 $0x4A00;
	[sflag:s1] =	ssyncadd.s32 $0xFFFFE000;
	s1 =	simm.s32 @p0 $0x880  }
0x1c2: {  	[spmem:s19] =	stream.indirect.scatter.add.f32 @p0 [tilespmem:s2], [sflag:$0x4], $0x40, s1, s21, $0xb8;
	[tilespmem:$0x1C200] =	vst v63  }
0x1c3: {  	_ =	swait.ge @!p0 [sflag:s10], $0x800  }
0x1c4: {  	[sflag:s10] =	ssyncset.done @!p0 $0x0  }
0x1c5: {  	s1 =	simm.s32 @!p0 $0x880;
	s2 =	simm.s32 @!p0 $0x4A00;
	[sflag:s10] =	ssyncadd.s32 @!p0 $0xFFFFF800  }
0x1c6: {  	[spmem:s19] =	stream.indirect.scatter.add.f32 @!p0 [tilespmem:s2], [sflag:$0x4], $0x40, s1, s28, $0xb8;
	[tilespmem:$0x1C200] =	vst v63  }
0x1c7: {  	_ = 	snop  }
0x1c8: {  	[spmem:s0] =	stream.indirect.scatter.add.f32 @!p0 [tilespmem:s5], [sflag:$0x6], $0x10, s1, s28, $0xb8;
	[tilespmem:$0x1C200] =	vst v63  }
0x1c9: {  	_ =	swait.ge [sflag:s3], $0x2000  }
0x1ca: {  	[sflag:s3] =	ssyncset.done $0x0  }
0x1cb: {  	s26 =	simm.s32 $0x5;
	[sflag:s3] =	ssyncadd.s32 $0xFFFFE000  }
0x1cc: {  	_ =	swait.ge [sflag:s26], $0x2000  }
0x1cd: {  	[sflag:s26] =	ssyncset.done $0x0  }
0x1ce: {  	[sflag:s26] =	ssyncadd.s32 $0xFFFFE000  }
0x1cf: {  	_ =	swait.ge @p0 [sflag:s4], $0x800  }
0x1d0: {  	[sflag:s4] =	ssyncset.done @p0 $0x0  }
0x1d1: {  	s1 =	simm.s32 @p0 $0x980;
	[sflag:s4] =	ssyncadd.s32 @p0 $0xFFFFF800  }
0x1d2: {  	[spmem:s19] =	stream.indirect.scatter.add.f32 @p0 [tilespmem:s31], [sflag:$0x5], $0x40, s1, s21, $0xb8;
	[tilespmem:$0x1C200] =	vst v63  }
0x1d3: {  	_ = 	snop  }
0x1d4: {  	[spmem:s0] =	stream.indirect.scatter.add.f32 @p0 [tilespmem:s29], [sflag:$0x7], $0x10, s1, s21, $0xb8;
	[tilespmem:$0x1C200] =	vst v63  }
0x1d5: {  	s0 =	simm.s32 @p0 $0x4  }
0x1d6: {  	_ =	swait.ge @p0 [sflag:s0], $0x2000  }
0x1d7: {  	[sflag:s0] =	ssyncset.done @p0 $0x0  }
0x1d8: {  	[sflag:s0] =	ssyncadd.s32 @p0 $0xFFFFE000  }
0x1d9: {  	_ =	swait.ge @p0 [sflag:s30], $0x2000  }
0x1da: {  	[sflag:s30] =	ssyncset.done @p0 $0x0  }
0x1db: {  	[sflag:s30] =	ssyncadd.s32 @p0 $0xFFFFE000  }
0x1dc: {  	_ =	swait.ge @p0 [sflag:s4], $0x800  }
0x1dd: {  	[sflag:s4] =	ssyncset.done @p0 $0x0  }
0x1de: {  	s0 =	simm.s32 @!p0 $0x980;
	[sflag:s4] =	ssyncadd.s32 @p0 $0xFFFFF800  }
0x1df: {  	[spmem:s19] =	stream.indirect.scatter.add.f32 @!p0 [tilespmem:s9], [sflag:$0x5], $0x40, s0, s28, $0xb8;
	[tilespmem:$0x1C200] =	vst v63  }
0x1e0: {  	s0 =	simm.s32 @!p0 $0x4  }
0x1e1: {  	_ =	swait.ge @!p0 [sflag:s0], $0x2000  }
0x1e2: {  	s25 =	sadd.s32 $0x140, s25;
	[sflag:s0] =	ssyncset.done @!p0 $0x0  }
0x1e3: {  	p1 =	sne.s32 s25, $0x1400;
	[sflag:s0] =	ssyncadd.s32 @!p0 $0xFFFFE000  }
.Ltmp0:
0x1e4: {  	_ =	swait.ge @!p0 [sflag:s10], $0x800;
	(pc) =	sbr.rel @p1 .LBB2_2-.Ltmp0, $4  }
0x1e5: {  	[sflag:s10] =	ssyncset.done @!p0 $0x0  }
0x1e6: {  	[sflag:s10] =	ssyncadd.s32 @!p0 $0xFFFFF800  }
0x1e7: {  	_ =	swait.ge @!p0 [sflag:s22], $0x2000  }
0x1e8: {  	s18 =	rddreg [dreg:$0x5];
	[sflag:s22] =	ssyncset.done @!p0 $0x0  }
0x1e9: {  	[sflag:s22] =	ssyncadd.s32 @!p0 $0xFFFFE000  }
0x1ea: {  	s0 =	sadd.s32 s7, s18;
	s31 =	simm.s32 $0x0;
	s2 =	simm.s32 $0x8  }
0x1eb: {  	[tilespmem:s31], [sflag:$0x8] =	stream.linear.gather [hbm4b:s0+s31], $0xA00, $0x38;
	[tilespmem:$0x1C200] =	vst v63  }
0x1ec: {  	_ =	swait.ge [sflag:s2], $0xA00  }
0x1ed: {  	s20 =	simm.s32 $0xA00;
	[sflag:s2] =	ssyncset.done $0x0  }
0x1ee: {  	s9 =	simm.s32 $0x80;
	s8 =	rddreg [dreg:$0xc];
	[sflag:s2] =	ssyncadd.s32 $0xFFFFF600  }
0x1ef: {  	[tilespmem:s20], [sflag:$0x1] =	stream.indirect.gather [hbm4b:s8+s9], $0x40, s31, s9, $0xb8;
	[tilespmem:$0x1C200] =	vst v63  }
0x1f0: {  	s1 =	simm.s32 $0x2A00;
	s26 =	rddreg [dreg:$0x6]  }
0x1f1: {  	[tilespmem:s1], [sflag:$0x2] =	stream.indirect.gather [hbm4b:s8+s9], $0x40, s26, s9, $0xb8;
	[tilespmem:$0x1C200] =	vst v63  }
0x1f2: {  	s28 =	simm.s32 $0x4A00;
	s3 =	simm.s32 $0x1;
	s4 =	rddreg [dreg:$0x7]  }
0x1f3: {  	[tilespmem:s28], [sflag:$0x3] =	stream.indirect.gather [hbm4b:s8+s9], $0x40, s4, s9, $0xb8;
	[tilespmem:$0x1C200] =	vst v63  }
0x1f4: {  	_ =	swait.ge [sflag:s3], $0x2000  }
0x1f5: {  	[sflag:s3] =	ssyncset.done $0x0  }
0x1f6: {  	s22 =	simm.s32 @p0 $0x2;
	s25 =	simm.s32 @p0 $0x6A00;
	[sflag:s3] =	ssyncadd.s32 $0xFFFFE000  }
0x1f7: {  	[spmem:s19] =	stream.indirect.scatter.add.f32 [tilespmem:s20], [sflag:$0x4], $0x40, s9, s9, $0xb8;
	[tilespmem:$0x1C200] =	vst v63  }
0x1f8: {  	s0 =	simm.s32 @p0 $0x80;
	s4 =	simm.s32 @p0 $0x300;
	s23 =	rddreg [dreg:$0xe]  }
0x1f9: {  	[tilespmem:s25], [sflag:$0x1] =	stream.indirect.gather @p0 [hbm4b:s23+s0], $0x40, s4, s0, $0xb8;
	[tilespmem:$0x1C200] =	vst v63  }
0x1fa: {  	_ =	swait.ge @p0 [sflag:s22], $0x2000  }
0x1fb: {  	[sflag:s22] =	ssyncset.done @p0 $0x0  }
0x1fc: {  	s15 =	simm.s32 @p0 $0x2A00;
	s4 =	simm.s32 @p0 $0x180;
	[sflag:s22] =	ssyncadd.s32 @p0 $0xFFFFE000  }
0x1fd: {  	[spmem:s19] =	stream.indirect.scatter.add.f32 @p0 [tilespmem:s15], [sflag:$0x5], $0x40, s4, s0, $0xb8;
	[tilespmem:$0x1C200] =	vst v63  }
0x1fe: {  	s8 =	simm.s32 @p0 $0xCA00;
	s13 =	rddreg [dreg:$0x3]  }
0x1ff: {  	[spmem:s13] =	stream.indirect.scatter.add.f32 @p0 [tilespmem:s8], [sflag:$0x7], $0x10, s4, s0, $0xb8;
	[tilespmem:$0x1C200] =	vst v63  }
0x200: {  	s10 =	simm.s32 @!p0 $0xCA00;
	s11 =	simm.s32 @!p0 $0x300;
	s4 =	simm.s32 @!p0 $0x80  }
0x201: {  	[spmem:s13] =	stream.indirect.scatter.add.f32 @!p0 [tilespmem:s10], [sflag:$0x6], $0x10, s4, s4, $0xb8;
	[tilespmem:$0x1C200] =	vst v63  }
0x202: {  	s24 =	simm.s32 @!p0 $0x6A00;
	s18 =	simm.s32 @!p0 $0x2;
	s6 =	rddreg [dreg:$0xd]  }
0x203: {  	[tilespmem:s24], [sflag:$0x1] =	stream.indirect.gather @!p0 [hbm4b:s6+s4], $0x40, s11, s4, $0xb8;
	[tilespmem:$0x1C200] =	vst v63  }
0x204: {  	_ =	swait.ge @!p0 [sflag:s18], $0x2000  }
0x205: {  	s17 =	simm.s32 @!p0 $0x2A00;
	[sflag:s18] =	ssyncset.done @!p0 $0x0;
	s29 =	rddreg [dreg:$0x9]  }
0x206: {  	s12 =	simm.s32 @!p0 $0x180;
	s16 =	rddreg [dreg:$0x8];
	[sflag:s18] =	ssyncadd.s32 @!p0 $0xFFFFE000  }
0x207: {  	[spmem:s19] =	stream.indirect.scatter.add.f32 @!p0 [tilespmem:s17], [sflag:$0x5], $0x40, s12, s4, $0xb8;
	[tilespmem:$0x1C200] =	vst v63  }
0x208: {  	s14 =	simm.s32 $0x3;
	s5 =	rddreg [dreg:$0xf]  }
0x209: {  	[tilespmem:s29], [sflag:$0x2] =	stream.indirect.gather [hbm4b:s5+s9], $0x40, s16, s9, $0xb8;
	[tilespmem:$0x1C200] =	vst v63  }
0x20a: {  	_ =	swait.ge [sflag:s14], $0x2000  }
0x20b: {  	[sflag:s14] =	ssyncset.done $0x0  }
0x20c: {  	s1 =	simm.s32 $0x4;
	[sflag:s14] =	ssyncadd.s32 $0xFFFFE000  }
0x20d: {  	_ =	swait.ge [sflag:s1], $0x2000  }
0x20e: {  	[sflag:s1] =	ssyncset.done $0x0  }
0x20f: {  	s7 =	simm.s32 @p0 $0x4A00;
	s11 =	simm.s32 @p0 $0x280;
	[sflag:s1] =	ssyncadd.s32 $0xFFFFE000  }
0x210: {  	[spmem:s19] =	stream.indirect.scatter.add.f32 @p0 [tilespmem:s7], [sflag:$0x4], $0x40, s11, s0, $0xb8;
	[tilespmem:$0x1C200] =	vst v63  }
0x211: {  	s26 =	simm.s32 @p0 $0xAA00;
	s12 =	simm.s32 @p0 $0x1;
	s11 =	simm.s32 @p0 $0x500  }
0x212: {  	[tilespmem:s26], [sflag:$0x3] =	stream.indirect.gather @p0 [hbm4b:s23+s0], $0x40, s11, s0, $0xb8;
	[tilespmem:$0x1C200] =	vst v63  }
0x213: {  	_ =	swait.ge @p0 [sflag:s12], $0x2000  }
0x214: {  	[sflag:s12] =	ssyncset.done @p0 $0x0  }
0x215: {  	[sflag:s12] =	ssyncadd.s32 @p0 $0xFFFFE000;
	s12 =	simm.s32 @p0 $0x5  }
0x216: {  	_ =	swait.ge @p0 [sflag:s12], $0x2000  }
0x217: {  	[sflag:s12] =	ssyncset.done @p0 $0x0  }
0x218: {  	s16 =	simm.s32 @p0 $0x7;
	[sflag:s12] =	ssyncadd.s32 @p0 $0xFFFFE000  }
0x219: {  	_ =	swait.ge @p0 [sflag:s16], $0x800  }
0x21a: {  	[sflag:s16] =	ssyncset.done @p0 $0x0  }
0x21b: {  	s21 =	simm.s32 @p0 $0x380;
	[sflag:s16] =	ssyncadd.s32 @p0 $0xFFFFF800  }
0x21c: {  	[spmem:s19] =	stream.indirect.scatter.add.f32 @p0 [tilespmem:s25], [sflag:$0x5], $0x40, s21, s0, $0xb8;
	[tilespmem:$0x1C200] =	vst v63  }
0x21d: {  	s11 =	simm.s32 @!p0 $0x6  }
0x21e: {  	[spmem:s13] =	stream.indirect.scatter.add.f32 @p0 [tilespmem:s8], [sflag:$0x7], $0x10, s21, s0, $0xb8;
	[tilespmem:$0x1C200] =	vst v63  }
0x21f: {  	_ =	swait.ge @!p0 [sflag:s11], $0x800  }
0x220: {  	[sflag:s11] =	ssyncset.done @!p0 $0x0  }
0x221: {  	s7 =	simm.s32 @!p0 $0x4A00;
	s21 =	simm.s32 @!p0 $0x280;
	[sflag:s11] =	ssyncadd.s32 @!p0 $0xFFFFF800  }
0x222: {  	[spmem:s19] =	stream.indirect.scatter.add.f32 @!p0 [tilespmem:s7], [sflag:$0x4], $0x40, s21, s4, $0xb8;
	[tilespmem:$0x1C200] =	vst v63  }
0x223: {  	_ = 	snop  }
0x224: {  	[spmem:s13] =	stream.indirect.scatter.add.f32 @!p0 [tilespmem:s10], [sflag:$0x6], $0x10, s21, s4, $0xb8;
	[tilespmem:$0x1C200] =	vst v63  }
0x225: {  	s28 =	simm.s32 @!p0 $0xAA00;
	s29 =	simm.s32 @!p0 $0x1;
	s21 =	simm.s32 @!p0 $0x500  }
0x226: {  	[tilespmem:s28], [sflag:$0x3] =	stream.indirect.gather @!p0 [hbm4b:s6+s4], $0x40, s21, s4, $0xb8;
	[tilespmem:$0x1C200] =	vst v63  }
0x227: {  	_ =	swait.ge @!p0 [sflag:s29], $0x2000  }
0x228: {  	[sflag:s29] =	ssyncset.done @!p0 $0x0  }
0x229: {  	s21 =	simm.s32 @!p0 $0x5;
	[sflag:s29] =	ssyncadd.s32 @!p0 $0xFFFFE000  }
0x22a: {  	_ =	swait.ge @!p0 [sflag:s21], $0x2000  }
0x22b: {  	[sflag:s21] =	ssyncset.done @!p0 $0x0  }
0x22c: {  	s29 =	simm.s32 @!p0 $0x380;
	[sflag:s21] =	ssyncadd.s32 @!p0 $0xFFFFE000  }
0x22d: {  	[spmem:s19] =	stream.indirect.scatter.add.f32 @!p0 [tilespmem:s24], [sflag:$0x5], $0x40, s29, s4, $0xb8;
	[tilespmem:$0x1C200] =	vst v63  }
0x22e: {  	s7 =	simm.s32 $0x2;
	s30 =	rddreg [dreg:$0xa]  }
0x22f: {  	[tilespmem:s20], [sflag:$0x1] =	stream.indirect.gather [hbm4b:s5+s9], $0x40, s30, s9, $0xb8;
	[tilespmem:$0x1C200] =	vst v63  }
0x230: {  	_ =	swait.ge [sflag:s7], $0x2000  }
0x231: {  	[sflag:s7] =	ssyncset.done $0x0  }
0x232: {  	[sflag:s7] =	ssyncadd.s32 $0xFFFFE000  }
0x233: {  	_ =	swait.ge [sflag:s1], $0x2000  }
0x234: {  	[sflag:s1] =	ssyncset.done $0x0  }
0x235: {  	s29 =	simm.s32 @p0 $0x480;
	s30 =	simm.s32 @p0 $0x8A00;
	[sflag:s1] =	ssyncadd.s32 $0xFFFFE000  }
0x236: {  	[spmem:s19] =	stream.indirect.scatter.add.f32 @p0 [tilespmem:s30], [sflag:$0x4], $0x40, s29, s0, $0xb8;
	[tilespmem:$0x1C200] =	vst v63  }
0x237: {  	s29 =	simm.s32 @p0 $0x700  }
0x238: {  	[tilespmem:s15], [sflag:$0x2] =	stream.indirect.gather @p0 [hbm4b:s23+s0], $0x40, s29, s0, $0xb8;
	[tilespmem:$0x1C200] =	vst v63  }
0x239: {  	s29 =	simm.s32 @p0 $0x3  }
0x23a: {  	_ =	swait.ge @p0 [sflag:s29], $0x2000  }
0x23b: {  	[sflag:s29] =	ssyncset.done @p0 $0x0  }
0x23c: {  	[sflag:s29] =	ssyncadd.s32 @p0 $0xFFFFE000  }
0x23d: {  	_ =	swait.ge @p0 [sflag:s12], $0x2000  }
0x23e: {  	[sflag:s12] =	ssyncset.done @p0 $0x0  }
0x23f: {  	[sflag:s12] =	ssyncadd.s32 @p0 $0xFFFFE000  }
0x240: {  	_ =	swait.ge @p0 [sflag:s16], $0x800  }
0x241: {  	[sflag:s16] =	ssyncset.done @p0 $0x0  }
0x242: {  	s29 =	simm.s32 @p0 $0x580;
	[sflag:s16] =	ssyncadd.s32 @p0 $0xFFFFF800  }
0x243: {  	[spmem:s19] =	stream.indirect.scatter.add.f32 @p0 [tilespmem:s26], [sflag:$0x5], $0x40, s29, s0, $0xb8;
	[tilespmem:$0x1C200] =	vst v63  }
0x244: {  	_ = 	snop  }
0x245: {  	[spmem:s13] =	stream.indirect.scatter.add.f32 @p0 [tilespmem:s8], [sflag:$0x7], $0x10, s29, s0, $0xb8;
	[tilespmem:$0x1C200] =	vst v63  }
0x246: {  	_ =	swait.ge @!p0 [sflag:s11], $0x800  }
0x247: {  	[sflag:s11] =	ssyncset.done @!p0 $0x0  }
0x248: {  	s26 =	simm.s32 @!p0 $0x480;
	s29 =	simm.s32 @!p0 $0x8A00;
	[sflag:s11] =	ssyncadd.s32 @!p0 $0xFFFFF800  }
0x249: {  	[spmem:s19] =	stream.indirect.scatter.add.f32 @!p0 [tilespmem:s29], [sflag:$0x4], $0x40, s26, s4, $0xb8;
	[tilespmem:$0x1C200] =	vst v63  }
0x24a: {  	_ = 	snop  }
0x24b: {  	[spmem:s13] =	stream.indirect.scatter.add.f32 @!p0 [tilespmem:s10], [sflag:$0x6], $0x10, s26, s4, $0xb8;
	[tilespmem:$0x1C200] =	vst v63  }
0x24c: {  	s29 =	simm.s32 @!p0 $0x3;
	s26 =	simm.s32 @!p0 $0x700  }
0x24d: {  	[tilespmem:s17], [sflag:$0x2] =	stream.indirect.gather @!p0 [hbm4b:s6+s4], $0x40, s26, s4, $0xb8;
	[tilespmem:$0x1C200] =	vst v63  }
0x24e: {  	_ =	swait.ge @!p0 [sflag:s29], $0x2000  }
0x24f: {  	[sflag:s29] =	ssyncset.done @!p0 $0x0  }
0x250: {  	[sflag:s29] =	ssyncadd.s32 @!p0 $0xFFFFE000  }
0x251: {  	_ =	swait.ge @!p0 [sflag:s21], $0x2000  }
0x252: {  	[sflag:s21] =	ssyncset.done @!p0 $0x0  }
0x253: {  	s26 =	simm.s32 @!p0 $0x580;
	[sflag:s21] =	ssyncadd.s32 @!p0 $0xFFFFE000  }
0x254: {  	[spmem:s19] =	stream.indirect.scatter.add.f32 @!p0 [tilespmem:s28], [sflag:$0x5], $0x40, s26, s4, $0xb8;
	[tilespmem:$0x1C200] =	vst v63  }
0x255: {  	s30 =	rddreg [dreg:$0xb];
	s28 =	simm.s32 $0x4A00  }
0x256: {  	[tilespmem:s28], [sflag:$0x3] =	stream.indirect.gather [hbm4b:s5+s9], $0x40, s30, s9, $0xb8;
	[tilespmem:$0x1C200] =	vst v63  }
0x257: {  	_ =	swait.ge [sflag:s3], $0x2000  }
0x258: {  	[sflag:s3] =	ssyncset.done $0x0  }
0x259: {  	[sflag:s3] =	ssyncadd.s32 $0xFFFFE000  }
0x25a: {  	_ =	swait.ge [sflag:s1], $0x2000  }
0x25b: {  	[sflag:s1] =	ssyncset.done $0x0  }
0x25c: {  	s26 =	simm.s32 @p0 $0xA00;
	s5 =	simm.s32 @p0 $0x680;
	[sflag:s1] =	ssyncadd.s32 $0xFFFFE000  }
0x25d: {  	[spmem:s19] =	stream.indirect.scatter.add.f32 @p0 [tilespmem:s26], [sflag:$0x4], $0x40, s5, s0, $0xb8;
	[tilespmem:$0x1C200] =	vst v63  }
0x25e: {  	s5 =	simm.s32 @p0 $0x900  }
0x25f: {  	[tilespmem:s25], [sflag:$0x1] =	stream.indirect.gather @p0 [hbm4b:s23+s0], $0x40, s5, s0, $0xb8;
	[tilespmem:$0x1C200] =	vst v63  }
0x260: {  	_ =	swait.ge @p0 [sflag:s22], $0x2000  }
0x261: {  	[sflag:s22] =	ssyncset.done @p0 $0x0  }
0x262: {  	[sflag:s22] =	ssyncadd.s32 @p0 $0xFFFFE000  }
0x263: {  	_ =	swait.ge @p0 [sflag:s12], $0x2000  }
0x264: {  	[sflag:s12] =	ssyncset.done @p0 $0x0  }
0x265: {  	[sflag:s12] =	ssyncadd.s32 @p0 $0xFFFFE000  }
0x266: {  	_ =	swait.ge @p0 [sflag:s16], $0x800  }
0x267: {  	[sflag:s16] =	ssyncset.done @p0 $0x0  }
0x268: {  	s5 =	simm.s32 @p0 $0x780;
	[sflag:s16] =	ssyncadd.s32 @p0 $0xFFFFF800  }
0x269: {  	[spmem:s19] =	stream.indirect.scatter.add.f32 @p0 [tilespmem:s15], [sflag:$0x5], $0x40, s5, s0, $0xb8;
	[tilespmem:$0x1C200] =	vst v63  }
0x26a: {  	_ = 	snop  }
0x26b: {  	[spmem:s13] =	stream.indirect.scatter.add.f32 @p0 [tilespmem:s8], [sflag:$0x7], $0x10, s5, s0, $0xb8;
	[tilespmem:$0x1C200] =	vst v63  }
0x26c: {  	_ =	swait.ge @!p0 [sflag:s11], $0x800  }
0x26d: {  	[sflag:s11] =	ssyncset.done @!p0 $0x0  }
0x26e: {  	s22 =	simm.s32 @!p0 $0xA00;
	s5 =	simm.s32 @!p0 $0x680;
	[sflag:s11] =	ssyncadd.s32 @!p0 $0xFFFFF800  }
0x26f: {  	[spmem:s19] =	stream.indirect.scatter.add.f32 @!p0 [tilespmem:s22], [sflag:$0x4], $0x40, s5, s4, $0xb8;
	[tilespmem:$0x1C200] =	vst v63  }
0x270: {  	_ = 	snop  }
0x271: {  	[spmem:s13] =	stream.indirect.scatter.add.f32 @!p0 [tilespmem:s10], [sflag:$0x6], $0x10, s5, s4, $0xb8;
	[tilespmem:$0x1C200] =	vst v63  }
0x272: {  	s5 =	simm.s32 @!p0 $0x900  }
0x273: {  	[tilespmem:s24], [sflag:$0x1] =	stream.indirect.gather @!p0 [hbm4b:s6+s4], $0x40, s5, s4, $0xb8;
	[tilespmem:$0x1C200] =	vst v63  }
0x274: {  	_ =	swait.ge @!p0 [sflag:s18], $0x2000  }
0x275: {  	[sflag:s18] =	ssyncset.done @!p0 $0x0  }
0x276: {  	[sflag:s18] =	ssyncadd.s32 @!p0 $0xFFFFE000  }
0x277: {  	_ =	swait.ge @!p0 [sflag:s21], $0x2000  }
0x278: {  	[sflag:s21] =	ssyncset.done @!p0 $0x0  }
0x279: {  	s5 =	simm.s32 @!p0 $0x780;
	[sflag:s21] =	ssyncadd.s32 @!p0 $0xFFFFE000  }
0x27a: {  	[spmem:s19] =	stream.indirect.scatter.add.f32 @!p0 [tilespmem:s17], [sflag:$0x5], $0x40, s5, s4, $0xb8;
	[tilespmem:$0x1C200] =	vst v63  }
0x27b: {  	_ =	swait.ge [sflag:s14], $0x2000  }
0x27c: {  	[sflag:s14] =	ssyncset.done $0x0  }
0x27d: {  	[sflag:s14] =	ssyncadd.s32 $0xFFFFE000  }
0x27e: {  	_ =	swait.ge [sflag:s1], $0x2000  }
0x27f: {  	[sflag:s1] =	ssyncset.done $0x0  }
0x280: {  	s5 =	simm.s32 @p0 $0x880;
	[sflag:s1] =	ssyncadd.s32 $0xFFFFE000;
	s1 =	simm.s32 @p0 $0x4A00  }
0x281: {  	[spmem:s19] =	stream.indirect.scatter.add.f32 @p0 [tilespmem:s1], [sflag:$0x4], $0x40, s5, s0, $0xb8;
	[tilespmem:$0x1C200] =	vst v63  }
0x282: {  	_ =	swait.ge @!p0 [sflag:s11], $0x800  }
0x283: {  	[sflag:s11] =	ssyncset.done @!p0 $0x0  }
0x284: {  	s5 =	simm.s32 @!p0 $0x880;
	s1 =	simm.s32 @!p0 $0x4A00;
	[sflag:s11] =	ssyncadd.s32 @!p0 $0xFFFFF800  }
0x285: {  	[spmem:s19] =	stream.indirect.scatter.add.f32 @!p0 [tilespmem:s1], [sflag:$0x4], $0x40, s5, s4, $0xb8;
	[tilespmem:$0x1C200] =	vst v63  }
0x286: {  	_ = 	snop  }
0x287: {  	[spmem:s13] =	stream.indirect.scatter.add.f32 @!p0 [tilespmem:s10], [sflag:$0x6], $0x10, s5, s4, $0xb8;
	[tilespmem:$0x1C200] =	vst v63  }
0x288: {  	_ =	swait.ge [sflag:s3], $0x2000  }
0x289: {  	[sflag:s3] =	ssyncset.done $0x0  }
0x28a: {  	s29 =	simm.s32 $0x5;
	[sflag:s3] =	ssyncadd.s32 $0xFFFFE000  }
0x28b: {  	_ =	swait.ge [sflag:s29], $0x2000  }
0x28c: {  	[sflag:s29] =	ssyncset.done $0x0  }
0x28d: {  	[sflag:s29] =	ssyncadd.s32 $0xFFFFE000  }
0x28e: {  	_ =	swait.ge @p0 [sflag:s16], $0x800  }
0x28f: {  	[sflag:s16] =	ssyncset.done @p0 $0x0  }
0x290: {  	s5 =	simm.s32 @p0 $0x980;
	[sflag:s16] =	ssyncadd.s32 @p0 $0xFFFFF800  }
0x291: {  	[spmem:s19] =	stream.indirect.scatter.add.f32 @p0 [tilespmem:s25], [sflag:$0x5], $0x40, s5, s0, $0xb8;
	[tilespmem:$0x1C200] =	vst v63  }
0x292: {  	_ = 	snop  }
0x293: {  	[spmem:s13] =	stream.indirect.scatter.add.f32 @p0 [tilespmem:s8], [sflag:$0x7], $0x10, s5, s0, $0xb8;
	[tilespmem:$0x1C200] =	vst v63  }
0x294: {  	s0 =	simm.s32 @p0 $0x4  }
0x295: {  	_ =	swait.ge @p0 [sflag:s0], $0x2000  }
0x296: {  	[sflag:s0] =	ssyncset.done @p0 $0x0  }
0x297: {  	[sflag:s0] =	ssyncadd.s32 @p0 $0xFFFFE000  }
0x298: {  	_ =	swait.ge @p0 [sflag:s12], $0x2000  }
0x299: {  	[sflag:s12] =	ssyncset.done @p0 $0x0  }
0x29a: {  	[sflag:s12] =	ssyncadd.s32 @p0 $0xFFFFE000  }
0x29b: {  	_ =	swait.ge @p0 [sflag:s16], $0x800  }
0x29c: {  	[sflag:s16] =	ssyncset.done @p0 $0x0  }
0x29d: {  	s0 =	simm.s32 @!p0 $0x980;
	[sflag:s16] =	ssyncadd.s32 @p0 $0xFFFFF800  }
0x29e: {  	[spmem:s19] =	stream.indirect.scatter.add.f32 @!p0 [tilespmem:s24], [sflag:$0x5], $0x40, s0, s4, $0xb8;
	[tilespmem:$0x1C200] =	vst v63  }
0x29f: {  	s0 =	simm.s32 @!p0 $0x4  }
0x2a0: {  	_ =	swait.ge @!p0 [sflag:s0], $0x2000  }
0x2a1: {  	[sflag:s0] =	ssyncset.done @!p0 $0x0  }
0x2a2: {  	[sflag:s0] =	ssyncadd.s32 @!p0 $0xFFFFE000  }
0x2a3: {  	_ =	swait.ge @!p0 [sflag:s11], $0x800  }
0x2a4: {  	[sflag:s11] =	ssyncset.done @!p0 $0x0  }
0x2a5: {  	[sflag:s11] =	ssyncadd.s32 @!p0 $0xFFFFF800  }
0x2a6: {  	_ =	swait.ge @!p0 [sflag:s21], $0x2000  }
0x2a7: {  	[sflag:s21] =	ssyncset.done @!p0 $0x0  }
0x2a8: {  	[sflag:s21] =	ssyncadd.s32 @!p0 $0xFFFFE000  }
0x2a9: {  	[bflag:$0x0] =	sbarrier.arrive $0xFFFF  }
0x2aa: {  	s8 =	rddreg [dreg:$0x1d]  }
0x2ab: {  	s11 =	rddreg [dreg:$0x1f]  }
0x2ac: {  	[tilespmem:s20], [sflag:$0x1] =	stream.linear.gather [spmem:s8], $0x2000, $0x38;
	[tilespmem:$0x1C200] =	vst v63  }
0x2ad: {  	s30 =	simm.s32 $0x2A00;
	s16 =	sld [smem:$0x7F8]  }
0x2ae: {  	[tilespmem:s30], [sflag:$0x2] =	stream.linear.gather [spmem:s11], $0x2000, $0x38;
	[tilespmem:$0x1C200] =	vst v63  }
0x2af: {  	s6 =	simm.s32 $0x4A00  }
0x2b0: {  	[tilespmem:s6], [sflag:$0x3] =	stream.linear.gather [spmem:s16], $0x2000, $0x38;
	[tilespmem:$0x1C200] =	vst v63  }
0x2b1: {  	_ =	swait.ge [sflag:s3], $0x2000  }
0x2b2: {  	[sflag:s3] =	ssyncset.done $0x0  }
0x2b3: {  	s13 =	rddreg [dreg:$0x12];
	[sflag:s3] =	ssyncadd.s32 $0xFFFFE000  }
0x2b4: {  	[hbm4b:s13+s31] =	stream.linear.scatter [tilespmem:s20], [sflag:$0x8], $0x2000, $0x38;
	[tilespmem:$0x1C200] =	vst v63  }
0x2b5: {  	_ =	swait.ge [sflag:s2], $0x2000  }
0x2b6: {  	s18 =	sld [smem:$0x7FA]  }
0x2b7: {  	[sflag:s2] =	ssyncset.done $0x0  }
0x2b8: {  	[sflag:s2] =	ssyncadd.s32 $0xFFFFE000  }
0x2b9: {  	[tilespmem:s20], [sflag:$0x1] =	stream.linear.gather [spmem:s18], $0x2000, $0x38;
	[tilespmem:$0x1C200] =	vst v63  }
0x2ba: {  	s1 =	simm.s32 $0xF200;
	s10 =	rddreg [dreg:$0x1e]  }
0x2bb: {  	[tilespmem:s1], [sflag:$0x8] =	stream.linear.gather [spmem:s10], $0x800, $0x38;
	[tilespmem:$0x1C200] =	vst v63  }
0x2bc: {  	_ =	swait.ge [sflag:s2], $0x800  }
0x2bd: {  	[sflag:s2] =	ssyncset.done $0x0  }
0x2be: {  	s15 =	rddreg [dreg:$0x18];
	[sflag:s2] =	ssyncadd.s32 $0xFFFFF800  }
0x2bf: {  	[hbm4b:s15+s31] =	stream.linear.scatter [tilespmem:s1], [sflag:$0x8], $0x800, $0x38;
	[tilespmem:$0x1C200] =	vst v63  }
0x2c0: {  	_ =	swait.ge [sflag:s2], $0x800  }
0x2c1: {  	[sflag:s2] =	ssyncset.done $0x0  }
0x2c2: {  	[sflag:s2] =	ssyncadd.s32 $0xFFFFF800  }
0x2c3: {  	_ =	swait.ge [sflag:s7], $0x2000  }
0x2c4: {  	[sflag:s7] =	ssyncset.done $0x0  }
0x2c5: {  	s17 =	rddreg [dreg:$0x13];
	[sflag:s7] =	ssyncadd.s32 $0xFFFFE000  }
0x2c6: {  	[hbm4b:s17+s31] =	stream.linear.scatter [tilespmem:s30], [sflag:$0x8], $0x2000, $0x38;
	[tilespmem:$0x1C200] =	vst v63  }
0x2c7: {  	_ =	swait.ge [sflag:s2], $0x2000  }
0x2c8: {  	s5 =	sld [smem:$0x7FC]  }
0x2c9: {  	[sflag:s2] =	ssyncset.done $0x0  }
0x2ca: {  	s12 =	sld [smem:$0x7F7];
	[sflag:s2] =	ssyncadd.s32 $0xFFFFE000  }
0x2cb: {  	[tilespmem:s30], [sflag:$0x2] =	stream.linear.gather [spmem:s5], $0x2000, $0x38;
	[tilespmem:$0x1C200] =	vst v63  }
0x2cc: {  	_ = 	snop  }
0x2cd: {  	[tilespmem:s1], [sflag:$0x8] =	stream.linear.gather [spmem:s12], $0x800, $0x38;
	[tilespmem:$0x1C200] =	vst v63  }
0x2ce: {  	_ =	swait.ge [sflag:s2], $0x800  }
0x2cf: {  	[sflag:s2] =	ssyncset.done $0x0  }
0x2d0: {  	s22 =	rddreg [dreg:$0x19];
	[sflag:s2] =	ssyncadd.s32 $0xFFFFF800  }
0x2d1: {  	[hbm4b:s22+s31] =	stream.linear.scatter [tilespmem:s1], [sflag:$0x8], $0x800, $0x38;
	[tilespmem:$0x1C200] =	vst v63  }
0x2d2: {  	_ =	swait.ge [sflag:s2], $0x800  }
0x2d3: {  	[sflag:s2] =	ssyncset.done $0x0  }
0x2d4: {  	[sflag:s2] =	ssyncadd.s32 $0xFFFFF800  }
0x2d5: {  	_ =	swait.ge [sflag:s14], $0x2000  }
0x2d6: {  	[sflag:s14] =	ssyncset.done $0x0  }
0x2d7: {  	s23 =	rddreg [dreg:$0x14];
	[sflag:s14] =	ssyncadd.s32 $0xFFFFE000  }
0x2d8: {  	[hbm4b:s23+s31] =	stream.linear.scatter [tilespmem:s6], [sflag:$0x8], $0x2000, $0x38;
	[tilespmem:$0x1C200] =	vst v63  }
0x2d9: {  	_ =	swait.ge [sflag:s2], $0x2000  }
0x2da: {  	s17 =	sld [smem:$0x7F9]  }
0x2db: {  	[sflag:s2] =	ssyncset.done $0x0  }
0x2dc: {  	[sflag:s2] =	ssyncadd.s32 $0xFFFFE000  }
0x2dd: {  	[tilespmem:s1], [sflag:$0x8] =	stream.linear.gather [spmem:s17], $0x800, $0x38;
	[tilespmem:$0x1C200] =	vst v63  }
0x2de: {  	_ =	swait.ge [sflag:s2], $0x800  }
0x2df: {  	[sflag:s2] =	ssyncset.done $0x0  }
0x2e0: {  	s24 =	rddreg [dreg:$0x1a];
	[sflag:s2] =	ssyncadd.s32 $0xFFFFF800  }
0x2e1: {  	[hbm4b:s24+s31] =	stream.linear.scatter [tilespmem:s1], [sflag:$0x8], $0x800, $0x38;
	[tilespmem:$0x1C200] =	vst v63  }
0x2e2: {  	_ =	swait.ge [sflag:s2], $0x800  }
0x2e3: {  	[sflag:s2] =	ssyncset.done $0x0  }
0x2e4: {  	[sflag:s2] =	ssyncadd.s32 $0xFFFFF800  }
0x2e5: {  	_ =	swait.ge [sflag:s3], $0x2000  }
0x2e6: {  	[sflag:s3] =	ssyncset.done $0x0  }
0x2e7: {  	s25 =	rddreg [dreg:$0x15];
	[sflag:s3] =	ssyncadd.s32 $0xFFFFE000  }
0x2e8: {  	[hbm4b:s25+s31] =	stream.linear.scatter [tilespmem:s20], [sflag:$0x8], $0x2000, $0x38;
	[tilespmem:$0x1C200] =	vst v63  }
0x2e9: {  	_ =	swait.ge [sflag:s2], $0x2000  }
0x2ea: {  	s4 =	sld [smem:$0x7FB]  }
0x2eb: {  	[sflag:s2] =	ssyncset.done $0x0  }
0x2ec: {  	[sflag:s2] =	ssyncadd.s32 $0xFFFFE000  }
0x2ed: {  	[tilespmem:s1], [sflag:$0x8] =	stream.linear.gather [spmem:s4], $0x800, $0x38;
	[tilespmem:$0x1C200] =	vst v63  }
0x2ee: {  	_ =	swait.ge [sflag:s2], $0x800  }
0x2ef: {  	[sflag:s2] =	ssyncset.done $0x0  }
0x2f0: {  	s26 =	rddreg [dreg:$0x1b];
	[sflag:s2] =	ssyncadd.s32 $0xFFFFF800  }
0x2f1: {  	[hbm4b:s26+s31] =	stream.linear.scatter [tilespmem:s1], [sflag:$0x8], $0x800, $0x38;
	[tilespmem:$0x1C200] =	vst v63  }
0x2f2: {  	_ =	swait.ge [sflag:s2], $0x800  }
0x2f3: {  	[sflag:s2] =	ssyncset.done $0x0  }
0x2f4: {  	[sflag:s2] =	ssyncadd.s32 $0xFFFFF800  }
0x2f5: {  	_ =	swait.ge [sflag:s7], $0x2000  }
0x2f6: {  	[sflag:s7] =	ssyncset.done $0x0  }
0x2f7: {  	s21 =	simm.s32 $0x2A00;
	s28 =	rddreg [dreg:$0x16];
	[sflag:s7] =	ssyncadd.s32 $0xFFFFE000  }
0x2f8: {  	[hbm4b:s28+s31] =	stream.linear.scatter [tilespmem:s21], [sflag:$0x8], $0x2000, $0x38;
	[tilespmem:$0x1C200] =	vst v63  }
0x2f9: {  	_ =	swait.ge [sflag:s2], $0x2000  }
0x2fa: {  	s7 =	sld [smem:$0x7FD]  }
0x2fb: {  	[sflag:s2] =	ssyncset.done $0x0  }
0x2fc: {  	[sflag:s2] =	ssyncadd.s32 $0xFFFFE000  }
0x2fd: {  	[tilespmem:s1], [sflag:$0x8] =	stream.linear.gather [spmem:s7], $0x800, $0x38;
	[tilespmem:$0x1C200] =	vst v63  }
0x2fe: {  	_ =	swait.ge [sflag:s2], $0x800  }
0x2ff: {  	[sflag:s2] =	ssyncset.done $0x0  }
0x300: {  	s29 =	rddreg [dreg:$0x1c];
	[sflag:s2] =	ssyncadd.s32 $0xFFFFF800  }
0x301: {  	[hbm4b:s29+s31] =	stream.linear.scatter [tilespmem:s1], [sflag:$0x8], $0x800, $0x38;
	[tilespmem:$0x1C200] =	vst v63  }
0x302: {  	_ =	swait.ge [sflag:s2], $0x800  }
0x303: {  	s30 =	sld [smem:$0x7F5]  }
0x304: {  	s31 =	sld [smem:$0x7F6];
	_ =	sdelay $0x1  }
0x305: {  	s20 =	sadd.s32 $0x1, s30  }
0x306: {  	p1 =	sne.s32 s20, s31  }
.Ltmp1:
0x307: {  	_ = 	snop;
	(pc) =	sbr.rel @p1 .LBB2_1-.Ltmp1, $3  }
0x308: {  	_ =	sdelay $0x1  }
0x309: {  	[sflag:s2] =	ssyncset.done $0x0  }
0x30a: {  	[sflag:s2] =	ssyncadd.s32 $0xFFFFF800  }
0x30b: {  	_ =	sfence.sel $0x180000  }
0x30c: {  	[bflag:$0x0] =	sbarrier.arrive $0xFFFF  }
0x30d: {  	_ =	strace $0x90000047  }
0x30e: {  	s0 =	stileid.u32;
	[bflag:$0x2] =	sbarrier.arrive $0xFFFF  }
0x30f: {  	p0 =	sne.s32 s0, $0x0;
	s0 =	rddreg [dreg:$0x4]  }
0x310: {  	s0 =	sadd.s32 @!p0 $0x100000, s0  }
0x311: {  	[sflag:s0] =	ssyncadd.tile.s32 @!p0 $0x1;
	_ =	shalt  }
.Lfunc_end2:
_tile_overlayer_lowered:
.L_overlay_start_2:
0x312: {  	(tag) =	ssettag $0x2  }
0x313: {  	s0 =	rddreg [dreg:$0x0];
	s2 =	stileid.u32  }
0x314: {  	s1 =	rddreg [dreg:$0x1];
	p0 =	sne.s32 s2, $0x0  }
0x315: {  	s3 =	rddreg [dreg:$0x2];
	[bflag:$0x3] =	sbarrier.arrive $0xFFFF;
	s2 =	simm.s32 @!p0 $0x1C08  }
0x316: {  	[timem:s3], [sflag:s2] =	dma.local @!p0 [hbm:s0], s1  }
0x317: {  	s0 =	simm.s32 @!p0 $0x8  }
0x318: {  	_ =	swait.ge @!p0 [sflag:s0], s1  }
0x319: {  	s1 =	ssub.s32 @!p0 $0x0, s1;
	[sflag:s0] =	ssyncset.done @!p0 $0x0  }
0x31a: {  	[sflag:s0] =	ssyncadd.s32 @!p0 s1  }
0x31b: {  	[bflag:$0x3] =	sbarrier.arrive $0xFFFF  }
0x31c: {  	_ =	shalt  }

</sc_bundles>
